<compile_context>
chip_gen: v7x
topology: tpu7x:2x2x1
jax: 0.10.2.dev20260603
libtpu: 0.0.44.dev20260713+nightly
codegen_flags: <defaults>
</compile_context>

<pallas_src>
import functools

import jax
import jax.numpy as jnp
from jax import lax
from jax.experimental import pallas as pl
from jax.experimental.pallas import tpu as pltpu
from jax.experimental.pallas import tpu_sc as plsc

BATCH = 4
SEQ = 4096
TOTAL = BATCH * SEQ
DIM = 1024
PAD = 1
L = 16

NC = 2
NS = 16
NW = NC * NS
BPW = TOTAL // NW
WPR = SEQ // BPW
CHUNK = 32
NCHUNK = BPW // CHUNK
NB = 3

_sc_mesh = plsc.VectorSubcoreMesh(core_axis_name="c", subcore_axis_name="s")


@functools.partial(
    pl.kernel,
    mesh=_sc_mesh,
    out_type=jax.ShapeDtypeStruct((TOTAL, DIM), jnp.float32),
    scratch_types=[
        pltpu.VMEM((SEQ,), jnp.int32),
        pltpu.VMEM((NCHUNK, CHUNK), jnp.int32),
        pltpu.VMEM((CHUNK, DIM), jnp.float32),
        pltpu.VMEM((CHUNK, DIM), jnp.float32),
        pltpu.VMEM((CHUNK, DIM), jnp.float32),
        pltpu.SemaphoreType.DMA,
        pltpu.SemaphoreType.DMA,
        pltpu.SemaphoreType.DMA,
        pltpu.SemaphoreType.DMA,
        pltpu.SemaphoreType.DMA,
        pltpu.SemaphoreType.DMA,
    ],
)
def _sc_embed(ids_hbm, table_hbm, out_hbm, row_v, idx_v,
              b0, b1, b2, gs0, gs1, gs2, ps0, ps1, ps2):
    bufs = (b0, b1, b2)
    gsems = (gs0, gs1, gs2)
    psems = (ps0, ps1, ps2)
    wid = lax.axis_index("c") * NS + lax.axis_index("s")
    row = wid // WPR
    k = wid % WPR
    base = wid * BPW

    pltpu.sync_copy(ids_hbm.at[row], row_v)

    iota = lax.iota(jnp.int32, L)
    last = jnp.full((L,), L - 1, jnp.int32)

    _gdn = lax.GatherDimensionNumbers(
        offset_dims=(), collapsed_slice_dims=(0,), start_index_map=(0,))

    def _take(v, i):
        return lax.gather(
            v, i[:, None], _gdn, (1,),
            mode=lax.GatherScatterMode.PROMISE_IN_BOUNDS)

    def _count_body(j, acc):
        v = row_v[pl.ds(j * L, L)]
        return acc + jnp.minimum(jnp.abs(v - PAD), 1)

    acc = lax.fori_loop(0, k * (BPW // L), _count_body,
                        jnp.zeros((L,), jnp.int32))
    prefix_v = acc
    for sh in (1, 2, 4, 8):
        prefix_v = prefix_v + _take(prefix_v, iota ^ sh)

    span = k * BPW
    for j in range(BPW // L):
        v = row_v[pl.ds(span + j * L, L)]
        m = jnp.minimum(jnp.abs(v - PAD), 1)
        s = m
        for sh in (1, 2, 4, 8):
            keep = jnp.minimum(jnp.maximum(iota - (sh - 1), 0), 1)
            s = s + _take(s, jnp.maximum(iota - sh, 0)) * keep
        idx_v[j * L // CHUNK, pl.ds((j * L) % CHUNK, L)] = (prefix_v + s) * m + PAD
        prefix_v = prefix_v + _take(s, last)

    gets = [None] * NCHUNK
    puts = [None] * NCHUNK

    def _get(c):
        b = c % NB
        return pltpu.async_copy(
            table_hbm.at[idx_v.at[c]], bufs[b], gsems[b]
        )

    def _put(c):
        b = c % NB
        return pltpu.async_copy(
            bufs[b], out_hbm.at[pl.ds(base + c * CHUNK, CHUNK)], psems[b]
        )

    gets[0] = _get(0)
    gets[1] = _get(1)
    for c in range(NCHUNK):
        gets[c].wait()
        puts[c] = _put(c)
        if c + 2 < NCHUNK:
            if c >= 1:
                puts[c - 1].wait()
            gets[c + 2] = _get(c + 2)
    for c in range(NCHUNK - NB, NCHUNK):
        puts[c].wait()


def kernel(input_ids, weights):
    out = _sc_embed(input_ids, weights)
    return out.reshape(BATCH, SEQ, weights.shape[-1])

# --- scband reference (transcript-rebuilt; emitter-appended) ---
"""Pipeline reference for scband-nllb-moe-sinusoidal-positional-embedding-22651657519545 (READ-ONLY COPY).

The authoritative reference and input builder live on the scoring server;
editing this copy changes nothing except your own understanding.
"""

import math
import jax, jax.numpy as jnp
import numpy as np

NUM_POSITIONS = 4096
EMBEDDING_DIM = 1024
PADDING_IDX = 1
OFFSET = 2
BATCH = 4
SEQ_LEN = 4096
VOCAB = 128112


def make_sinusoidal_weights(num_embeddings, embedding_dim, padding_idx):
    half_dim = embedding_dim // 2
    emb_scale = math.log(10000) / (half_dim - 1)
    emb = np.exp(np.arange(half_dim, dtype=np.float32) * -emb_scale)
    emb = np.arange(num_embeddings, dtype=np.float32)[:, None] * emb[None, :]
    emb = np.concatenate([np.sin(emb), np.cos(emb)], axis=1).reshape(num_embeddings, -1)
    if embedding_dim % 2 == 1:
        emb = np.concatenate([emb, np.zeros((num_embeddings, 1), dtype=np.float32)], axis=1)
    if padding_idx is not None:
        emb[padding_idx, :] = 0.0
    return jnp.asarray(emb, dtype=jnp.float32)


def setup_inputs(seed: int = 0) -> dict:
    key = jax.random.key(seed)
    k1, _ = jax.random.split(key)
    input_ids = jax.random.randint(k1, (BATCH, SEQ_LEN), 0, VOCAB, dtype=jnp.int64 if jax.config.jax_enable_x64 else jnp.int32).astype(jnp.int32)
    weights = make_sinusoidal_weights(NUM_POSITIONS + OFFSET, EMBEDDING_DIM, PADDING_IDX)
    return {"input_ids": input_ids, "weights": weights}


def reference(input_ids, weights):
    # create_position_ids_from_input_ids with past_key_values_length = 0
    mask = (input_ids != PADDING_IDX).astype(jnp.int32)
    incremental_indices = jnp.cumsum(mask, axis=1).astype(jnp.int32) * mask
    position_ids = incremental_indices.astype(jnp.int32) + PADDING_IDX
    bsz, seq_len = input_ids.shape
    # embedding gather: weights.index_select(0, position_ids.view(-1)).view(bsz, seq_len, -1)
    out = jnp.take(weights, position_ids.reshape(-1), axis=0)
    return out.reshape(bsz, seq_len, weights.shape[-1])

if __name__ == "__main__":
    import jax
    _d = setup_inputs()
    print(jax.jit(kernel)(*tuple(_d.values())))

</pallas_src>

<mosaic_0001>
#map = affine_map<(d0, d1) -> (0, 0)>
module attributes {stable_mosaic.version = 14 : i64} {
  func.func @_sc_embed(%arg0: i32, %arg1: i32, %arg2: memref<4x4096xi32, #tpu.memory_space<hbm>>, %arg3: memref<4098x1024xf32, #tpu.memory_space<hbm>>, %arg4: memref<16384x1024xf32, #tpu.memory_space<hbm>>, %arg5: memref<4096xi32, #tpu.memory_space<vmem>>, %arg6: memref<16x32xi32, #tpu.memory_space<vmem>>, %arg7: memref<32x1024xf32, #tpu.memory_space<vmem>>, %arg8: memref<32x1024xf32, #tpu.memory_space<vmem>>, %arg9: memref<32x1024xf32, #tpu.memory_space<vmem>>, %arg10: memref<!tpu.dma_semaphore, #tpu.memory_space<semaphore_mem>>, %arg11: memref<!tpu.dma_semaphore, #tpu.memory_space<semaphore_mem>>, %arg12: memref<!tpu.dma_semaphore, #tpu.memory_space<semaphore_mem>>, %arg13: memref<!tpu.dma_semaphore, #tpu.memory_space<semaphore_mem>>, %arg14: memref<!tpu.dma_semaphore, #tpu.memory_space<semaphore_mem>>, %arg15: memref<!tpu.dma_semaphore, #tpu.memory_space<semaphore_mem>>) attributes {dimension_semantics = [#tpu.dimension_semantics<core_parallel>, #tpu.dimension_semantics<subcore_parallel>], iteration_bounds = array<i64: 2, 16>, scalar_prefetch = 0 : i64, scratch_operands = 11 : i64, tpu.core_type = #tpu.core_type<sc_vector_subcore>, window_params = [{transform_indices = #map}, {transform_indices = #map}, {transform_indices = #map}]} {
    %mul3A = arith.constant 16 : i32
    %mul3A_0 = arith.muli %arg0, %mul3A : i32
    %add3A = arith.addi %mul3A_0, %arg1 : i32
    %jit3A = arith.constant 8 : i32
    %div3A = arith.divsi %add3A, %jit3A : i32
    %sign3A = arith.constant 0 : i32
    %sign3A_1 = arith.cmpi sgt, %add3A, %sign3A : i32
    %sign3A_2 = arith.extui %sign3A_1 : i1 to i32
    %sign3A_3 = arith.constant 0 : i32
    %sign3A_4 = arith.cmpi slt, %add3A, %sign3A_3 : i32
    %sign3A_5 = arith.extui %sign3A_4 : i1 to i32
    %sign3A_6 = arith.subi %sign3A_2, %sign3A_5 : i32
    %sign3A_7 = arith.constant 0 : i32
    %sign3A_8 = arith.cmpi sgt, %jit3A, %sign3A_7 : i32
    %sign3A_9 = arith.extui %sign3A_8 : i1 to i32
    %sign3A_10 = arith.constant 0 : i32
    %sign3A_11 = arith.cmpi slt, %jit3A, %sign3A_10 : i32
    %sign3A_12 = arith.extui %sign3A_11 : i1 to i32
    %sign3A_13 = arith.subi %sign3A_9, %sign3A_12 : i32
    %ne3A = arith.cmpi ne, %sign3A_6, %sign3A_13 : i32
    %rem3A = arith.remsi %add3A, %jit3A : i32
    %ne3A_14 = arith.constant 0 : i32
    %ne3A_15 = arith.cmpi ne, %rem3A, %ne3A_14 : i32
    %and3A = arith.andi %ne3A, %ne3A_15 : i1
    %sub3A = arith.constant 1 : i32
    %sub3A_16 = arith.subi %div3A, %sub3A : i32
    %select_n3A = arith.select %and3A, %sub3A_16, %div3A : i32
    %jit3A_17 = arith.constant 8 : i32
    %eq3A = arith.constant 0 : i32
    %eq3A_18 = arith.cmpi eq, %jit3A_17, %eq3A : i32
    %jit3A_19 = arith.constant 1 : i32
    %select_n3A_20 = arith.select %eq3A_18, %jit3A_19, %jit3A_17 : i32
    %rem3A_21 = arith.remsi %add3A, %select_n3A_20 : i32
    %ne3A_22 = arith.constant 0 : i32
    %ne3A_23 = arith.cmpi ne, %rem3A_21, %ne3A_22 : i32
    %lt3A = arith.constant 0 : i32
    %lt3A_24 = arith.cmpi slt, %rem3A_21, %lt3A : i32
    %lt3A_25 = arith.constant 0 : i32
    %lt3A_26 = arith.cmpi slt, %select_n3A_20, %lt3A_25 : i32
    %ne3A_27 = arith.xori %lt3A_24, %lt3A_26 : i1
    %and3A_28 = arith.andi %ne3A_27, %ne3A_23 : i1
    %add3A_29 = arith.addi %rem3A_21, %select_n3A_20 : i32
    %select_n3A_30 = arith.select %and3A_28, %add3A_29, %rem3A_21 : i32
    %mul3A_31 = arith.constant 512 : i32
    %mul3A_32 = arith.muli %add3A, %mul3A_31 : i32
    "tpu.region"() ({
      %run_scoped3A = tpu.sem_alloc : memref<!tpu.dma_semaphore, #tpu.memory_space<semaphore_mem>>
      %dma_start3A_3877 = arith.constant 0 : i32
      %dma_start3A_3878 = tpu.memref_slice %arg2[%select_n3A, %dma_start3A_3877] : memref<4x4096xi32, #tpu.memory_space<hbm>> -> memref<1x4096xi32, #tpu.memory_space<hbm>>
      %dma_start3A_3879 = tpu.memref_squeeze %dma_start3A_3878 : memref<1x4096xi32, #tpu.memory_space<hbm>> -> memref<4096xi32, #tpu.memory_space<hbm>>
      %dma_start3A_3880 = arith.constant 0 : i32
      %dma_start3A_3881 = tpu.memref_slice %arg2[%select_n3A, %dma_start3A_3880] : memref<4x4096xi32, #tpu.memory_space<hbm>> -> memref<1x4096xi32, #tpu.memory_space<hbm>>
      %dma_start3A_3882 = tpu.memref_squeeze %dma_start3A_3881 : memref<1x4096xi32, #tpu.memory_space<hbm>> -> memref<4096xi32, #tpu.memory_space<hbm>>
      tpu.enqueue_dma source(%dma_start3A_3882 : memref<4096xi32, #tpu.memory_space<hbm>>) target(%arg5 : memref<4096xi32, #tpu.memory_space<vmem>>) target_semaphore(%run_scoped3A : memref<!tpu.dma_semaphore, #tpu.memory_space<semaphore_mem>>)
      %dma_wait3A_3883 = arith.constant 0 : i32
      %dma_wait3A_3884 = tpu.memref_slice %arg2[%select_n3A, %dma_wait3A_3883] : memref<4x4096xi32, #tpu.memory_space<hbm>> -> memref<1x4096xi32, #tpu.memory_space<hbm>>
      %dma_wait3A_3885 = tpu.memref_squeeze %dma_wait3A_3884 : memref<1x4096xi32, #tpu.memory_space<hbm>> -> memref<4096xi32, #tpu.memory_space<hbm>>
      %dma_wait3A_3886 = arith.constant 0 : i32
      %dma_wait3A_3887 = tpu.memref_slice %arg2[%select_n3A, %dma_wait3A_3886] : memref<4x4096xi32, #tpu.memory_space<hbm>> -> memref<1x4096xi32, #tpu.memory_space<hbm>>
      %dma_wait3A_3888 = tpu.memref_squeeze %dma_wait3A_3887 : memref<1x4096xi32, #tpu.memory_space<hbm>> -> memref<4096xi32, #tpu.memory_space<hbm>>
      tpu.wait_dma2 semaphore(%run_scoped3A : memref<!tpu.dma_semaphore, #tpu.memory_space<semaphore_mem>>) src(%dma_wait3A_3888 : memref<4096xi32, #tpu.memory_space<hbm>>) dst(%arg5 : memref<4096xi32, #tpu.memory_space<vmem>>)
      tpu.yield
    }) : () -> ()
    %iota3A = tpu.iota {dimensions = array<i32: 0>} : vector<16xi32>
    %broadcast_in_dim3A = arith.constant 15 : i32
    %broadcast_in_dim3A_33 = vector.broadcast %broadcast_in_dim3A : i32 to vector<16xi32>
    %mul3A_34 = arith.constant 32 : i32
    %mul3A_35 = arith.muli %select_n3A_30, %mul3A_34 : i32
    %broadcast_in_dim3A_36 = arith.constant 0 : i32
    %broadcast_in_dim3A_37 = vector.broadcast %broadcast_in_dim3A_36 : i32 to vector<16xi32>
    %while3A = arith.constant 0 : i32
    %while3A_38 = arith.subi %mul3A_35, %while3A : i32
    %while3A_39 = arith.addi %while3A, %while3A_38 : i32
    %while3A_40 = arith.constant 1 : i32
    %while3A_41 = arith.divsi %while3A_38, %while3A_40 : i32
    %while3A_42 = arith.muli %while3A_41, %while3A_40 : i32
    %while3A_43 = arith.addi %while3A, %while3A_42 : i32
    %while3A_44 = arith.constant 1 : i32
    %while3A_45 = scf.for %while3A_3877 = %while3A to %while3A_43 step %while3A_44 iter_args(%while3A_3878 = %broadcast_in_dim3A_37) -> (vector<16xi32>)  : i32 {
      %mul3A_3879 = arith.constant 16 : i32
      %mul3A_3880 = arith.muli %while3A_3877, %mul3A_3879 : i32
      %get3A_3881 = arith.index_cast %mul3A_3880 : i32 to index
      %get3A_3882 = tpu.vector_load %arg5[%get3A_3881] {strides = array<i32>} : memref<4096xi32, #tpu.memory_space<vmem>>, vector<16xi32>,
      %get3A_3883 = vector.shape_cast %get3A_3882 : vector<16xi32> to vector<16xi32>
      %sub3A_3884 = arith.constant 1 : i32
      %sub3A_3885 = vector.broadcast %sub3A_3884 : i32 to vector<16xi32>
      %sub3A_3886 = arith.subi %get3A_3883, %sub3A_3885 : vector<16xi32>
      %abs3A_3887 = math.absi %sub3A_3886 : vector<16xi32>
      %min3A_3888 = arith.constant 1 : i32
      %min3A_3889 = vector.broadcast %min3A_3888 : i32 to vector<16xi32>
      %min3A_3890 = arith.minsi %abs3A_3887, %min3A_3889 : vector<16xi32>
      %add3A_3891 = arith.addi %while3A_3878, %min3A_3890 : vector<16xi32>
      scf.yield %add3A_3891 : vector<16xi32>
    }
    %while3A_46 = arith.constant 1 : i32
    %while3A_47 = scf.for %while3A_3877 = %while3A_43 to %while3A_39 step %while3A_46 iter_args(%while3A_3878 = %while3A_45) -> (vector<16xi32>)  : i32 {
      %mul3A_3879 = arith.constant 16 : i32
      %mul3A_3880 = arith.muli %while3A_3877, %mul3A_3879 : i32
      %get3A_3881 = arith.index_cast %mul3A_3880 : i32 to index
      %get3A_3882 = tpu.vector_load %arg5[%get3A_3881] {strides = array<i32>} : memref<4096xi32, #tpu.memory_space<vmem>>, vector<16xi32>,
      %get3A_3883 = vector.shape_cast %get3A_3882 : vector<16xi32> to vector<16xi32>
      %sub3A_3884 = arith.constant 1 : i32
      %sub3A_3885 = vector.broadcast %sub3A_3884 : i32 to vector<16xi32>
      %sub3A_3886 = arith.subi %get3A_3883, %sub3A_3885 : vector<16xi32>
      %abs3A_3887 = math.absi %sub3A_3886 : vector<16xi32>
      %min3A_3888 = arith.constant 1 : i32
      %min3A_3889 = vector.broadcast %min3A_3888 : i32 to vector<16xi32>
      %min3A_3890 = arith.minsi %abs3A_3887, %min3A_3889 : vector<16xi32>
      %add3A_3891 = arith.addi %while3A_3878, %min3A_3890 : vector<16xi32>
      scf.yield %add3A_3891 : vector<16xi32>
    }
    %xor3A = arith.constant 1 : i32
    %xor3A_48 = vector.broadcast %xor3A : i32 to vector<16xi32>
    %xor3A_49 = arith.xori %iota3A, %xor3A_48 : vector<16xi32>
    %broadcast_in_dim3A_50 = vector.shape_cast %xor3A_49 : vector<16xi32> to vector<16x1xi32>
    %gather3A = vector.shape_cast %broadcast_in_dim3A_50 : vector<16x1xi32> to vector<16xi32>
    %gather3A_51 = tpu.dynamic_gather %while3A_47[%gather3A] in [0] : vector<16xi32>, vector<16xi32> -> vector<16xi32>
    %add3A_52 = arith.addi %while3A_47, %gather3A_51 : vector<16xi32>
    %xor3A_53 = arith.constant 2 : i32
    %xor3A_54 = vector.broadcast %xor3A_53 : i32 to vector<16xi32>
    %xor3A_55 = arith.xori %iota3A, %xor3A_54 : vector<16xi32>
    %broadcast_in_dim3A_56 = vector.shape_cast %xor3A_55 : vector<16xi32> to vector<16x1xi32>
    %gather3A_57 = vector.shape_cast %broadcast_in_dim3A_56 : vector<16x1xi32> to vector<16xi32>
    %gather3A_58 = tpu.dynamic_gather %add3A_52[%gather3A_57] in [0] : vector<16xi32>, vector<16xi32> -> vector<16xi32>
    %add3A_59 = arith.addi %add3A_52, %gather3A_58 : vector<16xi32>
    %xor3A_60 = arith.constant 4 : i32
    %xor3A_61 = vector.broadcast %xor3A_60 : i32 to vector<16xi32>
    %xor3A_62 = arith.xori %iota3A, %xor3A_61 : vector<16xi32>
    %broadcast_in_dim3A_63 = vector.shape_cast %xor3A_62 : vector<16xi32> to vector<16x1xi32>
    %gather3A_64 = vector.shape_cast %broadcast_in_dim3A_63 : vector<16x1xi32> to vector<16xi32>
    %gather3A_65 = tpu.dynamic_gather %add3A_59[%gather3A_64] in [0] : vector<16xi32>, vector<16xi32> -> vector<16xi32>
    %add3A_66 = arith.addi %add3A_59, %gather3A_65 : vector<16xi32>
    %xor3A_67 = arith.constant 8 : i32
    %xor3A_68 = vector.broadcast %xor3A_67 : i32 to vector<16xi32>
    %xor3A_69 = arith.xori %iota3A, %xor3A_68 : vector<16xi32>
    %broadcast_in_dim3A_70 = vector.shape_cast %xor3A_69 : vector<16xi32> to vector<16x1xi32>
    %gather3A_71 = vector.shape_cast %broadcast_in_dim3A_70 : vector<16x1xi32> to vector<16xi32>
    %gather3A_72 = tpu.dynamic_gather %add3A_66[%gather3A_71] in [0] : vector<16xi32>, vector<16xi32> -> vector<16xi32>
    %add3A_73 = arith.addi %add3A_66, %gather3A_72 : vector<16xi32>
    %mul3A_74 = arith.constant 512 : i32
    %mul3A_75 = arith.muli %select_n3A_30, %mul3A_74 : i32
    %add3A_76 = arith.constant 0 : i32
    %add3A_77 = arith.addi %mul3A_75, %add3A_76 : i32
    %get3A = arith.index_cast %add3A_77 : i32 to index
    %get3A_78 = tpu.vector_load %arg5[%get3A] {strides = array<i32>} : memref<4096xi32, #tpu.memory_space<vmem>>, vector<16xi32>,
    %get3A_79 = vector.shape_cast %get3A_78 : vector<16xi32> to vector<16xi32>
    %sub3A_80 = arith.constant 1 : i32
    %sub3A_81 = vector.broadcast %sub3A_80 : i32 to vector<16xi32>
    %sub3A_82 = arith.subi %get3A_79, %sub3A_81 : vector<16xi32>
    %abs3A = math.absi %sub3A_82 : vector<16xi32>
    %min3A = arith.constant 1 : i32
    %min3A_83 = vector.broadcast %min3A : i32 to vector<16xi32>
    %min3A_84 = arith.minsi %abs3A, %min3A_83 : vector<16xi32>
    %sub3A_85 = arith.constant 0 : i32
    %sub3A_86 = vector.broadcast %sub3A_85 : i32 to vector<16xi32>
    %sub3A_87 = arith.subi %iota3A, %sub3A_86 : vector<16xi32>
    %max3A = arith.constant 0 : i32
    %max3A_88 = vector.broadcast %max3A : i32 to vector<16xi32>
    %max3A_89 = arith.maxsi %sub3A_87, %max3A_88 : vector<16xi32>
    %min3A_90 = arith.constant 1 : i32
    %min3A_91 = vector.broadcast %min3A_90 : i32 to vector<16xi32>
    %min3A_92 = arith.minsi %max3A_89, %min3A_91 : vector<16xi32>
    %sub3A_93 = arith.constant 1 : i32
    %sub3A_94 = vector.broadcast %sub3A_93 : i32 to vector<16xi32>
    %sub3A_95 = arith.subi %iota3A, %sub3A_94 : vector<16xi32>
    %max3A_96 = arith.constant 0 : i32
    %max3A_97 = vector.broadcast %max3A_96 : i32 to vector<16xi32>
    %max3A_98 = arith.maxsi %sub3A_95, %max3A_97 : vector<16xi32>
    %broadcast_in_dim3A_99 = vector.shape_cast %max3A_98 : vector<16xi32> to vector<16x1xi32>
    %gather3A_100 = vector.shape_cast %broadcast_in_dim3A_99 : vector<16x1xi32> to vector<16xi32>
    %gather3A_101 = tpu.dynamic_gather %min3A_84[%gather3A_100] in [0] : vector<16xi32>, vector<16xi32> -> vector<16xi32>
    %mul3A_102 = arith.muli %gather3A_101, %min3A_92 : vector<16xi32>
    %add3A_103 = arith.addi %min3A_84, %mul3A_102 : vector<16xi32>
    %sub3A_104 = arith.constant 1 : i32
    %sub3A_105 = vector.broadcast %sub3A_104 : i32 to vector<16xi32>
    %sub3A_106 = arith.subi %iota3A, %sub3A_105 : vector<16xi32>
    %max3A_107 = arith.constant 0 : i32
    %max3A_108 = vector.broadcast %max3A_107 : i32 to vector<16xi32>
    %max3A_109 = arith.maxsi %sub3A_106, %max3A_108 : vector<16xi32>
    %min3A_110 = arith.constant 1 : i32
    %min3A_111 = vector.broadcast %min3A_110 : i32 to vector<16xi32>
    %min3A_112 = arith.minsi %max3A_109, %min3A_111 : vector<16xi32>
    %sub3A_113 = arith.constant 2 : i32
    %sub3A_114 = vector.broadcast %sub3A_113 : i32 to vector<16xi32>
    %sub3A_115 = arith.subi %iota3A, %sub3A_114 : vector<16xi32>
    %max3A_116 = arith.constant 0 : i32
    %max3A_117 = vector.broadcast %max3A_116 : i32 to vector<16xi32>
    %max3A_118 = arith.maxsi %sub3A_115, %max3A_117 : vector<16xi32>
    %broadcast_in_dim3A_119 = vector.shape_cast %max3A_118 : vector<16xi32> to vector<16x1xi32>
    %gather3A_120 = vector.shape_cast %broadcast_in_dim3A_119 : vector<16x1xi32> to vector<16xi32>
    %gather3A_121 = tpu.dynamic_gather %add3A_103[%gather3A_120] in [0] : vector<16xi32>, vector<16xi32> -> vector<16xi32>
    %mul3A_122 = arith.muli %gather3A_121, %min3A_112 : vector<16xi32>
    %add3A_123 = arith.addi %add3A_103, %mul3A_122 : vector<16xi32>
    %sub3A_124 = arith.constant 3 : i32
    %sub3A_125 = vector.broadcast %sub3A_124 : i32 to vector<16xi32>
    %sub3A_126 = arith.subi %iota3A, %sub3A_125 : vector<16xi32>
    %max3A_127 = arith.constant 0 : i32
    %max3A_128 = vector.broadcast %max3A_127 : i32 to vector<16xi32>
    %max3A_129 = arith.maxsi %sub3A_126, %max3A_128 : vector<16xi32>
    %min3A_130 = arith.constant 1 : i32
    %min3A_131 = vector.broadcast %min3A_130 : i32 to vector<16xi32>
    %min3A_132 = arith.minsi %max3A_129, %min3A_131 : vector<16xi32>
    %sub3A_133 = arith.constant 4 : i32
    %sub3A_134 = vector.broadcast %sub3A_133 : i32 to vector<16xi32>
    %sub3A_135 = arith.subi %iota3A, %sub3A_134 : vector<16xi32>
    %max3A_136 = arith.constant 0 : i32
    %max3A_137 = vector.broadcast %max3A_136 : i32 to vector<16xi32>
    %max3A_138 = arith.maxsi %sub3A_135, %max3A_137 : vector<16xi32>
    %broadcast_in_dim3A_139 = vector.shape_cast %max3A_138 : vector<16xi32> to vector<16x1xi32>
    %gather3A_140 = vector.shape_cast %broadcast_in_dim3A_139 : vector<16x1xi32> to vector<16xi32>
    %gather3A_141 = tpu.dynamic_gather %add3A_123[%gather3A_140] in [0] : vector<16xi32>, vector<16xi32> -> vector<16xi32>
    %mul3A_142 = arith.muli %gather3A_141, %min3A_132 : vector<16xi32>
    %add3A_143 = arith.addi %add3A_123, %mul3A_142 : vector<16xi32>
    %sub3A_144 = arith.constant 7 : i32
    %sub3A_145 = vector.broadcast %sub3A_144 : i32 to vector<16xi32>
    %sub3A_146 = arith.subi %iota3A, %sub3A_145 : vector<16xi32>
    %max3A_147 = arith.constant 0 : i32
    %max3A_148 = vector.broadcast %max3A_147 : i32 to vector<16xi32>
    %max3A_149 = arith.maxsi %sub3A_146, %max3A_148 : vector<16xi32>
    %min3A_150 = arith.constant 1 : i32
    %min3A_151 = vector.broadcast %min3A_150 : i32 to vector<16xi32>
    %min3A_152 = arith.minsi %max3A_149, %min3A_151 : vector<16xi32>
    %sub3A_153 = arith.constant 8 : i32
    %sub3A_154 = vector.broadcast %sub3A_153 : i32 to vector<16xi32>
    %sub3A_155 = arith.subi %iota3A, %sub3A_154 : vector<16xi32>
    %max3A_156 = arith.constant 0 : i32
    %max3A_157 = vector.broadcast %max3A_156 : i32 to vector<16xi32>
    %max3A_158 = arith.maxsi %sub3A_155, %max3A_157 : vector<16xi32>
    %broadcast_in_dim3A_159 = vector.shape_cast %max3A_158 : vector<16xi32> to vector<16x1xi32>
    %gather3A_160 = vector.shape_cast %broadcast_in_dim3A_159 : vector<16x1xi32> to vector<16xi32>
    %gather3A_161 = tpu.dynamic_gather %add3A_143[%gather3A_160] in [0] : vector<16xi32>, vector<16xi32> -> vector<16xi32>
    %mul3A_162 = arith.muli %gather3A_161, %min3A_152 : vector<16xi32>
    %add3A_163 = arith.addi %add3A_143, %mul3A_162 : vector<16xi32>
    %add3A_164 = arith.addi %add3A_73, %add3A_163 : vector<16xi32>
    %mul3A_165 = arith.muli %add3A_164, %min3A_84 : vector<16xi32>
    %add3A_166 = arith.constant 1 : i32
    %add3A_167 = vector.broadcast %add3A_166 : i32 to vector<16xi32>
    %add3A_168 = arith.addi %mul3A_165, %add3A_167 : vector<16xi32>
    %swap3A = arith.constant 0 : i32
    %swap3A_169 = arith.index_cast %swap3A : i32 to index
    %swap3A_170 = arith.constant 0 : index
    %swap3A_171 = tpu.vector_load %arg6[%swap3A_169, %swap3A_170] {strides = array<i32>} : memref<16x32xi32, #tpu.memory_space<vmem>>, vector<1x16xi32>,
    %swap3A_172 = vector.shape_cast %swap3A_171 : vector<1x16xi32> to vector<16xi32>
    %swap3A_173 = vector.shape_cast %add3A_168 : vector<16xi32> to vector<1x16xi32>
    tpu.vector_store %arg6[%swap3A_169, %swap3A_170], %swap3A_173 {strides = array<i32>} : memref<16x32xi32, #tpu.memory_space<vmem>>, vector<1x16xi32>,
    %broadcast_in_dim3A_174 = vector.shape_cast %broadcast_in_dim3A_33 : vector<16xi32> to vector<16x1xi32>
    %gather3A_175 = vector.shape_cast %broadcast_in_dim3A_174 : vector<16x1xi32> to vector<16xi32>
    %gather3A_176 = tpu.dynamic_gather %add3A_163[%gather3A_175] in [0] : vector<16xi32>, vector<16xi32> -> vector<16xi32>
    %add3A_177 = arith.addi %add3A_73, %gather3A_176 : vector<16xi32>
    %add3A_178 = arith.constant 16 : i32
    %add3A_179 = arith.addi %mul3A_75, %add3A_178 : i32
    %get3A_180 = arith.index_cast %add3A_179 : i32 to index
    %get3A_181 = tpu.vector_load %arg5[%get3A_180] {strides = array<i32>} : memref<4096xi32, #tpu.memory_space<vmem>>, vector<16xi32>,
    %get3A_182 = vector.shape_cast %get3A_181 : vector<16xi32> to vector<16xi32>
    %sub3A_183 = arith.constant 1 : i32
    %sub3A_184 = vector.broadcast %sub3A_183 : i32 to vector<16xi32>
    %sub3A_185 = arith.subi %get3A_182, %sub3A_184 : vector<16xi32>
    %abs3A_186 = math.absi %sub3A_185 : vector<16xi32>
    %min3A_187 = arith.constant 1 : i32
    %min3A_188 = vector.broadcast %min3A_187 : i32 to vector<16xi32>
    %min3A_189 = arith.minsi %abs3A_186, %min3A_188 : vector<16xi32>
    %sub3A_190 = arith.constant 0 : i32
    %sub3A_191 = vector.broadcast %sub3A_190 : i32 to vector<16xi32>
    %sub3A_192 = arith.subi %iota3A, %sub3A_191 : vector<16xi32>
    %max3A_193 = arith.constant 0 : i32
    %max3A_194 = vector.broadcast %max3A_193 : i32 to vector<16xi32>
    %max3A_195 = arith.maxsi %sub3A_192, %max3A_194 : vector<16xi32>
    %min3A_196 = arith.constant 1 : i32
    %min3A_197 = vector.broadcast %min3A_196 : i32 to vector<16xi32>
    %min3A_198 = arith.minsi %max3A_195, %min3A_197 : vector<16xi32>
    %sub3A_199 = arith.constant 1 : i32
    %sub3A_200 = vector.broadcast %sub3A_199 : i32 to vector<16xi32>
    %sub3A_201 = arith.subi %iota3A, %sub3A_200 : vector<16xi32>
    %max3A_202 = arith.constant 0 : i32
    %max3A_203 = vector.broadcast %max3A_202 : i32 to vector<16xi32>
    %max3A_204 = arith.maxsi %sub3A_201, %max3A_203 : vector<16xi32>
    %broadcast_in_dim3A_205 = vector.shape_cast %max3A_204 : vector<16xi32> to vector<16x1xi32>
    %gather3A_206 = vector.shape_cast %broadcast_in_dim3A_205 : vector<16x1xi32> to vector<16xi32>
    %gather3A_207 = tpu.dynamic_gather %min3A_189[%gather3A_206] in [0] : vector<16xi32>, vector<16xi32> -> vector<16xi32>
    %mul3A_208 = arith.muli %gather3A_207, %min3A_198 : vector<16xi32>
    %add3A_209 = arith.addi %min3A_189, %mul3A_208 : vector<16xi32>
    %sub3A_210 = arith.constant 1 : i32
    %sub3A_211 = vector.broadcast %sub3A_210 : i32 to vector<16xi32>
    %sub3A_212 = arith.subi %iota3A, %sub3A_211 : vector<16xi32>
    %max3A_213 = arith.constant 0 : i32
    %max3A_214 = vector.broadcast %max3A_213 : i32 to vector<16xi32>
    %max3A_215 = arith.maxsi %sub3A_212, %max3A_214 : vector<16xi32>
    %min3A_216 = arith.constant 1 : i32
    %min3A_217 = vector.broadcast %min3A_216 : i32 to vector<16xi32>
    %min3A_218 = arith.minsi %max3A_215, %min3A_217 : vector<16xi32>
    %sub3A_219 = arith.constant 2 : i32
    %sub3A_220 = vector.broadcast %sub3A_219 : i32 to vector<16xi32>
    %sub3A_221 = arith.subi %iota3A, %sub3A_220 : vector<16xi32>
    %max3A_222 = arith.constant 0 : i32
    %max3A_223 = vector.broadcast %max3A_222 : i32 to vector<16xi32>
    %max3A_224 = arith.maxsi %sub3A_221, %max3A_223 : vector<16xi32>
    %broadcast_in_dim3A_225 = vector.shape_cast %max3A_224 : vector<16xi32> to vector<16x1xi32>
    %gather3A_226 = vector.shape_cast %broadcast_in_dim3A_225 : vector<16x1xi32> to vector<16xi32>
    %gather3A_227 = tpu.dynamic_gather %add3A_209[%gather3A_226] in [0] : vector<16xi32>, vector<16xi32> -> vector<16xi32>
    %mul3A_228 = arith.muli %gather3A_227, %min3A_218 : vector<16xi32>
    %add3A_229 = arith.addi %add3A_209, %mul3A_228 : vector<16xi32>
    %sub3A_230 = arith.constant 3 : i32
    %sub3A_231 = vector.broadcast %sub3A_230 : i32 to vector<16xi32>
    %sub3A_232 = arith.subi %iota3A, %sub3A_231 : vector<16xi32>
    %max3A_233 = arith.constant 0 : i32
    %max3A_234 = vector.broadcast %max3A_233 : i32 to vector<16xi32>
    %max3A_235 = arith.maxsi %sub3A_232, %max3A_234 : vector<16xi32>
    %min3A_236 = arith.constant 1 : i32
    %min3A_237 = vector.broadcast %min3A_236 : i32 to vector<16xi32>
    %min3A_238 = arith.minsi %max3A_235, %min3A_237 : vector<16xi32>
    %sub3A_239 = arith.constant 4 : i32
    %sub3A_240 = vector.broadcast %sub3A_239 : i32 to vector<16xi32>
    %sub3A_241 = arith.subi %iota3A, %sub3A_240 : vector<16xi32>
    %max3A_242 = arith.constant 0 : i32
    %max3A_243 = vector.broadcast %max3A_242 : i32 to vector<16xi32>
    %max3A_244 = arith.maxsi %sub3A_241, %max3A_243 : vector<16xi32>
    %broadcast_in_dim3A_245 = vector.shape_cast %max3A_244 : vector<16xi32> to vector<16x1xi32>
    %gather3A_246 = vector.shape_cast %broadcast_in_dim3A_245 : vector<16x1xi32> to vector<16xi32>
    %gather3A_247 = tpu.dynamic_gather %add3A_229[%gather3A_246] in [0] : vector<16xi32>, vector<16xi32> -> vector<16xi32>
    %mul3A_248 = arith.muli %gather3A_247, %min3A_238 : vector<16xi32>
    %add3A_249 = arith.addi %add3A_229, %mul3A_248 : vector<16xi32>
    %sub3A_250 = arith.constant 7 : i32
    %sub3A_251 = vector.broadcast %sub3A_250 : i32 to vector<16xi32>
    %sub3A_252 = arith.subi %iota3A, %sub3A_251 : vector<16xi32>
    %max3A_253 = arith.constant 0 : i32
    %max3A_254 = vector.broadcast %max3A_253 : i32 to vector<16xi32>
    %max3A_255 = arith.maxsi %sub3A_252, %max3A_254 : vector<16xi32>
    %min3A_256 = arith.constant 1 : i32
    %min3A_257 = vector.broadcast %min3A_256 : i32 to vector<16xi32>
    %min3A_258 = arith.minsi %max3A_255, %min3A_257 : vector<16xi32>
    %sub3A_259 = arith.constant 8 : i32
    %sub3A_260 = vector.broadcast %sub3A_259 : i32 to vector<16xi32>
    %sub3A_261 = arith.subi %iota3A, %sub3A_260 : vector<16xi32>
    %max3A_262 = arith.constant 0 : i32
    %max3A_263 = vector.broadcast %max3A_262 : i32 to vector<16xi32>
    %max3A_264 = arith.maxsi %sub3A_261, %max3A_263 : vector<16xi32>
    %broadcast_in_dim3A_265 = vector.shape_cast %max3A_264 : vector<16xi32> to vector<16x1xi32>
    %gather3A_266 = vector.shape_cast %broadcast_in_dim3A_265 : vector<16x1xi32> to vector<16xi32>
    %gather3A_267 = tpu.dynamic_gather %add3A_249[%gather3A_266] in [0] : vector<16xi32>, vector<16xi32> -> vector<16xi32>
    %mul3A_268 = arith.muli %gather3A_267, %min3A_258 : vector<16xi32>
    %add3A_269 = arith.addi %add3A_249, %mul3A_268 : vector<16xi32>
    %add3A_270 = arith.addi %add3A_177, %add3A_269 : vector<16xi32>
    %mul3A_271 = arith.muli %add3A_270, %min3A_189 : vector<16xi32>
    %add3A_272 = arith.constant 1 : i32
    %add3A_273 = vector.broadcast %add3A_272 : i32 to vector<16xi32>
    %add3A_274 = arith.addi %mul3A_271, %add3A_273 : vector<16xi32>
    %swap3A_275 = arith.constant 0 : i32
    %swap3A_276 = arith.index_cast %swap3A_275 : i32 to index
    %swap3A_277 = arith.constant 16 : index
    %swap3A_278 = tpu.vector_load %arg6[%swap3A_276, %swap3A_277] {strides = array<i32>} : memref<16x32xi32, #tpu.memory_space<vmem>>, vector<1x16xi32>,
    %swap3A_279 = vector.shape_cast %swap3A_278 : vector<1x16xi32> to vector<16xi32>
    %swap3A_280 = vector.shape_cast %add3A_274 : vector<16xi32> to vector<1x16xi32>
    tpu.vector_store %arg6[%swap3A_276, %swap3A_277], %swap3A_280 {strides = array<i32>} : memref<16x32xi32, #tpu.memory_space<vmem>>, vector<1x16xi32>,
    %broadcast_in_dim3A_281 = vector.shape_cast %broadcast_in_dim3A_33 : vector<16xi32> to vector<16x1xi32>
    %gather3A_282 = vector.shape_cast %broadcast_in_dim3A_281 : vector<16x1xi32> to vector<16xi32>
    %gather3A_283 = tpu.dynamic_gather %add3A_269[%gather3A_282] in [0] : vector<16xi32>, vector<16xi32> -> vector<16xi32>
    %add3A_284 = arith.addi %add3A_177, %gather3A_283 : vector<16xi32>
    %add3A_285 = arith.constant 32 : i32
    %add3A_286 = arith.addi %mul3A_75, %add3A_285 : i32
    %get3A_287 = arith.index_cast %add3A_286 : i32 to index
    %get3A_288 = tpu.vector_load %arg5[%get3A_287] {strides = array<i32>} : memref<4096xi32, #tpu.memory_space<vmem>>, vector<16xi32>,
    %get3A_289 = vector.shape_cast %get3A_288 : vector<16xi32> to vector<16xi32>
    %sub3A_290 = arith.constant 1 : i32
    %sub3A_291 = vector.broadcast %sub3A_290 : i32 to vector<16xi32>
    %sub3A_292 = arith.subi %get3A_289, %sub3A_291 : vector<16xi32>
    %abs3A_293 = math.absi %sub3A_292 : vector<16xi32>
    %min3A_294 = arith.constant 1 : i32
    %min3A_295 = vector.broadcast %min3A_294 : i32 to vector<16xi32>
    %min3A_296 = arith.minsi %abs3A_293, %min3A_295 : vector<16xi32>
    %sub3A_297 = arith.constant 0 : i32
    %sub3A_298 = vector.broadcast %sub3A_297 : i32 to vector<16xi32>
    %sub3A_299 = arith.subi %iota3A, %sub3A_298 : vector<16xi32>
    %max3A_300 = arith.constant 0 : i32
    %max3A_301 = vector.broadcast %max3A_300 : i32 to vector<16xi32>
    %max3A_302 = arith.maxsi %sub3A_299, %max3A_301 : vector<16xi32>
    %min3A_303 = arith.constant 1 : i32
    %min3A_304 = vector.broadcast %min3A_303 : i32 to vector<16xi32>
    %min3A_305 = arith.minsi %max3A_302, %min3A_304 : vector<16xi32>
    %sub3A_306 = arith.constant 1 : i32
    %sub3A_307 = vector.broadcast %sub3A_306 : i32 to vector<16xi32>
    %sub3A_308 = arith.subi %iota3A, %sub3A_307 : vector<16xi32>
    %max3A_309 = arith.constant 0 : i32
    %max3A_310 = vector.broadcast %max3A_309 : i32 to vector<16xi32>
    %max3A_311 = arith.maxsi %sub3A_308, %max3A_310 : vector<16xi32>
    %broadcast_in_dim3A_312 = vector.shape_cast %max3A_311 : vector<16xi32> to vector<16x1xi32>
    %gather3A_313 = vector.shape_cast %broadcast_in_dim3A_312 : vector<16x1xi32> to vector<16xi32>
    %gather3A_314 = tpu.dynamic_gather %min3A_296[%gather3A_313] in [0] : vector<16xi32>, vector<16xi32> -> vector<16xi32>
    %mul3A_315 = arith.muli %gather3A_314, %min3A_305 : vector<16xi32>
    %add3A_316 = arith.addi %min3A_296, %mul3A_315 : vector<16xi32>
    %sub3A_317 = arith.constant 1 : i32
    %sub3A_318 = vector.broadcast %sub3A_317 : i32 to vector<16xi32>
    %sub3A_319 = arith.subi %iota3A, %sub3A_318 : vector<16xi32>
    %max3A_320 = arith.constant 0 : i32
    %max3A_321 = vector.broadcast %max3A_320 : i32 to vector<16xi32>
    %max3A_322 = arith.maxsi %sub3A_319, %max3A_321 : vector<16xi32>
    %min3A_323 = arith.constant 1 : i32
    %min3A_324 = vector.broadcast %min3A_323 : i32 to vector<16xi32>
    %min3A_325 = arith.minsi %max3A_322, %min3A_324 : vector<16xi32>
    %sub3A_326 = arith.constant 2 : i32
    %sub3A_327 = vector.broadcast %sub3A_326 : i32 to vector<16xi32>
    %sub3A_328 = arith.subi %iota3A, %sub3A_327 : vector<16xi32>
    %max3A_329 = arith.constant 0 : i32
    %max3A_330 = vector.broadcast %max3A_329 : i32 to vector<16xi32>
    %max3A_331 = arith.maxsi %sub3A_328, %max3A_330 : vector<16xi32>
    %broadcast_in_dim3A_332 = vector.shape_cast %max3A_331 : vector<16xi32> to vector<16x1xi32>
    %gather3A_333 = vector.shape_cast %broadcast_in_dim3A_332 : vector<16x1xi32> to vector<16xi32>
    %gather3A_334 = tpu.dynamic_gather %add3A_316[%gather3A_333] in [0] : vector<16xi32>, vector<16xi32> -> vector<16xi32>
    %mul3A_335 = arith.muli %gather3A_334, %min3A_325 : vector<16xi32>
    %add3A_336 = arith.addi %add3A_316, %mul3A_335 : vector<16xi32>
    %sub3A_337 = arith.constant 3 : i32
    %sub3A_338 = vector.broadcast %sub3A_337 : i32 to vector<16xi32>
    %sub3A_339 = arith.subi %iota3A, %sub3A_338 : vector<16xi32>
    %max3A_340 = arith.constant 0 : i32
    %max3A_341 = vector.broadcast %max3A_340 : i32 to vector<16xi32>
    %max3A_342 = arith.maxsi %sub3A_339, %max3A_341 : vector<16xi32>
    %min3A_343 = arith.constant 1 : i32
    %min3A_344 = vector.broadcast %min3A_343 : i32 to vector<16xi32>
    %min3A_345 = arith.minsi %max3A_342, %min3A_344 : vector<16xi32>
    %sub3A_346 = arith.constant 4 : i32
    %sub3A_347 = vector.broadcast %sub3A_346 : i32 to vector<16xi32>
    %sub3A_348 = arith.subi %iota3A, %sub3A_347 : vector<16xi32>
    %max3A_349 = arith.constant 0 : i32
    %max3A_350 = vector.broadcast %max3A_349 : i32 to vector<16xi32>
    %max3A_351 = arith.maxsi %sub3A_348, %max3A_350 : vector<16xi32>
    %broadcast_in_dim3A_352 = vector.shape_cast %max3A_351 : vector<16xi32> to vector<16x1xi32>
    %gather3A_353 = vector.shape_cast %broadcast_in_dim3A_352 : vector<16x1xi32> to vector<16xi32>
    %gather3A_354 = tpu.dynamic_gather %add3A_336[%gather3A_353] in [0] : vector<16xi32>, vector<16xi32> -> vector<16xi32>
    %mul3A_355 = arith.muli %gather3A_354, %min3A_345 : vector<16xi32>
    %add3A_356 = arith.addi %add3A_336, %mul3A_355 : vector<16xi32>
    %sub3A_357 = arith.constant 7 : i32
    %sub3A_358 = vector.broadcast %sub3A_357 : i32 to vector<16xi32>
    %sub3A_359 = arith.subi %iota3A, %sub3A_358 : vector<16xi32>
    %max3A_360 = arith.constant 0 : i32
    %max3A_361 = vector.broadcast %max3A_360 : i32 to vector<16xi32>
    %max3A_362 = arith.maxsi %sub3A_359, %max3A_361 : vector<16xi32>
    %min3A_363 = arith.constant 1 : i32
    %min3A_364 = vector.broadcast %min3A_363 : i32 to vector<16xi32>
    %min3A_365 = arith.minsi %max3A_362, %min3A_364 : vector<16xi32>
    %sub3A_366 = arith.constant 8 : i32
    %sub3A_367 = vector.broadcast %sub3A_366 : i32 to vector<16xi32>
    %sub3A_368 = arith.subi %iota3A, %sub3A_367 : vector<16xi32>
    %max3A_369 = arith.constant 0 : i32
    %max3A_370 = vector.broadcast %max3A_369 : i32 to vector<16xi32>
    %max3A_371 = arith.maxsi %sub3A_368, %max3A_370 : vector<16xi32>
    %broadcast_in_dim3A_372 = vector.shape_cast %max3A_371 : vector<16xi32> to vector<16x1xi32>
    %gather3A_373 = vector.shape_cast %broadcast_in_dim3A_372 : vector<16x1xi32> to vector<16xi32>
    %gather3A_374 = tpu.dynamic_gather %add3A_356[%gather3A_373] in [0] : vector<16xi32>, vector<16xi32> -> vector<16xi32>
    %mul3A_375 = arith.muli %gather3A_374, %min3A_365 : vector<16xi32>
    %add3A_376 = arith.addi %add3A_356, %mul3A_375 : vector<16xi32>
    %add3A_377 = arith.addi %add3A_284, %add3A_376 : vector<16xi32>
    %mul3A_378 = arith.muli %add3A_377, %min3A_296 : vector<16xi32>
    %add3A_379 = arith.constant 1 : i32
    %add3A_380 = vector.broadcast %add3A_379 : i32 to vector<16xi32>
    %add3A_381 = arith.addi %mul3A_378, %add3A_380 : vector<16xi32>
    %swap3A_382 = arith.constant 1 : i32
    %swap3A_383 = arith.index_cast %swap3A_382 : i32 to index
    %swap3A_384 = arith.constant 0 : index
    %swap3A_385 = tpu.vector_load %arg6[%swap3A_383, %swap3A_384] {strides = array<i32>} : memref<16x32xi32, #tpu.memory_space<vmem>>, vector<1x16xi32>,
    %swap3A_386 = vector.shape_cast %swap3A_385 : vector<1x16xi32> to vector<16xi32>
    %swap3A_387 = vector.shape_cast %add3A_381 : vector<16xi32> to vector<1x16xi32>
    tpu.vector_store %arg6[%swap3A_383, %swap3A_384], %swap3A_387 {strides = array<i32>} : memref<16x32xi32, #tpu.memory_space<vmem>>, vector<1x16xi32>,
    %broadcast_in_dim3A_388 = vector.shape_cast %broadcast_in_dim3A_33 : vector<16xi32> to vector<16x1xi32>
    %gather3A_389 = vector.shape_cast %broadcast_in_dim3A_388 : vector<16x1xi32> to vector<16xi32>
    %gather3A_390 = tpu.dynamic_gather %add3A_376[%gather3A_389] in [0] : vector<16xi32>, vector<16xi32> -> vector<16xi32>
    %add3A_391 = arith.addi %add3A_284, %gather3A_390 : vector<16xi32>
    %add3A_392 = arith.constant 48 : i32
    %add3A_393 = arith.addi %mul3A_75, %add3A_392 : i32
    %get3A_394 = arith.index_cast %add3A_393 : i32 to index
    %get3A_395 = tpu.vector_load %arg5[%get3A_394] {strides = array<i32>} : memref<4096xi32, #tpu.memory_space<vmem>>, vector<16xi32>,
    %get3A_396 = vector.shape_cast %get3A_395 : vector<16xi32> to vector<16xi32>
    %sub3A_397 = arith.constant 1 : i32
    %sub3A_398 = vector.broadcast %sub3A_397 : i32 to vector<16xi32>
    %sub3A_399 = arith.subi %get3A_396, %sub3A_398 : vector<16xi32>
    %abs3A_400 = math.absi %sub3A_399 : vector<16xi32>
    %min3A_401 = arith.constant 1 : i32
    %min3A_402 = vector.broadcast %min3A_401 : i32 to vector<16xi32>
    %min3A_403 = arith.minsi %abs3A_400, %min3A_402 : vector<16xi32>
    %sub3A_404 = arith.constant 0 : i32
    %sub3A_405 = vector.broadcast %sub3A_404 : i32 to vector<16xi32>
    %sub3A_406 = arith.subi %iota3A, %sub3A_405 : vector<16xi32>
    %max3A_407 = arith.constant 0 : i32
    %max3A_408 = vector.broadcast %max3A_407 : i32 to vector<16xi32>
    %max3A_409 = arith.maxsi %sub3A_406, %max3A_408 : vector<16xi32>
    %min3A_410 = arith.constant 1 : i32
    %min3A_411 = vector.broadcast %min3A_410 : i32 to vector<16xi32>
    %min3A_412 = arith.minsi %max3A_409, %min3A_411 : vector<16xi32>
    %sub3A_413 = arith.constant 1 : i32
    %sub3A_414 = vector.broadcast %sub3A_413 : i32 to vector<16xi32>
    %sub3A_415 = arith.subi %iota3A, %sub3A_414 : vector<16xi32>
    %max3A_416 = arith.constant 0 : i32
    %max3A_417 = vector.broadcast %max3A_416 : i32 to vector<16xi32>
    %max3A_418 = arith.maxsi %sub3A_415, %max3A_417 : vector<16xi32>
    %broadcast_in_dim3A_419 = vector.shape_cast %max3A_418 : vector<16xi32> to vector<16x1xi32>
    %gather3A_420 = vector.shape_cast %broadcast_in_dim3A_419 : vector<16x1xi32> to vector<16xi32>
    %gather3A_421 = tpu.dynamic_gather %min3A_403[%gather3A_420] in [0] : vector<16xi32>, vector<16xi32> -> vector<16xi32>
    %mul3A_422 = arith.muli %gather3A_421, %min3A_412 : vector<16xi32>
    %add3A_423 = arith.addi %min3A_403, %mul3A_422 : vector<16xi32>
    %sub3A_424 = arith.constant 1 : i32
    %sub3A_425 = vector.broadcast %sub3A_424 : i32 to vector<16xi32>
    %sub3A_426 = arith.subi %iota3A, %sub3A_425 : vector<16xi32>
    %max3A_427 = arith.constant 0 : i32
    %max3A_428 = vector.broadcast %max3A_427 : i32 to vector<16xi32>
    %max3A_429 = arith.maxsi %sub3A_426, %max3A_428 : vector<16xi32>
    %min3A_430 = arith.constant 1 : i32
    %min3A_431 = vector.broadcast %min3A_430 : i32 to vector<16xi32>
    %min3A_432 = arith.minsi %max3A_429, %min3A_431 : vector<16xi32>
    %sub3A_433 = arith.constant 2 : i32
    %sub3A_434 = vector.broadcast %sub3A_433 : i32 to vector<16xi32>
    %sub3A_435 = arith.subi %iota3A, %sub3A_434 : vector<16xi32>
    %max3A_436 = arith.constant 0 : i32
    %max3A_437 = vector.broadcast %max3A_436 : i32 to vector<16xi32>
    %max3A_438 = arith.maxsi %sub3A_435, %max3A_437 : vector<16xi32>
    %broadcast_in_dim3A_439 = vector.shape_cast %max3A_438 : vector<16xi32> to vector<16x1xi32>
    %gather3A_440 = vector.shape_cast %broadcast_in_dim3A_439 : vector<16x1xi32> to vector<16xi32>
    %gather3A_441 = tpu.dynamic_gather %add3A_423[%gather3A_440] in [0] : vector<16xi32>, vector<16xi32> -> vector<16xi32>
    %mul3A_442 = arith.muli %gather3A_441, %min3A_432 : vector<16xi32>
    %add3A_443 = arith.addi %add3A_423, %mul3A_442 : vector<16xi32>
    %sub3A_444 = arith.constant 3 : i32
    %sub3A_445 = vector.broadcast %sub3A_444 : i32 to vector<16xi32>
    %sub3A_446 = arith.subi %iota3A, %sub3A_445 : vector<16xi32>
    %max3A_447 = arith.constant 0 : i32
    %max3A_448 = vector.broadcast %max3A_447 : i32 to vector<16xi32>
    %max3A_449 = arith.maxsi %sub3A_446, %max3A_448 : vector<16xi32>
    %min3A_450 = arith.constant 1 : i32
    %min3A_451 = vector.broadcast %min3A_450 : i32 to vector<16xi32>
    %min3A_452 = arith.minsi %max3A_449, %min3A_451 : vector<16xi32>
    %sub3A_453 = arith.constant 4 : i32
    %sub3A_454 = vector.broadcast %sub3A_453 : i32 to vector<16xi32>
    %sub3A_455 = arith.subi %iota3A, %sub3A_454 : vector<16xi32>
    %max3A_456 = arith.constant 0 : i32
    %max3A_457 = vector.broadcast %max3A_456 : i32 to vector<16xi32>
    %max3A_458 = arith.maxsi %sub3A_455, %max3A_457 : vector<16xi32>
    %broadcast_in_dim3A_459 = vector.shape_cast %max3A_458 : vector<16xi32> to vector<16x1xi32>
    %gather3A_460 = vector.shape_cast %broadcast_in_dim3A_459 : vector<16x1xi32> to vector<16xi32>
    %gather3A_461 = tpu.dynamic_gather %add3A_443[%gather3A_460] in [0] : vector<16xi32>, vector<16xi32> -> vector<16xi32>
    %mul3A_462 = arith.muli %gather3A_461, %min3A_452 : vector<16xi32>
    %add3A_463 = arith.addi %add3A_443, %mul3A_462 : vector<16xi32>
    %sub3A_464 = arith.constant 7 : i32
    %sub3A_465 = vector.broadcast %sub3A_464 : i32 to vector<16xi32>
    %sub3A_466 = arith.subi %iota3A, %sub3A_465 : vector<16xi32>
    %max3A_467 = arith.constant 0 : i32
    %max3A_468 = vector.broadcast %max3A_467 : i32 to vector<16xi32>
    %max3A_469 = arith.maxsi %sub3A_466, %max3A_468 : vector<16xi32>
    %min3A_470 = arith.constant 1 : i32
    %min3A_471 = vector.broadcast %min3A_470 : i32 to vector<16xi32>
    %min3A_472 = arith.minsi %max3A_469, %min3A_471 : vector<16xi32>
    %sub3A_473 = arith.constant 8 : i32
    %sub3A_474 = vector.broadcast %sub3A_473 : i32 to vector<16xi32>
    %sub3A_475 = arith.subi %iota3A, %sub3A_474 : vector<16xi32>
    %max3A_476 = arith.constant 0 : i32
    %max3A_477 = vector.broadcast %max3A_476 : i32 to vector<16xi32>
    %max3A_478 = arith.maxsi %sub3A_475, %max3A_477 : vector<16xi32>
    %broadcast_in_dim3A_479 = vector.shape_cast %max3A_478 : vector<16xi32> to vector<16x1xi32>
    %gather3A_480 = vector.shape_cast %broadcast_in_dim3A_479 : vector<16x1xi32> to vector<16xi32>
    %gather3A_481 = tpu.dynamic_gather %add3A_463[%gather3A_480] in [0] : vector<16xi32>, vector<16xi32> -> vector<16xi32>
    %mul3A_482 = arith.muli %gather3A_481, %min3A_472 : vector<16xi32>
    %add3A_483 = arith.addi %add3A_463, %mul3A_482 : vector<16xi32>
    %add3A_484 = arith.addi %add3A_391, %add3A_483 : vector<16xi32>
    %mul3A_485 = arith.muli %add3A_484, %min3A_403 : vector<16xi32>
    %add3A_486 = arith.constant 1 : i32
    %add3A_487 = vector.broadcast %add3A_486 : i32 to vector<16xi32>
    %add3A_488 = arith.addi %mul3A_485, %add3A_487 : vector<16xi32>
    %swap3A_489 = arith.constant 1 : i32
    %swap3A_490 = arith.index_cast %swap3A_489 : i32 to index
    %swap3A_491 = arith.constant 16 : index
    %swap3A_492 = tpu.vector_load %arg6[%swap3A_490, %swap3A_491] {strides = array<i32>} : memref<16x32xi32, #tpu.memory_space<vmem>>, vector<1x16xi32>,
    %swap3A_493 = vector.shape_cast %swap3A_492 : vector<1x16xi32> to vector<16xi32>
    %swap3A_494 = vector.shape_cast %add3A_488 : vector<16xi32> to vector<1x16xi32>
    tpu.vector_store %arg6[%swap3A_490, %swap3A_491], %swap3A_494 {strides = array<i32>} : memref<16x32xi32, #tpu.memory_space<vmem>>, vector<1x16xi32>,
    %broadcast_in_dim3A_495 = vector.shape_cast %broadcast_in_dim3A_33 : vector<16xi32> to vector<16x1xi32>
    %gather3A_496 = vector.shape_cast %broadcast_in_dim3A_495 : vector<16x1xi32> to vector<16xi32>
    %gather3A_497 = tpu.dynamic_gather %add3A_483[%gather3A_496] in [0] : vector<16xi32>, vector<16xi32> -> vector<16xi32>
    %add3A_498 = arith.addi %add3A_391, %gather3A_497 : vector<16xi32>
    %add3A_499 = arith.constant 64 : i32
    %add3A_500 = arith.addi %mul3A_75, %add3A_499 : i32
    %get3A_501 = arith.index_cast %add3A_500 : i32 to index
    %get3A_502 = tpu.vector_load %arg5[%get3A_501] {strides = array<i32>} : memref<4096xi32, #tpu.memory_space<vmem>>, vector<16xi32>,
    %get3A_503 = vector.shape_cast %get3A_502 : vector<16xi32> to vector<16xi32>
    %sub3A_504 = arith.constant 1 : i32
    %sub3A_505 = vector.broadcast %sub3A_504 : i32 to vector<16xi32>
    %sub3A_506 = arith.subi %get3A_503, %sub3A_505 : vector<16xi32>
    %abs3A_507 = math.absi %sub3A_506 : vector<16xi32>
    %min3A_508 = arith.constant 1 : i32
    %min3A_509 = vector.broadcast %min3A_508 : i32 to vector<16xi32>
    %min3A_510 = arith.minsi %abs3A_507, %min3A_509 : vector<16xi32>
    %sub3A_511 = arith.constant 0 : i32
    %sub3A_512 = vector.broadcast %sub3A_511 : i32 to vector<16xi32>
    %sub3A_513 = arith.subi %iota3A, %sub3A_512 : vector<16xi32>
    %max3A_514 = arith.constant 0 : i32
    %max3A_515 = vector.broadcast %max3A_514 : i32 to vector<16xi32>
    %max3A_516 = arith.maxsi %sub3A_513, %max3A_515 : vector<16xi32>
    %min3A_517 = arith.constant 1 : i32
    %min3A_518 = vector.broadcast %min3A_517 : i32 to vector<16xi32>
    %min3A_519 = arith.minsi %max3A_516, %min3A_518 : vector<16xi32>
    %sub3A_520 = arith.constant 1 : i32
    %sub3A_521 = vector.broadcast %sub3A_520 : i32 to vector<16xi32>
    %sub3A_522 = arith.subi %iota3A, %sub3A_521 : vector<16xi32>
    %max3A_523 = arith.constant 0 : i32
    %max3A_524 = vector.broadcast %max3A_523 : i32 to vector<16xi32>
    %max3A_525 = arith.maxsi %sub3A_522, %max3A_524 : vector<16xi32>
    %broadcast_in_dim3A_526 = vector.shape_cast %max3A_525 : vector<16xi32> to vector<16x1xi32>
    %gather3A_527 = vector.shape_cast %broadcast_in_dim3A_526 : vector<16x1xi32> to vector<16xi32>
    %gather3A_528 = tpu.dynamic_gather %min3A_510[%gather3A_527] in [0] : vector<16xi32>, vector<16xi32> -> vector<16xi32>
    %mul3A_529 = arith.muli %gather3A_528, %min3A_519 : vector<16xi32>
    %add3A_530 = arith.addi %min3A_510, %mul3A_529 : vector<16xi32>
    %sub3A_531 = arith.constant 1 : i32
    %sub3A_532 = vector.broadcast %sub3A_531 : i32 to vector<16xi32>
    %sub3A_533 = arith.subi %iota3A, %sub3A_532 : vector<16xi32>
    %max3A_534 = arith.constant 0 : i32
    %max3A_535 = vector.broadcast %max3A_534 : i32 to vector<16xi32>
    %max3A_536 = arith.maxsi %sub3A_533, %max3A_535 : vector<16xi32>
    %min3A_537 = arith.constant 1 : i32
    %min3A_538 = vector.broadcast %min3A_537 : i32 to vector<16xi32>
    %min3A_539 = arith.minsi %max3A_536, %min3A_538 : vector<16xi32>
    %sub3A_540 = arith.constant 2 : i32
    %sub3A_541 = vector.broadcast %sub3A_540 : i32 to vector<16xi32>
    %sub3A_542 = arith.subi %iota3A, %sub3A_541 : vector<16xi32>
    %max3A_543 = arith.constant 0 : i32
    %max3A_544 = vector.broadcast %max3A_543 : i32 to vector<16xi32>
    %max3A_545 = arith.maxsi %sub3A_542, %max3A_544 : vector<16xi32>
    %broadcast_in_dim3A_546 = vector.shape_cast %max3A_545 : vector<16xi32> to vector<16x1xi32>
    %gather3A_547 = vector.shape_cast %broadcast_in_dim3A_546 : vector<16x1xi32> to vector<16xi32>
    %gather3A_548 = tpu.dynamic_gather %add3A_530[%gather3A_547] in [0] : vector<16xi32>, vector<16xi32> -> vector<16xi32>
    %mul3A_549 = arith.muli %gather3A_548, %min3A_539 : vector<16xi32>
    %add3A_550 = arith.addi %add3A_530, %mul3A_549 : vector<16xi32>
    %sub3A_551 = arith.constant 3 : i32
    %sub3A_552 = vector.broadcast %sub3A_551 : i32 to vector<16xi32>
    %sub3A_553 = arith.subi %iota3A, %sub3A_552 : vector<16xi32>
    %max3A_554 = arith.constant 0 : i32
    %max3A_555 = vector.broadcast %max3A_554 : i32 to vector<16xi32>
    %max3A_556 = arith.maxsi %sub3A_553, %max3A_555 : vector<16xi32>
    %min3A_557 = arith.constant 1 : i32
    %min3A_558 = vector.broadcast %min3A_557 : i32 to vector<16xi32>
    %min3A_559 = arith.minsi %max3A_556, %min3A_558 : vector<16xi32>
    %sub3A_560 = arith.constant 4 : i32
    %sub3A_561 = vector.broadcast %sub3A_560 : i32 to vector<16xi32>
    %sub3A_562 = arith.subi %iota3A, %sub3A_561 : vector<16xi32>
    %max3A_563 = arith.constant 0 : i32
    %max3A_564 = vector.broadcast %max3A_563 : i32 to vector<16xi32>
    %max3A_565 = arith.maxsi %sub3A_562, %max3A_564 : vector<16xi32>
    %broadcast_in_dim3A_566 = vector.shape_cast %max3A_565 : vector<16xi32> to vector<16x1xi32>
    %gather3A_567 = vector.shape_cast %broadcast_in_dim3A_566 : vector<16x1xi32> to vector<16xi32>
    %gather3A_568 = tpu.dynamic_gather %add3A_550[%gather3A_567] in [0] : vector<16xi32>, vector<16xi32> -> vector<16xi32>
    %mul3A_569 = arith.muli %gather3A_568, %min3A_559 : vector<16xi32>
    %add3A_570 = arith.addi %add3A_550, %mul3A_569 : vector<16xi32>
    %sub3A_571 = arith.constant 7 : i32
    %sub3A_572 = vector.broadcast %sub3A_571 : i32 to vector<16xi32>
    %sub3A_573 = arith.subi %iota3A, %sub3A_572 : vector<16xi32>
    %max3A_574 = arith.constant 0 : i32
    %max3A_575 = vector.broadcast %max3A_574 : i32 to vector<16xi32>
    %max3A_576 = arith.maxsi %sub3A_573, %max3A_575 : vector<16xi32>
    %min3A_577 = arith.constant 1 : i32
    %min3A_578 = vector.broadcast %min3A_577 : i32 to vector<16xi32>
    %min3A_579 = arith.minsi %max3A_576, %min3A_578 : vector<16xi32>
    %sub3A_580 = arith.constant 8 : i32
    %sub3A_581 = vector.broadcast %sub3A_580 : i32 to vector<16xi32>
    %sub3A_582 = arith.subi %iota3A, %sub3A_581 : vector<16xi32>
    %max3A_583 = arith.constant 0 : i32
    %max3A_584 = vector.broadcast %max3A_583 : i32 to vector<16xi32>
    %max3A_585 = arith.maxsi %sub3A_582, %max3A_584 : vector<16xi32>
    %broadcast_in_dim3A_586 = vector.shape_cast %max3A_585 : vector<16xi32> to vector<16x1xi32>
    %gather3A_587 = vector.shape_cast %broadcast_in_dim3A_586 : vector<16x1xi32> to vector<16xi32>
    %gather3A_588 = tpu.dynamic_gather %add3A_570[%gather3A_587] in [0] : vector<16xi32>, vector<16xi32> -> vector<16xi32>
    %mul3A_589 = arith.muli %gather3A_588, %min3A_579 : vector<16xi32>
    %add3A_590 = arith.addi %add3A_570, %mul3A_589 : vector<16xi32>
    %add3A_591 = arith.addi %add3A_498, %add3A_590 : vector<16xi32>
    %mul3A_592 = arith.muli %add3A_591, %min3A_510 : vector<16xi32>
    %add3A_593 = arith.constant 1 : i32
    %add3A_594 = vector.broadcast %add3A_593 : i32 to vector<16xi32>
    %add3A_595 = arith.addi %mul3A_592, %add3A_594 : vector<16xi32>
    %swap3A_596 = arith.constant 2 : i32
    %swap3A_597 = arith.index_cast %swap3A_596 : i32 to index
    %swap3A_598 = arith.constant 0 : index
    %swap3A_599 = tpu.vector_load %arg6[%swap3A_597, %swap3A_598] {strides = array<i32>} : memref<16x32xi32, #tpu.memory_space<vmem>>, vector<1x16xi32>,
    %swap3A_600 = vector.shape_cast %swap3A_599 : vector<1x16xi32> to vector<16xi32>
    %swap3A_601 = vector.shape_cast %add3A_595 : vector<16xi32> to vector<1x16xi32>
    tpu.vector_store %arg6[%swap3A_597, %swap3A_598], %swap3A_601 {strides = array<i32>} : memref<16x32xi32, #tpu.memory_space<vmem>>, vector<1x16xi32>,
    %broadcast_in_dim3A_602 = vector.shape_cast %broadcast_in_dim3A_33 : vector<16xi32> to vector<16x1xi32>
    %gather3A_603 = vector.shape_cast %broadcast_in_dim3A_602 : vector<16x1xi32> to vector<16xi32>
    %gather3A_604 = tpu.dynamic_gather %add3A_590[%gather3A_603] in [0] : vector<16xi32>, vector<16xi32> -> vector<16xi32>
    %add3A_605 = arith.addi %add3A_498, %gather3A_604 : vector<16xi32>
    %add3A_606 = arith.constant 80 : i32
    %add3A_607 = arith.addi %mul3A_75, %add3A_606 : i32
    %get3A_608 = arith.index_cast %add3A_607 : i32 to index
    %get3A_609 = tpu.vector_load %arg5[%get3A_608] {strides = array<i32>} : memref<4096xi32, #tpu.memory_space<vmem>>, vector<16xi32>,
    %get3A_610 = vector.shape_cast %get3A_609 : vector<16xi32> to vector<16xi32>
    %sub3A_611 = arith.constant 1 : i32
    %sub3A_612 = vector.broadcast %sub3A_611 : i32 to vector<16xi32>
    %sub3A_613 = arith.subi %get3A_610, %sub3A_612 : vector<16xi32>
    %abs3A_614 = math.absi %sub3A_613 : vector<16xi32>
    %min3A_615 = arith.constant 1 : i32
    %min3A_616 = vector.broadcast %min3A_615 : i32 to vector<16xi32>
    %min3A_617 = arith.minsi %abs3A_614, %min3A_616 : vector<16xi32>
    %sub3A_618 = arith.constant 0 : i32
    %sub3A_619 = vector.broadcast %sub3A_618 : i32 to vector<16xi32>
    %sub3A_620 = arith.subi %iota3A, %sub3A_619 : vector<16xi32>
    %max3A_621 = arith.constant 0 : i32
    %max3A_622 = vector.broadcast %max3A_621 : i32 to vector<16xi32>
    %max3A_623 = arith.maxsi %sub3A_620, %max3A_622 : vector<16xi32>
    %min3A_624 = arith.constant 1 : i32
    %min3A_625 = vector.broadcast %min3A_624 : i32 to vector<16xi32>
    %min3A_626 = arith.minsi %max3A_623, %min3A_625 : vector<16xi32>
    %sub3A_627 = arith.constant 1 : i32
    %sub3A_628 = vector.broadcast %sub3A_627 : i32 to vector<16xi32>
    %sub3A_629 = arith.subi %iota3A, %sub3A_628 : vector<16xi32>
    %max3A_630 = arith.constant 0 : i32
    %max3A_631 = vector.broadcast %max3A_630 : i32 to vector<16xi32>
    %max3A_632 = arith.maxsi %sub3A_629, %max3A_631 : vector<16xi32>
    %broadcast_in_dim3A_633 = vector.shape_cast %max3A_632 : vector<16xi32> to vector<16x1xi32>
    %gather3A_634 = vector.shape_cast %broadcast_in_dim3A_633 : vector<16x1xi32> to vector<16xi32>
    %gather3A_635 = tpu.dynamic_gather %min3A_617[%gather3A_634] in [0] : vector<16xi32>, vector<16xi32> -> vector<16xi32>
    %mul3A_636 = arith.muli %gather3A_635, %min3A_626 : vector<16xi32>
    %add3A_637 = arith.addi %min3A_617, %mul3A_636 : vector<16xi32>
    %sub3A_638 = arith.constant 1 : i32
    %sub3A_639 = vector.broadcast %sub3A_638 : i32 to vector<16xi32>
    %sub3A_640 = arith.subi %iota3A, %sub3A_639 : vector<16xi32>
    %max3A_641 = arith.constant 0 : i32
    %max3A_642 = vector.broadcast %max3A_641 : i32 to vector<16xi32>
    %max3A_643 = arith.maxsi %sub3A_640, %max3A_642 : vector<16xi32>
    %min3A_644 = arith.constant 1 : i32
    %min3A_645 = vector.broadcast %min3A_644 : i32 to vector<16xi32>
    %min3A_646 = arith.minsi %max3A_643, %min3A_645 : vector<16xi32>
    %sub3A_647 = arith.constant 2 : i32
    %sub3A_648 = vector.broadcast %sub3A_647 : i32 to vector<16xi32>
    %sub3A_649 = arith.subi %iota3A, %sub3A_648 : vector<16xi32>
    %max3A_650 = arith.constant 0 : i32
    %max3A_651 = vector.broadcast %max3A_650 : i32 to vector<16xi32>
    %max3A_652 = arith.maxsi %sub3A_649, %max3A_651 : vector<16xi32>
    %broadcast_in_dim3A_653 = vector.shape_cast %max3A_652 : vector<16xi32> to vector<16x1xi32>
    %gather3A_654 = vector.shape_cast %broadcast_in_dim3A_653 : vector<16x1xi32> to vector<16xi32>
    %gather3A_655 = tpu.dynamic_gather %add3A_637[%gather3A_654] in [0] : vector<16xi32>, vector<16xi32> -> vector<16xi32>
    %mul3A_656 = arith.muli %gather3A_655, %min3A_646 : vector<16xi32>
    %add3A_657 = arith.addi %add3A_637, %mul3A_656 : vector<16xi32>
    %sub3A_658 = arith.constant 3 : i32
    %sub3A_659 = vector.broadcast %sub3A_658 : i32 to vector<16xi32>
    %sub3A_660 = arith.subi %iota3A, %sub3A_659 : vector<16xi32>
    %max3A_661 = arith.constant 0 : i32
    %max3A_662 = vector.broadcast %max3A_661 : i32 to vector<16xi32>
    %max3A_663 = arith.maxsi %sub3A_660, %max3A_662 : vector<16xi32>
    %min3A_664 = arith.constant 1 : i32
    %min3A_665 = vector.broadcast %min3A_664 : i32 to vector<16xi32>
    %min3A_666 = arith.minsi %max3A_663, %min3A_665 : vector<16xi32>
    %sub3A_667 = arith.constant 4 : i32
    %sub3A_668 = vector.broadcast %sub3A_667 : i32 to vector<16xi32>
    %sub3A_669 = arith.subi %iota3A, %sub3A_668 : vector<16xi32>
    %max3A_670 = arith.constant 0 : i32
    %max3A_671 = vector.broadcast %max3A_670 : i32 to vector<16xi32>
    %max3A_672 = arith.maxsi %sub3A_669, %max3A_671 : vector<16xi32>
    %broadcast_in_dim3A_673 = vector.shape_cast %max3A_672 : vector<16xi32> to vector<16x1xi32>
    %gather3A_674 = vector.shape_cast %broadcast_in_dim3A_673 : vector<16x1xi32> to vector<16xi32>
    %gather3A_675 = tpu.dynamic_gather %add3A_657[%gather3A_674] in [0] : vector<16xi32>, vector<16xi32> -> vector<16xi32>
    %mul3A_676 = arith.muli %gather3A_675, %min3A_666 : vector<16xi32>
    %add3A_677 = arith.addi %add3A_657, %mul3A_676 : vector<16xi32>
    %sub3A_678 = arith.constant 7 : i32
    %sub3A_679 = vector.broadcast %sub3A_678 : i32 to vector<16xi32>
    %sub3A_680 = arith.subi %iota3A, %sub3A_679 : vector<16xi32>
    %max3A_681 = arith.constant 0 : i32
    %max3A_682 = vector.broadcast %max3A_681 : i32 to vector<16xi32>
    %max3A_683 = arith.maxsi %sub3A_680, %max3A_682 : vector<16xi32>
    %min3A_684 = arith.constant 1 : i32
    %min3A_685 = vector.broadcast %min3A_684 : i32 to vector<16xi32>
    %min3A_686 = arith.minsi %max3A_683, %min3A_685 : vector<16xi32>
    %sub3A_687 = arith.constant 8 : i32
    %sub3A_688 = vector.broadcast %sub3A_687 : i32 to vector<16xi32>
    %sub3A_689 = arith.subi %iota3A, %sub3A_688 : vector<16xi32>
    %max3A_690 = arith.constant 0 : i32
    %max3A_691 = vector.broadcast %max3A_690 : i32 to vector<16xi32>
    %max3A_692 = arith.maxsi %sub3A_689, %max3A_691 : vector<16xi32>
    %broadcast_in_dim3A_693 = vector.shape_cast %max3A_692 : vector<16xi32> to vector<16x1xi32>
    %gather3A_694 = vector.shape_cast %broadcast_in_dim3A_693 : vector<16x1xi32> to vector<16xi32>
    %gather3A_695 = tpu.dynamic_gather %add3A_677[%gather3A_694] in [0] : vector<16xi32>, vector<16xi32> -> vector<16xi32>
    %mul3A_696 = arith.muli %gather3A_695, %min3A_686 : vector<16xi32>
    %add3A_697 = arith.addi %add3A_677, %mul3A_696 : vector<16xi32>
    %add3A_698 = arith.addi %add3A_605, %add3A_697 : vector<16xi32>
    %mul3A_699 = arith.muli %add3A_698, %min3A_617 : vector<16xi32>
    %add3A_700 = arith.constant 1 : i32
    %add3A_701 = vector.broadcast %add3A_700 : i32 to vector<16xi32>
    %add3A_702 = arith.addi %mul3A_699, %add3A_701 : vector<16xi32>
    %swap3A_703 = arith.constant 2 : i32
    %swap3A_704 = arith.index_cast %swap3A_703 : i32 to index
    %swap3A_705 = arith.constant 16 : index
    %swap3A_706 = tpu.vector_load %arg6[%swap3A_704, %swap3A_705] {strides = array<i32>} : memref<16x32xi32, #tpu.memory_space<vmem>>, vector<1x16xi32>,
    %swap3A_707 = vector.shape_cast %swap3A_706 : vector<1x16xi32> to vector<16xi32>
    %swap3A_708 = vector.shape_cast %add3A_702 : vector<16xi32> to vector<1x16xi32>
    tpu.vector_store %arg6[%swap3A_704, %swap3A_705], %swap3A_708 {strides = array<i32>} : memref<16x32xi32, #tpu.memory_space<vmem>>, vector<1x16xi32>,
    %broadcast_in_dim3A_709 = vector.shape_cast %broadcast_in_dim3A_33 : vector<16xi32> to vector<16x1xi32>
    %gather3A_710 = vector.shape_cast %broadcast_in_dim3A_709 : vector<16x1xi32> to vector<16xi32>
    %gather3A_711 = tpu.dynamic_gather %add3A_697[%gather3A_710] in [0] : vector<16xi32>, vector<16xi32> -> vector<16xi32>
    %add3A_712 = arith.addi %add3A_605, %gather3A_711 : vector<16xi32>
    %add3A_713 = arith.constant 96 : i32
    %add3A_714 = arith.addi %mul3A_75, %add3A_713 : i32
    %get3A_715 = arith.index_cast %add3A_714 : i32 to index
    %get3A_716 = tpu.vector_load %arg5[%get3A_715] {strides = array<i32>} : memref<4096xi32, #tpu.memory_space<vmem>>, vector<16xi32>,
    %get3A_717 = vector.shape_cast %get3A_716 : vector<16xi32> to vector<16xi32>
    %sub3A_718 = arith.constant 1 : i32
    %sub3A_719 = vector.broadcast %sub3A_718 : i32 to vector<16xi32>
    %sub3A_720 = arith.subi %get3A_717, %sub3A_719 : vector<16xi32>
    %abs3A_721 = math.absi %sub3A_720 : vector<16xi32>
    %min3A_722 = arith.constant 1 : i32
    %min3A_723 = vector.broadcast %min3A_722 : i32 to vector<16xi32>
    %min3A_724 = arith.minsi %abs3A_721, %min3A_723 : vector<16xi32>
    %sub3A_725 = arith.constant 0 : i32
    %sub3A_726 = vector.broadcast %sub3A_725 : i32 to vector<16xi32>
    %sub3A_727 = arith.subi %iota3A, %sub3A_726 : vector<16xi32>
    %max3A_728 = arith.constant 0 : i32
    %max3A_729 = vector.broadcast %max3A_728 : i32 to vector<16xi32>
    %max3A_730 = arith.maxsi %sub3A_727, %max3A_729 : vector<16xi32>
    %min3A_731 = arith.constant 1 : i32
    %min3A_732 = vector.broadcast %min3A_731 : i32 to vector<16xi32>
    %min3A_733 = arith.minsi %max3A_730, %min3A_732 : vector<16xi32>
    %sub3A_734 = arith.constant 1 : i32
    %sub3A_735 = vector.broadcast %sub3A_734 : i32 to vector<16xi32>
    %sub3A_736 = arith.subi %iota3A, %sub3A_735 : vector<16xi32>
    %max3A_737 = arith.constant 0 : i32
    %max3A_738 = vector.broadcast %max3A_737 : i32 to vector<16xi32>
    %max3A_739 = arith.maxsi %sub3A_736, %max3A_738 : vector<16xi32>
    %broadcast_in_dim3A_740 = vector.shape_cast %max3A_739 : vector<16xi32> to vector<16x1xi32>
    %gather3A_741 = vector.shape_cast %broadcast_in_dim3A_740 : vector<16x1xi32> to vector<16xi32>
    %gather3A_742 = tpu.dynamic_gather %min3A_724[%gather3A_741] in [0] : vector<16xi32>, vector<16xi32> -> vector<16xi32>
    %mul3A_743 = arith.muli %gather3A_742, %min3A_733 : vector<16xi32>
    %add3A_744 = arith.addi %min3A_724, %mul3A_743 : vector<16xi32>
    %sub3A_745 = arith.constant 1 : i32
    %sub3A_746 = vector.broadcast %sub3A_745 : i32 to vector<16xi32>
    %sub3A_747 = arith.subi %iota3A, %sub3A_746 : vector<16xi32>
    %max3A_748 = arith.constant 0 : i32
    %max3A_749 = vector.broadcast %max3A_748 : i32 to vector<16xi32>
    %max3A_750 = arith.maxsi %sub3A_747, %max3A_749 : vector<16xi32>
    %min3A_751 = arith.constant 1 : i32
    %min3A_752 = vector.broadcast %min3A_751 : i32 to vector<16xi32>
    %min3A_753 = arith.minsi %max3A_750, %min3A_752 : vector<16xi32>
    %sub3A_754 = arith.constant 2 : i32
    %sub3A_755 = vector.broadcast %sub3A_754 : i32 to vector<16xi32>
    %sub3A_756 = arith.subi %iota3A, %sub3A_755 : vector<16xi32>
    %max3A_757 = arith.constant 0 : i32
    %max3A_758 = vector.broadcast %max3A_757 : i32 to vector<16xi32>
    %max3A_759 = arith.maxsi %sub3A_756, %max3A_758 : vector<16xi32>
    %broadcast_in_dim3A_760 = vector.shape_cast %max3A_759 : vector<16xi32> to vector<16x1xi32>
    %gather3A_761 = vector.shape_cast %broadcast_in_dim3A_760 : vector<16x1xi32> to vector<16xi32>
    %gather3A_762 = tpu.dynamic_gather %add3A_744[%gather3A_761] in [0] : vector<16xi32>, vector<16xi32> -> vector<16xi32>
    %mul3A_763 = arith.muli %gather3A_762, %min3A_753 : vector<16xi32>
    %add3A_764 = arith.addi %add3A_744, %mul3A_763 : vector<16xi32>
    %sub3A_765 = arith.constant 3 : i32
    %sub3A_766 = vector.broadcast %sub3A_765 : i32 to vector<16xi32>
    %sub3A_767 = arith.subi %iota3A, %sub3A_766 : vector<16xi32>
    %max3A_768 = arith.constant 0 : i32
    %max3A_769 = vector.broadcast %max3A_768 : i32 to vector<16xi32>
    %max3A_770 = arith.maxsi %sub3A_767, %max3A_769 : vector<16xi32>
    %min3A_771 = arith.constant 1 : i32
    %min3A_772 = vector.broadcast %min3A_771 : i32 to vector<16xi32>
    %min3A_773 = arith.minsi %max3A_770, %min3A_772 : vector<16xi32>
    %sub3A_774 = arith.constant 4 : i32
    %sub3A_775 = vector.broadcast %sub3A_774 : i32 to vector<16xi32>
    %sub3A_776 = arith.subi %iota3A, %sub3A_775 : vector<16xi32>
    %max3A_777 = arith.constant 0 : i32
    %max3A_778 = vector.broadcast %max3A_777 : i32 to vector<16xi32>
    %max3A_779 = arith.maxsi %sub3A_776, %max3A_778 : vector<16xi32>
    %broadcast_in_dim3A_780 = vector.shape_cast %max3A_779 : vector<16xi32> to vector<16x1xi32>
    %gather3A_781 = vector.shape_cast %broadcast_in_dim3A_780 : vector<16x1xi32> to vector<16xi32>
    %gather3A_782 = tpu.dynamic_gather %add3A_764[%gather3A_781] in [0] : vector<16xi32>, vector<16xi32> -> vector<16xi32>
    %mul3A_783 = arith.muli %gather3A_782, %min3A_773 : vector<16xi32>
    %add3A_784 = arith.addi %add3A_764, %mul3A_783 : vector<16xi32>
    %sub3A_785 = arith.constant 7 : i32
    %sub3A_786 = vector.broadcast %sub3A_785 : i32 to vector<16xi32>
    %sub3A_787 = arith.subi %iota3A, %sub3A_786 : vector<16xi32>
    %max3A_788 = arith.constant 0 : i32
    %max3A_789 = vector.broadcast %max3A_788 : i32 to vector<16xi32>
    %max3A_790 = arith.maxsi %sub3A_787, %max3A_789 : vector<16xi32>
    %min3A_791 = arith.constant 1 : i32
    %min3A_792 = vector.broadcast %min3A_791 : i32 to vector<16xi32>
    %min3A_793 = arith.minsi %max3A_790, %min3A_792 : vector<16xi32>
    %sub3A_794 = arith.constant 8 : i32
    %sub3A_795 = vector.broadcast %sub3A_794 : i32 to vector<16xi32>
    %sub3A_796 = arith.subi %iota3A, %sub3A_795 : vector<16xi32>
    %max3A_797 = arith.constant 0 : i32
    %max3A_798 = vector.broadcast %max3A_797 : i32 to vector<16xi32>
    %max3A_799 = arith.maxsi %sub3A_796, %max3A_798 : vector<16xi32>
    %broadcast_in_dim3A_800 = vector.shape_cast %max3A_799 : vector<16xi32> to vector<16x1xi32>
    %gather3A_801 = vector.shape_cast %broadcast_in_dim3A_800 : vector<16x1xi32> to vector<16xi32>
    %gather3A_802 = tpu.dynamic_gather %add3A_784[%gather3A_801] in [0] : vector<16xi32>, vector<16xi32> -> vector<16xi32>
    %mul3A_803 = arith.muli %gather3A_802, %min3A_793 : vector<16xi32>
    %add3A_804 = arith.addi %add3A_784, %mul3A_803 : vector<16xi32>
    %add3A_805 = arith.addi %add3A_712, %add3A_804 : vector<16xi32>
    %mul3A_806 = arith.muli %add3A_805, %min3A_724 : vector<16xi32>
    %add3A_807 = arith.constant 1 : i32
    %add3A_808 = vector.broadcast %add3A_807 : i32 to vector<16xi32>
    %add3A_809 = arith.addi %mul3A_806, %add3A_808 : vector<16xi32>
    %swap3A_810 = arith.constant 3 : i32
    %swap3A_811 = arith.index_cast %swap3A_810 : i32 to index
    %swap3A_812 = arith.constant 0 : index
    %swap3A_813 = tpu.vector_load %arg6[%swap3A_811, %swap3A_812] {strides = array<i32>} : memref<16x32xi32, #tpu.memory_space<vmem>>, vector<1x16xi32>,
    %swap3A_814 = vector.shape_cast %swap3A_813 : vector<1x16xi32> to vector<16xi32>
    %swap3A_815 = vector.shape_cast %add3A_809 : vector<16xi32> to vector<1x16xi32>
    tpu.vector_store %arg6[%swap3A_811, %swap3A_812], %swap3A_815 {strides = array<i32>} : memref<16x32xi32, #tpu.memory_space<vmem>>, vector<1x16xi32>,
    %broadcast_in_dim3A_816 = vector.shape_cast %broadcast_in_dim3A_33 : vector<16xi32> to vector<16x1xi32>
    %gather3A_817 = vector.shape_cast %broadcast_in_dim3A_816 : vector<16x1xi32> to vector<16xi32>
    %gather3A_818 = tpu.dynamic_gather %add3A_804[%gather3A_817] in [0] : vector<16xi32>, vector<16xi32> -> vector<16xi32>
    %add3A_819 = arith.addi %add3A_712, %gather3A_818 : vector<16xi32>
    %add3A_820 = arith.constant 112 : i32
    %add3A_821 = arith.addi %mul3A_75, %add3A_820 : i32
    %get3A_822 = arith.index_cast %add3A_821 : i32 to index
    %get3A_823 = tpu.vector_load %arg5[%get3A_822] {strides = array<i32>} : memref<4096xi32, #tpu.memory_space<vmem>>, vector<16xi32>,
    %get3A_824 = vector.shape_cast %get3A_823 : vector<16xi32> to vector<16xi32>
    %sub3A_825 = arith.constant 1 : i32
    %sub3A_826 = vector.broadcast %sub3A_825 : i32 to vector<16xi32>
    %sub3A_827 = arith.subi %get3A_824, %sub3A_826 : vector<16xi32>
    %abs3A_828 = math.absi %sub3A_827 : vector<16xi32>
    %min3A_829 = arith.constant 1 : i32
    %min3A_830 = vector.broadcast %min3A_829 : i32 to vector<16xi32>
    %min3A_831 = arith.minsi %abs3A_828, %min3A_830 : vector<16xi32>
    %sub3A_832 = arith.constant 0 : i32
    %sub3A_833 = vector.broadcast %sub3A_832 : i32 to vector<16xi32>
    %sub3A_834 = arith.subi %iota3A, %sub3A_833 : vector<16xi32>
    %max3A_835 = arith.constant 0 : i32
    %max3A_836 = vector.broadcast %max3A_835 : i32 to vector<16xi32>
    %max3A_837 = arith.maxsi %sub3A_834, %max3A_836 : vector<16xi32>
    %min3A_838 = arith.constant 1 : i32
    %min3A_839 = vector.broadcast %min3A_838 : i32 to vector<16xi32>
    %min3A_840 = arith.minsi %max3A_837, %min3A_839 : vector<16xi32>
    %sub3A_841 = arith.constant 1 : i32
    %sub3A_842 = vector.broadcast %sub3A_841 : i32 to vector<16xi32>
    %sub3A_843 = arith.subi %iota3A, %sub3A_842 : vector<16xi32>
    %max3A_844 = arith.constant 0 : i32
    %max3A_845 = vector.broadcast %max3A_844 : i32 to vector<16xi32>
    %max3A_846 = arith.maxsi %sub3A_843, %max3A_845 : vector<16xi32>
    %broadcast_in_dim3A_847 = vector.shape_cast %max3A_846 : vector<16xi32> to vector<16x1xi32>
    %gather3A_848 = vector.shape_cast %broadcast_in_dim3A_847 : vector<16x1xi32> to vector<16xi32>
    %gather3A_849 = tpu.dynamic_gather %min3A_831[%gather3A_848] in [0] : vector<16xi32>, vector<16xi32> -> vector<16xi32>
    %mul3A_850 = arith.muli %gather3A_849, %min3A_840 : vector<16xi32>
    %add3A_851 = arith.addi %min3A_831, %mul3A_850 : vector<16xi32>
    %sub3A_852 = arith.constant 1 : i32
    %sub3A_853 = vector.broadcast %sub3A_852 : i32 to vector<16xi32>
    %sub3A_854 = arith.subi %iota3A, %sub3A_853 : vector<16xi32>
    %max3A_855 = arith.constant 0 : i32
    %max3A_856 = vector.broadcast %max3A_855 : i32 to vector<16xi32>
    %max3A_857 = arith.maxsi %sub3A_854, %max3A_856 : vector<16xi32>
    %min3A_858 = arith.constant 1 : i32
    %min3A_859 = vector.broadcast %min3A_858 : i32 to vector<16xi32>
    %min3A_860 = arith.minsi %max3A_857, %min3A_859 : vector<16xi32>
    %sub3A_861 = arith.constant 2 : i32
    %sub3A_862 = vector.broadcast %sub3A_861 : i32 to vector<16xi32>
    %sub3A_863 = arith.subi %iota3A, %sub3A_862 : vector<16xi32>
    %max3A_864 = arith.constant 0 : i32
    %max3A_865 = vector.broadcast %max3A_864 : i32 to vector<16xi32>
    %max3A_866 = arith.maxsi %sub3A_863, %max3A_865 : vector<16xi32>
    %broadcast_in_dim3A_867 = vector.shape_cast %max3A_866 : vector<16xi32> to vector<16x1xi32>
    %gather3A_868 = vector.shape_cast %broadcast_in_dim3A_867 : vector<16x1xi32> to vector<16xi32>
    %gather3A_869 = tpu.dynamic_gather %add3A_851[%gather3A_868] in [0] : vector<16xi32>, vector<16xi32> -> vector<16xi32>
    %mul3A_870 = arith.muli %gather3A_869, %min3A_860 : vector<16xi32>
    %add3A_871 = arith.addi %add3A_851, %mul3A_870 : vector<16xi32>
    %sub3A_872 = arith.constant 3 : i32
    %sub3A_873 = vector.broadcast %sub3A_872 : i32 to vector<16xi32>
    %sub3A_874 = arith.subi %iota3A, %sub3A_873 : vector<16xi32>
    %max3A_875 = arith.constant 0 : i32
    %max3A_876 = vector.broadcast %max3A_875 : i32 to vector<16xi32>
    %max3A_877 = arith.maxsi %sub3A_874, %max3A_876 : vector<16xi32>
    %min3A_878 = arith.constant 1 : i32
    %min3A_879 = vector.broadcast %min3A_878 : i32 to vector<16xi32>
    %min3A_880 = arith.minsi %max3A_877, %min3A_879 : vector<16xi32>
    %sub3A_881 = arith.constant 4 : i32
    %sub3A_882 = vector.broadcast %sub3A_881 : i32 to vector<16xi32>
    %sub3A_883 = arith.subi %iota3A, %sub3A_882 : vector<16xi32>
    %max3A_884 = arith.constant 0 : i32
    %max3A_885 = vector.broadcast %max3A_884 : i32 to vector<16xi32>
    %max3A_886 = arith.maxsi %sub3A_883, %max3A_885 : vector<16xi32>
    %broadcast_in_dim3A_887 = vector.shape_cast %max3A_886 : vector<16xi32> to vector<16x1xi32>
    %gather3A_888 = vector.shape_cast %broadcast_in_dim3A_887 : vector<16x1xi32> to vector<16xi32>
    %gather3A_889 = tpu.dynamic_gather %add3A_871[%gather3A_888] in [0] : vector<16xi32>, vector<16xi32> -> vector<16xi32>
    %mul3A_890 = arith.muli %gather3A_889, %min3A_880 : vector<16xi32>
    %add3A_891 = arith.addi %add3A_871, %mul3A_890 : vector<16xi32>
    %sub3A_892 = arith.constant 7 : i32
    %sub3A_893 = vector.broadcast %sub3A_892 : i32 to vector<16xi32>
    %sub3A_894 = arith.subi %iota3A, %sub3A_893 : vector<16xi32>
    %max3A_895 = arith.constant 0 : i32
    %max3A_896 = vector.broadcast %max3A_895 : i32 to vector<16xi32>
    %max3A_897 = arith.maxsi %sub3A_894, %max3A_896 : vector<16xi32>
    %min3A_898 = arith.constant 1 : i32
    %min3A_899 = vector.broadcast %min3A_898 : i32 to vector<16xi32>
    %min3A_900 = arith.minsi %max3A_897, %min3A_899 : vector<16xi32>
    %sub3A_901 = arith.constant 8 : i32
    %sub3A_902 = vector.broadcast %sub3A_901 : i32 to vector<16xi32>
    %sub3A_903 = arith.subi %iota3A, %sub3A_902 : vector<16xi32>
    %max3A_904 = arith.constant 0 : i32
    %max3A_905 = vector.broadcast %max3A_904 : i32 to vector<16xi32>
    %max3A_906 = arith.maxsi %sub3A_903, %max3A_905 : vector<16xi32>
    %broadcast_in_dim3A_907 = vector.shape_cast %max3A_906 : vector<16xi32> to vector<16x1xi32>
    %gather3A_908 = vector.shape_cast %broadcast_in_dim3A_907 : vector<16x1xi32> to vector<16xi32>
    %gather3A_909 = tpu.dynamic_gather %add3A_891[%gather3A_908] in [0] : vector<16xi32>, vector<16xi32> -> vector<16xi32>
    %mul3A_910 = arith.muli %gather3A_909, %min3A_900 : vector<16xi32>
    %add3A_911 = arith.addi %add3A_891, %mul3A_910 : vector<16xi32>
    %add3A_912 = arith.addi %add3A_819, %add3A_911 : vector<16xi32>
    %mul3A_913 = arith.muli %add3A_912, %min3A_831 : vector<16xi32>
    %add3A_914 = arith.constant 1 : i32
    %add3A_915 = vector.broadcast %add3A_914 : i32 to vector<16xi32>
    %add3A_916 = arith.addi %mul3A_913, %add3A_915 : vector<16xi32>
    %swap3A_917 = arith.constant 3 : i32
    %swap3A_918 = arith.index_cast %swap3A_917 : i32 to index
    %swap3A_919 = arith.constant 16 : index
    %swap3A_920 = tpu.vector_load %arg6[%swap3A_918, %swap3A_919] {strides = array<i32>} : memref<16x32xi32, #tpu.memory_space<vmem>>, vector<1x16xi32>,
    %swap3A_921 = vector.shape_cast %swap3A_920 : vector<1x16xi32> to vector<16xi32>
    %swap3A_922 = vector.shape_cast %add3A_916 : vector<16xi32> to vector<1x16xi32>
    tpu.vector_store %arg6[%swap3A_918, %swap3A_919], %swap3A_922 {strides = array<i32>} : memref<16x32xi32, #tpu.memory_space<vmem>>, vector<1x16xi32>,
    %broadcast_in_dim3A_923 = vector.shape_cast %broadcast_in_dim3A_33 : vector<16xi32> to vector<16x1xi32>
    %gather3A_924 = vector.shape_cast %broadcast_in_dim3A_923 : vector<16x1xi32> to vector<16xi32>
    %gather3A_925 = tpu.dynamic_gather %add3A_911[%gather3A_924] in [0] : vector<16xi32>, vector<16xi32> -> vector<16xi32>
    %add3A_926 = arith.addi %add3A_819, %gather3A_925 : vector<16xi32>
    %add3A_927 = arith.constant 128 : i32
    %add3A_928 = arith.addi %mul3A_75, %add3A_927 : i32
    %get3A_929 = arith.index_cast %add3A_928 : i32 to index
    %get3A_930 = tpu.vector_load %arg5[%get3A_929] {strides = array<i32>} : memref<4096xi32, #tpu.memory_space<vmem>>, vector<16xi32>,
    %get3A_931 = vector.shape_cast %get3A_930 : vector<16xi32> to vector<16xi32>
    %sub3A_932 = arith.constant 1 : i32
    %sub3A_933 = vector.broadcast %sub3A_932 : i32 to vector<16xi32>
    %sub3A_934 = arith.subi %get3A_931, %sub3A_933 : vector<16xi32>
    %abs3A_935 = math.absi %sub3A_934 : vector<16xi32>
    %min3A_936 = arith.constant 1 : i32
    %min3A_937 = vector.broadcast %min3A_936 : i32 to vector<16xi32>
    %min3A_938 = arith.minsi %abs3A_935, %min3A_937 : vector<16xi32>
    %sub3A_939 = arith.constant 0 : i32
    %sub3A_940 = vector.broadcast %sub3A_939 : i32 to vector<16xi32>
    %sub3A_941 = arith.subi %iota3A, %sub3A_940 : vector<16xi32>
    %max3A_942 = arith.constant 0 : i32
    %max3A_943 = vector.broadcast %max3A_942 : i32 to vector<16xi32>
    %max3A_944 = arith.maxsi %sub3A_941, %max3A_943 : vector<16xi32>
    %min3A_945 = arith.constant 1 : i32
    %min3A_946 = vector.broadcast %min3A_945 : i32 to vector<16xi32>
    %min3A_947 = arith.minsi %max3A_944, %min3A_946 : vector<16xi32>
    %sub3A_948 = arith.constant 1 : i32
    %sub3A_949 = vector.broadcast %sub3A_948 : i32 to vector<16xi32>
    %sub3A_950 = arith.subi %iota3A, %sub3A_949 : vector<16xi32>
    %max3A_951 = arith.constant 0 : i32
    %max3A_952 = vector.broadcast %max3A_951 : i32 to vector<16xi32>
    %max3A_953 = arith.maxsi %sub3A_950, %max3A_952 : vector<16xi32>
    %broadcast_in_dim3A_954 = vector.shape_cast %max3A_953 : vector<16xi32> to vector<16x1xi32>
    %gather3A_955 = vector.shape_cast %broadcast_in_dim3A_954 : vector<16x1xi32> to vector<16xi32>
    %gather3A_956 = tpu.dynamic_gather %min3A_938[%gather3A_955] in [0] : vector<16xi32>, vector<16xi32> -> vector<16xi32>
    %mul3A_957 = arith.muli %gather3A_956, %min3A_947 : vector<16xi32>
    %add3A_958 = arith.addi %min3A_938, %mul3A_957 : vector<16xi32>
    %sub3A_959 = arith.constant 1 : i32
    %sub3A_960 = vector.broadcast %sub3A_959 : i32 to vector<16xi32>
    %sub3A_961 = arith.subi %iota3A, %sub3A_960 : vector<16xi32>
    %max3A_962 = arith.constant 0 : i32
    %max3A_963 = vector.broadcast %max3A_962 : i32 to vector<16xi32>
    %max3A_964 = arith.maxsi %sub3A_961, %max3A_963 : vector<16xi32>
    %min3A_965 = arith.constant 1 : i32
    %min3A_966 = vector.broadcast %min3A_965 : i32 to vector<16xi32>
    %min3A_967 = arith.minsi %max3A_964, %min3A_966 : vector<16xi32>
    %sub3A_968 = arith.constant 2 : i32
    %sub3A_969 = vector.broadcast %sub3A_968 : i32 to vector<16xi32>
    %sub3A_970 = arith.subi %iota3A, %sub3A_969 : vector<16xi32>
    %max3A_971 = arith.constant 0 : i32
    %max3A_972 = vector.broadcast %max3A_971 : i32 to vector<16xi32>
    %max3A_973 = arith.maxsi %sub3A_970, %max3A_972 : vector<16xi32>
    %broadcast_in_dim3A_974 = vector.shape_cast %max3A_973 : vector<16xi32> to vector<16x1xi32>
    %gather3A_975 = vector.shape_cast %broadcast_in_dim3A_974 : vector<16x1xi32> to vector<16xi32>
    %gather3A_976 = tpu.dynamic_gather %add3A_958[%gather3A_975] in [0] : vector<16xi32>, vector<16xi32> -> vector<16xi32>
    %mul3A_977 = arith.muli %gather3A_976, %min3A_967 : vector<16xi32>
    %add3A_978 = arith.addi %add3A_958, %mul3A_977 : vector<16xi32>
    %sub3A_979 = arith.constant 3 : i32
    %sub3A_980 = vector.broadcast %sub3A_979 : i32 to vector<16xi32>
    %sub3A_981 = arith.subi %iota3A, %sub3A_980 : vector<16xi32>
    %max3A_982 = arith.constant 0 : i32
    %max3A_983 = vector.broadcast %max3A_982 : i32 to vector<16xi32>
    %max3A_984 = arith.maxsi %sub3A_981, %max3A_983 : vector<16xi32>
    %min3A_985 = arith.constant 1 : i32
    %min3A_986 = vector.broadcast %min3A_985 : i32 to vector<16xi32>
    %min3A_987 = arith.minsi %max3A_984, %min3A_986 : vector<16xi32>
    %sub3A_988 = arith.constant 4 : i32
    %sub3A_989 = vector.broadcast %sub3A_988 : i32 to vector<16xi32>
    %sub3A_990 = arith.subi %iota3A, %sub3A_989 : vector<16xi32>
    %max3A_991 = arith.constant 0 : i32
    %max3A_992 = vector.broadcast %max3A_991 : i32 to vector<16xi32>
    %max3A_993 = arith.maxsi %sub3A_990, %max3A_992 : vector<16xi32>
    %broadcast_in_dim3A_994 = vector.shape_cast %max3A_993 : vector<16xi32> to vector<16x1xi32>
    %gather3A_995 = vector.shape_cast %broadcast_in_dim3A_994 : vector<16x1xi32> to vector<16xi32>
    %gather3A_996 = tpu.dynamic_gather %add3A_978[%gather3A_995] in [0] : vector<16xi32>, vector<16xi32> -> vector<16xi32>
    %mul3A_997 = arith.muli %gather3A_996, %min3A_987 : vector<16xi32>
    %add3A_998 = arith.addi %add3A_978, %mul3A_997 : vector<16xi32>
    %sub3A_999 = arith.constant 7 : i32
    %sub3A_1000 = vector.broadcast %sub3A_999 : i32 to vector<16xi32>
    %sub3A_1001 = arith.subi %iota3A, %sub3A_1000 : vector<16xi32>
    %max3A_1002 = arith.constant 0 : i32
    %max3A_1003 = vector.broadcast %max3A_1002 : i32 to vector<16xi32>
    %max3A_1004 = arith.maxsi %sub3A_1001, %max3A_1003 : vector<16xi32>
    %min3A_1005 = arith.constant 1 : i32
    %min3A_1006 = vector.broadcast %min3A_1005 : i32 to vector<16xi32>
    %min3A_1007 = arith.minsi %max3A_1004, %min3A_1006 : vector<16xi32>
    %sub3A_1008 = arith.constant 8 : i32
    %sub3A_1009 = vector.broadcast %sub3A_1008 : i32 to vector<16xi32>
    %sub3A_1010 = arith.subi %iota3A, %sub3A_1009 : vector<16xi32>
    %max3A_1011 = arith.constant 0 : i32
    %max3A_1012 = vector.broadcast %max3A_1011 : i32 to vector<16xi32>
    %max3A_1013 = arith.maxsi %sub3A_1010, %max3A_1012 : vector<16xi32>
    %broadcast_in_dim3A_1014 = vector.shape_cast %max3A_1013 : vector<16xi32> to vector<16x1xi32>
    %gather3A_1015 = vector.shape_cast %broadcast_in_dim3A_1014 : vector<16x1xi32> to vector<16xi32>
    %gather3A_1016 = tpu.dynamic_gather %add3A_998[%gather3A_1015] in [0] : vector<16xi32>, vector<16xi32> -> vector<16xi32>
    %mul3A_1017 = arith.muli %gather3A_1016, %min3A_1007 : vector<16xi32>
    %add3A_1018 = arith.addi %add3A_998, %mul3A_1017 : vector<16xi32>
    %add3A_1019 = arith.addi %add3A_926, %add3A_1018 : vector<16xi32>
    %mul3A_1020 = arith.muli %add3A_1019, %min3A_938 : vector<16xi32>
    %add3A_1021 = arith.constant 1 : i32
    %add3A_1022 = vector.broadcast %add3A_1021 : i32 to vector<16xi32>
    %add3A_1023 = arith.addi %mul3A_1020, %add3A_1022 : vector<16xi32>
    %swap3A_1024 = arith.constant 4 : i32
    %swap3A_1025 = arith.index_cast %swap3A_1024 : i32 to index
    %swap3A_1026 = arith.constant 0 : index
    %swap3A_1027 = tpu.vector_load %arg6[%swap3A_1025, %swap3A_1026] {strides = array<i32>} : memref<16x32xi32, #tpu.memory_space<vmem>>, vector<1x16xi32>,
    %swap3A_1028 = vector.shape_cast %swap3A_1027 : vector<1x16xi32> to vector<16xi32>
    %swap3A_1029 = vector.shape_cast %add3A_1023 : vector<16xi32> to vector<1x16xi32>
    tpu.vector_store %arg6[%swap3A_1025, %swap3A_1026], %swap3A_1029 {strides = array<i32>} : memref<16x32xi32, #tpu.memory_space<vmem>>, vector<1x16xi32>,
    %broadcast_in_dim3A_1030 = vector.shape_cast %broadcast_in_dim3A_33 : vector<16xi32> to vector<16x1xi32>
    %gather3A_1031 = vector.shape_cast %broadcast_in_dim3A_1030 : vector<16x1xi32> to vector<16xi32>
    %gather3A_1032 = tpu.dynamic_gather %add3A_1018[%gather3A_1031] in [0] : vector<16xi32>, vector<16xi32> -> vector<16xi32>
    %add3A_1033 = arith.addi %add3A_926, %gather3A_1032 : vector<16xi32>
    %add3A_1034 = arith.constant 144 : i32
    %add3A_1035 = arith.addi %mul3A_75, %add3A_1034 : i32
    %get3A_1036 = arith.index_cast %add3A_1035 : i32 to index
    %get3A_1037 = tpu.vector_load %arg5[%get3A_1036] {strides = array<i32>} : memref<4096xi32, #tpu.memory_space<vmem>>, vector<16xi32>,
    %get3A_1038 = vector.shape_cast %get3A_1037 : vector<16xi32> to vector<16xi32>
    %sub3A_1039 = arith.constant 1 : i32
    %sub3A_1040 = vector.broadcast %sub3A_1039 : i32 to vector<16xi32>
    %sub3A_1041 = arith.subi %get3A_1038, %sub3A_1040 : vector<16xi32>
    %abs3A_1042 = math.absi %sub3A_1041 : vector<16xi32>
    %min3A_1043 = arith.constant 1 : i32
    %min3A_1044 = vector.broadcast %min3A_1043 : i32 to vector<16xi32>
    %min3A_1045 = arith.minsi %abs3A_1042, %min3A_1044 : vector<16xi32>
    %sub3A_1046 = arith.constant 0 : i32
    %sub3A_1047 = vector.broadcast %sub3A_1046 : i32 to vector<16xi32>
    %sub3A_1048 = arith.subi %iota3A, %sub3A_1047 : vector<16xi32>
    %max3A_1049 = arith.constant 0 : i32
    %max3A_1050 = vector.broadcast %max3A_1049 : i32 to vector<16xi32>
    %max3A_1051 = arith.maxsi %sub3A_1048, %max3A_1050 : vector<16xi32>
    %min3A_1052 = arith.constant 1 : i32
    %min3A_1053 = vector.broadcast %min3A_1052 : i32 to vector<16xi32>
    %min3A_1054 = arith.minsi %max3A_1051, %min3A_1053 : vector<16xi32>
    %sub3A_1055 = arith.constant 1 : i32
    %sub3A_1056 = vector.broadcast %sub3A_1055 : i32 to vector<16xi32>
    %sub3A_1057 = arith.subi %iota3A, %sub3A_1056 : vector<16xi32>
    %max3A_1058 = arith.constant 0 : i32
    %max3A_1059 = vector.broadcast %max3A_1058 : i32 to vector<16xi32>
    %max3A_1060 = arith.maxsi %sub3A_1057, %max3A_1059 : vector<16xi32>
    %broadcast_in_dim3A_1061 = vector.shape_cast %max3A_1060 : vector<16xi32> to vector<16x1xi32>
    %gather3A_1062 = vector.shape_cast %broadcast_in_dim3A_1061 : vector<16x1xi32> to vector<16xi32>
    %gather3A_1063 = tpu.dynamic_gather %min3A_1045[%gather3A_1062] in [0] : vector<16xi32>, vector<16xi32> -> vector<16xi32>
    %mul3A_1064 = arith.muli %gather3A_1063, %min3A_1054 : vector<16xi32>
    %add3A_1065 = arith.addi %min3A_1045, %mul3A_1064 : vector<16xi32>
    %sub3A_1066 = arith.constant 1 : i32
    %sub3A_1067 = vector.broadcast %sub3A_1066 : i32 to vector<16xi32>
    %sub3A_1068 = arith.subi %iota3A, %sub3A_1067 : vector<16xi32>
    %max3A_1069 = arith.constant 0 : i32
    %max3A_1070 = vector.broadcast %max3A_1069 : i32 to vector<16xi32>
    %max3A_1071 = arith.maxsi %sub3A_1068, %max3A_1070 : vector<16xi32>
    %min3A_1072 = arith.constant 1 : i32
    %min3A_1073 = vector.broadcast %min3A_1072 : i32 to vector<16xi32>
    %min3A_1074 = arith.minsi %max3A_1071, %min3A_1073 : vector<16xi32>
    %sub3A_1075 = arith.constant 2 : i32
    %sub3A_1076 = vector.broadcast %sub3A_1075 : i32 to vector<16xi32>
    %sub3A_1077 = arith.subi %iota3A, %sub3A_1076 : vector<16xi32>
    %max3A_1078 = arith.constant 0 : i32
    %max3A_1079 = vector.broadcast %max3A_1078 : i32 to vector<16xi32>
    %max3A_1080 = arith.maxsi %sub3A_1077, %max3A_1079 : vector<16xi32>
    %broadcast_in_dim3A_1081 = vector.shape_cast %max3A_1080 : vector<16xi32> to vector<16x1xi32>
    %gather3A_1082 = vector.shape_cast %broadcast_in_dim3A_1081 : vector<16x1xi32> to vector<16xi32>
    %gather3A_1083 = tpu.dynamic_gather %add3A_1065[%gather3A_1082] in [0] : vector<16xi32>, vector<16xi32> -> vector<16xi32>
    %mul3A_1084 = arith.muli %gather3A_1083, %min3A_1074 : vector<16xi32>
    %add3A_1085 = arith.addi %add3A_1065, %mul3A_1084 : vector<16xi32>
    %sub3A_1086 = arith.constant 3 : i32
    %sub3A_1087 = vector.broadcast %sub3A_1086 : i32 to vector<16xi32>
    %sub3A_1088 = arith.subi %iota3A, %sub3A_1087 : vector<16xi32>
    %max3A_1089 = arith.constant 0 : i32
    %max3A_1090 = vector.broadcast %max3A_1089 : i32 to vector<16xi32>
    %max3A_1091 = arith.maxsi %sub3A_1088, %max3A_1090 : vector<16xi32>
    %min3A_1092 = arith.constant 1 : i32
    %min3A_1093 = vector.broadcast %min3A_1092 : i32 to vector<16xi32>
    %min3A_1094 = arith.minsi %max3A_1091, %min3A_1093 : vector<16xi32>
    %sub3A_1095 = arith.constant 4 : i32
    %sub3A_1096 = vector.broadcast %sub3A_1095 : i32 to vector<16xi32>
    %sub3A_1097 = arith.subi %iota3A, %sub3A_1096 : vector<16xi32>
    %max3A_1098 = arith.constant 0 : i32
    %max3A_1099 = vector.broadcast %max3A_1098 : i32 to vector<16xi32>
    %max3A_1100 = arith.maxsi %sub3A_1097, %max3A_1099 : vector<16xi32>
    %broadcast_in_dim3A_1101 = vector.shape_cast %max3A_1100 : vector<16xi32> to vector<16x1xi32>
    %gather3A_1102 = vector.shape_cast %broadcast_in_dim3A_1101 : vector<16x1xi32> to vector<16xi32>
    %gather3A_1103 = tpu.dynamic_gather %add3A_1085[%gather3A_1102] in [0] : vector<16xi32>, vector<16xi32> -> vector<16xi32>
    %mul3A_1104 = arith.muli %gather3A_1103, %min3A_1094 : vector<16xi32>
    %add3A_1105 = arith.addi %add3A_1085, %mul3A_1104 : vector<16xi32>
    %sub3A_1106 = arith.constant 7 : i32
    %sub3A_1107 = vector.broadcast %sub3A_1106 : i32 to vector<16xi32>
    %sub3A_1108 = arith.subi %iota3A, %sub3A_1107 : vector<16xi32>
    %max3A_1109 = arith.constant 0 : i32
    %max3A_1110 = vector.broadcast %max3A_1109 : i32 to vector<16xi32>
    %max3A_1111 = arith.maxsi %sub3A_1108, %max3A_1110 : vector<16xi32>
    %min3A_1112 = arith.constant 1 : i32
    %min3A_1113 = vector.broadcast %min3A_1112 : i32 to vector<16xi32>
    %min3A_1114 = arith.minsi %max3A_1111, %min3A_1113 : vector<16xi32>
    %sub3A_1115 = arith.constant 8 : i32
    %sub3A_1116 = vector.broadcast %sub3A_1115 : i32 to vector<16xi32>
    %sub3A_1117 = arith.subi %iota3A, %sub3A_1116 : vector<16xi32>
    %max3A_1118 = arith.constant 0 : i32
    %max3A_1119 = vector.broadcast %max3A_1118 : i32 to vector<16xi32>
    %max3A_1120 = arith.maxsi %sub3A_1117, %max3A_1119 : vector<16xi32>
    %broadcast_in_dim3A_1121 = vector.shape_cast %max3A_1120 : vector<16xi32> to vector<16x1xi32>
    %gather3A_1122 = vector.shape_cast %broadcast_in_dim3A_1121 : vector<16x1xi32> to vector<16xi32>
    %gather3A_1123 = tpu.dynamic_gather %add3A_1105[%gather3A_1122] in [0] : vector<16xi32>, vector<16xi32> -> vector<16xi32>
    %mul3A_1124 = arith.muli %gather3A_1123, %min3A_1114 : vector<16xi32>
    %add3A_1125 = arith.addi %add3A_1105, %mul3A_1124 : vector<16xi32>
    %add3A_1126 = arith.addi %add3A_1033, %add3A_1125 : vector<16xi32>
    %mul3A_1127 = arith.muli %add3A_1126, %min3A_1045 : vector<16xi32>
    %add3A_1128 = arith.constant 1 : i32
    %add3A_1129 = vector.broadcast %add3A_1128 : i32 to vector<16xi32>
    %add3A_1130 = arith.addi %mul3A_1127, %add3A_1129 : vector<16xi32>
    %swap3A_1131 = arith.constant 4 : i32
    %swap3A_1132 = arith.index_cast %swap3A_1131 : i32 to index
    %swap3A_1133 = arith.constant 16 : index
    %swap3A_1134 = tpu.vector_load %arg6[%swap3A_1132, %swap3A_1133] {strides = array<i32>} : memref<16x32xi32, #tpu.memory_space<vmem>>, vector<1x16xi32>,
    %swap3A_1135 = vector.shape_cast %swap3A_1134 : vector<1x16xi32> to vector<16xi32>
    %swap3A_1136 = vector.shape_cast %add3A_1130 : vector<16xi32> to vector<1x16xi32>
    tpu.vector_store %arg6[%swap3A_1132, %swap3A_1133], %swap3A_1136 {strides = array<i32>} : memref<16x32xi32, #tpu.memory_space<vmem>>, vector<1x16xi32>,
    %broadcast_in_dim3A_1137 = vector.shape_cast %broadcast_in_dim3A_33 : vector<16xi32> to vector<16x1xi32>
    %gather3A_1138 = vector.shape_cast %broadcast_in_dim3A_1137 : vector<16x1xi32> to vector<16xi32>
    %gather3A_1139 = tpu.dynamic_gather %add3A_1125[%gather3A_1138] in [0] : vector<16xi32>, vector<16xi32> -> vector<16xi32>
    %add3A_1140 = arith.addi %add3A_1033, %gather3A_1139 : vector<16xi32>
    %add3A_1141 = arith.constant 160 : i32
    %add3A_1142 = arith.addi %mul3A_75, %add3A_1141 : i32
    %get3A_1143 = arith.index_cast %add3A_1142 : i32 to index
    %get3A_1144 = tpu.vector_load %arg5[%get3A_1143] {strides = array<i32>} : memref<4096xi32, #tpu.memory_space<vmem>>, vector<16xi32>,
    %get3A_1145 = vector.shape_cast %get3A_1144 : vector<16xi32> to vector<16xi32>
    %sub3A_1146 = arith.constant 1 : i32
    %sub3A_1147 = vector.broadcast %sub3A_1146 : i32 to vector<16xi32>
    %sub3A_1148 = arith.subi %get3A_1145, %sub3A_1147 : vector<16xi32>
    %abs3A_1149 = math.absi %sub3A_1148 : vector<16xi32>
    %min3A_1150 = arith.constant 1 : i32
    %min3A_1151 = vector.broadcast %min3A_1150 : i32 to vector<16xi32>
    %min3A_1152 = arith.minsi %abs3A_1149, %min3A_1151 : vector<16xi32>
    %sub3A_1153 = arith.constant 0 : i32
    %sub3A_1154 = vector.broadcast %sub3A_1153 : i32 to vector<16xi32>
    %sub3A_1155 = arith.subi %iota3A, %sub3A_1154 : vector<16xi32>
    %max3A_1156 = arith.constant 0 : i32
    %max3A_1157 = vector.broadcast %max3A_1156 : i32 to vector<16xi32>
    %max3A_1158 = arith.maxsi %sub3A_1155, %max3A_1157 : vector<16xi32>
    %min3A_1159 = arith.constant 1 : i32
    %min3A_1160 = vector.broadcast %min3A_1159 : i32 to vector<16xi32>
    %min3A_1161 = arith.minsi %max3A_1158, %min3A_1160 : vector<16xi32>
    %sub3A_1162 = arith.constant 1 : i32
    %sub3A_1163 = vector.broadcast %sub3A_1162 : i32 to vector<16xi32>
    %sub3A_1164 = arith.subi %iota3A, %sub3A_1163 : vector<16xi32>
    %max3A_1165 = arith.constant 0 : i32
    %max3A_1166 = vector.broadcast %max3A_1165 : i32 to vector<16xi32>
    %max3A_1167 = arith.maxsi %sub3A_1164, %max3A_1166 : vector<16xi32>
    %broadcast_in_dim3A_1168 = vector.shape_cast %max3A_1167 : vector<16xi32> to vector<16x1xi32>
    %gather3A_1169 = vector.shape_cast %broadcast_in_dim3A_1168 : vector<16x1xi32> to vector<16xi32>
    %gather3A_1170 = tpu.dynamic_gather %min3A_1152[%gather3A_1169] in [0] : vector<16xi32>, vector<16xi32> -> vector<16xi32>
    %mul3A_1171 = arith.muli %gather3A_1170, %min3A_1161 : vector<16xi32>
    %add3A_1172 = arith.addi %min3A_1152, %mul3A_1171 : vector<16xi32>
    %sub3A_1173 = arith.constant 1 : i32
    %sub3A_1174 = vector.broadcast %sub3A_1173 : i32 to vector<16xi32>
    %sub3A_1175 = arith.subi %iota3A, %sub3A_1174 : vector<16xi32>
    %max3A_1176 = arith.constant 0 : i32
    %max3A_1177 = vector.broadcast %max3A_1176 : i32 to vector<16xi32>
    %max3A_1178 = arith.maxsi %sub3A_1175, %max3A_1177 : vector<16xi32>
    %min3A_1179 = arith.constant 1 : i32
    %min3A_1180 = vector.broadcast %min3A_1179 : i32 to vector<16xi32>
    %min3A_1181 = arith.minsi %max3A_1178, %min3A_1180 : vector<16xi32>
    %sub3A_1182 = arith.constant 2 : i32
    %sub3A_1183 = vector.broadcast %sub3A_1182 : i32 to vector<16xi32>
    %sub3A_1184 = arith.subi %iota3A, %sub3A_1183 : vector<16xi32>
    %max3A_1185 = arith.constant 0 : i32
    %max3A_1186 = vector.broadcast %max3A_1185 : i32 to vector<16xi32>
    %max3A_1187 = arith.maxsi %sub3A_1184, %max3A_1186 : vector<16xi32>
    %broadcast_in_dim3A_1188 = vector.shape_cast %max3A_1187 : vector<16xi32> to vector<16x1xi32>
    %gather3A_1189 = vector.shape_cast %broadcast_in_dim3A_1188 : vector<16x1xi32> to vector<16xi32>
    %gather3A_1190 = tpu.dynamic_gather %add3A_1172[%gather3A_1189] in [0] : vector<16xi32>, vector<16xi32> -> vector<16xi32>
    %mul3A_1191 = arith.muli %gather3A_1190, %min3A_1181 : vector<16xi32>
    %add3A_1192 = arith.addi %add3A_1172, %mul3A_1191 : vector<16xi32>
    %sub3A_1193 = arith.constant 3 : i32
    %sub3A_1194 = vector.broadcast %sub3A_1193 : i32 to vector<16xi32>
    %sub3A_1195 = arith.subi %iota3A, %sub3A_1194 : vector<16xi32>
    %max3A_1196 = arith.constant 0 : i32
    %max3A_1197 = vector.broadcast %max3A_1196 : i32 to vector<16xi32>
    %max3A_1198 = arith.maxsi %sub3A_1195, %max3A_1197 : vector<16xi32>
    %min3A_1199 = arith.constant 1 : i32
    %min3A_1200 = vector.broadcast %min3A_1199 : i32 to vector<16xi32>
    %min3A_1201 = arith.minsi %max3A_1198, %min3A_1200 : vector<16xi32>
    %sub3A_1202 = arith.constant 4 : i32
    %sub3A_1203 = vector.broadcast %sub3A_1202 : i32 to vector<16xi32>
    %sub3A_1204 = arith.subi %iota3A, %sub3A_1203 : vector<16xi32>
    %max3A_1205 = arith.constant 0 : i32
    %max3A_1206 = vector.broadcast %max3A_1205 : i32 to vector<16xi32>
    %max3A_1207 = arith.maxsi %sub3A_1204, %max3A_1206 : vector<16xi32>
    %broadcast_in_dim3A_1208 = vector.shape_cast %max3A_1207 : vector<16xi32> to vector<16x1xi32>
    %gather3A_1209 = vector.shape_cast %broadcast_in_dim3A_1208 : vector<16x1xi32> to vector<16xi32>
    %gather3A_1210 = tpu.dynamic_gather %add3A_1192[%gather3A_1209] in [0] : vector<16xi32>, vector<16xi32> -> vector<16xi32>
    %mul3A_1211 = arith.muli %gather3A_1210, %min3A_1201 : vector<16xi32>
    %add3A_1212 = arith.addi %add3A_1192, %mul3A_1211 : vector<16xi32>
    %sub3A_1213 = arith.constant 7 : i32
    %sub3A_1214 = vector.broadcast %sub3A_1213 : i32 to vector<16xi32>
    %sub3A_1215 = arith.subi %iota3A, %sub3A_1214 : vector<16xi32>
    %max3A_1216 = arith.constant 0 : i32
    %max3A_1217 = vector.broadcast %max3A_1216 : i32 to vector<16xi32>
    %max3A_1218 = arith.maxsi %sub3A_1215, %max3A_1217 : vector<16xi32>
    %min3A_1219 = arith.constant 1 : i32
    %min3A_1220 = vector.broadcast %min3A_1219 : i32 to vector<16xi32>
    %min3A_1221 = arith.minsi %max3A_1218, %min3A_1220 : vector<16xi32>
    %sub3A_1222 = arith.constant 8 : i32
    %sub3A_1223 = vector.broadcast %sub3A_1222 : i32 to vector<16xi32>
    %sub3A_1224 = arith.subi %iota3A, %sub3A_1223 : vector<16xi32>
    %max3A_1225 = arith.constant 0 : i32
    %max3A_1226 = vector.broadcast %max3A_1225 : i32 to vector<16xi32>
    %max3A_1227 = arith.maxsi %sub3A_1224, %max3A_1226 : vector<16xi32>
    %broadcast_in_dim3A_1228 = vector.shape_cast %max3A_1227 : vector<16xi32> to vector<16x1xi32>
    %gather3A_1229 = vector.shape_cast %broadcast_in_dim3A_1228 : vector<16x1xi32> to vector<16xi32>
    %gather3A_1230 = tpu.dynamic_gather %add3A_1212[%gather3A_1229] in [0] : vector<16xi32>, vector<16xi32> -> vector<16xi32>
    %mul3A_1231 = arith.muli %gather3A_1230, %min3A_1221 : vector<16xi32>
    %add3A_1232 = arith.addi %add3A_1212, %mul3A_1231 : vector<16xi32>
    %add3A_1233 = arith.addi %add3A_1140, %add3A_1232 : vector<16xi32>
    %mul3A_1234 = arith.muli %add3A_1233, %min3A_1152 : vector<16xi32>
    %add3A_1235 = arith.constant 1 : i32
    %add3A_1236 = vector.broadcast %add3A_1235 : i32 to vector<16xi32>
    %add3A_1237 = arith.addi %mul3A_1234, %add3A_1236 : vector<16xi32>
    %swap3A_1238 = arith.constant 5 : i32
    %swap3A_1239 = arith.index_cast %swap3A_1238 : i32 to index
    %swap3A_1240 = arith.constant 0 : index
    %swap3A_1241 = tpu.vector_load %arg6[%swap3A_1239, %swap3A_1240] {strides = array<i32>} : memref<16x32xi32, #tpu.memory_space<vmem>>, vector<1x16xi32>,
    %swap3A_1242 = vector.shape_cast %swap3A_1241 : vector<1x16xi32> to vector<16xi32>
    %swap3A_1243 = vector.shape_cast %add3A_1237 : vector<16xi32> to vector<1x16xi32>
    tpu.vector_store %arg6[%swap3A_1239, %swap3A_1240], %swap3A_1243 {strides = array<i32>} : memref<16x32xi32, #tpu.memory_space<vmem>>, vector<1x16xi32>,
    %broadcast_in_dim3A_1244 = vector.shape_cast %broadcast_in_dim3A_33 : vector<16xi32> to vector<16x1xi32>
    %gather3A_1245 = vector.shape_cast %broadcast_in_dim3A_1244 : vector<16x1xi32> to vector<16xi32>
    %gather3A_1246 = tpu.dynamic_gather %add3A_1232[%gather3A_1245] in [0] : vector<16xi32>, vector<16xi32> -> vector<16xi32>
    %add3A_1247 = arith.addi %add3A_1140, %gather3A_1246 : vector<16xi32>
    %add3A_1248 = arith.constant 176 : i32
    %add3A_1249 = arith.addi %mul3A_75, %add3A_1248 : i32
    %get3A_1250 = arith.index_cast %add3A_1249 : i32 to index
    %get3A_1251 = tpu.vector_load %arg5[%get3A_1250] {strides = array<i32>} : memref<4096xi32, #tpu.memory_space<vmem>>, vector<16xi32>,
    %get3A_1252 = vector.shape_cast %get3A_1251 : vector<16xi32> to vector<16xi32>
    %sub3A_1253 = arith.constant 1 : i32
    %sub3A_1254 = vector.broadcast %sub3A_1253 : i32 to vector<16xi32>
    %sub3A_1255 = arith.subi %get3A_1252, %sub3A_1254 : vector<16xi32>
    %abs3A_1256 = math.absi %sub3A_1255 : vector<16xi32>
    %min3A_1257 = arith.constant 1 : i32
    %min3A_1258 = vector.broadcast %min3A_1257 : i32 to vector<16xi32>
    %min3A_1259 = arith.minsi %abs3A_1256, %min3A_1258 : vector<16xi32>
    %sub3A_1260 = arith.constant 0 : i32
    %sub3A_1261 = vector.broadcast %sub3A_1260 : i32 to vector<16xi32>
    %sub3A_1262 = arith.subi %iota3A, %sub3A_1261 : vector<16xi32>
    %max3A_1263 = arith.constant 0 : i32
    %max3A_1264 = vector.broadcast %max3A_1263 : i32 to vector<16xi32>
    %max3A_1265 = arith.maxsi %sub3A_1262, %max3A_1264 : vector<16xi32>
    %min3A_1266 = arith.constant 1 : i32
    %min3A_1267 = vector.broadcast %min3A_1266 : i32 to vector<16xi32>
    %min3A_1268 = arith.minsi %max3A_1265, %min3A_1267 : vector<16xi32>
    %sub3A_1269 = arith.constant 1 : i32
    %sub3A_1270 = vector.broadcast %sub3A_1269 : i32 to vector<16xi32>
    %sub3A_1271 = arith.subi %iota3A, %sub3A_1270 : vector<16xi32>
    %max3A_1272 = arith.constant 0 : i32
    %max3A_1273 = vector.broadcast %max3A_1272 : i32 to vector<16xi32>
    %max3A_1274 = arith.maxsi %sub3A_1271, %max3A_1273 : vector<16xi32>
    %broadcast_in_dim3A_1275 = vector.shape_cast %max3A_1274 : vector<16xi32> to vector<16x1xi32>
    %gather3A_1276 = vector.shape_cast %broadcast_in_dim3A_1275 : vector<16x1xi32> to vector<16xi32>
    %gather3A_1277 = tpu.dynamic_gather %min3A_1259[%gather3A_1276] in [0] : vector<16xi32>, vector<16xi32> -> vector<16xi32>
    %mul3A_1278 = arith.muli %gather3A_1277, %min3A_1268 : vector<16xi32>
    %add3A_1279 = arith.addi %min3A_1259, %mul3A_1278 : vector<16xi32>
    %sub3A_1280 = arith.constant 1 : i32
    %sub3A_1281 = vector.broadcast %sub3A_1280 : i32 to vector<16xi32>
    %sub3A_1282 = arith.subi %iota3A, %sub3A_1281 : vector<16xi32>
    %max3A_1283 = arith.constant 0 : i32
    %max3A_1284 = vector.broadcast %max3A_1283 : i32 to vector<16xi32>
    %max3A_1285 = arith.maxsi %sub3A_1282, %max3A_1284 : vector<16xi32>
    %min3A_1286 = arith.constant 1 : i32
    %min3A_1287 = vector.broadcast %min3A_1286 : i32 to vector<16xi32>
    %min3A_1288 = arith.minsi %max3A_1285, %min3A_1287 : vector<16xi32>
    %sub3A_1289 = arith.constant 2 : i32
    %sub3A_1290 = vector.broadcast %sub3A_1289 : i32 to vector<16xi32>
    %sub3A_1291 = arith.subi %iota3A, %sub3A_1290 : vector<16xi32>
    %max3A_1292 = arith.constant 0 : i32
    %max3A_1293 = vector.broadcast %max3A_1292 : i32 to vector<16xi32>
    %max3A_1294 = arith.maxsi %sub3A_1291, %max3A_1293 : vector<16xi32>
    %broadcast_in_dim3A_1295 = vector.shape_cast %max3A_1294 : vector<16xi32> to vector<16x1xi32>
    %gather3A_1296 = vector.shape_cast %broadcast_in_dim3A_1295 : vector<16x1xi32> to vector<16xi32>
    %gather3A_1297 = tpu.dynamic_gather %add3A_1279[%gather3A_1296] in [0] : vector<16xi32>, vector<16xi32> -> vector<16xi32>
    %mul3A_1298 = arith.muli %gather3A_1297, %min3A_1288 : vector<16xi32>
    %add3A_1299 = arith.addi %add3A_1279, %mul3A_1298 : vector<16xi32>
    %sub3A_1300 = arith.constant 3 : i32
    %sub3A_1301 = vector.broadcast %sub3A_1300 : i32 to vector<16xi32>
    %sub3A_1302 = arith.subi %iota3A, %sub3A_1301 : vector<16xi32>
    %max3A_1303 = arith.constant 0 : i32
    %max3A_1304 = vector.broadcast %max3A_1303 : i32 to vector<16xi32>
    %max3A_1305 = arith.maxsi %sub3A_1302, %max3A_1304 : vector<16xi32>
    %min3A_1306 = arith.constant 1 : i32
    %min3A_1307 = vector.broadcast %min3A_1306 : i32 to vector<16xi32>
    %min3A_1308 = arith.minsi %max3A_1305, %min3A_1307 : vector<16xi32>
    %sub3A_1309 = arith.constant 4 : i32
    %sub3A_1310 = vector.broadcast %sub3A_1309 : i32 to vector<16xi32>
    %sub3A_1311 = arith.subi %iota3A, %sub3A_1310 : vector<16xi32>
    %max3A_1312 = arith.constant 0 : i32
    %max3A_1313 = vector.broadcast %max3A_1312 : i32 to vector<16xi32>
    %max3A_1314 = arith.maxsi %sub3A_1311, %max3A_1313 : vector<16xi32>
    %broadcast_in_dim3A_1315 = vector.shape_cast %max3A_1314 : vector<16xi32> to vector<16x1xi32>
    %gather3A_1316 = vector.shape_cast %broadcast_in_dim3A_1315 : vector<16x1xi32> to vector<16xi32>
    %gather3A_1317 = tpu.dynamic_gather %add3A_1299[%gather3A_1316] in [0] : vector<16xi32>, vector<16xi32> -> vector<16xi32>
    %mul3A_1318 = arith.muli %gather3A_1317, %min3A_1308 : vector<16xi32>
    %add3A_1319 = arith.addi %add3A_1299, %mul3A_1318 : vector<16xi32>
    %sub3A_1320 = arith.constant 7 : i32
    %sub3A_1321 = vector.broadcast %sub3A_1320 : i32 to vector<16xi32>
    %sub3A_1322 = arith.subi %iota3A, %sub3A_1321 : vector<16xi32>
    %max3A_1323 = arith.constant 0 : i32
    %max3A_1324 = vector.broadcast %max3A_1323 : i32 to vector<16xi32>
    %max3A_1325 = arith.maxsi %sub3A_1322, %max3A_1324 : vector<16xi32>
    %min3A_1326 = arith.constant 1 : i32
    %min3A_1327 = vector.broadcast %min3A_1326 : i32 to vector<16xi32>
    %min3A_1328 = arith.minsi %max3A_1325, %min3A_1327 : vector<16xi32>
    %sub3A_1329 = arith.constant 8 : i32
    %sub3A_1330 = vector.broadcast %sub3A_1329 : i32 to vector<16xi32>
    %sub3A_1331 = arith.subi %iota3A, %sub3A_1330 : vector<16xi32>
    %max3A_1332 = arith.constant 0 : i32
    %max3A_1333 = vector.broadcast %max3A_1332 : i32 to vector<16xi32>
    %max3A_1334 = arith.maxsi %sub3A_1331, %max3A_1333 : vector<16xi32>
    %broadcast_in_dim3A_1335 = vector.shape_cast %max3A_1334 : vector<16xi32> to vector<16x1xi32>
    %gather3A_1336 = vector.shape_cast %broadcast_in_dim3A_1335 : vector<16x1xi32> to vector<16xi32>
    %gather3A_1337 = tpu.dynamic_gather %add3A_1319[%gather3A_1336] in [0] : vector<16xi32>, vector<16xi32> -> vector<16xi32>
    %mul3A_1338 = arith.muli %gather3A_1337, %min3A_1328 : vector<16xi32>
    %add3A_1339 = arith.addi %add3A_1319, %mul3A_1338 : vector<16xi32>
    %add3A_1340 = arith.addi %add3A_1247, %add3A_1339 : vector<16xi32>
    %mul3A_1341 = arith.muli %add3A_1340, %min3A_1259 : vector<16xi32>
    %add3A_1342 = arith.constant 1 : i32
    %add3A_1343 = vector.broadcast %add3A_1342 : i32 to vector<16xi32>
    %add3A_1344 = arith.addi %mul3A_1341, %add3A_1343 : vector<16xi32>
    %swap3A_1345 = arith.constant 5 : i32
    %swap3A_1346 = arith.index_cast %swap3A_1345 : i32 to index
    %swap3A_1347 = arith.constant 16 : index
    %swap3A_1348 = tpu.vector_load %arg6[%swap3A_1346, %swap3A_1347] {strides = array<i32>} : memref<16x32xi32, #tpu.memory_space<vmem>>, vector<1x16xi32>,
    %swap3A_1349 = vector.shape_cast %swap3A_1348 : vector<1x16xi32> to vector<16xi32>
    %swap3A_1350 = vector.shape_cast %add3A_1344 : vector<16xi32> to vector<1x16xi32>
    tpu.vector_store %arg6[%swap3A_1346, %swap3A_1347], %swap3A_1350 {strides = array<i32>} : memref<16x32xi32, #tpu.memory_space<vmem>>, vector<1x16xi32>,
    %broadcast_in_dim3A_1351 = vector.shape_cast %broadcast_in_dim3A_33 : vector<16xi32> to vector<16x1xi32>
    %gather3A_1352 = vector.shape_cast %broadcast_in_dim3A_1351 : vector<16x1xi32> to vector<16xi32>
    %gather3A_1353 = tpu.dynamic_gather %add3A_1339[%gather3A_1352] in [0] : vector<16xi32>, vector<16xi32> -> vector<16xi32>
    %add3A_1354 = arith.addi %add3A_1247, %gather3A_1353 : vector<16xi32>
    %add3A_1355 = arith.constant 192 : i32
    %add3A_1356 = arith.addi %mul3A_75, %add3A_1355 : i32
    %get3A_1357 = arith.index_cast %add3A_1356 : i32 to index
    %get3A_1358 = tpu.vector_load %arg5[%get3A_1357] {strides = array<i32>} : memref<4096xi32, #tpu.memory_space<vmem>>, vector<16xi32>,
    %get3A_1359 = vector.shape_cast %get3A_1358 : vector<16xi32> to vector<16xi32>
    %sub3A_1360 = arith.constant 1 : i32
    %sub3A_1361 = vector.broadcast %sub3A_1360 : i32 to vector<16xi32>
    %sub3A_1362 = arith.subi %get3A_1359, %sub3A_1361 : vector<16xi32>
    %abs3A_1363 = math.absi %sub3A_1362 : vector<16xi32>
    %min3A_1364 = arith.constant 1 : i32
    %min3A_1365 = vector.broadcast %min3A_1364 : i32 to vector<16xi32>
    %min3A_1366 = arith.minsi %abs3A_1363, %min3A_1365 : vector<16xi32>
    %sub3A_1367 = arith.constant 0 : i32
    %sub3A_1368 = vector.broadcast %sub3A_1367 : i32 to vector<16xi32>
    %sub3A_1369 = arith.subi %iota3A, %sub3A_1368 : vector<16xi32>
    %max3A_1370 = arith.constant 0 : i32
    %max3A_1371 = vector.broadcast %max3A_1370 : i32 to vector<16xi32>
    %max3A_1372 = arith.maxsi %sub3A_1369, %max3A_1371 : vector<16xi32>
    %min3A_1373 = arith.constant 1 : i32
    %min3A_1374 = vector.broadcast %min3A_1373 : i32 to vector<16xi32>
    %min3A_1375 = arith.minsi %max3A_1372, %min3A_1374 : vector<16xi32>
    %sub3A_1376 = arith.constant 1 : i32
    %sub3A_1377 = vector.broadcast %sub3A_1376 : i32 to vector<16xi32>
    %sub3A_1378 = arith.subi %iota3A, %sub3A_1377 : vector<16xi32>
    %max3A_1379 = arith.constant 0 : i32
    %max3A_1380 = vector.broadcast %max3A_1379 : i32 to vector<16xi32>
    %max3A_1381 = arith.maxsi %sub3A_1378, %max3A_1380 : vector<16xi32>
    %broadcast_in_dim3A_1382 = vector.shape_cast %max3A_1381 : vector<16xi32> to vector<16x1xi32>
    %gather3A_1383 = vector.shape_cast %broadcast_in_dim3A_1382 : vector<16x1xi32> to vector<16xi32>
    %gather3A_1384 = tpu.dynamic_gather %min3A_1366[%gather3A_1383] in [0] : vector<16xi32>, vector<16xi32> -> vector<16xi32>
    %mul3A_1385 = arith.muli %gather3A_1384, %min3A_1375 : vector<16xi32>
    %add3A_1386 = arith.addi %min3A_1366, %mul3A_1385 : vector<16xi32>
    %sub3A_1387 = arith.constant 1 : i32
    %sub3A_1388 = vector.broadcast %sub3A_1387 : i32 to vector<16xi32>
    %sub3A_1389 = arith.subi %iota3A, %sub3A_1388 : vector<16xi32>
    %max3A_1390 = arith.constant 0 : i32
    %max3A_1391 = vector.broadcast %max3A_1390 : i32 to vector<16xi32>
    %max3A_1392 = arith.maxsi %sub3A_1389, %max3A_1391 : vector<16xi32>
    %min3A_1393 = arith.constant 1 : i32
    %min3A_1394 = vector.broadcast %min3A_1393 : i32 to vector<16xi32>
    %min3A_1395 = arith.minsi %max3A_1392, %min3A_1394 : vector<16xi32>
    %sub3A_1396 = arith.constant 2 : i32
    %sub3A_1397 = vector.broadcast %sub3A_1396 : i32 to vector<16xi32>
    %sub3A_1398 = arith.subi %iota3A, %sub3A_1397 : vector<16xi32>
    %max3A_1399 = arith.constant 0 : i32
    %max3A_1400 = vector.broadcast %max3A_1399 : i32 to vector<16xi32>
    %max3A_1401 = arith.maxsi %sub3A_1398, %max3A_1400 : vector<16xi32>
    %broadcast_in_dim3A_1402 = vector.shape_cast %max3A_1401 : vector<16xi32> to vector<16x1xi32>
    %gather3A_1403 = vector.shape_cast %broadcast_in_dim3A_1402 : vector<16x1xi32> to vector<16xi32>
    %gather3A_1404 = tpu.dynamic_gather %add3A_1386[%gather3A_1403] in [0] : vector<16xi32>, vector<16xi32> -> vector<16xi32>
    %mul3A_1405 = arith.muli %gather3A_1404, %min3A_1395 : vector<16xi32>
    %add3A_1406 = arith.addi %add3A_1386, %mul3A_1405 : vector<16xi32>
    %sub3A_1407 = arith.constant 3 : i32
    %sub3A_1408 = vector.broadcast %sub3A_1407 : i32 to vector<16xi32>
    %sub3A_1409 = arith.subi %iota3A, %sub3A_1408 : vector<16xi32>
    %max3A_1410 = arith.constant 0 : i32
    %max3A_1411 = vector.broadcast %max3A_1410 : i32 to vector<16xi32>
    %max3A_1412 = arith.maxsi %sub3A_1409, %max3A_1411 : vector<16xi32>
    %min3A_1413 = arith.constant 1 : i32
    %min3A_1414 = vector.broadcast %min3A_1413 : i32 to vector<16xi32>
    %min3A_1415 = arith.minsi %max3A_1412, %min3A_1414 : vector<16xi32>
    %sub3A_1416 = arith.constant 4 : i32
    %sub3A_1417 = vector.broadcast %sub3A_1416 : i32 to vector<16xi32>
    %sub3A_1418 = arith.subi %iota3A, %sub3A_1417 : vector<16xi32>
    %max3A_1419 = arith.constant 0 : i32
    %max3A_1420 = vector.broadcast %max3A_1419 : i32 to vector<16xi32>
    %max3A_1421 = arith.maxsi %sub3A_1418, %max3A_1420 : vector<16xi32>
    %broadcast_in_dim3A_1422 = vector.shape_cast %max3A_1421 : vector<16xi32> to vector<16x1xi32>
    %gather3A_1423 = vector.shape_cast %broadcast_in_dim3A_1422 : vector<16x1xi32> to vector<16xi32>
    %gather3A_1424 = tpu.dynamic_gather %add3A_1406[%gather3A_1423] in [0] : vector<16xi32>, vector<16xi32> -> vector<16xi32>
    %mul3A_1425 = arith.muli %gather3A_1424, %min3A_1415 : vector<16xi32>
    %add3A_1426 = arith.addi %add3A_1406, %mul3A_1425 : vector<16xi32>
    %sub3A_1427 = arith.constant 7 : i32
    %sub3A_1428 = vector.broadcast %sub3A_1427 : i32 to vector<16xi32>
    %sub3A_1429 = arith.subi %iota3A, %sub3A_1428 : vector<16xi32>
    %max3A_1430 = arith.constant 0 : i32
    %max3A_1431 = vector.broadcast %max3A_1430 : i32 to vector<16xi32>
    %max3A_1432 = arith.maxsi %sub3A_1429, %max3A_1431 : vector<16xi32>
    %min3A_1433 = arith.constant 1 : i32
    %min3A_1434 = vector.broadcast %min3A_1433 : i32 to vector<16xi32>
    %min3A_1435 = arith.minsi %max3A_1432, %min3A_1434 : vector<16xi32>
    %sub3A_1436 = arith.constant 8 : i32
    %sub3A_1437 = vector.broadcast %sub3A_1436 : i32 to vector<16xi32>
    %sub3A_1438 = arith.subi %iota3A, %sub3A_1437 : vector<16xi32>
    %max3A_1439 = arith.constant 0 : i32
    %max3A_1440 = vector.broadcast %max3A_1439 : i32 to vector<16xi32>
    %max3A_1441 = arith.maxsi %sub3A_1438, %max3A_1440 : vector<16xi32>
    %broadcast_in_dim3A_1442 = vector.shape_cast %max3A_1441 : vector<16xi32> to vector<16x1xi32>
    %gather3A_1443 = vector.shape_cast %broadcast_in_dim3A_1442 : vector<16x1xi32> to vector<16xi32>
    %gather3A_1444 = tpu.dynamic_gather %add3A_1426[%gather3A_1443] in [0] : vector<16xi32>, vector<16xi32> -> vector<16xi32>
    %mul3A_1445 = arith.muli %gather3A_1444, %min3A_1435 : vector<16xi32>
    %add3A_1446 = arith.addi %add3A_1426, %mul3A_1445 : vector<16xi32>
    %add3A_1447 = arith.addi %add3A_1354, %add3A_1446 : vector<16xi32>
    %mul3A_1448 = arith.muli %add3A_1447, %min3A_1366 : vector<16xi32>
    %add3A_1449 = arith.constant 1 : i32
    %add3A_1450 = vector.broadcast %add3A_1449 : i32 to vector<16xi32>
    %add3A_1451 = arith.addi %mul3A_1448, %add3A_1450 : vector<16xi32>
    %swap3A_1452 = arith.constant 6 : i32
    %swap3A_1453 = arith.index_cast %swap3A_1452 : i32 to index
    %swap3A_1454 = arith.constant 0 : index
    %swap3A_1455 = tpu.vector_load %arg6[%swap3A_1453, %swap3A_1454] {strides = array<i32>} : memref<16x32xi32, #tpu.memory_space<vmem>>, vector<1x16xi32>,
    %swap3A_1456 = vector.shape_cast %swap3A_1455 : vector<1x16xi32> to vector<16xi32>
    %swap3A_1457 = vector.shape_cast %add3A_1451 : vector<16xi32> to vector<1x16xi32>
    tpu.vector_store %arg6[%swap3A_1453, %swap3A_1454], %swap3A_1457 {strides = array<i32>} : memref<16x32xi32, #tpu.memory_space<vmem>>, vector<1x16xi32>,
    %broadcast_in_dim3A_1458 = vector.shape_cast %broadcast_in_dim3A_33 : vector<16xi32> to vector<16x1xi32>
    %gather3A_1459 = vector.shape_cast %broadcast_in_dim3A_1458 : vector<16x1xi32> to vector<16xi32>
    %gather3A_1460 = tpu.dynamic_gather %add3A_1446[%gather3A_1459] in [0] : vector<16xi32>, vector<16xi32> -> vector<16xi32>
    %add3A_1461 = arith.addi %add3A_1354, %gather3A_1460 : vector<16xi32>
    %add3A_1462 = arith.constant 208 : i32
    %add3A_1463 = arith.addi %mul3A_75, %add3A_1462 : i32
    %get3A_1464 = arith.index_cast %add3A_1463 : i32 to index
    %get3A_1465 = tpu.vector_load %arg5[%get3A_1464] {strides = array<i32>} : memref<4096xi32, #tpu.memory_space<vmem>>, vector<16xi32>,
    %get3A_1466 = vector.shape_cast %get3A_1465 : vector<16xi32> to vector<16xi32>
    %sub3A_1467 = arith.constant 1 : i32
    %sub3A_1468 = vector.broadcast %sub3A_1467 : i32 to vector<16xi32>
    %sub3A_1469 = arith.subi %get3A_1466, %sub3A_1468 : vector<16xi32>
    %abs3A_1470 = math.absi %sub3A_1469 : vector<16xi32>
    %min3A_1471 = arith.constant 1 : i32
    %min3A_1472 = vector.broadcast %min3A_1471 : i32 to vector<16xi32>
    %min3A_1473 = arith.minsi %abs3A_1470, %min3A_1472 : vector<16xi32>
    %sub3A_1474 = arith.constant 0 : i32
    %sub3A_1475 = vector.broadcast %sub3A_1474 : i32 to vector<16xi32>
    %sub3A_1476 = arith.subi %iota3A, %sub3A_1475 : vector<16xi32>
    %max3A_1477 = arith.constant 0 : i32
    %max3A_1478 = vector.broadcast %max3A_1477 : i32 to vector<16xi32>
    %max3A_1479 = arith.maxsi %sub3A_1476, %max3A_1478 : vector<16xi32>
    %min3A_1480 = arith.constant 1 : i32
    %min3A_1481 = vector.broadcast %min3A_1480 : i32 to vector<16xi32>
    %min3A_1482 = arith.minsi %max3A_1479, %min3A_1481 : vector<16xi32>
    %sub3A_1483 = arith.constant 1 : i32
    %sub3A_1484 = vector.broadcast %sub3A_1483 : i32 to vector<16xi32>
    %sub3A_1485 = arith.subi %iota3A, %sub3A_1484 : vector<16xi32>
    %max3A_1486 = arith.constant 0 : i32
    %max3A_1487 = vector.broadcast %max3A_1486 : i32 to vector<16xi32>
    %max3A_1488 = arith.maxsi %sub3A_1485, %max3A_1487 : vector<16xi32>
    %broadcast_in_dim3A_1489 = vector.shape_cast %max3A_1488 : vector<16xi32> to vector<16x1xi32>
    %gather3A_1490 = vector.shape_cast %broadcast_in_dim3A_1489 : vector<16x1xi32> to vector<16xi32>
    %gather3A_1491 = tpu.dynamic_gather %min3A_1473[%gather3A_1490] in [0] : vector<16xi32>, vector<16xi32> -> vector<16xi32>
    %mul3A_1492 = arith.muli %gather3A_1491, %min3A_1482 : vector<16xi32>
    %add3A_1493 = arith.addi %min3A_1473, %mul3A_1492 : vector<16xi32>
    %sub3A_1494 = arith.constant 1 : i32
    %sub3A_1495 = vector.broadcast %sub3A_1494 : i32 to vector<16xi32>
    %sub3A_1496 = arith.subi %iota3A, %sub3A_1495 : vector<16xi32>
    %max3A_1497 = arith.constant 0 : i32
    %max3A_1498 = vector.broadcast %max3A_1497 : i32 to vector<16xi32>
    %max3A_1499 = arith.maxsi %sub3A_1496, %max3A_1498 : vector<16xi32>
    %min3A_1500 = arith.constant 1 : i32
    %min3A_1501 = vector.broadcast %min3A_1500 : i32 to vector<16xi32>
    %min3A_1502 = arith.minsi %max3A_1499, %min3A_1501 : vector<16xi32>
    %sub3A_1503 = arith.constant 2 : i32
    %sub3A_1504 = vector.broadcast %sub3A_1503 : i32 to vector<16xi32>
    %sub3A_1505 = arith.subi %iota3A, %sub3A_1504 : vector<16xi32>
    %max3A_1506 = arith.constant 0 : i32
    %max3A_1507 = vector.broadcast %max3A_1506 : i32 to vector<16xi32>
    %max3A_1508 = arith.maxsi %sub3A_1505, %max3A_1507 : vector<16xi32>
    %broadcast_in_dim3A_1509 = vector.shape_cast %max3A_1508 : vector<16xi32> to vector<16x1xi32>
    %gather3A_1510 = vector.shape_cast %broadcast_in_dim3A_1509 : vector<16x1xi32> to vector<16xi32>
    %gather3A_1511 = tpu.dynamic_gather %add3A_1493[%gather3A_1510] in [0] : vector<16xi32>, vector<16xi32> -> vector<16xi32>
    %mul3A_1512 = arith.muli %gather3A_1511, %min3A_1502 : vector<16xi32>
    %add3A_1513 = arith.addi %add3A_1493, %mul3A_1512 : vector<16xi32>
    %sub3A_1514 = arith.constant 3 : i32
    %sub3A_1515 = vector.broadcast %sub3A_1514 : i32 to vector<16xi32>
    %sub3A_1516 = arith.subi %iota3A, %sub3A_1515 : vector<16xi32>
    %max3A_1517 = arith.constant 0 : i32
    %max3A_1518 = vector.broadcast %max3A_1517 : i32 to vector<16xi32>
    %max3A_1519 = arith.maxsi %sub3A_1516, %max3A_1518 : vector<16xi32>
    %min3A_1520 = arith.constant 1 : i32
    %min3A_1521 = vector.broadcast %min3A_1520 : i32 to vector<16xi32>
    %min3A_1522 = arith.minsi %max3A_1519, %min3A_1521 : vector<16xi32>
    %sub3A_1523 = arith.constant 4 : i32
    %sub3A_1524 = vector.broadcast %sub3A_1523 : i32 to vector<16xi32>
    %sub3A_1525 = arith.subi %iota3A, %sub3A_1524 : vector<16xi32>
    %max3A_1526 = arith.constant 0 : i32
    %max3A_1527 = vector.broadcast %max3A_1526 : i32 to vector<16xi32>
    %max3A_1528 = arith.maxsi %sub3A_1525, %max3A_1527 : vector<16xi32>
    %broadcast_in_dim3A_1529 = vector.shape_cast %max3A_1528 : vector<16xi32> to vector<16x1xi32>
    %gather3A_1530 = vector.shape_cast %broadcast_in_dim3A_1529 : vector<16x1xi32> to vector<16xi32>
    %gather3A_1531 = tpu.dynamic_gather %add3A_1513[%gather3A_1530] in [0] : vector<16xi32>, vector<16xi32> -> vector<16xi32>
    %mul3A_1532 = arith.muli %gather3A_1531, %min3A_1522 : vector<16xi32>
    %add3A_1533 = arith.addi %add3A_1513, %mul3A_1532 : vector<16xi32>
    %sub3A_1534 = arith.constant 7 : i32
    %sub3A_1535 = vector.broadcast %sub3A_1534 : i32 to vector<16xi32>
    %sub3A_1536 = arith.subi %iota3A, %sub3A_1535 : vector<16xi32>
    %max3A_1537 = arith.constant 0 : i32
    %max3A_1538 = vector.broadcast %max3A_1537 : i32 to vector<16xi32>
    %max3A_1539 = arith.maxsi %sub3A_1536, %max3A_1538 : vector<16xi32>
    %min3A_1540 = arith.constant 1 : i32
    %min3A_1541 = vector.broadcast %min3A_1540 : i32 to vector<16xi32>
    %min3A_1542 = arith.minsi %max3A_1539, %min3A_1541 : vector<16xi32>
    %sub3A_1543 = arith.constant 8 : i32
    %sub3A_1544 = vector.broadcast %sub3A_1543 : i32 to vector<16xi32>
    %sub3A_1545 = arith.subi %iota3A, %sub3A_1544 : vector<16xi32>
    %max3A_1546 = arith.constant 0 : i32
    %max3A_1547 = vector.broadcast %max3A_1546 : i32 to vector<16xi32>
    %max3A_1548 = arith.maxsi %sub3A_1545, %max3A_1547 : vector<16xi32>
    %broadcast_in_dim3A_1549 = vector.shape_cast %max3A_1548 : vector<16xi32> to vector<16x1xi32>
    %gather3A_1550 = vector.shape_cast %broadcast_in_dim3A_1549 : vector<16x1xi32> to vector<16xi32>
    %gather3A_1551 = tpu.dynamic_gather %add3A_1533[%gather3A_1550] in [0] : vector<16xi32>, vector<16xi32> -> vector<16xi32>
    %mul3A_1552 = arith.muli %gather3A_1551, %min3A_1542 : vector<16xi32>
    %add3A_1553 = arith.addi %add3A_1533, %mul3A_1552 : vector<16xi32>
    %add3A_1554 = arith.addi %add3A_1461, %add3A_1553 : vector<16xi32>
    %mul3A_1555 = arith.muli %add3A_1554, %min3A_1473 : vector<16xi32>
    %add3A_1556 = arith.constant 1 : i32
    %add3A_1557 = vector.broadcast %add3A_1556 : i32 to vector<16xi32>
    %add3A_1558 = arith.addi %mul3A_1555, %add3A_1557 : vector<16xi32>
    %swap3A_1559 = arith.constant 6 : i32
    %swap3A_1560 = arith.index_cast %swap3A_1559 : i32 to index
    %swap3A_1561 = arith.constant 16 : index
    %swap3A_1562 = tpu.vector_load %arg6[%swap3A_1560, %swap3A_1561] {strides = array<i32>} : memref<16x32xi32, #tpu.memory_space<vmem>>, vector<1x16xi32>,
    %swap3A_1563 = vector.shape_cast %swap3A_1562 : vector<1x16xi32> to vector<16xi32>
    %swap3A_1564 = vector.shape_cast %add3A_1558 : vector<16xi32> to vector<1x16xi32>
    tpu.vector_store %arg6[%swap3A_1560, %swap3A_1561], %swap3A_1564 {strides = array<i32>} : memref<16x32xi32, #tpu.memory_space<vmem>>, vector<1x16xi32>,
    %broadcast_in_dim3A_1565 = vector.shape_cast %broadcast_in_dim3A_33 : vector<16xi32> to vector<16x1xi32>
    %gather3A_1566 = vector.shape_cast %broadcast_in_dim3A_1565 : vector<16x1xi32> to vector<16xi32>
    %gather3A_1567 = tpu.dynamic_gather %add3A_1553[%gather3A_1566] in [0] : vector<16xi32>, vector<16xi32> -> vector<16xi32>
    %add3A_1568 = arith.addi %add3A_1461, %gather3A_1567 : vector<16xi32>
    %add3A_1569 = arith.constant 224 : i32
    %add3A_1570 = arith.addi %mul3A_75, %add3A_1569 : i32
    %get3A_1571 = arith.index_cast %add3A_1570 : i32 to index
    %get3A_1572 = tpu.vector_load %arg5[%get3A_1571] {strides = array<i32>} : memref<4096xi32, #tpu.memory_space<vmem>>, vector<16xi32>,
    %get3A_1573 = vector.shape_cast %get3A_1572 : vector<16xi32> to vector<16xi32>
    %sub3A_1574 = arith.constant 1 : i32
    %sub3A_1575 = vector.broadcast %sub3A_1574 : i32 to vector<16xi32>
    %sub3A_1576 = arith.subi %get3A_1573, %sub3A_1575 : vector<16xi32>
    %abs3A_1577 = math.absi %sub3A_1576 : vector<16xi32>
    %min3A_1578 = arith.constant 1 : i32
    %min3A_1579 = vector.broadcast %min3A_1578 : i32 to vector<16xi32>
    %min3A_1580 = arith.minsi %abs3A_1577, %min3A_1579 : vector<16xi32>
    %sub3A_1581 = arith.constant 0 : i32
    %sub3A_1582 = vector.broadcast %sub3A_1581 : i32 to vector<16xi32>
    %sub3A_1583 = arith.subi %iota3A, %sub3A_1582 : vector<16xi32>
    %max3A_1584 = arith.constant 0 : i32
    %max3A_1585 = vector.broadcast %max3A_1584 : i32 to vector<16xi32>
    %max3A_1586 = arith.maxsi %sub3A_1583, %max3A_1585 : vector<16xi32>
    %min3A_1587 = arith.constant 1 : i32
    %min3A_1588 = vector.broadcast %min3A_1587 : i32 to vector<16xi32>
    %min3A_1589 = arith.minsi %max3A_1586, %min3A_1588 : vector<16xi32>
    %sub3A_1590 = arith.constant 1 : i32
    %sub3A_1591 = vector.broadcast %sub3A_1590 : i32 to vector<16xi32>
    %sub3A_1592 = arith.subi %iota3A, %sub3A_1591 : vector<16xi32>
    %max3A_1593 = arith.constant 0 : i32
    %max3A_1594 = vector.broadcast %max3A_1593 : i32 to vector<16xi32>
    %max3A_1595 = arith.maxsi %sub3A_1592, %max3A_1594 : vector<16xi32>
    %broadcast_in_dim3A_1596 = vector.shape_cast %max3A_1595 : vector<16xi32> to vector<16x1xi32>
    %gather3A_1597 = vector.shape_cast %broadcast_in_dim3A_1596 : vector<16x1xi32> to vector<16xi32>
    %gather3A_1598 = tpu.dynamic_gather %min3A_1580[%gather3A_1597] in [0] : vector<16xi32>, vector<16xi32> -> vector<16xi32>
    %mul3A_1599 = arith.muli %gather3A_1598, %min3A_1589 : vector<16xi32>
    %add3A_1600 = arith.addi %min3A_1580, %mul3A_1599 : vector<16xi32>
    %sub3A_1601 = arith.constant 1 : i32
    %sub3A_1602 = vector.broadcast %sub3A_1601 : i32 to vector<16xi32>
    %sub3A_1603 = arith.subi %iota3A, %sub3A_1602 : vector<16xi32>
    %max3A_1604 = arith.constant 0 : i32
    %max3A_1605 = vector.broadcast %max3A_1604 : i32 to vector<16xi32>
    %max3A_1606 = arith.maxsi %sub3A_1603, %max3A_1605 : vector<16xi32>
    %min3A_1607 = arith.constant 1 : i32
    %min3A_1608 = vector.broadcast %min3A_1607 : i32 to vector<16xi32>
    %min3A_1609 = arith.minsi %max3A_1606, %min3A_1608 : vector<16xi32>
    %sub3A_1610 = arith.constant 2 : i32
    %sub3A_1611 = vector.broadcast %sub3A_1610 : i32 to vector<16xi32>
    %sub3A_1612 = arith.subi %iota3A, %sub3A_1611 : vector<16xi32>
    %max3A_1613 = arith.constant 0 : i32
    %max3A_1614 = vector.broadcast %max3A_1613 : i32 to vector<16xi32>
    %max3A_1615 = arith.maxsi %sub3A_1612, %max3A_1614 : vector<16xi32>
    %broadcast_in_dim3A_1616 = vector.shape_cast %max3A_1615 : vector<16xi32> to vector<16x1xi32>
    %gather3A_1617 = vector.shape_cast %broadcast_in_dim3A_1616 : vector<16x1xi32> to vector<16xi32>
    %gather3A_1618 = tpu.dynamic_gather %add3A_1600[%gather3A_1617] in [0] : vector<16xi32>, vector<16xi32> -> vector<16xi32>
    %mul3A_1619 = arith.muli %gather3A_1618, %min3A_1609 : vector<16xi32>
    %add3A_1620 = arith.addi %add3A_1600, %mul3A_1619 : vector<16xi32>
    %sub3A_1621 = arith.constant 3 : i32
    %sub3A_1622 = vector.broadcast %sub3A_1621 : i32 to vector<16xi32>
    %sub3A_1623 = arith.subi %iota3A, %sub3A_1622 : vector<16xi32>
    %max3A_1624 = arith.constant 0 : i32
    %max3A_1625 = vector.broadcast %max3A_1624 : i32 to vector<16xi32>
    %max3A_1626 = arith.maxsi %sub3A_1623, %max3A_1625 : vector<16xi32>
    %min3A_1627 = arith.constant 1 : i32
    %min3A_1628 = vector.broadcast %min3A_1627 : i32 to vector<16xi32>
    %min3A_1629 = arith.minsi %max3A_1626, %min3A_1628 : vector<16xi32>
    %sub3A_1630 = arith.constant 4 : i32
    %sub3A_1631 = vector.broadcast %sub3A_1630 : i32 to vector<16xi32>
    %sub3A_1632 = arith.subi %iota3A, %sub3A_1631 : vector<16xi32>
    %max3A_1633 = arith.constant 0 : i32
    %max3A_1634 = vector.broadcast %max3A_1633 : i32 to vector<16xi32>
    %max3A_1635 = arith.maxsi %sub3A_1632, %max3A_1634 : vector<16xi32>
    %broadcast_in_dim3A_1636 = vector.shape_cast %max3A_1635 : vector<16xi32> to vector<16x1xi32>
    %gather3A_1637 = vector.shape_cast %broadcast_in_dim3A_1636 : vector<16x1xi32> to vector<16xi32>
    %gather3A_1638 = tpu.dynamic_gather %add3A_1620[%gather3A_1637] in [0] : vector<16xi32>, vector<16xi32> -> vector<16xi32>
    %mul3A_1639 = arith.muli %gather3A_1638, %min3A_1629 : vector<16xi32>
    %add3A_1640 = arith.addi %add3A_1620, %mul3A_1639 : vector<16xi32>
    %sub3A_1641 = arith.constant 7 : i32
    %sub3A_1642 = vector.broadcast %sub3A_1641 : i32 to vector<16xi32>
    %sub3A_1643 = arith.subi %iota3A, %sub3A_1642 : vector<16xi32>
    %max3A_1644 = arith.constant 0 : i32
    %max3A_1645 = vector.broadcast %max3A_1644 : i32 to vector<16xi32>
    %max3A_1646 = arith.maxsi %sub3A_1643, %max3A_1645 : vector<16xi32>
    %min3A_1647 = arith.constant 1 : i32
    %min3A_1648 = vector.broadcast %min3A_1647 : i32 to vector<16xi32>
    %min3A_1649 = arith.minsi %max3A_1646, %min3A_1648 : vector<16xi32>
    %sub3A_1650 = arith.constant 8 : i32
    %sub3A_1651 = vector.broadcast %sub3A_1650 : i32 to vector<16xi32>
    %sub3A_1652 = arith.subi %iota3A, %sub3A_1651 : vector<16xi32>
    %max3A_1653 = arith.constant 0 : i32
    %max3A_1654 = vector.broadcast %max3A_1653 : i32 to vector<16xi32>
    %max3A_1655 = arith.maxsi %sub3A_1652, %max3A_1654 : vector<16xi32>
    %broadcast_in_dim3A_1656 = vector.shape_cast %max3A_1655 : vector<16xi32> to vector<16x1xi32>
    %gather3A_1657 = vector.shape_cast %broadcast_in_dim3A_1656 : vector<16x1xi32> to vector<16xi32>
    %gather3A_1658 = tpu.dynamic_gather %add3A_1640[%gather3A_1657] in [0] : vector<16xi32>, vector<16xi32> -> vector<16xi32>
    %mul3A_1659 = arith.muli %gather3A_1658, %min3A_1649 : vector<16xi32>
    %add3A_1660 = arith.addi %add3A_1640, %mul3A_1659 : vector<16xi32>
    %add3A_1661 = arith.addi %add3A_1568, %add3A_1660 : vector<16xi32>
    %mul3A_1662 = arith.muli %add3A_1661, %min3A_1580 : vector<16xi32>
    %add3A_1663 = arith.constant 1 : i32
    %add3A_1664 = vector.broadcast %add3A_1663 : i32 to vector<16xi32>
    %add3A_1665 = arith.addi %mul3A_1662, %add3A_1664 : vector<16xi32>
    %swap3A_1666 = arith.constant 7 : i32
    %swap3A_1667 = arith.index_cast %swap3A_1666 : i32 to index
    %swap3A_1668 = arith.constant 0 : index
    %swap3A_1669 = tpu.vector_load %arg6[%swap3A_1667, %swap3A_1668] {strides = array<i32>} : memref<16x32xi32, #tpu.memory_space<vmem>>, vector<1x16xi32>,
    %swap3A_1670 = vector.shape_cast %swap3A_1669 : vector<1x16xi32> to vector<16xi32>
    %swap3A_1671 = vector.shape_cast %add3A_1665 : vector<16xi32> to vector<1x16xi32>
    tpu.vector_store %arg6[%swap3A_1667, %swap3A_1668], %swap3A_1671 {strides = array<i32>} : memref<16x32xi32, #tpu.memory_space<vmem>>, vector<1x16xi32>,
    %broadcast_in_dim3A_1672 = vector.shape_cast %broadcast_in_dim3A_33 : vector<16xi32> to vector<16x1xi32>
    %gather3A_1673 = vector.shape_cast %broadcast_in_dim3A_1672 : vector<16x1xi32> to vector<16xi32>
    %gather3A_1674 = tpu.dynamic_gather %add3A_1660[%gather3A_1673] in [0] : vector<16xi32>, vector<16xi32> -> vector<16xi32>
    %add3A_1675 = arith.addi %add3A_1568, %gather3A_1674 : vector<16xi32>
    %add3A_1676 = arith.constant 240 : i32
    %add3A_1677 = arith.addi %mul3A_75, %add3A_1676 : i32
    %get3A_1678 = arith.index_cast %add3A_1677 : i32 to index
    %get3A_1679 = tpu.vector_load %arg5[%get3A_1678] {strides = array<i32>} : memref<4096xi32, #tpu.memory_space<vmem>>, vector<16xi32>,
    %get3A_1680 = vector.shape_cast %get3A_1679 : vector<16xi32> to vector<16xi32>
    %sub3A_1681 = arith.constant 1 : i32
    %sub3A_1682 = vector.broadcast %sub3A_1681 : i32 to vector<16xi32>
    %sub3A_1683 = arith.subi %get3A_1680, %sub3A_1682 : vector<16xi32>
    %abs3A_1684 = math.absi %sub3A_1683 : vector<16xi32>
    %min3A_1685 = arith.constant 1 : i32
    %min3A_1686 = vector.broadcast %min3A_1685 : i32 to vector<16xi32>
    %min3A_1687 = arith.minsi %abs3A_1684, %min3A_1686 : vector<16xi32>
    %sub3A_1688 = arith.constant 0 : i32
    %sub3A_1689 = vector.broadcast %sub3A_1688 : i32 to vector<16xi32>
    %sub3A_1690 = arith.subi %iota3A, %sub3A_1689 : vector<16xi32>
    %max3A_1691 = arith.constant 0 : i32
    %max3A_1692 = vector.broadcast %max3A_1691 : i32 to vector<16xi32>
    %max3A_1693 = arith.maxsi %sub3A_1690, %max3A_1692 : vector<16xi32>
    %min3A_1694 = arith.constant 1 : i32
    %min3A_1695 = vector.broadcast %min3A_1694 : i32 to vector<16xi32>
    %min3A_1696 = arith.minsi %max3A_1693, %min3A_1695 : vector<16xi32>
    %sub3A_1697 = arith.constant 1 : i32
    %sub3A_1698 = vector.broadcast %sub3A_1697 : i32 to vector<16xi32>
    %sub3A_1699 = arith.subi %iota3A, %sub3A_1698 : vector<16xi32>
    %max3A_1700 = arith.constant 0 : i32
    %max3A_1701 = vector.broadcast %max3A_1700 : i32 to vector<16xi32>
    %max3A_1702 = arith.maxsi %sub3A_1699, %max3A_1701 : vector<16xi32>
    %broadcast_in_dim3A_1703 = vector.shape_cast %max3A_1702 : vector<16xi32> to vector<16x1xi32>
    %gather3A_1704 = vector.shape_cast %broadcast_in_dim3A_1703 : vector<16x1xi32> to vector<16xi32>
    %gather3A_1705 = tpu.dynamic_gather %min3A_1687[%gather3A_1704] in [0] : vector<16xi32>, vector<16xi32> -> vector<16xi32>
    %mul3A_1706 = arith.muli %gather3A_1705, %min3A_1696 : vector<16xi32>
    %add3A_1707 = arith.addi %min3A_1687, %mul3A_1706 : vector<16xi32>
    %sub3A_1708 = arith.constant 1 : i32
    %sub3A_1709 = vector.broadcast %sub3A_1708 : i32 to vector<16xi32>
    %sub3A_1710 = arith.subi %iota3A, %sub3A_1709 : vector<16xi32>
    %max3A_1711 = arith.constant 0 : i32
    %max3A_1712 = vector.broadcast %max3A_1711 : i32 to vector<16xi32>
    %max3A_1713 = arith.maxsi %sub3A_1710, %max3A_1712 : vector<16xi32>
    %min3A_1714 = arith.constant 1 : i32
    %min3A_1715 = vector.broadcast %min3A_1714 : i32 to vector<16xi32>
    %min3A_1716 = arith.minsi %max3A_1713, %min3A_1715 : vector<16xi32>
    %sub3A_1717 = arith.constant 2 : i32
    %sub3A_1718 = vector.broadcast %sub3A_1717 : i32 to vector<16xi32>
    %sub3A_1719 = arith.subi %iota3A, %sub3A_1718 : vector<16xi32>
    %max3A_1720 = arith.constant 0 : i32
    %max3A_1721 = vector.broadcast %max3A_1720 : i32 to vector<16xi32>
    %max3A_1722 = arith.maxsi %sub3A_1719, %max3A_1721 : vector<16xi32>
    %broadcast_in_dim3A_1723 = vector.shape_cast %max3A_1722 : vector<16xi32> to vector<16x1xi32>
    %gather3A_1724 = vector.shape_cast %broadcast_in_dim3A_1723 : vector<16x1xi32> to vector<16xi32>
    %gather3A_1725 = tpu.dynamic_gather %add3A_1707[%gather3A_1724] in [0] : vector<16xi32>, vector<16xi32> -> vector<16xi32>
    %mul3A_1726 = arith.muli %gather3A_1725, %min3A_1716 : vector<16xi32>
    %add3A_1727 = arith.addi %add3A_1707, %mul3A_1726 : vector<16xi32>
    %sub3A_1728 = arith.constant 3 : i32
    %sub3A_1729 = vector.broadcast %sub3A_1728 : i32 to vector<16xi32>
    %sub3A_1730 = arith.subi %iota3A, %sub3A_1729 : vector<16xi32>
    %max3A_1731 = arith.constant 0 : i32
    %max3A_1732 = vector.broadcast %max3A_1731 : i32 to vector<16xi32>
    %max3A_1733 = arith.maxsi %sub3A_1730, %max3A_1732 : vector<16xi32>
    %min3A_1734 = arith.constant 1 : i32
    %min3A_1735 = vector.broadcast %min3A_1734 : i32 to vector<16xi32>
    %min3A_1736 = arith.minsi %max3A_1733, %min3A_1735 : vector<16xi32>
    %sub3A_1737 = arith.constant 4 : i32
    %sub3A_1738 = vector.broadcast %sub3A_1737 : i32 to vector<16xi32>
    %sub3A_1739 = arith.subi %iota3A, %sub3A_1738 : vector<16xi32>
    %max3A_1740 = arith.constant 0 : i32
    %max3A_1741 = vector.broadcast %max3A_1740 : i32 to vector<16xi32>
    %max3A_1742 = arith.maxsi %sub3A_1739, %max3A_1741 : vector<16xi32>
    %broadcast_in_dim3A_1743 = vector.shape_cast %max3A_1742 : vector<16xi32> to vector<16x1xi32>
    %gather3A_1744 = vector.shape_cast %broadcast_in_dim3A_1743 : vector<16x1xi32> to vector<16xi32>
    %gather3A_1745 = tpu.dynamic_gather %add3A_1727[%gather3A_1744] in [0] : vector<16xi32>, vector<16xi32> -> vector<16xi32>
    %mul3A_1746 = arith.muli %gather3A_1745, %min3A_1736 : vector<16xi32>
    %add3A_1747 = arith.addi %add3A_1727, %mul3A_1746 : vector<16xi32>
    %sub3A_1748 = arith.constant 7 : i32
    %sub3A_1749 = vector.broadcast %sub3A_1748 : i32 to vector<16xi32>
    %sub3A_1750 = arith.subi %iota3A, %sub3A_1749 : vector<16xi32>
    %max3A_1751 = arith.constant 0 : i32
    %max3A_1752 = vector.broadcast %max3A_1751 : i32 to vector<16xi32>
    %max3A_1753 = arith.maxsi %sub3A_1750, %max3A_1752 : vector<16xi32>
    %min3A_1754 = arith.constant 1 : i32
    %min3A_1755 = vector.broadcast %min3A_1754 : i32 to vector<16xi32>
    %min3A_1756 = arith.minsi %max3A_1753, %min3A_1755 : vector<16xi32>
    %sub3A_1757 = arith.constant 8 : i32
    %sub3A_1758 = vector.broadcast %sub3A_1757 : i32 to vector<16xi32>
    %sub3A_1759 = arith.subi %iota3A, %sub3A_1758 : vector<16xi32>
    %max3A_1760 = arith.constant 0 : i32
    %max3A_1761 = vector.broadcast %max3A_1760 : i32 to vector<16xi32>
    %max3A_1762 = arith.maxsi %sub3A_1759, %max3A_1761 : vector<16xi32>
    %broadcast_in_dim3A_1763 = vector.shape_cast %max3A_1762 : vector<16xi32> to vector<16x1xi32>
    %gather3A_1764 = vector.shape_cast %broadcast_in_dim3A_1763 : vector<16x1xi32> to vector<16xi32>
    %gather3A_1765 = tpu.dynamic_gather %add3A_1747[%gather3A_1764] in [0] : vector<16xi32>, vector<16xi32> -> vector<16xi32>
    %mul3A_1766 = arith.muli %gather3A_1765, %min3A_1756 : vector<16xi32>
    %add3A_1767 = arith.addi %add3A_1747, %mul3A_1766 : vector<16xi32>
    %add3A_1768 = arith.addi %add3A_1675, %add3A_1767 : vector<16xi32>
    %mul3A_1769 = arith.muli %add3A_1768, %min3A_1687 : vector<16xi32>
    %add3A_1770 = arith.constant 1 : i32
    %add3A_1771 = vector.broadcast %add3A_1770 : i32 to vector<16xi32>
    %add3A_1772 = arith.addi %mul3A_1769, %add3A_1771 : vector<16xi32>
    %swap3A_1773 = arith.constant 7 : i32
    %swap3A_1774 = arith.index_cast %swap3A_1773 : i32 to index
    %swap3A_1775 = arith.constant 16 : index
    %swap3A_1776 = tpu.vector_load %arg6[%swap3A_1774, %swap3A_1775] {strides = array<i32>} : memref<16x32xi32, #tpu.memory_space<vmem>>, vector<1x16xi32>,
    %swap3A_1777 = vector.shape_cast %swap3A_1776 : vector<1x16xi32> to vector<16xi32>
    %swap3A_1778 = vector.shape_cast %add3A_1772 : vector<16xi32> to vector<1x16xi32>
    tpu.vector_store %arg6[%swap3A_1774, %swap3A_1775], %swap3A_1778 {strides = array<i32>} : memref<16x32xi32, #tpu.memory_space<vmem>>, vector<1x16xi32>,
    %broadcast_in_dim3A_1779 = vector.shape_cast %broadcast_in_dim3A_33 : vector<16xi32> to vector<16x1xi32>
    %gather3A_1780 = vector.shape_cast %broadcast_in_dim3A_1779 : vector<16x1xi32> to vector<16xi32>
    %gather3A_1781 = tpu.dynamic_gather %add3A_1767[%gather3A_1780] in [0] : vector<16xi32>, vector<16xi32> -> vector<16xi32>
    %add3A_1782 = arith.addi %add3A_1675, %gather3A_1781 : vector<16xi32>
    %add3A_1783 = arith.constant 256 : i32
    %add3A_1784 = arith.addi %mul3A_75, %add3A_1783 : i32
    %get3A_1785 = arith.index_cast %add3A_1784 : i32 to index
    %get3A_1786 = tpu.vector_load %arg5[%get3A_1785] {strides = array<i32>} : memref<4096xi32, #tpu.memory_space<vmem>>, vector<16xi32>,
    %get3A_1787 = vector.shape_cast %get3A_1786 : vector<16xi32> to vector<16xi32>
    %sub3A_1788 = arith.constant 1 : i32
    %sub3A_1789 = vector.broadcast %sub3A_1788 : i32 to vector<16xi32>
    %sub3A_1790 = arith.subi %get3A_1787, %sub3A_1789 : vector<16xi32>
    %abs3A_1791 = math.absi %sub3A_1790 : vector<16xi32>
    %min3A_1792 = arith.constant 1 : i32
    %min3A_1793 = vector.broadcast %min3A_1792 : i32 to vector<16xi32>
    %min3A_1794 = arith.minsi %abs3A_1791, %min3A_1793 : vector<16xi32>
    %sub3A_1795 = arith.constant 0 : i32
    %sub3A_1796 = vector.broadcast %sub3A_1795 : i32 to vector<16xi32>
    %sub3A_1797 = arith.subi %iota3A, %sub3A_1796 : vector<16xi32>
    %max3A_1798 = arith.constant 0 : i32
    %max3A_1799 = vector.broadcast %max3A_1798 : i32 to vector<16xi32>
    %max3A_1800 = arith.maxsi %sub3A_1797, %max3A_1799 : vector<16xi32>
    %min3A_1801 = arith.constant 1 : i32
    %min3A_1802 = vector.broadcast %min3A_1801 : i32 to vector<16xi32>
    %min3A_1803 = arith.minsi %max3A_1800, %min3A_1802 : vector<16xi32>
    %sub3A_1804 = arith.constant 1 : i32
    %sub3A_1805 = vector.broadcast %sub3A_1804 : i32 to vector<16xi32>
    %sub3A_1806 = arith.subi %iota3A, %sub3A_1805 : vector<16xi32>
    %max3A_1807 = arith.constant 0 : i32
    %max3A_1808 = vector.broadcast %max3A_1807 : i32 to vector<16xi32>
    %max3A_1809 = arith.maxsi %sub3A_1806, %max3A_1808 : vector<16xi32>
    %broadcast_in_dim3A_1810 = vector.shape_cast %max3A_1809 : vector<16xi32> to vector<16x1xi32>
    %gather3A_1811 = vector.shape_cast %broadcast_in_dim3A_1810 : vector<16x1xi32> to vector<16xi32>
    %gather3A_1812 = tpu.dynamic_gather %min3A_1794[%gather3A_1811] in [0] : vector<16xi32>, vector<16xi32> -> vector<16xi32>
    %mul3A_1813 = arith.muli %gather3A_1812, %min3A_1803 : vector<16xi32>
    %add3A_1814 = arith.addi %min3A_1794, %mul3A_1813 : vector<16xi32>
    %sub3A_1815 = arith.constant 1 : i32
    %sub3A_1816 = vector.broadcast %sub3A_1815 : i32 to vector<16xi32>
    %sub3A_1817 = arith.subi %iota3A, %sub3A_1816 : vector<16xi32>
    %max3A_1818 = arith.constant 0 : i32
    %max3A_1819 = vector.broadcast %max3A_1818 : i32 to vector<16xi32>
    %max3A_1820 = arith.maxsi %sub3A_1817, %max3A_1819 : vector<16xi32>
    %min3A_1821 = arith.constant 1 : i32
    %min3A_1822 = vector.broadcast %min3A_1821 : i32 to vector<16xi32>
    %min3A_1823 = arith.minsi %max3A_1820, %min3A_1822 : vector<16xi32>
    %sub3A_1824 = arith.constant 2 : i32
    %sub3A_1825 = vector.broadcast %sub3A_1824 : i32 to vector<16xi32>
    %sub3A_1826 = arith.subi %iota3A, %sub3A_1825 : vector<16xi32>
    %max3A_1827 = arith.constant 0 : i32
    %max3A_1828 = vector.broadcast %max3A_1827 : i32 to vector<16xi32>
    %max3A_1829 = arith.maxsi %sub3A_1826, %max3A_1828 : vector<16xi32>
    %broadcast_in_dim3A_1830 = vector.shape_cast %max3A_1829 : vector<16xi32> to vector<16x1xi32>
    %gather3A_1831 = vector.shape_cast %broadcast_in_dim3A_1830 : vector<16x1xi32> to vector<16xi32>
    %gather3A_1832 = tpu.dynamic_gather %add3A_1814[%gather3A_1831] in [0] : vector<16xi32>, vector<16xi32> -> vector<16xi32>
    %mul3A_1833 = arith.muli %gather3A_1832, %min3A_1823 : vector<16xi32>
    %add3A_1834 = arith.addi %add3A_1814, %mul3A_1833 : vector<16xi32>
    %sub3A_1835 = arith.constant 3 : i32
    %sub3A_1836 = vector.broadcast %sub3A_1835 : i32 to vector<16xi32>
    %sub3A_1837 = arith.subi %iota3A, %sub3A_1836 : vector<16xi32>
    %max3A_1838 = arith.constant 0 : i32
    %max3A_1839 = vector.broadcast %max3A_1838 : i32 to vector<16xi32>
    %max3A_1840 = arith.maxsi %sub3A_1837, %max3A_1839 : vector<16xi32>
    %min3A_1841 = arith.constant 1 : i32
    %min3A_1842 = vector.broadcast %min3A_1841 : i32 to vector<16xi32>
    %min3A_1843 = arith.minsi %max3A_1840, %min3A_1842 : vector<16xi32>
    %sub3A_1844 = arith.constant 4 : i32
    %sub3A_1845 = vector.broadcast %sub3A_1844 : i32 to vector<16xi32>
    %sub3A_1846 = arith.subi %iota3A, %sub3A_1845 : vector<16xi32>
    %max3A_1847 = arith.constant 0 : i32
    %max3A_1848 = vector.broadcast %max3A_1847 : i32 to vector<16xi32>
    %max3A_1849 = arith.maxsi %sub3A_1846, %max3A_1848 : vector<16xi32>
    %broadcast_in_dim3A_1850 = vector.shape_cast %max3A_1849 : vector<16xi32> to vector<16x1xi32>
    %gather3A_1851 = vector.shape_cast %broadcast_in_dim3A_1850 : vector<16x1xi32> to vector<16xi32>
    %gather3A_1852 = tpu.dynamic_gather %add3A_1834[%gather3A_1851] in [0] : vector<16xi32>, vector<16xi32> -> vector<16xi32>
    %mul3A_1853 = arith.muli %gather3A_1852, %min3A_1843 : vector<16xi32>
    %add3A_1854 = arith.addi %add3A_1834, %mul3A_1853 : vector<16xi32>
    %sub3A_1855 = arith.constant 7 : i32
    %sub3A_1856 = vector.broadcast %sub3A_1855 : i32 to vector<16xi32>
    %sub3A_1857 = arith.subi %iota3A, %sub3A_1856 : vector<16xi32>
    %max3A_1858 = arith.constant 0 : i32
    %max3A_1859 = vector.broadcast %max3A_1858 : i32 to vector<16xi32>
    %max3A_1860 = arith.maxsi %sub3A_1857, %max3A_1859 : vector<16xi32>
    %min3A_1861 = arith.constant 1 : i32
    %min3A_1862 = vector.broadcast %min3A_1861 : i32 to vector<16xi32>
    %min3A_1863 = arith.minsi %max3A_1860, %min3A_1862 : vector<16xi32>
    %sub3A_1864 = arith.constant 8 : i32
    %sub3A_1865 = vector.broadcast %sub3A_1864 : i32 to vector<16xi32>
    %sub3A_1866 = arith.subi %iota3A, %sub3A_1865 : vector<16xi32>
    %max3A_1867 = arith.constant 0 : i32
    %max3A_1868 = vector.broadcast %max3A_1867 : i32 to vector<16xi32>
    %max3A_1869 = arith.maxsi %sub3A_1866, %max3A_1868 : vector<16xi32>
    %broadcast_in_dim3A_1870 = vector.shape_cast %max3A_1869 : vector<16xi32> to vector<16x1xi32>
    %gather3A_1871 = vector.shape_cast %broadcast_in_dim3A_1870 : vector<16x1xi32> to vector<16xi32>
    %gather3A_1872 = tpu.dynamic_gather %add3A_1854[%gather3A_1871] in [0] : vector<16xi32>, vector<16xi32> -> vector<16xi32>
    %mul3A_1873 = arith.muli %gather3A_1872, %min3A_1863 : vector<16xi32>
    %add3A_1874 = arith.addi %add3A_1854, %mul3A_1873 : vector<16xi32>
    %add3A_1875 = arith.addi %add3A_1782, %add3A_1874 : vector<16xi32>
    %mul3A_1876 = arith.muli %add3A_1875, %min3A_1794 : vector<16xi32>
    %add3A_1877 = arith.constant 1 : i32
    %add3A_1878 = vector.broadcast %add3A_1877 : i32 to vector<16xi32>
    %add3A_1879 = arith.addi %mul3A_1876, %add3A_1878 : vector<16xi32>
    %swap3A_1880 = arith.constant 8 : i32
    %swap3A_1881 = arith.index_cast %swap3A_1880 : i32 to index
    %swap3A_1882 = arith.constant 0 : index
    %swap3A_1883 = tpu.vector_load %arg6[%swap3A_1881, %swap3A_1882] {strides = array<i32>} : memref<16x32xi32, #tpu.memory_space<vmem>>, vector<1x16xi32>,
    %swap3A_1884 = vector.shape_cast %swap3A_1883 : vector<1x16xi32> to vector<16xi32>
    %swap3A_1885 = vector.shape_cast %add3A_1879 : vector<16xi32> to vector<1x16xi32>
    tpu.vector_store %arg6[%swap3A_1881, %swap3A_1882], %swap3A_1885 {strides = array<i32>} : memref<16x32xi32, #tpu.memory_space<vmem>>, vector<1x16xi32>,
    %broadcast_in_dim3A_1886 = vector.shape_cast %broadcast_in_dim3A_33 : vector<16xi32> to vector<16x1xi32>
    %gather3A_1887 = vector.shape_cast %broadcast_in_dim3A_1886 : vector<16x1xi32> to vector<16xi32>
    %gather3A_1888 = tpu.dynamic_gather %add3A_1874[%gather3A_1887] in [0] : vector<16xi32>, vector<16xi32> -> vector<16xi32>
    %add3A_1889 = arith.addi %add3A_1782, %gather3A_1888 : vector<16xi32>
    %add3A_1890 = arith.constant 272 : i32
    %add3A_1891 = arith.addi %mul3A_75, %add3A_1890 : i32
    %get3A_1892 = arith.index_cast %add3A_1891 : i32 to index
    %get3A_1893 = tpu.vector_load %arg5[%get3A_1892] {strides = array<i32>} : memref<4096xi32, #tpu.memory_space<vmem>>, vector<16xi32>,
    %get3A_1894 = vector.shape_cast %get3A_1893 : vector<16xi32> to vector<16xi32>
    %sub3A_1895 = arith.constant 1 : i32
    %sub3A_1896 = vector.broadcast %sub3A_1895 : i32 to vector<16xi32>
    %sub3A_1897 = arith.subi %get3A_1894, %sub3A_1896 : vector<16xi32>
    %abs3A_1898 = math.absi %sub3A_1897 : vector<16xi32>
    %min3A_1899 = arith.constant 1 : i32
    %min3A_1900 = vector.broadcast %min3A_1899 : i32 to vector<16xi32>
    %min3A_1901 = arith.minsi %abs3A_1898, %min3A_1900 : vector<16xi32>
    %sub3A_1902 = arith.constant 0 : i32
    %sub3A_1903 = vector.broadcast %sub3A_1902 : i32 to vector<16xi32>
    %sub3A_1904 = arith.subi %iota3A, %sub3A_1903 : vector<16xi32>
    %max3A_1905 = arith.constant 0 : i32
    %max3A_1906 = vector.broadcast %max3A_1905 : i32 to vector<16xi32>
    %max3A_1907 = arith.maxsi %sub3A_1904, %max3A_1906 : vector<16xi32>
    %min3A_1908 = arith.constant 1 : i32
    %min3A_1909 = vector.broadcast %min3A_1908 : i32 to vector<16xi32>
    %min3A_1910 = arith.minsi %max3A_1907, %min3A_1909 : vector<16xi32>
    %sub3A_1911 = arith.constant 1 : i32
    %sub3A_1912 = vector.broadcast %sub3A_1911 : i32 to vector<16xi32>
    %sub3A_1913 = arith.subi %iota3A, %sub3A_1912 : vector<16xi32>
    %max3A_1914 = arith.constant 0 : i32
    %max3A_1915 = vector.broadcast %max3A_1914 : i32 to vector<16xi32>
    %max3A_1916 = arith.maxsi %sub3A_1913, %max3A_1915 : vector<16xi32>
    %broadcast_in_dim3A_1917 = vector.shape_cast %max3A_1916 : vector<16xi32> to vector<16x1xi32>
    %gather3A_1918 = vector.shape_cast %broadcast_in_dim3A_1917 : vector<16x1xi32> to vector<16xi32>
    %gather3A_1919 = tpu.dynamic_gather %min3A_1901[%gather3A_1918] in [0] : vector<16xi32>, vector<16xi32> -> vector<16xi32>
    %mul3A_1920 = arith.muli %gather3A_1919, %min3A_1910 : vector<16xi32>
    %add3A_1921 = arith.addi %min3A_1901, %mul3A_1920 : vector<16xi32>
    %sub3A_1922 = arith.constant 1 : i32
    %sub3A_1923 = vector.broadcast %sub3A_1922 : i32 to vector<16xi32>
    %sub3A_1924 = arith.subi %iota3A, %sub3A_1923 : vector<16xi32>
    %max3A_1925 = arith.constant 0 : i32
    %max3A_1926 = vector.broadcast %max3A_1925 : i32 to vector<16xi32>
    %max3A_1927 = arith.maxsi %sub3A_1924, %max3A_1926 : vector<16xi32>
    %min3A_1928 = arith.constant 1 : i32
    %min3A_1929 = vector.broadcast %min3A_1928 : i32 to vector<16xi32>
    %min3A_1930 = arith.minsi %max3A_1927, %min3A_1929 : vector<16xi32>
    %sub3A_1931 = arith.constant 2 : i32
    %sub3A_1932 = vector.broadcast %sub3A_1931 : i32 to vector<16xi32>
    %sub3A_1933 = arith.subi %iota3A, %sub3A_1932 : vector<16xi32>
    %max3A_1934 = arith.constant 0 : i32
    %max3A_1935 = vector.broadcast %max3A_1934 : i32 to vector<16xi32>
    %max3A_1936 = arith.maxsi %sub3A_1933, %max3A_1935 : vector<16xi32>
    %broadcast_in_dim3A_1937 = vector.shape_cast %max3A_1936 : vector<16xi32> to vector<16x1xi32>
    %gather3A_1938 = vector.shape_cast %broadcast_in_dim3A_1937 : vector<16x1xi32> to vector<16xi32>
    %gather3A_1939 = tpu.dynamic_gather %add3A_1921[%gather3A_1938] in [0] : vector<16xi32>, vector<16xi32> -> vector<16xi32>
    %mul3A_1940 = arith.muli %gather3A_1939, %min3A_1930 : vector<16xi32>
    %add3A_1941 = arith.addi %add3A_1921, %mul3A_1940 : vector<16xi32>
    %sub3A_1942 = arith.constant 3 : i32
    %sub3A_1943 = vector.broadcast %sub3A_1942 : i32 to vector<16xi32>
    %sub3A_1944 = arith.subi %iota3A, %sub3A_1943 : vector<16xi32>
    %max3A_1945 = arith.constant 0 : i32
    %max3A_1946 = vector.broadcast %max3A_1945 : i32 to vector<16xi32>
    %max3A_1947 = arith.maxsi %sub3A_1944, %max3A_1946 : vector<16xi32>
    %min3A_1948 = arith.constant 1 : i32
    %min3A_1949 = vector.broadcast %min3A_1948 : i32 to vector<16xi32>
    %min3A_1950 = arith.minsi %max3A_1947, %min3A_1949 : vector<16xi32>
    %sub3A_1951 = arith.constant 4 : i32
    %sub3A_1952 = vector.broadcast %sub3A_1951 : i32 to vector<16xi32>
    %sub3A_1953 = arith.subi %iota3A, %sub3A_1952 : vector<16xi32>
    %max3A_1954 = arith.constant 0 : i32
    %max3A_1955 = vector.broadcast %max3A_1954 : i32 to vector<16xi32>
    %max3A_1956 = arith.maxsi %sub3A_1953, %max3A_1955 : vector<16xi32>
    %broadcast_in_dim3A_1957 = vector.shape_cast %max3A_1956 : vector<16xi32> to vector<16x1xi32>
    %gather3A_1958 = vector.shape_cast %broadcast_in_dim3A_1957 : vector<16x1xi32> to vector<16xi32>
    %gather3A_1959 = tpu.dynamic_gather %add3A_1941[%gather3A_1958] in [0] : vector<16xi32>, vector<16xi32> -> vector<16xi32>
    %mul3A_1960 = arith.muli %gather3A_1959, %min3A_1950 : vector<16xi32>
    %add3A_1961 = arith.addi %add3A_1941, %mul3A_1960 : vector<16xi32>
    %sub3A_1962 = arith.constant 7 : i32
    %sub3A_1963 = vector.broadcast %sub3A_1962 : i32 to vector<16xi32>
    %sub3A_1964 = arith.subi %iota3A, %sub3A_1963 : vector<16xi32>
    %max3A_1965 = arith.constant 0 : i32
    %max3A_1966 = vector.broadcast %max3A_1965 : i32 to vector<16xi32>
    %max3A_1967 = arith.maxsi %sub3A_1964, %max3A_1966 : vector<16xi32>
    %min3A_1968 = arith.constant 1 : i32
    %min3A_1969 = vector.broadcast %min3A_1968 : i32 to vector<16xi32>
    %min3A_1970 = arith.minsi %max3A_1967, %min3A_1969 : vector<16xi32>
    %sub3A_1971 = arith.constant 8 : i32
    %sub3A_1972 = vector.broadcast %sub3A_1971 : i32 to vector<16xi32>
    %sub3A_1973 = arith.subi %iota3A, %sub3A_1972 : vector<16xi32>
    %max3A_1974 = arith.constant 0 : i32
    %max3A_1975 = vector.broadcast %max3A_1974 : i32 to vector<16xi32>
    %max3A_1976 = arith.maxsi %sub3A_1973, %max3A_1975 : vector<16xi32>
    %broadcast_in_dim3A_1977 = vector.shape_cast %max3A_1976 : vector<16xi32> to vector<16x1xi32>
    %gather3A_1978 = vector.shape_cast %broadcast_in_dim3A_1977 : vector<16x1xi32> to vector<16xi32>
    %gather3A_1979 = tpu.dynamic_gather %add3A_1961[%gather3A_1978] in [0] : vector<16xi32>, vector<16xi32> -> vector<16xi32>
    %mul3A_1980 = arith.muli %gather3A_1979, %min3A_1970 : vector<16xi32>
    %add3A_1981 = arith.addi %add3A_1961, %mul3A_1980 : vector<16xi32>
    %add3A_1982 = arith.addi %add3A_1889, %add3A_1981 : vector<16xi32>
    %mul3A_1983 = arith.muli %add3A_1982, %min3A_1901 : vector<16xi32>
    %add3A_1984 = arith.constant 1 : i32
    %add3A_1985 = vector.broadcast %add3A_1984 : i32 to vector<16xi32>
    %add3A_1986 = arith.addi %mul3A_1983, %add3A_1985 : vector<16xi32>
    %swap3A_1987 = arith.constant 8 : i32
    %swap3A_1988 = arith.index_cast %swap3A_1987 : i32 to index
    %swap3A_1989 = arith.constant 16 : index
    %swap3A_1990 = tpu.vector_load %arg6[%swap3A_1988, %swap3A_1989] {strides = array<i32>} : memref<16x32xi32, #tpu.memory_space<vmem>>, vector<1x16xi32>,
    %swap3A_1991 = vector.shape_cast %swap3A_1990 : vector<1x16xi32> to vector<16xi32>
    %swap3A_1992 = vector.shape_cast %add3A_1986 : vector<16xi32> to vector<1x16xi32>
    tpu.vector_store %arg6[%swap3A_1988, %swap3A_1989], %swap3A_1992 {strides = array<i32>} : memref<16x32xi32, #tpu.memory_space<vmem>>, vector<1x16xi32>,
    %broadcast_in_dim3A_1993 = vector.shape_cast %broadcast_in_dim3A_33 : vector<16xi32> to vector<16x1xi32>
    %gather3A_1994 = vector.shape_cast %broadcast_in_dim3A_1993 : vector<16x1xi32> to vector<16xi32>
    %gather3A_1995 = tpu.dynamic_gather %add3A_1981[%gather3A_1994] in [0] : vector<16xi32>, vector<16xi32> -> vector<16xi32>
    %add3A_1996 = arith.addi %add3A_1889, %gather3A_1995 : vector<16xi32>
    %add3A_1997 = arith.constant 288 : i32
    %add3A_1998 = arith.addi %mul3A_75, %add3A_1997 : i32
    %get3A_1999 = arith.index_cast %add3A_1998 : i32 to index
    %get3A_2000 = tpu.vector_load %arg5[%get3A_1999] {strides = array<i32>} : memref<4096xi32, #tpu.memory_space<vmem>>, vector<16xi32>,
    %get3A_2001 = vector.shape_cast %get3A_2000 : vector<16xi32> to vector<16xi32>
    %sub3A_2002 = arith.constant 1 : i32
    %sub3A_2003 = vector.broadcast %sub3A_2002 : i32 to vector<16xi32>
    %sub3A_2004 = arith.subi %get3A_2001, %sub3A_2003 : vector<16xi32>
    %abs3A_2005 = math.absi %sub3A_2004 : vector<16xi32>
    %min3A_2006 = arith.constant 1 : i32
    %min3A_2007 = vector.broadcast %min3A_2006 : i32 to vector<16xi32>
    %min3A_2008 = arith.minsi %abs3A_2005, %min3A_2007 : vector<16xi32>
    %sub3A_2009 = arith.constant 0 : i32
    %sub3A_2010 = vector.broadcast %sub3A_2009 : i32 to vector<16xi32>
    %sub3A_2011 = arith.subi %iota3A, %sub3A_2010 : vector<16xi32>
    %max3A_2012 = arith.constant 0 : i32
    %max3A_2013 = vector.broadcast %max3A_2012 : i32 to vector<16xi32>
    %max3A_2014 = arith.maxsi %sub3A_2011, %max3A_2013 : vector<16xi32>
    %min3A_2015 = arith.constant 1 : i32
    %min3A_2016 = vector.broadcast %min3A_2015 : i32 to vector<16xi32>
    %min3A_2017 = arith.minsi %max3A_2014, %min3A_2016 : vector<16xi32>
    %sub3A_2018 = arith.constant 1 : i32
    %sub3A_2019 = vector.broadcast %sub3A_2018 : i32 to vector<16xi32>
    %sub3A_2020 = arith.subi %iota3A, %sub3A_2019 : vector<16xi32>
    %max3A_2021 = arith.constant 0 : i32
    %max3A_2022 = vector.broadcast %max3A_2021 : i32 to vector<16xi32>
    %max3A_2023 = arith.maxsi %sub3A_2020, %max3A_2022 : vector<16xi32>
    %broadcast_in_dim3A_2024 = vector.shape_cast %max3A_2023 : vector<16xi32> to vector<16x1xi32>
    %gather3A_2025 = vector.shape_cast %broadcast_in_dim3A_2024 : vector<16x1xi32> to vector<16xi32>
    %gather3A_2026 = tpu.dynamic_gather %min3A_2008[%gather3A_2025] in [0] : vector<16xi32>, vector<16xi32> -> vector<16xi32>
    %mul3A_2027 = arith.muli %gather3A_2026, %min3A_2017 : vector<16xi32>
    %add3A_2028 = arith.addi %min3A_2008, %mul3A_2027 : vector<16xi32>
    %sub3A_2029 = arith.constant 1 : i32
    %sub3A_2030 = vector.broadcast %sub3A_2029 : i32 to vector<16xi32>
    %sub3A_2031 = arith.subi %iota3A, %sub3A_2030 : vector<16xi32>
    %max3A_2032 = arith.constant 0 : i32
    %max3A_2033 = vector.broadcast %max3A_2032 : i32 to vector<16xi32>
    %max3A_2034 = arith.maxsi %sub3A_2031, %max3A_2033 : vector<16xi32>
    %min3A_2035 = arith.constant 1 : i32
    %min3A_2036 = vector.broadcast %min3A_2035 : i32 to vector<16xi32>
    %min3A_2037 = arith.minsi %max3A_2034, %min3A_2036 : vector<16xi32>
    %sub3A_2038 = arith.constant 2 : i32
    %sub3A_2039 = vector.broadcast %sub3A_2038 : i32 to vector<16xi32>
    %sub3A_2040 = arith.subi %iota3A, %sub3A_2039 : vector<16xi32>
    %max3A_2041 = arith.constant 0 : i32
    %max3A_2042 = vector.broadcast %max3A_2041 : i32 to vector<16xi32>
    %max3A_2043 = arith.maxsi %sub3A_2040, %max3A_2042 : vector<16xi32>
    %broadcast_in_dim3A_2044 = vector.shape_cast %max3A_2043 : vector<16xi32> to vector<16x1xi32>
    %gather3A_2045 = vector.shape_cast %broadcast_in_dim3A_2044 : vector<16x1xi32> to vector<16xi32>
    %gather3A_2046 = tpu.dynamic_gather %add3A_2028[%gather3A_2045] in [0] : vector<16xi32>, vector<16xi32> -> vector<16xi32>
    %mul3A_2047 = arith.muli %gather3A_2046, %min3A_2037 : vector<16xi32>
    %add3A_2048 = arith.addi %add3A_2028, %mul3A_2047 : vector<16xi32>
    %sub3A_2049 = arith.constant 3 : i32
    %sub3A_2050 = vector.broadcast %sub3A_2049 : i32 to vector<16xi32>
    %sub3A_2051 = arith.subi %iota3A, %sub3A_2050 : vector<16xi32>
    %max3A_2052 = arith.constant 0 : i32
    %max3A_2053 = vector.broadcast %max3A_2052 : i32 to vector<16xi32>
    %max3A_2054 = arith.maxsi %sub3A_2051, %max3A_2053 : vector<16xi32>
    %min3A_2055 = arith.constant 1 : i32
    %min3A_2056 = vector.broadcast %min3A_2055 : i32 to vector<16xi32>
    %min3A_2057 = arith.minsi %max3A_2054, %min3A_2056 : vector<16xi32>
    %sub3A_2058 = arith.constant 4 : i32
    %sub3A_2059 = vector.broadcast %sub3A_2058 : i32 to vector<16xi32>
    %sub3A_2060 = arith.subi %iota3A, %sub3A_2059 : vector<16xi32>
    %max3A_2061 = arith.constant 0 : i32
    %max3A_2062 = vector.broadcast %max3A_2061 : i32 to vector<16xi32>
    %max3A_2063 = arith.maxsi %sub3A_2060, %max3A_2062 : vector<16xi32>
    %broadcast_in_dim3A_2064 = vector.shape_cast %max3A_2063 : vector<16xi32> to vector<16x1xi32>
    %gather3A_2065 = vector.shape_cast %broadcast_in_dim3A_2064 : vector<16x1xi32> to vector<16xi32>
    %gather3A_2066 = tpu.dynamic_gather %add3A_2048[%gather3A_2065] in [0] : vector<16xi32>, vector<16xi32> -> vector<16xi32>
    %mul3A_2067 = arith.muli %gather3A_2066, %min3A_2057 : vector<16xi32>
    %add3A_2068 = arith.addi %add3A_2048, %mul3A_2067 : vector<16xi32>
    %sub3A_2069 = arith.constant 7 : i32
    %sub3A_2070 = vector.broadcast %sub3A_2069 : i32 to vector<16xi32>
    %sub3A_2071 = arith.subi %iota3A, %sub3A_2070 : vector<16xi32>
    %max3A_2072 = arith.constant 0 : i32
    %max3A_2073 = vector.broadcast %max3A_2072 : i32 to vector<16xi32>
    %max3A_2074 = arith.maxsi %sub3A_2071, %max3A_2073 : vector<16xi32>
    %min3A_2075 = arith.constant 1 : i32
    %min3A_2076 = vector.broadcast %min3A_2075 : i32 to vector<16xi32>
    %min3A_2077 = arith.minsi %max3A_2074, %min3A_2076 : vector<16xi32>
    %sub3A_2078 = arith.constant 8 : i32
    %sub3A_2079 = vector.broadcast %sub3A_2078 : i32 to vector<16xi32>
    %sub3A_2080 = arith.subi %iota3A, %sub3A_2079 : vector<16xi32>
    %max3A_2081 = arith.constant 0 : i32
    %max3A_2082 = vector.broadcast %max3A_2081 : i32 to vector<16xi32>
    %max3A_2083 = arith.maxsi %sub3A_2080, %max3A_2082 : vector<16xi32>
    %broadcast_in_dim3A_2084 = vector.shape_cast %max3A_2083 : vector<16xi32> to vector<16x1xi32>
    %gather3A_2085 = vector.shape_cast %broadcast_in_dim3A_2084 : vector<16x1xi32> to vector<16xi32>
    %gather3A_2086 = tpu.dynamic_gather %add3A_2068[%gather3A_2085] in [0] : vector<16xi32>, vector<16xi32> -> vector<16xi32>
    %mul3A_2087 = arith.muli %gather3A_2086, %min3A_2077 : vector<16xi32>
    %add3A_2088 = arith.addi %add3A_2068, %mul3A_2087 : vector<16xi32>
    %add3A_2089 = arith.addi %add3A_1996, %add3A_2088 : vector<16xi32>
    %mul3A_2090 = arith.muli %add3A_2089, %min3A_2008 : vector<16xi32>
    %add3A_2091 = arith.constant 1 : i32
    %add3A_2092 = vector.broadcast %add3A_2091 : i32 to vector<16xi32>
    %add3A_2093 = arith.addi %mul3A_2090, %add3A_2092 : vector<16xi32>
    %swap3A_2094 = arith.constant 9 : i32
    %swap3A_2095 = arith.index_cast %swap3A_2094 : i32 to index
    %swap3A_2096 = arith.constant 0 : index
    %swap3A_2097 = tpu.vector_load %arg6[%swap3A_2095, %swap3A_2096] {strides = array<i32>} : memref<16x32xi32, #tpu.memory_space<vmem>>, vector<1x16xi32>,
    %swap3A_2098 = vector.shape_cast %swap3A_2097 : vector<1x16xi32> to vector<16xi32>
    %swap3A_2099 = vector.shape_cast %add3A_2093 : vector<16xi32> to vector<1x16xi32>
    tpu.vector_store %arg6[%swap3A_2095, %swap3A_2096], %swap3A_2099 {strides = array<i32>} : memref<16x32xi32, #tpu.memory_space<vmem>>, vector<1x16xi32>,
    %broadcast_in_dim3A_2100 = vector.shape_cast %broadcast_in_dim3A_33 : vector<16xi32> to vector<16x1xi32>
    %gather3A_2101 = vector.shape_cast %broadcast_in_dim3A_2100 : vector<16x1xi32> to vector<16xi32>
    %gather3A_2102 = tpu.dynamic_gather %add3A_2088[%gather3A_2101] in [0] : vector<16xi32>, vector<16xi32> -> vector<16xi32>
    %add3A_2103 = arith.addi %add3A_1996, %gather3A_2102 : vector<16xi32>
    %add3A_2104 = arith.constant 304 : i32
    %add3A_2105 = arith.addi %mul3A_75, %add3A_2104 : i32
    %get3A_2106 = arith.index_cast %add3A_2105 : i32 to index
    %get3A_2107 = tpu.vector_load %arg5[%get3A_2106] {strides = array<i32>} : memref<4096xi32, #tpu.memory_space<vmem>>, vector<16xi32>,
    %get3A_2108 = vector.shape_cast %get3A_2107 : vector<16xi32> to vector<16xi32>
    %sub3A_2109 = arith.constant 1 : i32
    %sub3A_2110 = vector.broadcast %sub3A_2109 : i32 to vector<16xi32>
    %sub3A_2111 = arith.subi %get3A_2108, %sub3A_2110 : vector<16xi32>
    %abs3A_2112 = math.absi %sub3A_2111 : vector<16xi32>
    %min3A_2113 = arith.constant 1 : i32
    %min3A_2114 = vector.broadcast %min3A_2113 : i32 to vector<16xi32>
    %min3A_2115 = arith.minsi %abs3A_2112, %min3A_2114 : vector<16xi32>
    %sub3A_2116 = arith.constant 0 : i32
    %sub3A_2117 = vector.broadcast %sub3A_2116 : i32 to vector<16xi32>
    %sub3A_2118 = arith.subi %iota3A, %sub3A_2117 : vector<16xi32>
    %max3A_2119 = arith.constant 0 : i32
    %max3A_2120 = vector.broadcast %max3A_2119 : i32 to vector<16xi32>
    %max3A_2121 = arith.maxsi %sub3A_2118, %max3A_2120 : vector<16xi32>
    %min3A_2122 = arith.constant 1 : i32
    %min3A_2123 = vector.broadcast %min3A_2122 : i32 to vector<16xi32>
    %min3A_2124 = arith.minsi %max3A_2121, %min3A_2123 : vector<16xi32>
    %sub3A_2125 = arith.constant 1 : i32
    %sub3A_2126 = vector.broadcast %sub3A_2125 : i32 to vector<16xi32>
    %sub3A_2127 = arith.subi %iota3A, %sub3A_2126 : vector<16xi32>
    %max3A_2128 = arith.constant 0 : i32
    %max3A_2129 = vector.broadcast %max3A_2128 : i32 to vector<16xi32>
    %max3A_2130 = arith.maxsi %sub3A_2127, %max3A_2129 : vector<16xi32>
    %broadcast_in_dim3A_2131 = vector.shape_cast %max3A_2130 : vector<16xi32> to vector<16x1xi32>
    %gather3A_2132 = vector.shape_cast %broadcast_in_dim3A_2131 : vector<16x1xi32> to vector<16xi32>
    %gather3A_2133 = tpu.dynamic_gather %min3A_2115[%gather3A_2132] in [0] : vector<16xi32>, vector<16xi32> -> vector<16xi32>
    %mul3A_2134 = arith.muli %gather3A_2133, %min3A_2124 : vector<16xi32>
    %add3A_2135 = arith.addi %min3A_2115, %mul3A_2134 : vector<16xi32>
    %sub3A_2136 = arith.constant 1 : i32
    %sub3A_2137 = vector.broadcast %sub3A_2136 : i32 to vector<16xi32>
    %sub3A_2138 = arith.subi %iota3A, %sub3A_2137 : vector<16xi32>
    %max3A_2139 = arith.constant 0 : i32
    %max3A_2140 = vector.broadcast %max3A_2139 : i32 to vector<16xi32>
    %max3A_2141 = arith.maxsi %sub3A_2138, %max3A_2140 : vector<16xi32>
    %min3A_2142 = arith.constant 1 : i32
    %min3A_2143 = vector.broadcast %min3A_2142 : i32 to vector<16xi32>
    %min3A_2144 = arith.minsi %max3A_2141, %min3A_2143 : vector<16xi32>
    %sub3A_2145 = arith.constant 2 : i32
    %sub3A_2146 = vector.broadcast %sub3A_2145 : i32 to vector<16xi32>
    %sub3A_2147 = arith.subi %iota3A, %sub3A_2146 : vector<16xi32>
    %max3A_2148 = arith.constant 0 : i32
    %max3A_2149 = vector.broadcast %max3A_2148 : i32 to vector<16xi32>
    %max3A_2150 = arith.maxsi %sub3A_2147, %max3A_2149 : vector<16xi32>
    %broadcast_in_dim3A_2151 = vector.shape_cast %max3A_2150 : vector<16xi32> to vector<16x1xi32>
    %gather3A_2152 = vector.shape_cast %broadcast_in_dim3A_2151 : vector<16x1xi32> to vector<16xi32>
    %gather3A_2153 = tpu.dynamic_gather %add3A_2135[%gather3A_2152] in [0] : vector<16xi32>, vector<16xi32> -> vector<16xi32>
    %mul3A_2154 = arith.muli %gather3A_2153, %min3A_2144 : vector<16xi32>
    %add3A_2155 = arith.addi %add3A_2135, %mul3A_2154 : vector<16xi32>
    %sub3A_2156 = arith.constant 3 : i32
    %sub3A_2157 = vector.broadcast %sub3A_2156 : i32 to vector<16xi32>
    %sub3A_2158 = arith.subi %iota3A, %sub3A_2157 : vector<16xi32>
    %max3A_2159 = arith.constant 0 : i32
    %max3A_2160 = vector.broadcast %max3A_2159 : i32 to vector<16xi32>
    %max3A_2161 = arith.maxsi %sub3A_2158, %max3A_2160 : vector<16xi32>
    %min3A_2162 = arith.constant 1 : i32
    %min3A_2163 = vector.broadcast %min3A_2162 : i32 to vector<16xi32>
    %min3A_2164 = arith.minsi %max3A_2161, %min3A_2163 : vector<16xi32>
    %sub3A_2165 = arith.constant 4 : i32
    %sub3A_2166 = vector.broadcast %sub3A_2165 : i32 to vector<16xi32>
    %sub3A_2167 = arith.subi %iota3A, %sub3A_2166 : vector<16xi32>
    %max3A_2168 = arith.constant 0 : i32
    %max3A_2169 = vector.broadcast %max3A_2168 : i32 to vector<16xi32>
    %max3A_2170 = arith.maxsi %sub3A_2167, %max3A_2169 : vector<16xi32>
    %broadcast_in_dim3A_2171 = vector.shape_cast %max3A_2170 : vector<16xi32> to vector<16x1xi32>
    %gather3A_2172 = vector.shape_cast %broadcast_in_dim3A_2171 : vector<16x1xi32> to vector<16xi32>
    %gather3A_2173 = tpu.dynamic_gather %add3A_2155[%gather3A_2172] in [0] : vector<16xi32>, vector<16xi32> -> vector<16xi32>
    %mul3A_2174 = arith.muli %gather3A_2173, %min3A_2164 : vector<16xi32>
    %add3A_2175 = arith.addi %add3A_2155, %mul3A_2174 : vector<16xi32>
    %sub3A_2176 = arith.constant 7 : i32
    %sub3A_2177 = vector.broadcast %sub3A_2176 : i32 to vector<16xi32>
    %sub3A_2178 = arith.subi %iota3A, %sub3A_2177 : vector<16xi32>
    %max3A_2179 = arith.constant 0 : i32
    %max3A_2180 = vector.broadcast %max3A_2179 : i32 to vector<16xi32>
    %max3A_2181 = arith.maxsi %sub3A_2178, %max3A_2180 : vector<16xi32>
    %min3A_2182 = arith.constant 1 : i32
    %min3A_2183 = vector.broadcast %min3A_2182 : i32 to vector<16xi32>
    %min3A_2184 = arith.minsi %max3A_2181, %min3A_2183 : vector<16xi32>
    %sub3A_2185 = arith.constant 8 : i32
    %sub3A_2186 = vector.broadcast %sub3A_2185 : i32 to vector<16xi32>
    %sub3A_2187 = arith.subi %iota3A, %sub3A_2186 : vector<16xi32>
    %max3A_2188 = arith.constant 0 : i32
    %max3A_2189 = vector.broadcast %max3A_2188 : i32 to vector<16xi32>
    %max3A_2190 = arith.maxsi %sub3A_2187, %max3A_2189 : vector<16xi32>
    %broadcast_in_dim3A_2191 = vector.shape_cast %max3A_2190 : vector<16xi32> to vector<16x1xi32>
    %gather3A_2192 = vector.shape_cast %broadcast_in_dim3A_2191 : vector<16x1xi32> to vector<16xi32>
    %gather3A_2193 = tpu.dynamic_gather %add3A_2175[%gather3A_2192] in [0] : vector<16xi32>, vector<16xi32> -> vector<16xi32>
    %mul3A_2194 = arith.muli %gather3A_2193, %min3A_2184 : vector<16xi32>
    %add3A_2195 = arith.addi %add3A_2175, %mul3A_2194 : vector<16xi32>
    %add3A_2196 = arith.addi %add3A_2103, %add3A_2195 : vector<16xi32>
    %mul3A_2197 = arith.muli %add3A_2196, %min3A_2115 : vector<16xi32>
    %add3A_2198 = arith.constant 1 : i32
    %add3A_2199 = vector.broadcast %add3A_2198 : i32 to vector<16xi32>
    %add3A_2200 = arith.addi %mul3A_2197, %add3A_2199 : vector<16xi32>
    %swap3A_2201 = arith.constant 9 : i32
    %swap3A_2202 = arith.index_cast %swap3A_2201 : i32 to index
    %swap3A_2203 = arith.constant 16 : index
    %swap3A_2204 = tpu.vector_load %arg6[%swap3A_2202, %swap3A_2203] {strides = array<i32>} : memref<16x32xi32, #tpu.memory_space<vmem>>, vector<1x16xi32>,
    %swap3A_2205 = vector.shape_cast %swap3A_2204 : vector<1x16xi32> to vector<16xi32>
    %swap3A_2206 = vector.shape_cast %add3A_2200 : vector<16xi32> to vector<1x16xi32>
    tpu.vector_store %arg6[%swap3A_2202, %swap3A_2203], %swap3A_2206 {strides = array<i32>} : memref<16x32xi32, #tpu.memory_space<vmem>>, vector<1x16xi32>,
    %broadcast_in_dim3A_2207 = vector.shape_cast %broadcast_in_dim3A_33 : vector<16xi32> to vector<16x1xi32>
    %gather3A_2208 = vector.shape_cast %broadcast_in_dim3A_2207 : vector<16x1xi32> to vector<16xi32>
    %gather3A_2209 = tpu.dynamic_gather %add3A_2195[%gather3A_2208] in [0] : vector<16xi32>, vector<16xi32> -> vector<16xi32>
    %add3A_2210 = arith.addi %add3A_2103, %gather3A_2209 : vector<16xi32>
    %add3A_2211 = arith.constant 320 : i32
    %add3A_2212 = arith.addi %mul3A_75, %add3A_2211 : i32
    %get3A_2213 = arith.index_cast %add3A_2212 : i32 to index
    %get3A_2214 = tpu.vector_load %arg5[%get3A_2213] {strides = array<i32>} : memref<4096xi32, #tpu.memory_space<vmem>>, vector<16xi32>,
    %get3A_2215 = vector.shape_cast %get3A_2214 : vector<16xi32> to vector<16xi32>
    %sub3A_2216 = arith.constant 1 : i32
    %sub3A_2217 = vector.broadcast %sub3A_2216 : i32 to vector<16xi32>
    %sub3A_2218 = arith.subi %get3A_2215, %sub3A_2217 : vector<16xi32>
    %abs3A_2219 = math.absi %sub3A_2218 : vector<16xi32>
    %min3A_2220 = arith.constant 1 : i32
    %min3A_2221 = vector.broadcast %min3A_2220 : i32 to vector<16xi32>
    %min3A_2222 = arith.minsi %abs3A_2219, %min3A_2221 : vector<16xi32>
    %sub3A_2223 = arith.constant 0 : i32
    %sub3A_2224 = vector.broadcast %sub3A_2223 : i32 to vector<16xi32>
    %sub3A_2225 = arith.subi %iota3A, %sub3A_2224 : vector<16xi32>
    %max3A_2226 = arith.constant 0 : i32
    %max3A_2227 = vector.broadcast %max3A_2226 : i32 to vector<16xi32>
    %max3A_2228 = arith.maxsi %sub3A_2225, %max3A_2227 : vector<16xi32>
    %min3A_2229 = arith.constant 1 : i32
    %min3A_2230 = vector.broadcast %min3A_2229 : i32 to vector<16xi32>
    %min3A_2231 = arith.minsi %max3A_2228, %min3A_2230 : vector<16xi32>
    %sub3A_2232 = arith.constant 1 : i32
    %sub3A_2233 = vector.broadcast %sub3A_2232 : i32 to vector<16xi32>
    %sub3A_2234 = arith.subi %iota3A, %sub3A_2233 : vector<16xi32>
    %max3A_2235 = arith.constant 0 : i32
    %max3A_2236 = vector.broadcast %max3A_2235 : i32 to vector<16xi32>
    %max3A_2237 = arith.maxsi %sub3A_2234, %max3A_2236 : vector<16xi32>
    %broadcast_in_dim3A_2238 = vector.shape_cast %max3A_2237 : vector<16xi32> to vector<16x1xi32>
    %gather3A_2239 = vector.shape_cast %broadcast_in_dim3A_2238 : vector<16x1xi32> to vector<16xi32>
    %gather3A_2240 = tpu.dynamic_gather %min3A_2222[%gather3A_2239] in [0] : vector<16xi32>, vector<16xi32> -> vector<16xi32>
    %mul3A_2241 = arith.muli %gather3A_2240, %min3A_2231 : vector<16xi32>
    %add3A_2242 = arith.addi %min3A_2222, %mul3A_2241 : vector<16xi32>
    %sub3A_2243 = arith.constant 1 : i32
    %sub3A_2244 = vector.broadcast %sub3A_2243 : i32 to vector<16xi32>
    %sub3A_2245 = arith.subi %iota3A, %sub3A_2244 : vector<16xi32>
    %max3A_2246 = arith.constant 0 : i32
    %max3A_2247 = vector.broadcast %max3A_2246 : i32 to vector<16xi32>
    %max3A_2248 = arith.maxsi %sub3A_2245, %max3A_2247 : vector<16xi32>
    %min3A_2249 = arith.constant 1 : i32
    %min3A_2250 = vector.broadcast %min3A_2249 : i32 to vector<16xi32>
    %min3A_2251 = arith.minsi %max3A_2248, %min3A_2250 : vector<16xi32>
    %sub3A_2252 = arith.constant 2 : i32
    %sub3A_2253 = vector.broadcast %sub3A_2252 : i32 to vector<16xi32>
    %sub3A_2254 = arith.subi %iota3A, %sub3A_2253 : vector<16xi32>
    %max3A_2255 = arith.constant 0 : i32
    %max3A_2256 = vector.broadcast %max3A_2255 : i32 to vector<16xi32>
    %max3A_2257 = arith.maxsi %sub3A_2254, %max3A_2256 : vector<16xi32>
    %broadcast_in_dim3A_2258 = vector.shape_cast %max3A_2257 : vector<16xi32> to vector<16x1xi32>
    %gather3A_2259 = vector.shape_cast %broadcast_in_dim3A_2258 : vector<16x1xi32> to vector<16xi32>
    %gather3A_2260 = tpu.dynamic_gather %add3A_2242[%gather3A_2259] in [0] : vector<16xi32>, vector<16xi32> -> vector<16xi32>
    %mul3A_2261 = arith.muli %gather3A_2260, %min3A_2251 : vector<16xi32>
    %add3A_2262 = arith.addi %add3A_2242, %mul3A_2261 : vector<16xi32>
    %sub3A_2263 = arith.constant 3 : i32
    %sub3A_2264 = vector.broadcast %sub3A_2263 : i32 to vector<16xi32>
    %sub3A_2265 = arith.subi %iota3A, %sub3A_2264 : vector<16xi32>
    %max3A_2266 = arith.constant 0 : i32
    %max3A_2267 = vector.broadcast %max3A_2266 : i32 to vector<16xi32>
    %max3A_2268 = arith.maxsi %sub3A_2265, %max3A_2267 : vector<16xi32>
    %min3A_2269 = arith.constant 1 : i32
    %min3A_2270 = vector.broadcast %min3A_2269 : i32 to vector<16xi32>
    %min3A_2271 = arith.minsi %max3A_2268, %min3A_2270 : vector<16xi32>
    %sub3A_2272 = arith.constant 4 : i32
    %sub3A_2273 = vector.broadcast %sub3A_2272 : i32 to vector<16xi32>
    %sub3A_2274 = arith.subi %iota3A, %sub3A_2273 : vector<16xi32>
    %max3A_2275 = arith.constant 0 : i32
    %max3A_2276 = vector.broadcast %max3A_2275 : i32 to vector<16xi32>
    %max3A_2277 = arith.maxsi %sub3A_2274, %max3A_2276 : vector<16xi32>
    %broadcast_in_dim3A_2278 = vector.shape_cast %max3A_2277 : vector<16xi32> to vector<16x1xi32>
    %gather3A_2279 = vector.shape_cast %broadcast_in_dim3A_2278 : vector<16x1xi32> to vector<16xi32>
    %gather3A_2280 = tpu.dynamic_gather %add3A_2262[%gather3A_2279] in [0] : vector<16xi32>, vector<16xi32> -> vector<16xi32>
    %mul3A_2281 = arith.muli %gather3A_2280, %min3A_2271 : vector<16xi32>
    %add3A_2282 = arith.addi %add3A_2262, %mul3A_2281 : vector<16xi32>
    %sub3A_2283 = arith.constant 7 : i32
    %sub3A_2284 = vector.broadcast %sub3A_2283 : i32 to vector<16xi32>
    %sub3A_2285 = arith.subi %iota3A, %sub3A_2284 : vector<16xi32>
    %max3A_2286 = arith.constant 0 : i32
    %max3A_2287 = vector.broadcast %max3A_2286 : i32 to vector<16xi32>
    %max3A_2288 = arith.maxsi %sub3A_2285, %max3A_2287 : vector<16xi32>
    %min3A_2289 = arith.constant 1 : i32
    %min3A_2290 = vector.broadcast %min3A_2289 : i32 to vector<16xi32>
    %min3A_2291 = arith.minsi %max3A_2288, %min3A_2290 : vector<16xi32>
    %sub3A_2292 = arith.constant 8 : i32
    %sub3A_2293 = vector.broadcast %sub3A_2292 : i32 to vector<16xi32>
    %sub3A_2294 = arith.subi %iota3A, %sub3A_2293 : vector<16xi32>
    %max3A_2295 = arith.constant 0 : i32
    %max3A_2296 = vector.broadcast %max3A_2295 : i32 to vector<16xi32>
    %max3A_2297 = arith.maxsi %sub3A_2294, %max3A_2296 : vector<16xi32>
    %broadcast_in_dim3A_2298 = vector.shape_cast %max3A_2297 : vector<16xi32> to vector<16x1xi32>
    %gather3A_2299 = vector.shape_cast %broadcast_in_dim3A_2298 : vector<16x1xi32> to vector<16xi32>
    %gather3A_2300 = tpu.dynamic_gather %add3A_2282[%gather3A_2299] in [0] : vector<16xi32>, vector<16xi32> -> vector<16xi32>
    %mul3A_2301 = arith.muli %gather3A_2300, %min3A_2291 : vector<16xi32>
    %add3A_2302 = arith.addi %add3A_2282, %mul3A_2301 : vector<16xi32>
    %add3A_2303 = arith.addi %add3A_2210, %add3A_2302 : vector<16xi32>
    %mul3A_2304 = arith.muli %add3A_2303, %min3A_2222 : vector<16xi32>
    %add3A_2305 = arith.constant 1 : i32
    %add3A_2306 = vector.broadcast %add3A_2305 : i32 to vector<16xi32>
    %add3A_2307 = arith.addi %mul3A_2304, %add3A_2306 : vector<16xi32>
    %swap3A_2308 = arith.constant 10 : i32
    %swap3A_2309 = arith.index_cast %swap3A_2308 : i32 to index
    %swap3A_2310 = arith.constant 0 : index
    %swap3A_2311 = tpu.vector_load %arg6[%swap3A_2309, %swap3A_2310] {strides = array<i32>} : memref<16x32xi32, #tpu.memory_space<vmem>>, vector<1x16xi32>,
    %swap3A_2312 = vector.shape_cast %swap3A_2311 : vector<1x16xi32> to vector<16xi32>
    %swap3A_2313 = vector.shape_cast %add3A_2307 : vector<16xi32> to vector<1x16xi32>
    tpu.vector_store %arg6[%swap3A_2309, %swap3A_2310], %swap3A_2313 {strides = array<i32>} : memref<16x32xi32, #tpu.memory_space<vmem>>, vector<1x16xi32>,
    %broadcast_in_dim3A_2314 = vector.shape_cast %broadcast_in_dim3A_33 : vector<16xi32> to vector<16x1xi32>
    %gather3A_2315 = vector.shape_cast %broadcast_in_dim3A_2314 : vector<16x1xi32> to vector<16xi32>
    %gather3A_2316 = tpu.dynamic_gather %add3A_2302[%gather3A_2315] in [0] : vector<16xi32>, vector<16xi32> -> vector<16xi32>
    %add3A_2317 = arith.addi %add3A_2210, %gather3A_2316 : vector<16xi32>
    %add3A_2318 = arith.constant 336 : i32
    %add3A_2319 = arith.addi %mul3A_75, %add3A_2318 : i32
    %get3A_2320 = arith.index_cast %add3A_2319 : i32 to index
    %get3A_2321 = tpu.vector_load %arg5[%get3A_2320] {strides = array<i32>} : memref<4096xi32, #tpu.memory_space<vmem>>, vector<16xi32>,
    %get3A_2322 = vector.shape_cast %get3A_2321 : vector<16xi32> to vector<16xi32>
    %sub3A_2323 = arith.constant 1 : i32
    %sub3A_2324 = vector.broadcast %sub3A_2323 : i32 to vector<16xi32>
    %sub3A_2325 = arith.subi %get3A_2322, %sub3A_2324 : vector<16xi32>
    %abs3A_2326 = math.absi %sub3A_2325 : vector<16xi32>
    %min3A_2327 = arith.constant 1 : i32
    %min3A_2328 = vector.broadcast %min3A_2327 : i32 to vector<16xi32>
    %min3A_2329 = arith.minsi %abs3A_2326, %min3A_2328 : vector<16xi32>
    %sub3A_2330 = arith.constant 0 : i32
    %sub3A_2331 = vector.broadcast %sub3A_2330 : i32 to vector<16xi32>
    %sub3A_2332 = arith.subi %iota3A, %sub3A_2331 : vector<16xi32>
    %max3A_2333 = arith.constant 0 : i32
    %max3A_2334 = vector.broadcast %max3A_2333 : i32 to vector<16xi32>
    %max3A_2335 = arith.maxsi %sub3A_2332, %max3A_2334 : vector<16xi32>
    %min3A_2336 = arith.constant 1 : i32
    %min3A_2337 = vector.broadcast %min3A_2336 : i32 to vector<16xi32>
    %min3A_2338 = arith.minsi %max3A_2335, %min3A_2337 : vector<16xi32>
    %sub3A_2339 = arith.constant 1 : i32
    %sub3A_2340 = vector.broadcast %sub3A_2339 : i32 to vector<16xi32>
    %sub3A_2341 = arith.subi %iota3A, %sub3A_2340 : vector<16xi32>
    %max3A_2342 = arith.constant 0 : i32
    %max3A_2343 = vector.broadcast %max3A_2342 : i32 to vector<16xi32>
    %max3A_2344 = arith.maxsi %sub3A_2341, %max3A_2343 : vector<16xi32>
    %broadcast_in_dim3A_2345 = vector.shape_cast %max3A_2344 : vector<16xi32> to vector<16x1xi32>
    %gather3A_2346 = vector.shape_cast %broadcast_in_dim3A_2345 : vector<16x1xi32> to vector<16xi32>
    %gather3A_2347 = tpu.dynamic_gather %min3A_2329[%gather3A_2346] in [0] : vector<16xi32>, vector<16xi32> -> vector<16xi32>
    %mul3A_2348 = arith.muli %gather3A_2347, %min3A_2338 : vector<16xi32>
    %add3A_2349 = arith.addi %min3A_2329, %mul3A_2348 : vector<16xi32>
    %sub3A_2350 = arith.constant 1 : i32
    %sub3A_2351 = vector.broadcast %sub3A_2350 : i32 to vector<16xi32>
    %sub3A_2352 = arith.subi %iota3A, %sub3A_2351 : vector<16xi32>
    %max3A_2353 = arith.constant 0 : i32
    %max3A_2354 = vector.broadcast %max3A_2353 : i32 to vector<16xi32>
    %max3A_2355 = arith.maxsi %sub3A_2352, %max3A_2354 : vector<16xi32>
    %min3A_2356 = arith.constant 1 : i32
    %min3A_2357 = vector.broadcast %min3A_2356 : i32 to vector<16xi32>
    %min3A_2358 = arith.minsi %max3A_2355, %min3A_2357 : vector<16xi32>
    %sub3A_2359 = arith.constant 2 : i32
    %sub3A_2360 = vector.broadcast %sub3A_2359 : i32 to vector<16xi32>
    %sub3A_2361 = arith.subi %iota3A, %sub3A_2360 : vector<16xi32>
    %max3A_2362 = arith.constant 0 : i32
    %max3A_2363 = vector.broadcast %max3A_2362 : i32 to vector<16xi32>
    %max3A_2364 = arith.maxsi %sub3A_2361, %max3A_2363 : vector<16xi32>
    %broadcast_in_dim3A_2365 = vector.shape_cast %max3A_2364 : vector<16xi32> to vector<16x1xi32>
    %gather3A_2366 = vector.shape_cast %broadcast_in_dim3A_2365 : vector<16x1xi32> to vector<16xi32>
    %gather3A_2367 = tpu.dynamic_gather %add3A_2349[%gather3A_2366] in [0] : vector<16xi32>, vector<16xi32> -> vector<16xi32>
    %mul3A_2368 = arith.muli %gather3A_2367, %min3A_2358 : vector<16xi32>
    %add3A_2369 = arith.addi %add3A_2349, %mul3A_2368 : vector<16xi32>
    %sub3A_2370 = arith.constant 3 : i32
    %sub3A_2371 = vector.broadcast %sub3A_2370 : i32 to vector<16xi32>
    %sub3A_2372 = arith.subi %iota3A, %sub3A_2371 : vector<16xi32>
    %max3A_2373 = arith.constant 0 : i32
    %max3A_2374 = vector.broadcast %max3A_2373 : i32 to vector<16xi32>
    %max3A_2375 = arith.maxsi %sub3A_2372, %max3A_2374 : vector<16xi32>
    %min3A_2376 = arith.constant 1 : i32
    %min3A_2377 = vector.broadcast %min3A_2376 : i32 to vector<16xi32>
    %min3A_2378 = arith.minsi %max3A_2375, %min3A_2377 : vector<16xi32>
    %sub3A_2379 = arith.constant 4 : i32
    %sub3A_2380 = vector.broadcast %sub3A_2379 : i32 to vector<16xi32>
    %sub3A_2381 = arith.subi %iota3A, %sub3A_2380 : vector<16xi32>
    %max3A_2382 = arith.constant 0 : i32
    %max3A_2383 = vector.broadcast %max3A_2382 : i32 to vector<16xi32>
    %max3A_2384 = arith.maxsi %sub3A_2381, %max3A_2383 : vector<16xi32>
    %broadcast_in_dim3A_2385 = vector.shape_cast %max3A_2384 : vector<16xi32> to vector<16x1xi32>
    %gather3A_2386 = vector.shape_cast %broadcast_in_dim3A_2385 : vector<16x1xi32> to vector<16xi32>
    %gather3A_2387 = tpu.dynamic_gather %add3A_2369[%gather3A_2386] in [0] : vector<16xi32>, vector<16xi32> -> vector<16xi32>
    %mul3A_2388 = arith.muli %gather3A_2387, %min3A_2378 : vector<16xi32>
    %add3A_2389 = arith.addi %add3A_2369, %mul3A_2388 : vector<16xi32>
    %sub3A_2390 = arith.constant 7 : i32
    %sub3A_2391 = vector.broadcast %sub3A_2390 : i32 to vector<16xi32>
    %sub3A_2392 = arith.subi %iota3A, %sub3A_2391 : vector<16xi32>
    %max3A_2393 = arith.constant 0 : i32
    %max3A_2394 = vector.broadcast %max3A_2393 : i32 to vector<16xi32>
    %max3A_2395 = arith.maxsi %sub3A_2392, %max3A_2394 : vector<16xi32>
    %min3A_2396 = arith.constant 1 : i32
    %min3A_2397 = vector.broadcast %min3A_2396 : i32 to vector<16xi32>
    %min3A_2398 = arith.minsi %max3A_2395, %min3A_2397 : vector<16xi32>
    %sub3A_2399 = arith.constant 8 : i32
    %sub3A_2400 = vector.broadcast %sub3A_2399 : i32 to vector<16xi32>
    %sub3A_2401 = arith.subi %iota3A, %sub3A_2400 : vector<16xi32>
    %max3A_2402 = arith.constant 0 : i32
    %max3A_2403 = vector.broadcast %max3A_2402 : i32 to vector<16xi32>
    %max3A_2404 = arith.maxsi %sub3A_2401, %max3A_2403 : vector<16xi32>
    %broadcast_in_dim3A_2405 = vector.shape_cast %max3A_2404 : vector<16xi32> to vector<16x1xi32>
    %gather3A_2406 = vector.shape_cast %broadcast_in_dim3A_2405 : vector<16x1xi32> to vector<16xi32>
    %gather3A_2407 = tpu.dynamic_gather %add3A_2389[%gather3A_2406] in [0] : vector<16xi32>, vector<16xi32> -> vector<16xi32>
    %mul3A_2408 = arith.muli %gather3A_2407, %min3A_2398 : vector<16xi32>
    %add3A_2409 = arith.addi %add3A_2389, %mul3A_2408 : vector<16xi32>
    %add3A_2410 = arith.addi %add3A_2317, %add3A_2409 : vector<16xi32>
    %mul3A_2411 = arith.muli %add3A_2410, %min3A_2329 : vector<16xi32>
    %add3A_2412 = arith.constant 1 : i32
    %add3A_2413 = vector.broadcast %add3A_2412 : i32 to vector<16xi32>
    %add3A_2414 = arith.addi %mul3A_2411, %add3A_2413 : vector<16xi32>
    %swap3A_2415 = arith.constant 10 : i32
    %swap3A_2416 = arith.index_cast %swap3A_2415 : i32 to index
    %swap3A_2417 = arith.constant 16 : index
    %swap3A_2418 = tpu.vector_load %arg6[%swap3A_2416, %swap3A_2417] {strides = array<i32>} : memref<16x32xi32, #tpu.memory_space<vmem>>, vector<1x16xi32>,
    %swap3A_2419 = vector.shape_cast %swap3A_2418 : vector<1x16xi32> to vector<16xi32>
    %swap3A_2420 = vector.shape_cast %add3A_2414 : vector<16xi32> to vector<1x16xi32>
    tpu.vector_store %arg6[%swap3A_2416, %swap3A_2417], %swap3A_2420 {strides = array<i32>} : memref<16x32xi32, #tpu.memory_space<vmem>>, vector<1x16xi32>,
    %broadcast_in_dim3A_2421 = vector.shape_cast %broadcast_in_dim3A_33 : vector<16xi32> to vector<16x1xi32>
    %gather3A_2422 = vector.shape_cast %broadcast_in_dim3A_2421 : vector<16x1xi32> to vector<16xi32>
    %gather3A_2423 = tpu.dynamic_gather %add3A_2409[%gather3A_2422] in [0] : vector<16xi32>, vector<16xi32> -> vector<16xi32>
    %add3A_2424 = arith.addi %add3A_2317, %gather3A_2423 : vector<16xi32>
    %add3A_2425 = arith.constant 352 : i32
    %add3A_2426 = arith.addi %mul3A_75, %add3A_2425 : i32
    %get3A_2427 = arith.index_cast %add3A_2426 : i32 to index
    %get3A_2428 = tpu.vector_load %arg5[%get3A_2427] {strides = array<i32>} : memref<4096xi32, #tpu.memory_space<vmem>>, vector<16xi32>,
    %get3A_2429 = vector.shape_cast %get3A_2428 : vector<16xi32> to vector<16xi32>
    %sub3A_2430 = arith.constant 1 : i32
    %sub3A_2431 = vector.broadcast %sub3A_2430 : i32 to vector<16xi32>
    %sub3A_2432 = arith.subi %get3A_2429, %sub3A_2431 : vector<16xi32>
    %abs3A_2433 = math.absi %sub3A_2432 : vector<16xi32>
    %min3A_2434 = arith.constant 1 : i32
    %min3A_2435 = vector.broadcast %min3A_2434 : i32 to vector<16xi32>
    %min3A_2436 = arith.minsi %abs3A_2433, %min3A_2435 : vector<16xi32>
    %sub3A_2437 = arith.constant 0 : i32
    %sub3A_2438 = vector.broadcast %sub3A_2437 : i32 to vector<16xi32>
    %sub3A_2439 = arith.subi %iota3A, %sub3A_2438 : vector<16xi32>
    %max3A_2440 = arith.constant 0 : i32
    %max3A_2441 = vector.broadcast %max3A_2440 : i32 to vector<16xi32>
    %max3A_2442 = arith.maxsi %sub3A_2439, %max3A_2441 : vector<16xi32>
    %min3A_2443 = arith.constant 1 : i32
    %min3A_2444 = vector.broadcast %min3A_2443 : i32 to vector<16xi32>
    %min3A_2445 = arith.minsi %max3A_2442, %min3A_2444 : vector<16xi32>
    %sub3A_2446 = arith.constant 1 : i32
    %sub3A_2447 = vector.broadcast %sub3A_2446 : i32 to vector<16xi32>
    %sub3A_2448 = arith.subi %iota3A, %sub3A_2447 : vector<16xi32>
    %max3A_2449 = arith.constant 0 : i32
    %max3A_2450 = vector.broadcast %max3A_2449 : i32 to vector<16xi32>
    %max3A_2451 = arith.maxsi %sub3A_2448, %max3A_2450 : vector<16xi32>
    %broadcast_in_dim3A_2452 = vector.shape_cast %max3A_2451 : vector<16xi32> to vector<16x1xi32>
    %gather3A_2453 = vector.shape_cast %broadcast_in_dim3A_2452 : vector<16x1xi32> to vector<16xi32>
    %gather3A_2454 = tpu.dynamic_gather %min3A_2436[%gather3A_2453] in [0] : vector<16xi32>, vector<16xi32> -> vector<16xi32>
    %mul3A_2455 = arith.muli %gather3A_2454, %min3A_2445 : vector<16xi32>
    %add3A_2456 = arith.addi %min3A_2436, %mul3A_2455 : vector<16xi32>
    %sub3A_2457 = arith.constant 1 : i32
    %sub3A_2458 = vector.broadcast %sub3A_2457 : i32 to vector<16xi32>
    %sub3A_2459 = arith.subi %iota3A, %sub3A_2458 : vector<16xi32>
    %max3A_2460 = arith.constant 0 : i32
    %max3A_2461 = vector.broadcast %max3A_2460 : i32 to vector<16xi32>
    %max3A_2462 = arith.maxsi %sub3A_2459, %max3A_2461 : vector<16xi32>
    %min3A_2463 = arith.constant 1 : i32
    %min3A_2464 = vector.broadcast %min3A_2463 : i32 to vector<16xi32>
    %min3A_2465 = arith.minsi %max3A_2462, %min3A_2464 : vector<16xi32>
    %sub3A_2466 = arith.constant 2 : i32
    %sub3A_2467 = vector.broadcast %sub3A_2466 : i32 to vector<16xi32>
    %sub3A_2468 = arith.subi %iota3A, %sub3A_2467 : vector<16xi32>
    %max3A_2469 = arith.constant 0 : i32
    %max3A_2470 = vector.broadcast %max3A_2469 : i32 to vector<16xi32>
    %max3A_2471 = arith.maxsi %sub3A_2468, %max3A_2470 : vector<16xi32>
    %broadcast_in_dim3A_2472 = vector.shape_cast %max3A_2471 : vector<16xi32> to vector<16x1xi32>
    %gather3A_2473 = vector.shape_cast %broadcast_in_dim3A_2472 : vector<16x1xi32> to vector<16xi32>
    %gather3A_2474 = tpu.dynamic_gather %add3A_2456[%gather3A_2473] in [0] : vector<16xi32>, vector<16xi32> -> vector<16xi32>
    %mul3A_2475 = arith.muli %gather3A_2474, %min3A_2465 : vector<16xi32>
    %add3A_2476 = arith.addi %add3A_2456, %mul3A_2475 : vector<16xi32>
    %sub3A_2477 = arith.constant 3 : i32
    %sub3A_2478 = vector.broadcast %sub3A_2477 : i32 to vector<16xi32>
    %sub3A_2479 = arith.subi %iota3A, %sub3A_2478 : vector<16xi32>
    %max3A_2480 = arith.constant 0 : i32
    %max3A_2481 = vector.broadcast %max3A_2480 : i32 to vector<16xi32>
    %max3A_2482 = arith.maxsi %sub3A_2479, %max3A_2481 : vector<16xi32>
    %min3A_2483 = arith.constant 1 : i32
    %min3A_2484 = vector.broadcast %min3A_2483 : i32 to vector<16xi32>
    %min3A_2485 = arith.minsi %max3A_2482, %min3A_2484 : vector<16xi32>
    %sub3A_2486 = arith.constant 4 : i32
    %sub3A_2487 = vector.broadcast %sub3A_2486 : i32 to vector<16xi32>
    %sub3A_2488 = arith.subi %iota3A, %sub3A_2487 : vector<16xi32>
    %max3A_2489 = arith.constant 0 : i32
    %max3A_2490 = vector.broadcast %max3A_2489 : i32 to vector<16xi32>
    %max3A_2491 = arith.maxsi %sub3A_2488, %max3A_2490 : vector<16xi32>
    %broadcast_in_dim3A_2492 = vector.shape_cast %max3A_2491 : vector<16xi32> to vector<16x1xi32>
    %gather3A_2493 = vector.shape_cast %broadcast_in_dim3A_2492 : vector<16x1xi32> to vector<16xi32>
    %gather3A_2494 = tpu.dynamic_gather %add3A_2476[%gather3A_2493] in [0] : vector<16xi32>, vector<16xi32> -> vector<16xi32>
    %mul3A_2495 = arith.muli %gather3A_2494, %min3A_2485 : vector<16xi32>
    %add3A_2496 = arith.addi %add3A_2476, %mul3A_2495 : vector<16xi32>
    %sub3A_2497 = arith.constant 7 : i32
    %sub3A_2498 = vector.broadcast %sub3A_2497 : i32 to vector<16xi32>
    %sub3A_2499 = arith.subi %iota3A, %sub3A_2498 : vector<16xi32>
    %max3A_2500 = arith.constant 0 : i32
    %max3A_2501 = vector.broadcast %max3A_2500 : i32 to vector<16xi32>
    %max3A_2502 = arith.maxsi %sub3A_2499, %max3A_2501 : vector<16xi32>
    %min3A_2503 = arith.constant 1 : i32
    %min3A_2504 = vector.broadcast %min3A_2503 : i32 to vector<16xi32>
    %min3A_2505 = arith.minsi %max3A_2502, %min3A_2504 : vector<16xi32>
    %sub3A_2506 = arith.constant 8 : i32
    %sub3A_2507 = vector.broadcast %sub3A_2506 : i32 to vector<16xi32>
    %sub3A_2508 = arith.subi %iota3A, %sub3A_2507 : vector<16xi32>
    %max3A_2509 = arith.constant 0 : i32
    %max3A_2510 = vector.broadcast %max3A_2509 : i32 to vector<16xi32>
    %max3A_2511 = arith.maxsi %sub3A_2508, %max3A_2510 : vector<16xi32>
    %broadcast_in_dim3A_2512 = vector.shape_cast %max3A_2511 : vector<16xi32> to vector<16x1xi32>
    %gather3A_2513 = vector.shape_cast %broadcast_in_dim3A_2512 : vector<16x1xi32> to vector<16xi32>
    %gather3A_2514 = tpu.dynamic_gather %add3A_2496[%gather3A_2513] in [0] : vector<16xi32>, vector<16xi32> -> vector<16xi32>
    %mul3A_2515 = arith.muli %gather3A_2514, %min3A_2505 : vector<16xi32>
    %add3A_2516 = arith.addi %add3A_2496, %mul3A_2515 : vector<16xi32>
    %add3A_2517 = arith.addi %add3A_2424, %add3A_2516 : vector<16xi32>
    %mul3A_2518 = arith.muli %add3A_2517, %min3A_2436 : vector<16xi32>
    %add3A_2519 = arith.constant 1 : i32
    %add3A_2520 = vector.broadcast %add3A_2519 : i32 to vector<16xi32>
    %add3A_2521 = arith.addi %mul3A_2518, %add3A_2520 : vector<16xi32>
    %swap3A_2522 = arith.constant 11 : i32
    %swap3A_2523 = arith.index_cast %swap3A_2522 : i32 to index
    %swap3A_2524 = arith.constant 0 : index
    %swap3A_2525 = tpu.vector_load %arg6[%swap3A_2523, %swap3A_2524] {strides = array<i32>} : memref<16x32xi32, #tpu.memory_space<vmem>>, vector<1x16xi32>,
    %swap3A_2526 = vector.shape_cast %swap3A_2525 : vector<1x16xi32> to vector<16xi32>
    %swap3A_2527 = vector.shape_cast %add3A_2521 : vector<16xi32> to vector<1x16xi32>
    tpu.vector_store %arg6[%swap3A_2523, %swap3A_2524], %swap3A_2527 {strides = array<i32>} : memref<16x32xi32, #tpu.memory_space<vmem>>, vector<1x16xi32>,
    %broadcast_in_dim3A_2528 = vector.shape_cast %broadcast_in_dim3A_33 : vector<16xi32> to vector<16x1xi32>
    %gather3A_2529 = vector.shape_cast %broadcast_in_dim3A_2528 : vector<16x1xi32> to vector<16xi32>
    %gather3A_2530 = tpu.dynamic_gather %add3A_2516[%gather3A_2529] in [0] : vector<16xi32>, vector<16xi32> -> vector<16xi32>
    %add3A_2531 = arith.addi %add3A_2424, %gather3A_2530 : vector<16xi32>
    %add3A_2532 = arith.constant 368 : i32
    %add3A_2533 = arith.addi %mul3A_75, %add3A_2532 : i32
    %get3A_2534 = arith.index_cast %add3A_2533 : i32 to index
    %get3A_2535 = tpu.vector_load %arg5[%get3A_2534] {strides = array<i32>} : memref<4096xi32, #tpu.memory_space<vmem>>, vector<16xi32>,
    %get3A_2536 = vector.shape_cast %get3A_2535 : vector<16xi32> to vector<16xi32>
    %sub3A_2537 = arith.constant 1 : i32
    %sub3A_2538 = vector.broadcast %sub3A_2537 : i32 to vector<16xi32>
    %sub3A_2539 = arith.subi %get3A_2536, %sub3A_2538 : vector<16xi32>
    %abs3A_2540 = math.absi %sub3A_2539 : vector<16xi32>
    %min3A_2541 = arith.constant 1 : i32
    %min3A_2542 = vector.broadcast %min3A_2541 : i32 to vector<16xi32>
    %min3A_2543 = arith.minsi %abs3A_2540, %min3A_2542 : vector<16xi32>
    %sub3A_2544 = arith.constant 0 : i32
    %sub3A_2545 = vector.broadcast %sub3A_2544 : i32 to vector<16xi32>
    %sub3A_2546 = arith.subi %iota3A, %sub3A_2545 : vector<16xi32>
    %max3A_2547 = arith.constant 0 : i32
    %max3A_2548 = vector.broadcast %max3A_2547 : i32 to vector<16xi32>
    %max3A_2549 = arith.maxsi %sub3A_2546, %max3A_2548 : vector<16xi32>
    %min3A_2550 = arith.constant 1 : i32
    %min3A_2551 = vector.broadcast %min3A_2550 : i32 to vector<16xi32>
    %min3A_2552 = arith.minsi %max3A_2549, %min3A_2551 : vector<16xi32>
    %sub3A_2553 = arith.constant 1 : i32
    %sub3A_2554 = vector.broadcast %sub3A_2553 : i32 to vector<16xi32>
    %sub3A_2555 = arith.subi %iota3A, %sub3A_2554 : vector<16xi32>
    %max3A_2556 = arith.constant 0 : i32
    %max3A_2557 = vector.broadcast %max3A_2556 : i32 to vector<16xi32>
    %max3A_2558 = arith.maxsi %sub3A_2555, %max3A_2557 : vector<16xi32>
    %broadcast_in_dim3A_2559 = vector.shape_cast %max3A_2558 : vector<16xi32> to vector<16x1xi32>
    %gather3A_2560 = vector.shape_cast %broadcast_in_dim3A_2559 : vector<16x1xi32> to vector<16xi32>
    %gather3A_2561 = tpu.dynamic_gather %min3A_2543[%gather3A_2560] in [0] : vector<16xi32>, vector<16xi32> -> vector<16xi32>
    %mul3A_2562 = arith.muli %gather3A_2561, %min3A_2552 : vector<16xi32>
    %add3A_2563 = arith.addi %min3A_2543, %mul3A_2562 : vector<16xi32>
    %sub3A_2564 = arith.constant 1 : i32
    %sub3A_2565 = vector.broadcast %sub3A_2564 : i32 to vector<16xi32>
    %sub3A_2566 = arith.subi %iota3A, %sub3A_2565 : vector<16xi32>
    %max3A_2567 = arith.constant 0 : i32
    %max3A_2568 = vector.broadcast %max3A_2567 : i32 to vector<16xi32>
    %max3A_2569 = arith.maxsi %sub3A_2566, %max3A_2568 : vector<16xi32>
    %min3A_2570 = arith.constant 1 : i32
    %min3A_2571 = vector.broadcast %min3A_2570 : i32 to vector<16xi32>
    %min3A_2572 = arith.minsi %max3A_2569, %min3A_2571 : vector<16xi32>
    %sub3A_2573 = arith.constant 2 : i32
    %sub3A_2574 = vector.broadcast %sub3A_2573 : i32 to vector<16xi32>
    %sub3A_2575 = arith.subi %iota3A, %sub3A_2574 : vector<16xi32>
    %max3A_2576 = arith.constant 0 : i32
    %max3A_2577 = vector.broadcast %max3A_2576 : i32 to vector<16xi32>
    %max3A_2578 = arith.maxsi %sub3A_2575, %max3A_2577 : vector<16xi32>
    %broadcast_in_dim3A_2579 = vector.shape_cast %max3A_2578 : vector<16xi32> to vector<16x1xi32>
    %gather3A_2580 = vector.shape_cast %broadcast_in_dim3A_2579 : vector<16x1xi32> to vector<16xi32>
    %gather3A_2581 = tpu.dynamic_gather %add3A_2563[%gather3A_2580] in [0] : vector<16xi32>, vector<16xi32> -> vector<16xi32>
    %mul3A_2582 = arith.muli %gather3A_2581, %min3A_2572 : vector<16xi32>
    %add3A_2583 = arith.addi %add3A_2563, %mul3A_2582 : vector<16xi32>
    %sub3A_2584 = arith.constant 3 : i32
    %sub3A_2585 = vector.broadcast %sub3A_2584 : i32 to vector<16xi32>
    %sub3A_2586 = arith.subi %iota3A, %sub3A_2585 : vector<16xi32>
    %max3A_2587 = arith.constant 0 : i32
    %max3A_2588 = vector.broadcast %max3A_2587 : i32 to vector<16xi32>
    %max3A_2589 = arith.maxsi %sub3A_2586, %max3A_2588 : vector<16xi32>
    %min3A_2590 = arith.constant 1 : i32
    %min3A_2591 = vector.broadcast %min3A_2590 : i32 to vector<16xi32>
    %min3A_2592 = arith.minsi %max3A_2589, %min3A_2591 : vector<16xi32>
    %sub3A_2593 = arith.constant 4 : i32
    %sub3A_2594 = vector.broadcast %sub3A_2593 : i32 to vector<16xi32>
    %sub3A_2595 = arith.subi %iota3A, %sub3A_2594 : vector<16xi32>
    %max3A_2596 = arith.constant 0 : i32
    %max3A_2597 = vector.broadcast %max3A_2596 : i32 to vector<16xi32>
    %max3A_2598 = arith.maxsi %sub3A_2595, %max3A_2597 : vector<16xi32>
    %broadcast_in_dim3A_2599 = vector.shape_cast %max3A_2598 : vector<16xi32> to vector<16x1xi32>
    %gather3A_2600 = vector.shape_cast %broadcast_in_dim3A_2599 : vector<16x1xi32> to vector<16xi32>
    %gather3A_2601 = tpu.dynamic_gather %add3A_2583[%gather3A_2600] in [0] : vector<16xi32>, vector<16xi32> -> vector<16xi32>
    %mul3A_2602 = arith.muli %gather3A_2601, %min3A_2592 : vector<16xi32>
    %add3A_2603 = arith.addi %add3A_2583, %mul3A_2602 : vector<16xi32>
    %sub3A_2604 = arith.constant 7 : i32
    %sub3A_2605 = vector.broadcast %sub3A_2604 : i32 to vector<16xi32>
    %sub3A_2606 = arith.subi %iota3A, %sub3A_2605 : vector<16xi32>
    %max3A_2607 = arith.constant 0 : i32
    %max3A_2608 = vector.broadcast %max3A_2607 : i32 to vector<16xi32>
    %max3A_2609 = arith.maxsi %sub3A_2606, %max3A_2608 : vector<16xi32>
    %min3A_2610 = arith.constant 1 : i32
    %min3A_2611 = vector.broadcast %min3A_2610 : i32 to vector<16xi32>
    %min3A_2612 = arith.minsi %max3A_2609, %min3A_2611 : vector<16xi32>
    %sub3A_2613 = arith.constant 8 : i32
    %sub3A_2614 = vector.broadcast %sub3A_2613 : i32 to vector<16xi32>
    %sub3A_2615 = arith.subi %iota3A, %sub3A_2614 : vector<16xi32>
    %max3A_2616 = arith.constant 0 : i32
    %max3A_2617 = vector.broadcast %max3A_2616 : i32 to vector<16xi32>
    %max3A_2618 = arith.maxsi %sub3A_2615, %max3A_2617 : vector<16xi32>
    %broadcast_in_dim3A_2619 = vector.shape_cast %max3A_2618 : vector<16xi32> to vector<16x1xi32>
    %gather3A_2620 = vector.shape_cast %broadcast_in_dim3A_2619 : vector<16x1xi32> to vector<16xi32>
    %gather3A_2621 = tpu.dynamic_gather %add3A_2603[%gather3A_2620] in [0] : vector<16xi32>, vector<16xi32> -> vector<16xi32>
    %mul3A_2622 = arith.muli %gather3A_2621, %min3A_2612 : vector<16xi32>
    %add3A_2623 = arith.addi %add3A_2603, %mul3A_2622 : vector<16xi32>
    %add3A_2624 = arith.addi %add3A_2531, %add3A_2623 : vector<16xi32>
    %mul3A_2625 = arith.muli %add3A_2624, %min3A_2543 : vector<16xi32>
    %add3A_2626 = arith.constant 1 : i32
    %add3A_2627 = vector.broadcast %add3A_2626 : i32 to vector<16xi32>
    %add3A_2628 = arith.addi %mul3A_2625, %add3A_2627 : vector<16xi32>
    %swap3A_2629 = arith.constant 11 : i32
    %swap3A_2630 = arith.index_cast %swap3A_2629 : i32 to index
    %swap3A_2631 = arith.constant 16 : index
    %swap3A_2632 = tpu.vector_load %arg6[%swap3A_2630, %swap3A_2631] {strides = array<i32>} : memref<16x32xi32, #tpu.memory_space<vmem>>, vector<1x16xi32>,
    %swap3A_2633 = vector.shape_cast %swap3A_2632 : vector<1x16xi32> to vector<16xi32>
    %swap3A_2634 = vector.shape_cast %add3A_2628 : vector<16xi32> to vector<1x16xi32>
    tpu.vector_store %arg6[%swap3A_2630, %swap3A_2631], %swap3A_2634 {strides = array<i32>} : memref<16x32xi32, #tpu.memory_space<vmem>>, vector<1x16xi32>,
    %broadcast_in_dim3A_2635 = vector.shape_cast %broadcast_in_dim3A_33 : vector<16xi32> to vector<16x1xi32>
    %gather3A_2636 = vector.shape_cast %broadcast_in_dim3A_2635 : vector<16x1xi32> to vector<16xi32>
    %gather3A_2637 = tpu.dynamic_gather %add3A_2623[%gather3A_2636] in [0] : vector<16xi32>, vector<16xi32> -> vector<16xi32>
    %add3A_2638 = arith.addi %add3A_2531, %gather3A_2637 : vector<16xi32>
    %add3A_2639 = arith.constant 384 : i32
    %add3A_2640 = arith.addi %mul3A_75, %add3A_2639 : i32
    %get3A_2641 = arith.index_cast %add3A_2640 : i32 to index
    %get3A_2642 = tpu.vector_load %arg5[%get3A_2641] {strides = array<i32>} : memref<4096xi32, #tpu.memory_space<vmem>>, vector<16xi32>,
    %get3A_2643 = vector.shape_cast %get3A_2642 : vector<16xi32> to vector<16xi32>
    %sub3A_2644 = arith.constant 1 : i32
    %sub3A_2645 = vector.broadcast %sub3A_2644 : i32 to vector<16xi32>
    %sub3A_2646 = arith.subi %get3A_2643, %sub3A_2645 : vector<16xi32>
    %abs3A_2647 = math.absi %sub3A_2646 : vector<16xi32>
    %min3A_2648 = arith.constant 1 : i32
    %min3A_2649 = vector.broadcast %min3A_2648 : i32 to vector<16xi32>
    %min3A_2650 = arith.minsi %abs3A_2647, %min3A_2649 : vector<16xi32>
    %sub3A_2651 = arith.constant 0 : i32
    %sub3A_2652 = vector.broadcast %sub3A_2651 : i32 to vector<16xi32>
    %sub3A_2653 = arith.subi %iota3A, %sub3A_2652 : vector<16xi32>
    %max3A_2654 = arith.constant 0 : i32
    %max3A_2655 = vector.broadcast %max3A_2654 : i32 to vector<16xi32>
    %max3A_2656 = arith.maxsi %sub3A_2653, %max3A_2655 : vector<16xi32>
    %min3A_2657 = arith.constant 1 : i32
    %min3A_2658 = vector.broadcast %min3A_2657 : i32 to vector<16xi32>
    %min3A_2659 = arith.minsi %max3A_2656, %min3A_2658 : vector<16xi32>
    %sub3A_2660 = arith.constant 1 : i32
    %sub3A_2661 = vector.broadcast %sub3A_2660 : i32 to vector<16xi32>
    %sub3A_2662 = arith.subi %iota3A, %sub3A_2661 : vector<16xi32>
    %max3A_2663 = arith.constant 0 : i32
    %max3A_2664 = vector.broadcast %max3A_2663 : i32 to vector<16xi32>
    %max3A_2665 = arith.maxsi %sub3A_2662, %max3A_2664 : vector<16xi32>
    %broadcast_in_dim3A_2666 = vector.shape_cast %max3A_2665 : vector<16xi32> to vector<16x1xi32>
    %gather3A_2667 = vector.shape_cast %broadcast_in_dim3A_2666 : vector<16x1xi32> to vector<16xi32>
    %gather3A_2668 = tpu.dynamic_gather %min3A_2650[%gather3A_2667] in [0] : vector<16xi32>, vector<16xi32> -> vector<16xi32>
    %mul3A_2669 = arith.muli %gather3A_2668, %min3A_2659 : vector<16xi32>
    %add3A_2670 = arith.addi %min3A_2650, %mul3A_2669 : vector<16xi32>
    %sub3A_2671 = arith.constant 1 : i32
    %sub3A_2672 = vector.broadcast %sub3A_2671 : i32 to vector<16xi32>
    %sub3A_2673 = arith.subi %iota3A, %sub3A_2672 : vector<16xi32>
    %max3A_2674 = arith.constant 0 : i32
    %max3A_2675 = vector.broadcast %max3A_2674 : i32 to vector<16xi32>
    %max3A_2676 = arith.maxsi %sub3A_2673, %max3A_2675 : vector<16xi32>
    %min3A_2677 = arith.constant 1 : i32
    %min3A_2678 = vector.broadcast %min3A_2677 : i32 to vector<16xi32>
    %min3A_2679 = arith.minsi %max3A_2676, %min3A_2678 : vector<16xi32>
    %sub3A_2680 = arith.constant 2 : i32
    %sub3A_2681 = vector.broadcast %sub3A_2680 : i32 to vector<16xi32>
    %sub3A_2682 = arith.subi %iota3A, %sub3A_2681 : vector<16xi32>
    %max3A_2683 = arith.constant 0 : i32
    %max3A_2684 = vector.broadcast %max3A_2683 : i32 to vector<16xi32>
    %max3A_2685 = arith.maxsi %sub3A_2682, %max3A_2684 : vector<16xi32>
    %broadcast_in_dim3A_2686 = vector.shape_cast %max3A_2685 : vector<16xi32> to vector<16x1xi32>
    %gather3A_2687 = vector.shape_cast %broadcast_in_dim3A_2686 : vector<16x1xi32> to vector<16xi32>
    %gather3A_2688 = tpu.dynamic_gather %add3A_2670[%gather3A_2687] in [0] : vector<16xi32>, vector<16xi32> -> vector<16xi32>
    %mul3A_2689 = arith.muli %gather3A_2688, %min3A_2679 : vector<16xi32>
    %add3A_2690 = arith.addi %add3A_2670, %mul3A_2689 : vector<16xi32>
    %sub3A_2691 = arith.constant 3 : i32
    %sub3A_2692 = vector.broadcast %sub3A_2691 : i32 to vector<16xi32>
    %sub3A_2693 = arith.subi %iota3A, %sub3A_2692 : vector<16xi32>
    %max3A_2694 = arith.constant 0 : i32
    %max3A_2695 = vector.broadcast %max3A_2694 : i32 to vector<16xi32>
    %max3A_2696 = arith.maxsi %sub3A_2693, %max3A_2695 : vector<16xi32>
    %min3A_2697 = arith.constant 1 : i32
    %min3A_2698 = vector.broadcast %min3A_2697 : i32 to vector<16xi32>
    %min3A_2699 = arith.minsi %max3A_2696, %min3A_2698 : vector<16xi32>
    %sub3A_2700 = arith.constant 4 : i32
    %sub3A_2701 = vector.broadcast %sub3A_2700 : i32 to vector<16xi32>
    %sub3A_2702 = arith.subi %iota3A, %sub3A_2701 : vector<16xi32>
    %max3A_2703 = arith.constant 0 : i32
    %max3A_2704 = vector.broadcast %max3A_2703 : i32 to vector<16xi32>
    %max3A_2705 = arith.maxsi %sub3A_2702, %max3A_2704 : vector<16xi32>
    %broadcast_in_dim3A_2706 = vector.shape_cast %max3A_2705 : vector<16xi32> to vector<16x1xi32>
    %gather3A_2707 = vector.shape_cast %broadcast_in_dim3A_2706 : vector<16x1xi32> to vector<16xi32>
    %gather3A_2708 = tpu.dynamic_gather %add3A_2690[%gather3A_2707] in [0] : vector<16xi32>, vector<16xi32> -> vector<16xi32>
    %mul3A_2709 = arith.muli %gather3A_2708, %min3A_2699 : vector<16xi32>
    %add3A_2710 = arith.addi %add3A_2690, %mul3A_2709 : vector<16xi32>
    %sub3A_2711 = arith.constant 7 : i32
    %sub3A_2712 = vector.broadcast %sub3A_2711 : i32 to vector<16xi32>
    %sub3A_2713 = arith.subi %iota3A, %sub3A_2712 : vector<16xi32>
    %max3A_2714 = arith.constant 0 : i32
    %max3A_2715 = vector.broadcast %max3A_2714 : i32 to vector<16xi32>
    %max3A_2716 = arith.maxsi %sub3A_2713, %max3A_2715 : vector<16xi32>
    %min3A_2717 = arith.constant 1 : i32
    %min3A_2718 = vector.broadcast %min3A_2717 : i32 to vector<16xi32>
    %min3A_2719 = arith.minsi %max3A_2716, %min3A_2718 : vector<16xi32>
    %sub3A_2720 = arith.constant 8 : i32
    %sub3A_2721 = vector.broadcast %sub3A_2720 : i32 to vector<16xi32>
    %sub3A_2722 = arith.subi %iota3A, %sub3A_2721 : vector<16xi32>
    %max3A_2723 = arith.constant 0 : i32
    %max3A_2724 = vector.broadcast %max3A_2723 : i32 to vector<16xi32>
    %max3A_2725 = arith.maxsi %sub3A_2722, %max3A_2724 : vector<16xi32>
    %broadcast_in_dim3A_2726 = vector.shape_cast %max3A_2725 : vector<16xi32> to vector<16x1xi32>
    %gather3A_2727 = vector.shape_cast %broadcast_in_dim3A_2726 : vector<16x1xi32> to vector<16xi32>
    %gather3A_2728 = tpu.dynamic_gather %add3A_2710[%gather3A_2727] in [0] : vector<16xi32>, vector<16xi32> -> vector<16xi32>
    %mul3A_2729 = arith.muli %gather3A_2728, %min3A_2719 : vector<16xi32>
    %add3A_2730 = arith.addi %add3A_2710, %mul3A_2729 : vector<16xi32>
    %add3A_2731 = arith.addi %add3A_2638, %add3A_2730 : vector<16xi32>
    %mul3A_2732 = arith.muli %add3A_2731, %min3A_2650 : vector<16xi32>
    %add3A_2733 = arith.constant 1 : i32
    %add3A_2734 = vector.broadcast %add3A_2733 : i32 to vector<16xi32>
    %add3A_2735 = arith.addi %mul3A_2732, %add3A_2734 : vector<16xi32>
    %swap3A_2736 = arith.constant 12 : i32
    %swap3A_2737 = arith.index_cast %swap3A_2736 : i32 to index
    %swap3A_2738 = arith.constant 0 : index
    %swap3A_2739 = tpu.vector_load %arg6[%swap3A_2737, %swap3A_2738] {strides = array<i32>} : memref<16x32xi32, #tpu.memory_space<vmem>>, vector<1x16xi32>,
    %swap3A_2740 = vector.shape_cast %swap3A_2739 : vector<1x16xi32> to vector<16xi32>
    %swap3A_2741 = vector.shape_cast %add3A_2735 : vector<16xi32> to vector<1x16xi32>
    tpu.vector_store %arg6[%swap3A_2737, %swap3A_2738], %swap3A_2741 {strides = array<i32>} : memref<16x32xi32, #tpu.memory_space<vmem>>, vector<1x16xi32>,
    %broadcast_in_dim3A_2742 = vector.shape_cast %broadcast_in_dim3A_33 : vector<16xi32> to vector<16x1xi32>
    %gather3A_2743 = vector.shape_cast %broadcast_in_dim3A_2742 : vector<16x1xi32> to vector<16xi32>
    %gather3A_2744 = tpu.dynamic_gather %add3A_2730[%gather3A_2743] in [0] : vector<16xi32>, vector<16xi32> -> vector<16xi32>
    %add3A_2745 = arith.addi %add3A_2638, %gather3A_2744 : vector<16xi32>
    %add3A_2746 = arith.constant 400 : i32
    %add3A_2747 = arith.addi %mul3A_75, %add3A_2746 : i32
    %get3A_2748 = arith.index_cast %add3A_2747 : i32 to index
    %get3A_2749 = tpu.vector_load %arg5[%get3A_2748] {strides = array<i32>} : memref<4096xi32, #tpu.memory_space<vmem>>, vector<16xi32>,
    %get3A_2750 = vector.shape_cast %get3A_2749 : vector<16xi32> to vector<16xi32>
    %sub3A_2751 = arith.constant 1 : i32
    %sub3A_2752 = vector.broadcast %sub3A_2751 : i32 to vector<16xi32>
    %sub3A_2753 = arith.subi %get3A_2750, %sub3A_2752 : vector<16xi32>
    %abs3A_2754 = math.absi %sub3A_2753 : vector<16xi32>
    %min3A_2755 = arith.constant 1 : i32
    %min3A_2756 = vector.broadcast %min3A_2755 : i32 to vector<16xi32>
    %min3A_2757 = arith.minsi %abs3A_2754, %min3A_2756 : vector<16xi32>
    %sub3A_2758 = arith.constant 0 : i32
    %sub3A_2759 = vector.broadcast %sub3A_2758 : i32 to vector<16xi32>
    %sub3A_2760 = arith.subi %iota3A, %sub3A_2759 : vector<16xi32>
    %max3A_2761 = arith.constant 0 : i32
    %max3A_2762 = vector.broadcast %max3A_2761 : i32 to vector<16xi32>
    %max3A_2763 = arith.maxsi %sub3A_2760, %max3A_2762 : vector<16xi32>
    %min3A_2764 = arith.constant 1 : i32
    %min3A_2765 = vector.broadcast %min3A_2764 : i32 to vector<16xi32>
    %min3A_2766 = arith.minsi %max3A_2763, %min3A_2765 : vector<16xi32>
    %sub3A_2767 = arith.constant 1 : i32
    %sub3A_2768 = vector.broadcast %sub3A_2767 : i32 to vector<16xi32>
    %sub3A_2769 = arith.subi %iota3A, %sub3A_2768 : vector<16xi32>
    %max3A_2770 = arith.constant 0 : i32
    %max3A_2771 = vector.broadcast %max3A_2770 : i32 to vector<16xi32>
    %max3A_2772 = arith.maxsi %sub3A_2769, %max3A_2771 : vector<16xi32>
    %broadcast_in_dim3A_2773 = vector.shape_cast %max3A_2772 : vector<16xi32> to vector<16x1xi32>
    %gather3A_2774 = vector.shape_cast %broadcast_in_dim3A_2773 : vector<16x1xi32> to vector<16xi32>
    %gather3A_2775 = tpu.dynamic_gather %min3A_2757[%gather3A_2774] in [0] : vector<16xi32>, vector<16xi32> -> vector<16xi32>
    %mul3A_2776 = arith.muli %gather3A_2775, %min3A_2766 : vector<16xi32>
    %add3A_2777 = arith.addi %min3A_2757, %mul3A_2776 : vector<16xi32>
    %sub3A_2778 = arith.constant 1 : i32
    %sub3A_2779 = vector.broadcast %sub3A_2778 : i32 to vector<16xi32>
    %sub3A_2780 = arith.subi %iota3A, %sub3A_2779 : vector<16xi32>
    %max3A_2781 = arith.constant 0 : i32
    %max3A_2782 = vector.broadcast %max3A_2781 : i32 to vector<16xi32>
    %max3A_2783 = arith.maxsi %sub3A_2780, %max3A_2782 : vector<16xi32>
    %min3A_2784 = arith.constant 1 : i32
    %min3A_2785 = vector.broadcast %min3A_2784 : i32 to vector<16xi32>
    %min3A_2786 = arith.minsi %max3A_2783, %min3A_2785 : vector<16xi32>
    %sub3A_2787 = arith.constant 2 : i32
    %sub3A_2788 = vector.broadcast %sub3A_2787 : i32 to vector<16xi32>
    %sub3A_2789 = arith.subi %iota3A, %sub3A_2788 : vector<16xi32>
    %max3A_2790 = arith.constant 0 : i32
    %max3A_2791 = vector.broadcast %max3A_2790 : i32 to vector<16xi32>
    %max3A_2792 = arith.maxsi %sub3A_2789, %max3A_2791 : vector<16xi32>
    %broadcast_in_dim3A_2793 = vector.shape_cast %max3A_2792 : vector<16xi32> to vector<16x1xi32>
    %gather3A_2794 = vector.shape_cast %broadcast_in_dim3A_2793 : vector<16x1xi32> to vector<16xi32>
    %gather3A_2795 = tpu.dynamic_gather %add3A_2777[%gather3A_2794] in [0] : vector<16xi32>, vector<16xi32> -> vector<16xi32>
    %mul3A_2796 = arith.muli %gather3A_2795, %min3A_2786 : vector<16xi32>
    %add3A_2797 = arith.addi %add3A_2777, %mul3A_2796 : vector<16xi32>
    %sub3A_2798 = arith.constant 3 : i32
    %sub3A_2799 = vector.broadcast %sub3A_2798 : i32 to vector<16xi32>
    %sub3A_2800 = arith.subi %iota3A, %sub3A_2799 : vector<16xi32>
    %max3A_2801 = arith.constant 0 : i32
    %max3A_2802 = vector.broadcast %max3A_2801 : i32 to vector<16xi32>
    %max3A_2803 = arith.maxsi %sub3A_2800, %max3A_2802 : vector<16xi32>
    %min3A_2804 = arith.constant 1 : i32
    %min3A_2805 = vector.broadcast %min3A_2804 : i32 to vector<16xi32>
    %min3A_2806 = arith.minsi %max3A_2803, %min3A_2805 : vector<16xi32>
    %sub3A_2807 = arith.constant 4 : i32
    %sub3A_2808 = vector.broadcast %sub3A_2807 : i32 to vector<16xi32>
    %sub3A_2809 = arith.subi %iota3A, %sub3A_2808 : vector<16xi32>
    %max3A_2810 = arith.constant 0 : i32
    %max3A_2811 = vector.broadcast %max3A_2810 : i32 to vector<16xi32>
    %max3A_2812 = arith.maxsi %sub3A_2809, %max3A_2811 : vector<16xi32>
    %broadcast_in_dim3A_2813 = vector.shape_cast %max3A_2812 : vector<16xi32> to vector<16x1xi32>
    %gather3A_2814 = vector.shape_cast %broadcast_in_dim3A_2813 : vector<16x1xi32> to vector<16xi32>
    %gather3A_2815 = tpu.dynamic_gather %add3A_2797[%gather3A_2814] in [0] : vector<16xi32>, vector<16xi32> -> vector<16xi32>
    %mul3A_2816 = arith.muli %gather3A_2815, %min3A_2806 : vector<16xi32>
    %add3A_2817 = arith.addi %add3A_2797, %mul3A_2816 : vector<16xi32>
    %sub3A_2818 = arith.constant 7 : i32
    %sub3A_2819 = vector.broadcast %sub3A_2818 : i32 to vector<16xi32>
    %sub3A_2820 = arith.subi %iota3A, %sub3A_2819 : vector<16xi32>
    %max3A_2821 = arith.constant 0 : i32
    %max3A_2822 = vector.broadcast %max3A_2821 : i32 to vector<16xi32>
    %max3A_2823 = arith.maxsi %sub3A_2820, %max3A_2822 : vector<16xi32>
    %min3A_2824 = arith.constant 1 : i32
    %min3A_2825 = vector.broadcast %min3A_2824 : i32 to vector<16xi32>
    %min3A_2826 = arith.minsi %max3A_2823, %min3A_2825 : vector<16xi32>
    %sub3A_2827 = arith.constant 8 : i32
    %sub3A_2828 = vector.broadcast %sub3A_2827 : i32 to vector<16xi32>
    %sub3A_2829 = arith.subi %iota3A, %sub3A_2828 : vector<16xi32>
    %max3A_2830 = arith.constant 0 : i32
    %max3A_2831 = vector.broadcast %max3A_2830 : i32 to vector<16xi32>
    %max3A_2832 = arith.maxsi %sub3A_2829, %max3A_2831 : vector<16xi32>
    %broadcast_in_dim3A_2833 = vector.shape_cast %max3A_2832 : vector<16xi32> to vector<16x1xi32>
    %gather3A_2834 = vector.shape_cast %broadcast_in_dim3A_2833 : vector<16x1xi32> to vector<16xi32>
    %gather3A_2835 = tpu.dynamic_gather %add3A_2817[%gather3A_2834] in [0] : vector<16xi32>, vector<16xi32> -> vector<16xi32>
    %mul3A_2836 = arith.muli %gather3A_2835, %min3A_2826 : vector<16xi32>
    %add3A_2837 = arith.addi %add3A_2817, %mul3A_2836 : vector<16xi32>
    %add3A_2838 = arith.addi %add3A_2745, %add3A_2837 : vector<16xi32>
    %mul3A_2839 = arith.muli %add3A_2838, %min3A_2757 : vector<16xi32>
    %add3A_2840 = arith.constant 1 : i32
    %add3A_2841 = vector.broadcast %add3A_2840 : i32 to vector<16xi32>
    %add3A_2842 = arith.addi %mul3A_2839, %add3A_2841 : vector<16xi32>
    %swap3A_2843 = arith.constant 12 : i32
    %swap3A_2844 = arith.index_cast %swap3A_2843 : i32 to index
    %swap3A_2845 = arith.constant 16 : index
    %swap3A_2846 = tpu.vector_load %arg6[%swap3A_2844, %swap3A_2845] {strides = array<i32>} : memref<16x32xi32, #tpu.memory_space<vmem>>, vector<1x16xi32>,
    %swap3A_2847 = vector.shape_cast %swap3A_2846 : vector<1x16xi32> to vector<16xi32>
    %swap3A_2848 = vector.shape_cast %add3A_2842 : vector<16xi32> to vector<1x16xi32>
    tpu.vector_store %arg6[%swap3A_2844, %swap3A_2845], %swap3A_2848 {strides = array<i32>} : memref<16x32xi32, #tpu.memory_space<vmem>>, vector<1x16xi32>,
    %broadcast_in_dim3A_2849 = vector.shape_cast %broadcast_in_dim3A_33 : vector<16xi32> to vector<16x1xi32>
    %gather3A_2850 = vector.shape_cast %broadcast_in_dim3A_2849 : vector<16x1xi32> to vector<16xi32>
    %gather3A_2851 = tpu.dynamic_gather %add3A_2837[%gather3A_2850] in [0] : vector<16xi32>, vector<16xi32> -> vector<16xi32>
    %add3A_2852 = arith.addi %add3A_2745, %gather3A_2851 : vector<16xi32>
    %add3A_2853 = arith.constant 416 : i32
    %add3A_2854 = arith.addi %mul3A_75, %add3A_2853 : i32
    %get3A_2855 = arith.index_cast %add3A_2854 : i32 to index
    %get3A_2856 = tpu.vector_load %arg5[%get3A_2855] {strides = array<i32>} : memref<4096xi32, #tpu.memory_space<vmem>>, vector<16xi32>,
    %get3A_2857 = vector.shape_cast %get3A_2856 : vector<16xi32> to vector<16xi32>
    %sub3A_2858 = arith.constant 1 : i32
    %sub3A_2859 = vector.broadcast %sub3A_2858 : i32 to vector<16xi32>
    %sub3A_2860 = arith.subi %get3A_2857, %sub3A_2859 : vector<16xi32>
    %abs3A_2861 = math.absi %sub3A_2860 : vector<16xi32>
    %min3A_2862 = arith.constant 1 : i32
    %min3A_2863 = vector.broadcast %min3A_2862 : i32 to vector<16xi32>
    %min3A_2864 = arith.minsi %abs3A_2861, %min3A_2863 : vector<16xi32>
    %sub3A_2865 = arith.constant 0 : i32
    %sub3A_2866 = vector.broadcast %sub3A_2865 : i32 to vector<16xi32>
    %sub3A_2867 = arith.subi %iota3A, %sub3A_2866 : vector<16xi32>
    %max3A_2868 = arith.constant 0 : i32
    %max3A_2869 = vector.broadcast %max3A_2868 : i32 to vector<16xi32>
    %max3A_2870 = arith.maxsi %sub3A_2867, %max3A_2869 : vector<16xi32>
    %min3A_2871 = arith.constant 1 : i32
    %min3A_2872 = vector.broadcast %min3A_2871 : i32 to vector<16xi32>
    %min3A_2873 = arith.minsi %max3A_2870, %min3A_2872 : vector<16xi32>
    %sub3A_2874 = arith.constant 1 : i32
    %sub3A_2875 = vector.broadcast %sub3A_2874 : i32 to vector<16xi32>
    %sub3A_2876 = arith.subi %iota3A, %sub3A_2875 : vector<16xi32>
    %max3A_2877 = arith.constant 0 : i32
    %max3A_2878 = vector.broadcast %max3A_2877 : i32 to vector<16xi32>
    %max3A_2879 = arith.maxsi %sub3A_2876, %max3A_2878 : vector<16xi32>
    %broadcast_in_dim3A_2880 = vector.shape_cast %max3A_2879 : vector<16xi32> to vector<16x1xi32>
    %gather3A_2881 = vector.shape_cast %broadcast_in_dim3A_2880 : vector<16x1xi32> to vector<16xi32>
    %gather3A_2882 = tpu.dynamic_gather %min3A_2864[%gather3A_2881] in [0] : vector<16xi32>, vector<16xi32> -> vector<16xi32>
    %mul3A_2883 = arith.muli %gather3A_2882, %min3A_2873 : vector<16xi32>
    %add3A_2884 = arith.addi %min3A_2864, %mul3A_2883 : vector<16xi32>
    %sub3A_2885 = arith.constant 1 : i32
    %sub3A_2886 = vector.broadcast %sub3A_2885 : i32 to vector<16xi32>
    %sub3A_2887 = arith.subi %iota3A, %sub3A_2886 : vector<16xi32>
    %max3A_2888 = arith.constant 0 : i32
    %max3A_2889 = vector.broadcast %max3A_2888 : i32 to vector<16xi32>
    %max3A_2890 = arith.maxsi %sub3A_2887, %max3A_2889 : vector<16xi32>
    %min3A_2891 = arith.constant 1 : i32
    %min3A_2892 = vector.broadcast %min3A_2891 : i32 to vector<16xi32>
    %min3A_2893 = arith.minsi %max3A_2890, %min3A_2892 : vector<16xi32>
    %sub3A_2894 = arith.constant 2 : i32
    %sub3A_2895 = vector.broadcast %sub3A_2894 : i32 to vector<16xi32>
    %sub3A_2896 = arith.subi %iota3A, %sub3A_2895 : vector<16xi32>
    %max3A_2897 = arith.constant 0 : i32
    %max3A_2898 = vector.broadcast %max3A_2897 : i32 to vector<16xi32>
    %max3A_2899 = arith.maxsi %sub3A_2896, %max3A_2898 : vector<16xi32>
    %broadcast_in_dim3A_2900 = vector.shape_cast %max3A_2899 : vector<16xi32> to vector<16x1xi32>
    %gather3A_2901 = vector.shape_cast %broadcast_in_dim3A_2900 : vector<16x1xi32> to vector<16xi32>
    %gather3A_2902 = tpu.dynamic_gather %add3A_2884[%gather3A_2901] in [0] : vector<16xi32>, vector<16xi32> -> vector<16xi32>
    %mul3A_2903 = arith.muli %gather3A_2902, %min3A_2893 : vector<16xi32>
    %add3A_2904 = arith.addi %add3A_2884, %mul3A_2903 : vector<16xi32>
    %sub3A_2905 = arith.constant 3 : i32
    %sub3A_2906 = vector.broadcast %sub3A_2905 : i32 to vector<16xi32>
    %sub3A_2907 = arith.subi %iota3A, %sub3A_2906 : vector<16xi32>
    %max3A_2908 = arith.constant 0 : i32
    %max3A_2909 = vector.broadcast %max3A_2908 : i32 to vector<16xi32>
    %max3A_2910 = arith.maxsi %sub3A_2907, %max3A_2909 : vector<16xi32>
    %min3A_2911 = arith.constant 1 : i32
    %min3A_2912 = vector.broadcast %min3A_2911 : i32 to vector<16xi32>
    %min3A_2913 = arith.minsi %max3A_2910, %min3A_2912 : vector<16xi32>
    %sub3A_2914 = arith.constant 4 : i32
    %sub3A_2915 = vector.broadcast %sub3A_2914 : i32 to vector<16xi32>
    %sub3A_2916 = arith.subi %iota3A, %sub3A_2915 : vector<16xi32>
    %max3A_2917 = arith.constant 0 : i32
    %max3A_2918 = vector.broadcast %max3A_2917 : i32 to vector<16xi32>
    %max3A_2919 = arith.maxsi %sub3A_2916, %max3A_2918 : vector<16xi32>
    %broadcast_in_dim3A_2920 = vector.shape_cast %max3A_2919 : vector<16xi32> to vector<16x1xi32>
    %gather3A_2921 = vector.shape_cast %broadcast_in_dim3A_2920 : vector<16x1xi32> to vector<16xi32>
    %gather3A_2922 = tpu.dynamic_gather %add3A_2904[%gather3A_2921] in [0] : vector<16xi32>, vector<16xi32> -> vector<16xi32>
    %mul3A_2923 = arith.muli %gather3A_2922, %min3A_2913 : vector<16xi32>
    %add3A_2924 = arith.addi %add3A_2904, %mul3A_2923 : vector<16xi32>
    %sub3A_2925 = arith.constant 7 : i32
    %sub3A_2926 = vector.broadcast %sub3A_2925 : i32 to vector<16xi32>
    %sub3A_2927 = arith.subi %iota3A, %sub3A_2926 : vector<16xi32>
    %max3A_2928 = arith.constant 0 : i32
    %max3A_2929 = vector.broadcast %max3A_2928 : i32 to vector<16xi32>
    %max3A_2930 = arith.maxsi %sub3A_2927, %max3A_2929 : vector<16xi32>
    %min3A_2931 = arith.constant 1 : i32
    %min3A_2932 = vector.broadcast %min3A_2931 : i32 to vector<16xi32>
    %min3A_2933 = arith.minsi %max3A_2930, %min3A_2932 : vector<16xi32>
    %sub3A_2934 = arith.constant 8 : i32
    %sub3A_2935 = vector.broadcast %sub3A_2934 : i32 to vector<16xi32>
    %sub3A_2936 = arith.subi %iota3A, %sub3A_2935 : vector<16xi32>
    %max3A_2937 = arith.constant 0 : i32
    %max3A_2938 = vector.broadcast %max3A_2937 : i32 to vector<16xi32>
    %max3A_2939 = arith.maxsi %sub3A_2936, %max3A_2938 : vector<16xi32>
    %broadcast_in_dim3A_2940 = vector.shape_cast %max3A_2939 : vector<16xi32> to vector<16x1xi32>
    %gather3A_2941 = vector.shape_cast %broadcast_in_dim3A_2940 : vector<16x1xi32> to vector<16xi32>
    %gather3A_2942 = tpu.dynamic_gather %add3A_2924[%gather3A_2941] in [0] : vector<16xi32>, vector<16xi32> -> vector<16xi32>
    %mul3A_2943 = arith.muli %gather3A_2942, %min3A_2933 : vector<16xi32>
    %add3A_2944 = arith.addi %add3A_2924, %mul3A_2943 : vector<16xi32>
    %add3A_2945 = arith.addi %add3A_2852, %add3A_2944 : vector<16xi32>
    %mul3A_2946 = arith.muli %add3A_2945, %min3A_2864 : vector<16xi32>
    %add3A_2947 = arith.constant 1 : i32
    %add3A_2948 = vector.broadcast %add3A_2947 : i32 to vector<16xi32>
    %add3A_2949 = arith.addi %mul3A_2946, %add3A_2948 : vector<16xi32>
    %swap3A_2950 = arith.constant 13 : i32
    %swap3A_2951 = arith.index_cast %swap3A_2950 : i32 to index
    %swap3A_2952 = arith.constant 0 : index
    %swap3A_2953 = tpu.vector_load %arg6[%swap3A_2951, %swap3A_2952] {strides = array<i32>} : memref<16x32xi32, #tpu.memory_space<vmem>>, vector<1x16xi32>,
    %swap3A_2954 = vector.shape_cast %swap3A_2953 : vector<1x16xi32> to vector<16xi32>
    %swap3A_2955 = vector.shape_cast %add3A_2949 : vector<16xi32> to vector<1x16xi32>
    tpu.vector_store %arg6[%swap3A_2951, %swap3A_2952], %swap3A_2955 {strides = array<i32>} : memref<16x32xi32, #tpu.memory_space<vmem>>, vector<1x16xi32>,
    %broadcast_in_dim3A_2956 = vector.shape_cast %broadcast_in_dim3A_33 : vector<16xi32> to vector<16x1xi32>
    %gather3A_2957 = vector.shape_cast %broadcast_in_dim3A_2956 : vector<16x1xi32> to vector<16xi32>
    %gather3A_2958 = tpu.dynamic_gather %add3A_2944[%gather3A_2957] in [0] : vector<16xi32>, vector<16xi32> -> vector<16xi32>
    %add3A_2959 = arith.addi %add3A_2852, %gather3A_2958 : vector<16xi32>
    %add3A_2960 = arith.constant 432 : i32
    %add3A_2961 = arith.addi %mul3A_75, %add3A_2960 : i32
    %get3A_2962 = arith.index_cast %add3A_2961 : i32 to index
    %get3A_2963 = tpu.vector_load %arg5[%get3A_2962] {strides = array<i32>} : memref<4096xi32, #tpu.memory_space<vmem>>, vector<16xi32>,
    %get3A_2964 = vector.shape_cast %get3A_2963 : vector<16xi32> to vector<16xi32>
    %sub3A_2965 = arith.constant 1 : i32
    %sub3A_2966 = vector.broadcast %sub3A_2965 : i32 to vector<16xi32>
    %sub3A_2967 = arith.subi %get3A_2964, %sub3A_2966 : vector<16xi32>
    %abs3A_2968 = math.absi %sub3A_2967 : vector<16xi32>
    %min3A_2969 = arith.constant 1 : i32
    %min3A_2970 = vector.broadcast %min3A_2969 : i32 to vector<16xi32>
    %min3A_2971 = arith.minsi %abs3A_2968, %min3A_2970 : vector<16xi32>
    %sub3A_2972 = arith.constant 0 : i32
    %sub3A_2973 = vector.broadcast %sub3A_2972 : i32 to vector<16xi32>
    %sub3A_2974 = arith.subi %iota3A, %sub3A_2973 : vector<16xi32>
    %max3A_2975 = arith.constant 0 : i32
    %max3A_2976 = vector.broadcast %max3A_2975 : i32 to vector<16xi32>
    %max3A_2977 = arith.maxsi %sub3A_2974, %max3A_2976 : vector<16xi32>
    %min3A_2978 = arith.constant 1 : i32
    %min3A_2979 = vector.broadcast %min3A_2978 : i32 to vector<16xi32>
    %min3A_2980 = arith.minsi %max3A_2977, %min3A_2979 : vector<16xi32>
    %sub3A_2981 = arith.constant 1 : i32
    %sub3A_2982 = vector.broadcast %sub3A_2981 : i32 to vector<16xi32>
    %sub3A_2983 = arith.subi %iota3A, %sub3A_2982 : vector<16xi32>
    %max3A_2984 = arith.constant 0 : i32
    %max3A_2985 = vector.broadcast %max3A_2984 : i32 to vector<16xi32>
    %max3A_2986 = arith.maxsi %sub3A_2983, %max3A_2985 : vector<16xi32>
    %broadcast_in_dim3A_2987 = vector.shape_cast %max3A_2986 : vector<16xi32> to vector<16x1xi32>
    %gather3A_2988 = vector.shape_cast %broadcast_in_dim3A_2987 : vector<16x1xi32> to vector<16xi32>
    %gather3A_2989 = tpu.dynamic_gather %min3A_2971[%gather3A_2988] in [0] : vector<16xi32>, vector<16xi32> -> vector<16xi32>
    %mul3A_2990 = arith.muli %gather3A_2989, %min3A_2980 : vector<16xi32>
    %add3A_2991 = arith.addi %min3A_2971, %mul3A_2990 : vector<16xi32>
    %sub3A_2992 = arith.constant 1 : i32
    %sub3A_2993 = vector.broadcast %sub3A_2992 : i32 to vector<16xi32>
    %sub3A_2994 = arith.subi %iota3A, %sub3A_2993 : vector<16xi32>
    %max3A_2995 = arith.constant 0 : i32
    %max3A_2996 = vector.broadcast %max3A_2995 : i32 to vector<16xi32>
    %max3A_2997 = arith.maxsi %sub3A_2994, %max3A_2996 : vector<16xi32>
    %min3A_2998 = arith.constant 1 : i32
    %min3A_2999 = vector.broadcast %min3A_2998 : i32 to vector<16xi32>
    %min3A_3000 = arith.minsi %max3A_2997, %min3A_2999 : vector<16xi32>
    %sub3A_3001 = arith.constant 2 : i32
    %sub3A_3002 = vector.broadcast %sub3A_3001 : i32 to vector<16xi32>
    %sub3A_3003 = arith.subi %iota3A, %sub3A_3002 : vector<16xi32>
    %max3A_3004 = arith.constant 0 : i32
    %max3A_3005 = vector.broadcast %max3A_3004 : i32 to vector<16xi32>
    %max3A_3006 = arith.maxsi %sub3A_3003, %max3A_3005 : vector<16xi32>
    %broadcast_in_dim3A_3007 = vector.shape_cast %max3A_3006 : vector<16xi32> to vector<16x1xi32>
    %gather3A_3008 = vector.shape_cast %broadcast_in_dim3A_3007 : vector<16x1xi32> to vector<16xi32>
    %gather3A_3009 = tpu.dynamic_gather %add3A_2991[%gather3A_3008] in [0] : vector<16xi32>, vector<16xi32> -> vector<16xi32>
    %mul3A_3010 = arith.muli %gather3A_3009, %min3A_3000 : vector<16xi32>
    %add3A_3011 = arith.addi %add3A_2991, %mul3A_3010 : vector<16xi32>
    %sub3A_3012 = arith.constant 3 : i32
    %sub3A_3013 = vector.broadcast %sub3A_3012 : i32 to vector<16xi32>
    %sub3A_3014 = arith.subi %iota3A, %sub3A_3013 : vector<16xi32>
    %max3A_3015 = arith.constant 0 : i32
    %max3A_3016 = vector.broadcast %max3A_3015 : i32 to vector<16xi32>
    %max3A_3017 = arith.maxsi %sub3A_3014, %max3A_3016 : vector<16xi32>
    %min3A_3018 = arith.constant 1 : i32
    %min3A_3019 = vector.broadcast %min3A_3018 : i32 to vector<16xi32>
    %min3A_3020 = arith.minsi %max3A_3017, %min3A_3019 : vector<16xi32>
    %sub3A_3021 = arith.constant 4 : i32
    %sub3A_3022 = vector.broadcast %sub3A_3021 : i32 to vector<16xi32>
    %sub3A_3023 = arith.subi %iota3A, %sub3A_3022 : vector<16xi32>
    %max3A_3024 = arith.constant 0 : i32
    %max3A_3025 = vector.broadcast %max3A_3024 : i32 to vector<16xi32>
    %max3A_3026 = arith.maxsi %sub3A_3023, %max3A_3025 : vector<16xi32>
    %broadcast_in_dim3A_3027 = vector.shape_cast %max3A_3026 : vector<16xi32> to vector<16x1xi32>
    %gather3A_3028 = vector.shape_cast %broadcast_in_dim3A_3027 : vector<16x1xi32> to vector<16xi32>
    %gather3A_3029 = tpu.dynamic_gather %add3A_3011[%gather3A_3028] in [0] : vector<16xi32>, vector<16xi32> -> vector<16xi32>
    %mul3A_3030 = arith.muli %gather3A_3029, %min3A_3020 : vector<16xi32>
    %add3A_3031 = arith.addi %add3A_3011, %mul3A_3030 : vector<16xi32>
    %sub3A_3032 = arith.constant 7 : i32
    %sub3A_3033 = vector.broadcast %sub3A_3032 : i32 to vector<16xi32>
    %sub3A_3034 = arith.subi %iota3A, %sub3A_3033 : vector<16xi32>
    %max3A_3035 = arith.constant 0 : i32
    %max3A_3036 = vector.broadcast %max3A_3035 : i32 to vector<16xi32>
    %max3A_3037 = arith.maxsi %sub3A_3034, %max3A_3036 : vector<16xi32>
    %min3A_3038 = arith.constant 1 : i32
    %min3A_3039 = vector.broadcast %min3A_3038 : i32 to vector<16xi32>
    %min3A_3040 = arith.minsi %max3A_3037, %min3A_3039 : vector<16xi32>
    %sub3A_3041 = arith.constant 8 : i32
    %sub3A_3042 = vector.broadcast %sub3A_3041 : i32 to vector<16xi32>
    %sub3A_3043 = arith.subi %iota3A, %sub3A_3042 : vector<16xi32>
    %max3A_3044 = arith.constant 0 : i32
    %max3A_3045 = vector.broadcast %max3A_3044 : i32 to vector<16xi32>
    %max3A_3046 = arith.maxsi %sub3A_3043, %max3A_3045 : vector<16xi32>
    %broadcast_in_dim3A_3047 = vector.shape_cast %max3A_3046 : vector<16xi32> to vector<16x1xi32>
    %gather3A_3048 = vector.shape_cast %broadcast_in_dim3A_3047 : vector<16x1xi32> to vector<16xi32>
    %gather3A_3049 = tpu.dynamic_gather %add3A_3031[%gather3A_3048] in [0] : vector<16xi32>, vector<16xi32> -> vector<16xi32>
    %mul3A_3050 = arith.muli %gather3A_3049, %min3A_3040 : vector<16xi32>
    %add3A_3051 = arith.addi %add3A_3031, %mul3A_3050 : vector<16xi32>
    %add3A_3052 = arith.addi %add3A_2959, %add3A_3051 : vector<16xi32>
    %mul3A_3053 = arith.muli %add3A_3052, %min3A_2971 : vector<16xi32>
    %add3A_3054 = arith.constant 1 : i32
    %add3A_3055 = vector.broadcast %add3A_3054 : i32 to vector<16xi32>
    %add3A_3056 = arith.addi %mul3A_3053, %add3A_3055 : vector<16xi32>
    %swap3A_3057 = arith.constant 13 : i32
    %swap3A_3058 = arith.index_cast %swap3A_3057 : i32 to index
    %swap3A_3059 = arith.constant 16 : index
    %swap3A_3060 = tpu.vector_load %arg6[%swap3A_3058, %swap3A_3059] {strides = array<i32>} : memref<16x32xi32, #tpu.memory_space<vmem>>, vector<1x16xi32>,
    %swap3A_3061 = vector.shape_cast %swap3A_3060 : vector<1x16xi32> to vector<16xi32>
    %swap3A_3062 = vector.shape_cast %add3A_3056 : vector<16xi32> to vector<1x16xi32>
    tpu.vector_store %arg6[%swap3A_3058, %swap3A_3059], %swap3A_3062 {strides = array<i32>} : memref<16x32xi32, #tpu.memory_space<vmem>>, vector<1x16xi32>,
    %broadcast_in_dim3A_3063 = vector.shape_cast %broadcast_in_dim3A_33 : vector<16xi32> to vector<16x1xi32>
    %gather3A_3064 = vector.shape_cast %broadcast_in_dim3A_3063 : vector<16x1xi32> to vector<16xi32>
    %gather3A_3065 = tpu.dynamic_gather %add3A_3051[%gather3A_3064] in [0] : vector<16xi32>, vector<16xi32> -> vector<16xi32>
    %add3A_3066 = arith.addi %add3A_2959, %gather3A_3065 : vector<16xi32>
    %add3A_3067 = arith.constant 448 : i32
    %add3A_3068 = arith.addi %mul3A_75, %add3A_3067 : i32
    %get3A_3069 = arith.index_cast %add3A_3068 : i32 to index
    %get3A_3070 = tpu.vector_load %arg5[%get3A_3069] {strides = array<i32>} : memref<4096xi32, #tpu.memory_space<vmem>>, vector<16xi32>,
    %get3A_3071 = vector.shape_cast %get3A_3070 : vector<16xi32> to vector<16xi32>
    %sub3A_3072 = arith.constant 1 : i32
    %sub3A_3073 = vector.broadcast %sub3A_3072 : i32 to vector<16xi32>
    %sub3A_3074 = arith.subi %get3A_3071, %sub3A_3073 : vector<16xi32>
    %abs3A_3075 = math.absi %sub3A_3074 : vector<16xi32>
    %min3A_3076 = arith.constant 1 : i32
    %min3A_3077 = vector.broadcast %min3A_3076 : i32 to vector<16xi32>
    %min3A_3078 = arith.minsi %abs3A_3075, %min3A_3077 : vector<16xi32>
    %sub3A_3079 = arith.constant 0 : i32
    %sub3A_3080 = vector.broadcast %sub3A_3079 : i32 to vector<16xi32>
    %sub3A_3081 = arith.subi %iota3A, %sub3A_3080 : vector<16xi32>
    %max3A_3082 = arith.constant 0 : i32
    %max3A_3083 = vector.broadcast %max3A_3082 : i32 to vector<16xi32>
    %max3A_3084 = arith.maxsi %sub3A_3081, %max3A_3083 : vector<16xi32>
    %min3A_3085 = arith.constant 1 : i32
    %min3A_3086 = vector.broadcast %min3A_3085 : i32 to vector<16xi32>
    %min3A_3087 = arith.minsi %max3A_3084, %min3A_3086 : vector<16xi32>
    %sub3A_3088 = arith.constant 1 : i32
    %sub3A_3089 = vector.broadcast %sub3A_3088 : i32 to vector<16xi32>
    %sub3A_3090 = arith.subi %iota3A, %sub3A_3089 : vector<16xi32>
    %max3A_3091 = arith.constant 0 : i32
    %max3A_3092 = vector.broadcast %max3A_3091 : i32 to vector<16xi32>
    %max3A_3093 = arith.maxsi %sub3A_3090, %max3A_3092 : vector<16xi32>
    %broadcast_in_dim3A_3094 = vector.shape_cast %max3A_3093 : vector<16xi32> to vector<16x1xi32>
    %gather3A_3095 = vector.shape_cast %broadcast_in_dim3A_3094 : vector<16x1xi32> to vector<16xi32>
    %gather3A_3096 = tpu.dynamic_gather %min3A_3078[%gather3A_3095] in [0] : vector<16xi32>, vector<16xi32> -> vector<16xi32>
    %mul3A_3097 = arith.muli %gather3A_3096, %min3A_3087 : vector<16xi32>
    %add3A_3098 = arith.addi %min3A_3078, %mul3A_3097 : vector<16xi32>
    %sub3A_3099 = arith.constant 1 : i32
    %sub3A_3100 = vector.broadcast %sub3A_3099 : i32 to vector<16xi32>
    %sub3A_3101 = arith.subi %iota3A, %sub3A_3100 : vector<16xi32>
    %max3A_3102 = arith.constant 0 : i32
    %max3A_3103 = vector.broadcast %max3A_3102 : i32 to vector<16xi32>
    %max3A_3104 = arith.maxsi %sub3A_3101, %max3A_3103 : vector<16xi32>
    %min3A_3105 = arith.constant 1 : i32
    %min3A_3106 = vector.broadcast %min3A_3105 : i32 to vector<16xi32>
    %min3A_3107 = arith.minsi %max3A_3104, %min3A_3106 : vector<16xi32>
    %sub3A_3108 = arith.constant 2 : i32
    %sub3A_3109 = vector.broadcast %sub3A_3108 : i32 to vector<16xi32>
    %sub3A_3110 = arith.subi %iota3A, %sub3A_3109 : vector<16xi32>
    %max3A_3111 = arith.constant 0 : i32
    %max3A_3112 = vector.broadcast %max3A_3111 : i32 to vector<16xi32>
    %max3A_3113 = arith.maxsi %sub3A_3110, %max3A_3112 : vector<16xi32>
    %broadcast_in_dim3A_3114 = vector.shape_cast %max3A_3113 : vector<16xi32> to vector<16x1xi32>
    %gather3A_3115 = vector.shape_cast %broadcast_in_dim3A_3114 : vector<16x1xi32> to vector<16xi32>
    %gather3A_3116 = tpu.dynamic_gather %add3A_3098[%gather3A_3115] in [0] : vector<16xi32>, vector<16xi32> -> vector<16xi32>
    %mul3A_3117 = arith.muli %gather3A_3116, %min3A_3107 : vector<16xi32>
    %add3A_3118 = arith.addi %add3A_3098, %mul3A_3117 : vector<16xi32>
    %sub3A_3119 = arith.constant 3 : i32
    %sub3A_3120 = vector.broadcast %sub3A_3119 : i32 to vector<16xi32>
    %sub3A_3121 = arith.subi %iota3A, %sub3A_3120 : vector<16xi32>
    %max3A_3122 = arith.constant 0 : i32
    %max3A_3123 = vector.broadcast %max3A_3122 : i32 to vector<16xi32>
    %max3A_3124 = arith.maxsi %sub3A_3121, %max3A_3123 : vector<16xi32>
    %min3A_3125 = arith.constant 1 : i32
    %min3A_3126 = vector.broadcast %min3A_3125 : i32 to vector<16xi32>
    %min3A_3127 = arith.minsi %max3A_3124, %min3A_3126 : vector<16xi32>
    %sub3A_3128 = arith.constant 4 : i32
    %sub3A_3129 = vector.broadcast %sub3A_3128 : i32 to vector<16xi32>
    %sub3A_3130 = arith.subi %iota3A, %sub3A_3129 : vector<16xi32>
    %max3A_3131 = arith.constant 0 : i32
    %max3A_3132 = vector.broadcast %max3A_3131 : i32 to vector<16xi32>
    %max3A_3133 = arith.maxsi %sub3A_3130, %max3A_3132 : vector<16xi32>
    %broadcast_in_dim3A_3134 = vector.shape_cast %max3A_3133 : vector<16xi32> to vector<16x1xi32>
    %gather3A_3135 = vector.shape_cast %broadcast_in_dim3A_3134 : vector<16x1xi32> to vector<16xi32>
    %gather3A_3136 = tpu.dynamic_gather %add3A_3118[%gather3A_3135] in [0] : vector<16xi32>, vector<16xi32> -> vector<16xi32>
    %mul3A_3137 = arith.muli %gather3A_3136, %min3A_3127 : vector<16xi32>
    %add3A_3138 = arith.addi %add3A_3118, %mul3A_3137 : vector<16xi32>
    %sub3A_3139 = arith.constant 7 : i32
    %sub3A_3140 = vector.broadcast %sub3A_3139 : i32 to vector<16xi32>
    %sub3A_3141 = arith.subi %iota3A, %sub3A_3140 : vector<16xi32>
    %max3A_3142 = arith.constant 0 : i32
    %max3A_3143 = vector.broadcast %max3A_3142 : i32 to vector<16xi32>
    %max3A_3144 = arith.maxsi %sub3A_3141, %max3A_3143 : vector<16xi32>
    %min3A_3145 = arith.constant 1 : i32
    %min3A_3146 = vector.broadcast %min3A_3145 : i32 to vector<16xi32>
    %min3A_3147 = arith.minsi %max3A_3144, %min3A_3146 : vector<16xi32>
    %sub3A_3148 = arith.constant 8 : i32
    %sub3A_3149 = vector.broadcast %sub3A_3148 : i32 to vector<16xi32>
    %sub3A_3150 = arith.subi %iota3A, %sub3A_3149 : vector<16xi32>
    %max3A_3151 = arith.constant 0 : i32
    %max3A_3152 = vector.broadcast %max3A_3151 : i32 to vector<16xi32>
    %max3A_3153 = arith.maxsi %sub3A_3150, %max3A_3152 : vector<16xi32>
    %broadcast_in_dim3A_3154 = vector.shape_cast %max3A_3153 : vector<16xi32> to vector<16x1xi32>
    %gather3A_3155 = vector.shape_cast %broadcast_in_dim3A_3154 : vector<16x1xi32> to vector<16xi32>
    %gather3A_3156 = tpu.dynamic_gather %add3A_3138[%gather3A_3155] in [0] : vector<16xi32>, vector<16xi32> -> vector<16xi32>
    %mul3A_3157 = arith.muli %gather3A_3156, %min3A_3147 : vector<16xi32>
    %add3A_3158 = arith.addi %add3A_3138, %mul3A_3157 : vector<16xi32>
    %add3A_3159 = arith.addi %add3A_3066, %add3A_3158 : vector<16xi32>
    %mul3A_3160 = arith.muli %add3A_3159, %min3A_3078 : vector<16xi32>
    %add3A_3161 = arith.constant 1 : i32
    %add3A_3162 = vector.broadcast %add3A_3161 : i32 to vector<16xi32>
    %add3A_3163 = arith.addi %mul3A_3160, %add3A_3162 : vector<16xi32>
    %swap3A_3164 = arith.constant 14 : i32
    %swap3A_3165 = arith.index_cast %swap3A_3164 : i32 to index
    %swap3A_3166 = arith.constant 0 : index
    %swap3A_3167 = tpu.vector_load %arg6[%swap3A_3165, %swap3A_3166] {strides = array<i32>} : memref<16x32xi32, #tpu.memory_space<vmem>>, vector<1x16xi32>,
    %swap3A_3168 = vector.shape_cast %swap3A_3167 : vector<1x16xi32> to vector<16xi32>
    %swap3A_3169 = vector.shape_cast %add3A_3163 : vector<16xi32> to vector<1x16xi32>
    tpu.vector_store %arg6[%swap3A_3165, %swap3A_3166], %swap3A_3169 {strides = array<i32>} : memref<16x32xi32, #tpu.memory_space<vmem>>, vector<1x16xi32>,
    %broadcast_in_dim3A_3170 = vector.shape_cast %broadcast_in_dim3A_33 : vector<16xi32> to vector<16x1xi32>
    %gather3A_3171 = vector.shape_cast %broadcast_in_dim3A_3170 : vector<16x1xi32> to vector<16xi32>
    %gather3A_3172 = tpu.dynamic_gather %add3A_3158[%gather3A_3171] in [0] : vector<16xi32>, vector<16xi32> -> vector<16xi32>
    %add3A_3173 = arith.addi %add3A_3066, %gather3A_3172 : vector<16xi32>
    %add3A_3174 = arith.constant 464 : i32
    %add3A_3175 = arith.addi %mul3A_75, %add3A_3174 : i32
    %get3A_3176 = arith.index_cast %add3A_3175 : i32 to index
    %get3A_3177 = tpu.vector_load %arg5[%get3A_3176] {strides = array<i32>} : memref<4096xi32, #tpu.memory_space<vmem>>, vector<16xi32>,
    %get3A_3178 = vector.shape_cast %get3A_3177 : vector<16xi32> to vector<16xi32>
    %sub3A_3179 = arith.constant 1 : i32
    %sub3A_3180 = vector.broadcast %sub3A_3179 : i32 to vector<16xi32>
    %sub3A_3181 = arith.subi %get3A_3178, %sub3A_3180 : vector<16xi32>
    %abs3A_3182 = math.absi %sub3A_3181 : vector<16xi32>
    %min3A_3183 = arith.constant 1 : i32
    %min3A_3184 = vector.broadcast %min3A_3183 : i32 to vector<16xi32>
    %min3A_3185 = arith.minsi %abs3A_3182, %min3A_3184 : vector<16xi32>
    %sub3A_3186 = arith.constant 0 : i32
    %sub3A_3187 = vector.broadcast %sub3A_3186 : i32 to vector<16xi32>
    %sub3A_3188 = arith.subi %iota3A, %sub3A_3187 : vector<16xi32>
    %max3A_3189 = arith.constant 0 : i32
    %max3A_3190 = vector.broadcast %max3A_3189 : i32 to vector<16xi32>
    %max3A_3191 = arith.maxsi %sub3A_3188, %max3A_3190 : vector<16xi32>
    %min3A_3192 = arith.constant 1 : i32
    %min3A_3193 = vector.broadcast %min3A_3192 : i32 to vector<16xi32>
    %min3A_3194 = arith.minsi %max3A_3191, %min3A_3193 : vector<16xi32>
    %sub3A_3195 = arith.constant 1 : i32
    %sub3A_3196 = vector.broadcast %sub3A_3195 : i32 to vector<16xi32>
    %sub3A_3197 = arith.subi %iota3A, %sub3A_3196 : vector<16xi32>
    %max3A_3198 = arith.constant 0 : i32
    %max3A_3199 = vector.broadcast %max3A_3198 : i32 to vector<16xi32>
    %max3A_3200 = arith.maxsi %sub3A_3197, %max3A_3199 : vector<16xi32>
    %broadcast_in_dim3A_3201 = vector.shape_cast %max3A_3200 : vector<16xi32> to vector<16x1xi32>
    %gather3A_3202 = vector.shape_cast %broadcast_in_dim3A_3201 : vector<16x1xi32> to vector<16xi32>
    %gather3A_3203 = tpu.dynamic_gather %min3A_3185[%gather3A_3202] in [0] : vector<16xi32>, vector<16xi32> -> vector<16xi32>
    %mul3A_3204 = arith.muli %gather3A_3203, %min3A_3194 : vector<16xi32>
    %add3A_3205 = arith.addi %min3A_3185, %mul3A_3204 : vector<16xi32>
    %sub3A_3206 = arith.constant 1 : i32
    %sub3A_3207 = vector.broadcast %sub3A_3206 : i32 to vector<16xi32>
    %sub3A_3208 = arith.subi %iota3A, %sub3A_3207 : vector<16xi32>
    %max3A_3209 = arith.constant 0 : i32
    %max3A_3210 = vector.broadcast %max3A_3209 : i32 to vector<16xi32>
    %max3A_3211 = arith.maxsi %sub3A_3208, %max3A_3210 : vector<16xi32>
    %min3A_3212 = arith.constant 1 : i32
    %min3A_3213 = vector.broadcast %min3A_3212 : i32 to vector<16xi32>
    %min3A_3214 = arith.minsi %max3A_3211, %min3A_3213 : vector<16xi32>
    %sub3A_3215 = arith.constant 2 : i32
    %sub3A_3216 = vector.broadcast %sub3A_3215 : i32 to vector<16xi32>
    %sub3A_3217 = arith.subi %iota3A, %sub3A_3216 : vector<16xi32>
    %max3A_3218 = arith.constant 0 : i32
    %max3A_3219 = vector.broadcast %max3A_3218 : i32 to vector<16xi32>
    %max3A_3220 = arith.maxsi %sub3A_3217, %max3A_3219 : vector<16xi32>
    %broadcast_in_dim3A_3221 = vector.shape_cast %max3A_3220 : vector<16xi32> to vector<16x1xi32>
    %gather3A_3222 = vector.shape_cast %broadcast_in_dim3A_3221 : vector<16x1xi32> to vector<16xi32>
    %gather3A_3223 = tpu.dynamic_gather %add3A_3205[%gather3A_3222] in [0] : vector<16xi32>, vector<16xi32> -> vector<16xi32>
    %mul3A_3224 = arith.muli %gather3A_3223, %min3A_3214 : vector<16xi32>
    %add3A_3225 = arith.addi %add3A_3205, %mul3A_3224 : vector<16xi32>
    %sub3A_3226 = arith.constant 3 : i32
    %sub3A_3227 = vector.broadcast %sub3A_3226 : i32 to vector<16xi32>
    %sub3A_3228 = arith.subi %iota3A, %sub3A_3227 : vector<16xi32>
    %max3A_3229 = arith.constant 0 : i32
    %max3A_3230 = vector.broadcast %max3A_3229 : i32 to vector<16xi32>
    %max3A_3231 = arith.maxsi %sub3A_3228, %max3A_3230 : vector<16xi32>
    %min3A_3232 = arith.constant 1 : i32
    %min3A_3233 = vector.broadcast %min3A_3232 : i32 to vector<16xi32>
    %min3A_3234 = arith.minsi %max3A_3231, %min3A_3233 : vector<16xi32>
    %sub3A_3235 = arith.constant 4 : i32
    %sub3A_3236 = vector.broadcast %sub3A_3235 : i32 to vector<16xi32>
    %sub3A_3237 = arith.subi %iota3A, %sub3A_3236 : vector<16xi32>
    %max3A_3238 = arith.constant 0 : i32
    %max3A_3239 = vector.broadcast %max3A_3238 : i32 to vector<16xi32>
    %max3A_3240 = arith.maxsi %sub3A_3237, %max3A_3239 : vector<16xi32>
    %broadcast_in_dim3A_3241 = vector.shape_cast %max3A_3240 : vector<16xi32> to vector<16x1xi32>
    %gather3A_3242 = vector.shape_cast %broadcast_in_dim3A_3241 : vector<16x1xi32> to vector<16xi32>
    %gather3A_3243 = tpu.dynamic_gather %add3A_3225[%gather3A_3242] in [0] : vector<16xi32>, vector<16xi32> -> vector<16xi32>
    %mul3A_3244 = arith.muli %gather3A_3243, %min3A_3234 : vector<16xi32>
    %add3A_3245 = arith.addi %add3A_3225, %mul3A_3244 : vector<16xi32>
    %sub3A_3246 = arith.constant 7 : i32
    %sub3A_3247 = vector.broadcast %sub3A_3246 : i32 to vector<16xi32>
    %sub3A_3248 = arith.subi %iota3A, %sub3A_3247 : vector<16xi32>
    %max3A_3249 = arith.constant 0 : i32
    %max3A_3250 = vector.broadcast %max3A_3249 : i32 to vector<16xi32>
    %max3A_3251 = arith.maxsi %sub3A_3248, %max3A_3250 : vector<16xi32>
    %min3A_3252 = arith.constant 1 : i32
    %min3A_3253 = vector.broadcast %min3A_3252 : i32 to vector<16xi32>
    %min3A_3254 = arith.minsi %max3A_3251, %min3A_3253 : vector<16xi32>
    %sub3A_3255 = arith.constant 8 : i32
    %sub3A_3256 = vector.broadcast %sub3A_3255 : i32 to vector<16xi32>
    %sub3A_3257 = arith.subi %iota3A, %sub3A_3256 : vector<16xi32>
    %max3A_3258 = arith.constant 0 : i32
    %max3A_3259 = vector.broadcast %max3A_3258 : i32 to vector<16xi32>
    %max3A_3260 = arith.maxsi %sub3A_3257, %max3A_3259 : vector<16xi32>
    %broadcast_in_dim3A_3261 = vector.shape_cast %max3A_3260 : vector<16xi32> to vector<16x1xi32>
    %gather3A_3262 = vector.shape_cast %broadcast_in_dim3A_3261 : vector<16x1xi32> to vector<16xi32>
    %gather3A_3263 = tpu.dynamic_gather %add3A_3245[%gather3A_3262] in [0] : vector<16xi32>, vector<16xi32> -> vector<16xi32>
    %mul3A_3264 = arith.muli %gather3A_3263, %min3A_3254 : vector<16xi32>
    %add3A_3265 = arith.addi %add3A_3245, %mul3A_3264 : vector<16xi32>
    %add3A_3266 = arith.addi %add3A_3173, %add3A_3265 : vector<16xi32>
    %mul3A_3267 = arith.muli %add3A_3266, %min3A_3185 : vector<16xi32>
    %add3A_3268 = arith.constant 1 : i32
    %add3A_3269 = vector.broadcast %add3A_3268 : i32 to vector<16xi32>
    %add3A_3270 = arith.addi %mul3A_3267, %add3A_3269 : vector<16xi32>
    %swap3A_3271 = arith.constant 14 : i32
    %swap3A_3272 = arith.index_cast %swap3A_3271 : i32 to index
    %swap3A_3273 = arith.constant 16 : index
    %swap3A_3274 = tpu.vector_load %arg6[%swap3A_3272, %swap3A_3273] {strides = array<i32>} : memref<16x32xi32, #tpu.memory_space<vmem>>, vector<1x16xi32>,
    %swap3A_3275 = vector.shape_cast %swap3A_3274 : vector<1x16xi32> to vector<16xi32>
    %swap3A_3276 = vector.shape_cast %add3A_3270 : vector<16xi32> to vector<1x16xi32>
    tpu.vector_store %arg6[%swap3A_3272, %swap3A_3273], %swap3A_3276 {strides = array<i32>} : memref<16x32xi32, #tpu.memory_space<vmem>>, vector<1x16xi32>,
    %broadcast_in_dim3A_3277 = vector.shape_cast %broadcast_in_dim3A_33 : vector<16xi32> to vector<16x1xi32>
    %gather3A_3278 = vector.shape_cast %broadcast_in_dim3A_3277 : vector<16x1xi32> to vector<16xi32>
    %gather3A_3279 = tpu.dynamic_gather %add3A_3265[%gather3A_3278] in [0] : vector<16xi32>, vector<16xi32> -> vector<16xi32>
    %add3A_3280 = arith.addi %add3A_3173, %gather3A_3279 : vector<16xi32>
    %add3A_3281 = arith.constant 480 : i32
    %add3A_3282 = arith.addi %mul3A_75, %add3A_3281 : i32
    %get3A_3283 = arith.index_cast %add3A_3282 : i32 to index
    %get3A_3284 = tpu.vector_load %arg5[%get3A_3283] {strides = array<i32>} : memref<4096xi32, #tpu.memory_space<vmem>>, vector<16xi32>,
    %get3A_3285 = vector.shape_cast %get3A_3284 : vector<16xi32> to vector<16xi32>
    %sub3A_3286 = arith.constant 1 : i32
    %sub3A_3287 = vector.broadcast %sub3A_3286 : i32 to vector<16xi32>
    %sub3A_3288 = arith.subi %get3A_3285, %sub3A_3287 : vector<16xi32>
    %abs3A_3289 = math.absi %sub3A_3288 : vector<16xi32>
    %min3A_3290 = arith.constant 1 : i32
    %min3A_3291 = vector.broadcast %min3A_3290 : i32 to vector<16xi32>
    %min3A_3292 = arith.minsi %abs3A_3289, %min3A_3291 : vector<16xi32>
    %sub3A_3293 = arith.constant 0 : i32
    %sub3A_3294 = vector.broadcast %sub3A_3293 : i32 to vector<16xi32>
    %sub3A_3295 = arith.subi %iota3A, %sub3A_3294 : vector<16xi32>
    %max3A_3296 = arith.constant 0 : i32
    %max3A_3297 = vector.broadcast %max3A_3296 : i32 to vector<16xi32>
    %max3A_3298 = arith.maxsi %sub3A_3295, %max3A_3297 : vector<16xi32>
    %min3A_3299 = arith.constant 1 : i32
    %min3A_3300 = vector.broadcast %min3A_3299 : i32 to vector<16xi32>
    %min3A_3301 = arith.minsi %max3A_3298, %min3A_3300 : vector<16xi32>
    %sub3A_3302 = arith.constant 1 : i32
    %sub3A_3303 = vector.broadcast %sub3A_3302 : i32 to vector<16xi32>
    %sub3A_3304 = arith.subi %iota3A, %sub3A_3303 : vector<16xi32>
    %max3A_3305 = arith.constant 0 : i32
    %max3A_3306 = vector.broadcast %max3A_3305 : i32 to vector<16xi32>
    %max3A_3307 = arith.maxsi %sub3A_3304, %max3A_3306 : vector<16xi32>
    %broadcast_in_dim3A_3308 = vector.shape_cast %max3A_3307 : vector<16xi32> to vector<16x1xi32>
    %gather3A_3309 = vector.shape_cast %broadcast_in_dim3A_3308 : vector<16x1xi32> to vector<16xi32>
    %gather3A_3310 = tpu.dynamic_gather %min3A_3292[%gather3A_3309] in [0] : vector<16xi32>, vector<16xi32> -> vector<16xi32>
    %mul3A_3311 = arith.muli %gather3A_3310, %min3A_3301 : vector<16xi32>
    %add3A_3312 = arith.addi %min3A_3292, %mul3A_3311 : vector<16xi32>
    %sub3A_3313 = arith.constant 1 : i32
    %sub3A_3314 = vector.broadcast %sub3A_3313 : i32 to vector<16xi32>
    %sub3A_3315 = arith.subi %iota3A, %sub3A_3314 : vector<16xi32>
    %max3A_3316 = arith.constant 0 : i32
    %max3A_3317 = vector.broadcast %max3A_3316 : i32 to vector<16xi32>
    %max3A_3318 = arith.maxsi %sub3A_3315, %max3A_3317 : vector<16xi32>
    %min3A_3319 = arith.constant 1 : i32
    %min3A_3320 = vector.broadcast %min3A_3319 : i32 to vector<16xi32>
    %min3A_3321 = arith.minsi %max3A_3318, %min3A_3320 : vector<16xi32>
    %sub3A_3322 = arith.constant 2 : i32
    %sub3A_3323 = vector.broadcast %sub3A_3322 : i32 to vector<16xi32>
    %sub3A_3324 = arith.subi %iota3A, %sub3A_3323 : vector<16xi32>
    %max3A_3325 = arith.constant 0 : i32
    %max3A_3326 = vector.broadcast %max3A_3325 : i32 to vector<16xi32>
    %max3A_3327 = arith.maxsi %sub3A_3324, %max3A_3326 : vector<16xi32>
    %broadcast_in_dim3A_3328 = vector.shape_cast %max3A_3327 : vector<16xi32> to vector<16x1xi32>
    %gather3A_3329 = vector.shape_cast %broadcast_in_dim3A_3328 : vector<16x1xi32> to vector<16xi32>
    %gather3A_3330 = tpu.dynamic_gather %add3A_3312[%gather3A_3329] in [0] : vector<16xi32>, vector<16xi32> -> vector<16xi32>
    %mul3A_3331 = arith.muli %gather3A_3330, %min3A_3321 : vector<16xi32>
    %add3A_3332 = arith.addi %add3A_3312, %mul3A_3331 : vector<16xi32>
    %sub3A_3333 = arith.constant 3 : i32
    %sub3A_3334 = vector.broadcast %sub3A_3333 : i32 to vector<16xi32>
    %sub3A_3335 = arith.subi %iota3A, %sub3A_3334 : vector<16xi32>
    %max3A_3336 = arith.constant 0 : i32
    %max3A_3337 = vector.broadcast %max3A_3336 : i32 to vector<16xi32>
    %max3A_3338 = arith.maxsi %sub3A_3335, %max3A_3337 : vector<16xi32>
    %min3A_3339 = arith.constant 1 : i32
    %min3A_3340 = vector.broadcast %min3A_3339 : i32 to vector<16xi32>
    %min3A_3341 = arith.minsi %max3A_3338, %min3A_3340 : vector<16xi32>
    %sub3A_3342 = arith.constant 4 : i32
    %sub3A_3343 = vector.broadcast %sub3A_3342 : i32 to vector<16xi32>
    %sub3A_3344 = arith.subi %iota3A, %sub3A_3343 : vector<16xi32>
    %max3A_3345 = arith.constant 0 : i32
    %max3A_3346 = vector.broadcast %max3A_3345 : i32 to vector<16xi32>
    %max3A_3347 = arith.maxsi %sub3A_3344, %max3A_3346 : vector<16xi32>
    %broadcast_in_dim3A_3348 = vector.shape_cast %max3A_3347 : vector<16xi32> to vector<16x1xi32>
    %gather3A_3349 = vector.shape_cast %broadcast_in_dim3A_3348 : vector<16x1xi32> to vector<16xi32>
    %gather3A_3350 = tpu.dynamic_gather %add3A_3332[%gather3A_3349] in [0] : vector<16xi32>, vector<16xi32> -> vector<16xi32>
    %mul3A_3351 = arith.muli %gather3A_3350, %min3A_3341 : vector<16xi32>
    %add3A_3352 = arith.addi %add3A_3332, %mul3A_3351 : vector<16xi32>
    %sub3A_3353 = arith.constant 7 : i32
    %sub3A_3354 = vector.broadcast %sub3A_3353 : i32 to vector<16xi32>
    %sub3A_3355 = arith.subi %iota3A, %sub3A_3354 : vector<16xi32>
    %max3A_3356 = arith.constant 0 : i32
    %max3A_3357 = vector.broadcast %max3A_3356 : i32 to vector<16xi32>
    %max3A_3358 = arith.maxsi %sub3A_3355, %max3A_3357 : vector<16xi32>
    %min3A_3359 = arith.constant 1 : i32
    %min3A_3360 = vector.broadcast %min3A_3359 : i32 to vector<16xi32>
    %min3A_3361 = arith.minsi %max3A_3358, %min3A_3360 : vector<16xi32>
    %sub3A_3362 = arith.constant 8 : i32
    %sub3A_3363 = vector.broadcast %sub3A_3362 : i32 to vector<16xi32>
    %sub3A_3364 = arith.subi %iota3A, %sub3A_3363 : vector<16xi32>
    %max3A_3365 = arith.constant 0 : i32
    %max3A_3366 = vector.broadcast %max3A_3365 : i32 to vector<16xi32>
    %max3A_3367 = arith.maxsi %sub3A_3364, %max3A_3366 : vector<16xi32>
    %broadcast_in_dim3A_3368 = vector.shape_cast %max3A_3367 : vector<16xi32> to vector<16x1xi32>
    %gather3A_3369 = vector.shape_cast %broadcast_in_dim3A_3368 : vector<16x1xi32> to vector<16xi32>
    %gather3A_3370 = tpu.dynamic_gather %add3A_3352[%gather3A_3369] in [0] : vector<16xi32>, vector<16xi32> -> vector<16xi32>
    %mul3A_3371 = arith.muli %gather3A_3370, %min3A_3361 : vector<16xi32>
    %add3A_3372 = arith.addi %add3A_3352, %mul3A_3371 : vector<16xi32>
    %add3A_3373 = arith.addi %add3A_3280, %add3A_3372 : vector<16xi32>
    %mul3A_3374 = arith.muli %add3A_3373, %min3A_3292 : vector<16xi32>
    %add3A_3375 = arith.constant 1 : i32
    %add3A_3376 = vector.broadcast %add3A_3375 : i32 to vector<16xi32>
    %add3A_3377 = arith.addi %mul3A_3374, %add3A_3376 : vector<16xi32>
    %swap3A_3378 = arith.constant 15 : i32
    %swap3A_3379 = arith.index_cast %swap3A_3378 : i32 to index
    %swap3A_3380 = arith.constant 0 : index
    %swap3A_3381 = tpu.vector_load %arg6[%swap3A_3379, %swap3A_3380] {strides = array<i32>} : memref<16x32xi32, #tpu.memory_space<vmem>>, vector<1x16xi32>,
    %swap3A_3382 = vector.shape_cast %swap3A_3381 : vector<1x16xi32> to vector<16xi32>
    %swap3A_3383 = vector.shape_cast %add3A_3377 : vector<16xi32> to vector<1x16xi32>
    tpu.vector_store %arg6[%swap3A_3379, %swap3A_3380], %swap3A_3383 {strides = array<i32>} : memref<16x32xi32, #tpu.memory_space<vmem>>, vector<1x16xi32>,
    %broadcast_in_dim3A_3384 = vector.shape_cast %broadcast_in_dim3A_33 : vector<16xi32> to vector<16x1xi32>
    %gather3A_3385 = vector.shape_cast %broadcast_in_dim3A_3384 : vector<16x1xi32> to vector<16xi32>
    %gather3A_3386 = tpu.dynamic_gather %add3A_3372[%gather3A_3385] in [0] : vector<16xi32>, vector<16xi32> -> vector<16xi32>
    %add3A_3387 = arith.addi %add3A_3280, %gather3A_3386 : vector<16xi32>
    %add3A_3388 = arith.constant 496 : i32
    %add3A_3389 = arith.addi %mul3A_75, %add3A_3388 : i32
    %get3A_3390 = arith.index_cast %add3A_3389 : i32 to index
    %get3A_3391 = tpu.vector_load %arg5[%get3A_3390] {strides = array<i32>} : memref<4096xi32, #tpu.memory_space<vmem>>, vector<16xi32>,
    %get3A_3392 = vector.shape_cast %get3A_3391 : vector<16xi32> to vector<16xi32>
    %sub3A_3393 = arith.constant 1 : i32
    %sub3A_3394 = vector.broadcast %sub3A_3393 : i32 to vector<16xi32>
    %sub3A_3395 = arith.subi %get3A_3392, %sub3A_3394 : vector<16xi32>
    %abs3A_3396 = math.absi %sub3A_3395 : vector<16xi32>
    %min3A_3397 = arith.constant 1 : i32
    %min3A_3398 = vector.broadcast %min3A_3397 : i32 to vector<16xi32>
    %min3A_3399 = arith.minsi %abs3A_3396, %min3A_3398 : vector<16xi32>
    %sub3A_3400 = arith.constant 0 : i32
    %sub3A_3401 = vector.broadcast %sub3A_3400 : i32 to vector<16xi32>
    %sub3A_3402 = arith.subi %iota3A, %sub3A_3401 : vector<16xi32>
    %max3A_3403 = arith.constant 0 : i32
    %max3A_3404 = vector.broadcast %max3A_3403 : i32 to vector<16xi32>
    %max3A_3405 = arith.maxsi %sub3A_3402, %max3A_3404 : vector<16xi32>
    %min3A_3406 = arith.constant 1 : i32
    %min3A_3407 = vector.broadcast %min3A_3406 : i32 to vector<16xi32>
    %min3A_3408 = arith.minsi %max3A_3405, %min3A_3407 : vector<16xi32>
    %sub3A_3409 = arith.constant 1 : i32
    %sub3A_3410 = vector.broadcast %sub3A_3409 : i32 to vector<16xi32>
    %sub3A_3411 = arith.subi %iota3A, %sub3A_3410 : vector<16xi32>
    %max3A_3412 = arith.constant 0 : i32
    %max3A_3413 = vector.broadcast %max3A_3412 : i32 to vector<16xi32>
    %max3A_3414 = arith.maxsi %sub3A_3411, %max3A_3413 : vector<16xi32>
    %broadcast_in_dim3A_3415 = vector.shape_cast %max3A_3414 : vector<16xi32> to vector<16x1xi32>
    %gather3A_3416 = vector.shape_cast %broadcast_in_dim3A_3415 : vector<16x1xi32> to vector<16xi32>
    %gather3A_3417 = tpu.dynamic_gather %min3A_3399[%gather3A_3416] in [0] : vector<16xi32>, vector<16xi32> -> vector<16xi32>
    %mul3A_3418 = arith.muli %gather3A_3417, %min3A_3408 : vector<16xi32>
    %add3A_3419 = arith.addi %min3A_3399, %mul3A_3418 : vector<16xi32>
    %sub3A_3420 = arith.constant 1 : i32
    %sub3A_3421 = vector.broadcast %sub3A_3420 : i32 to vector<16xi32>
    %sub3A_3422 = arith.subi %iota3A, %sub3A_3421 : vector<16xi32>
    %max3A_3423 = arith.constant 0 : i32
    %max3A_3424 = vector.broadcast %max3A_3423 : i32 to vector<16xi32>
    %max3A_3425 = arith.maxsi %sub3A_3422, %max3A_3424 : vector<16xi32>
    %min3A_3426 = arith.constant 1 : i32
    %min3A_3427 = vector.broadcast %min3A_3426 : i32 to vector<16xi32>
    %min3A_3428 = arith.minsi %max3A_3425, %min3A_3427 : vector<16xi32>
    %sub3A_3429 = arith.constant 2 : i32
    %sub3A_3430 = vector.broadcast %sub3A_3429 : i32 to vector<16xi32>
    %sub3A_3431 = arith.subi %iota3A, %sub3A_3430 : vector<16xi32>
    %max3A_3432 = arith.constant 0 : i32
    %max3A_3433 = vector.broadcast %max3A_3432 : i32 to vector<16xi32>
    %max3A_3434 = arith.maxsi %sub3A_3431, %max3A_3433 : vector<16xi32>
    %broadcast_in_dim3A_3435 = vector.shape_cast %max3A_3434 : vector<16xi32> to vector<16x1xi32>
    %gather3A_3436 = vector.shape_cast %broadcast_in_dim3A_3435 : vector<16x1xi32> to vector<16xi32>
    %gather3A_3437 = tpu.dynamic_gather %add3A_3419[%gather3A_3436] in [0] : vector<16xi32>, vector<16xi32> -> vector<16xi32>
    %mul3A_3438 = arith.muli %gather3A_3437, %min3A_3428 : vector<16xi32>
    %add3A_3439 = arith.addi %add3A_3419, %mul3A_3438 : vector<16xi32>
    %sub3A_3440 = arith.constant 3 : i32
    %sub3A_3441 = vector.broadcast %sub3A_3440 : i32 to vector<16xi32>
    %sub3A_3442 = arith.subi %iota3A, %sub3A_3441 : vector<16xi32>
    %max3A_3443 = arith.constant 0 : i32
    %max3A_3444 = vector.broadcast %max3A_3443 : i32 to vector<16xi32>
    %max3A_3445 = arith.maxsi %sub3A_3442, %max3A_3444 : vector<16xi32>
    %min3A_3446 = arith.constant 1 : i32
    %min3A_3447 = vector.broadcast %min3A_3446 : i32 to vector<16xi32>
    %min3A_3448 = arith.minsi %max3A_3445, %min3A_3447 : vector<16xi32>
    %sub3A_3449 = arith.constant 4 : i32
    %sub3A_3450 = vector.broadcast %sub3A_3449 : i32 to vector<16xi32>
    %sub3A_3451 = arith.subi %iota3A, %sub3A_3450 : vector<16xi32>
    %max3A_3452 = arith.constant 0 : i32
    %max3A_3453 = vector.broadcast %max3A_3452 : i32 to vector<16xi32>
    %max3A_3454 = arith.maxsi %sub3A_3451, %max3A_3453 : vector<16xi32>
    %broadcast_in_dim3A_3455 = vector.shape_cast %max3A_3454 : vector<16xi32> to vector<16x1xi32>
    %gather3A_3456 = vector.shape_cast %broadcast_in_dim3A_3455 : vector<16x1xi32> to vector<16xi32>
    %gather3A_3457 = tpu.dynamic_gather %add3A_3439[%gather3A_3456] in [0] : vector<16xi32>, vector<16xi32> -> vector<16xi32>
    %mul3A_3458 = arith.muli %gather3A_3457, %min3A_3448 : vector<16xi32>
    %add3A_3459 = arith.addi %add3A_3439, %mul3A_3458 : vector<16xi32>
    %sub3A_3460 = arith.constant 7 : i32
    %sub3A_3461 = vector.broadcast %sub3A_3460 : i32 to vector<16xi32>
    %sub3A_3462 = arith.subi %iota3A, %sub3A_3461 : vector<16xi32>
    %max3A_3463 = arith.constant 0 : i32
    %max3A_3464 = vector.broadcast %max3A_3463 : i32 to vector<16xi32>
    %max3A_3465 = arith.maxsi %sub3A_3462, %max3A_3464 : vector<16xi32>
    %min3A_3466 = arith.constant 1 : i32
    %min3A_3467 = vector.broadcast %min3A_3466 : i32 to vector<16xi32>
    %min3A_3468 = arith.minsi %max3A_3465, %min3A_3467 : vector<16xi32>
    %sub3A_3469 = arith.constant 8 : i32
    %sub3A_3470 = vector.broadcast %sub3A_3469 : i32 to vector<16xi32>
    %sub3A_3471 = arith.subi %iota3A, %sub3A_3470 : vector<16xi32>
    %max3A_3472 = arith.constant 0 : i32
    %max3A_3473 = vector.broadcast %max3A_3472 : i32 to vector<16xi32>
    %max3A_3474 = arith.maxsi %sub3A_3471, %max3A_3473 : vector<16xi32>
    %broadcast_in_dim3A_3475 = vector.shape_cast %max3A_3474 : vector<16xi32> to vector<16x1xi32>
    %gather3A_3476 = vector.shape_cast %broadcast_in_dim3A_3475 : vector<16x1xi32> to vector<16xi32>
    %gather3A_3477 = tpu.dynamic_gather %add3A_3459[%gather3A_3476] in [0] : vector<16xi32>, vector<16xi32> -> vector<16xi32>
    %mul3A_3478 = arith.muli %gather3A_3477, %min3A_3468 : vector<16xi32>
    %add3A_3479 = arith.addi %add3A_3459, %mul3A_3478 : vector<16xi32>
    %add3A_3480 = arith.addi %add3A_3387, %add3A_3479 : vector<16xi32>
    %mul3A_3481 = arith.muli %add3A_3480, %min3A_3399 : vector<16xi32>
    %add3A_3482 = arith.constant 1 : i32
    %add3A_3483 = vector.broadcast %add3A_3482 : i32 to vector<16xi32>
    %add3A_3484 = arith.addi %mul3A_3481, %add3A_3483 : vector<16xi32>
    %swap3A_3485 = arith.constant 15 : i32
    %swap3A_3486 = arith.index_cast %swap3A_3485 : i32 to index
    %swap3A_3487 = arith.constant 16 : index
    %swap3A_3488 = tpu.vector_load %arg6[%swap3A_3486, %swap3A_3487] {strides = array<i32>} : memref<16x32xi32, #tpu.memory_space<vmem>>, vector<1x16xi32>,
    %swap3A_3489 = vector.shape_cast %swap3A_3488 : vector<1x16xi32> to vector<16xi32>
    %swap3A_3490 = vector.shape_cast %add3A_3484 : vector<16xi32> to vector<1x16xi32>
    tpu.vector_store %arg6[%swap3A_3486, %swap3A_3487], %swap3A_3490 {strides = array<i32>} : memref<16x32xi32, #tpu.memory_space<vmem>>, vector<1x16xi32>,
    %broadcast_in_dim3A_3491 = vector.shape_cast %broadcast_in_dim3A_33 : vector<16xi32> to vector<16x1xi32>
    %gather3A_3492 = vector.shape_cast %broadcast_in_dim3A_3491 : vector<16x1xi32> to vector<16xi32>
    %gather3A_3493 = tpu.dynamic_gather %add3A_3479[%gather3A_3492] in [0] : vector<16xi32>, vector<16xi32> -> vector<16xi32>
    %add3A_3494 = arith.addi %add3A_3387, %gather3A_3493 : vector<16xi32>
    %dma_start3A = arith.constant 0 : i32
    %dma_start3A_3495 = arith.constant 0 : i32
    %dma_start3A_3496 = tpu.memref_slice %arg6[%dma_start3A, %dma_start3A_3495] : memref<16x32xi32, #tpu.memory_space<vmem>> -> memref<1x32xi32, #tpu.memory_space<vmem>>
    %dma_start3A_3497 = tpu.memref_squeeze %dma_start3A_3496 : memref<1x32xi32, #tpu.memory_space<vmem>> -> memref<32xi32, #tpu.memory_space<vmem>>
    %dma_start3A_3498 = arith.constant 0 : i32
    %dma_start3A_3499 = arith.constant 0 : i32
    %dma_start3A_3500 = tpu.memref_slice %arg3[%dma_start3A_3498, %dma_start3A_3499] : memref<4098x1024xf32, #tpu.memory_space<hbm>> -> memref<4098x1024xf32, #tpu.memory_space<hbm>>
    tpu.enqueue_indirect_dma source(%dma_start3A_3500 : memref<4098x1024xf32, #tpu.memory_space<hbm>>) target(%arg7 : memref<32x1024xf32, #tpu.memory_space<vmem>>) offsets(%dma_start3A_3497 : memref<32xi32, #tpu.memory_space<vmem>>) semaphore(%arg10 : memref<!tpu.dma_semaphore, #tpu.memory_space<semaphore_mem>>)
    %dma_start3A_3501 = arith.constant 1 : i32
    %dma_start3A_3502 = arith.constant 0 : i32
    %dma_start3A_3503 = tpu.memref_slice %arg6[%dma_start3A_3501, %dma_start3A_3502] : memref<16x32xi32, #tpu.memory_space<vmem>> -> memref<1x32xi32, #tpu.memory_space<vmem>>
    %dma_start3A_3504 = tpu.memref_squeeze %dma_start3A_3503 : memref<1x32xi32, #tpu.memory_space<vmem>> -> memref<32xi32, #tpu.memory_space<vmem>>
    %dma_start3A_3505 = arith.constant 0 : i32
    %dma_start3A_3506 = arith.constant 0 : i32
    %dma_start3A_3507 = tpu.memref_slice %arg3[%dma_start3A_3505, %dma_start3A_3506] : memref<4098x1024xf32, #tpu.memory_space<hbm>> -> memref<4098x1024xf32, #tpu.memory_space<hbm>>
    tpu.enqueue_indirect_dma source(%dma_start3A_3507 : memref<4098x1024xf32, #tpu.memory_space<hbm>>) target(%arg8 : memref<32x1024xf32, #tpu.memory_space<vmem>>) offsets(%dma_start3A_3504 : memref<32xi32, #tpu.memory_space<vmem>>) semaphore(%arg11 : memref<!tpu.dma_semaphore, #tpu.memory_space<semaphore_mem>>)
    %dma_wait3A = arith.constant 0 : i32
    %dma_wait3A_3508 = arith.constant 0 : i32
    %dma_wait3A_3509 = tpu.memref_slice %arg6[%dma_wait3A, %dma_wait3A_3508] : memref<16x32xi32, #tpu.memory_space<vmem>> -> memref<1x32xi32, #tpu.memory_space<vmem>>
    %dma_wait3A_3510 = tpu.memref_squeeze %dma_wait3A_3509 : memref<1x32xi32, #tpu.memory_space<vmem>> -> memref<32xi32, #tpu.memory_space<vmem>>
    %dma_wait3A_3511 = arith.constant 0 : i32
    %dma_wait3A_3512 = arith.constant 0 : i32
    %dma_wait3A_3513 = tpu.memref_slice %arg3[%dma_wait3A_3511, %dma_wait3A_3512] : memref<4098x1024xf32, #tpu.memory_space<hbm>> -> memref<4098x1024xf32, #tpu.memory_space<hbm>>
    tpu.wait_indirect_dma semaphore(%arg10 : memref<!tpu.dma_semaphore, #tpu.memory_space<semaphore_mem>>) src(%dma_wait3A_3513 : memref<4098x1024xf32, #tpu.memory_space<hbm>>) dst(%arg7 : memref<32x1024xf32, #tpu.memory_space<vmem>>)
    %add3A_3514 = arith.constant 0 : i32
    %add3A_3515 = arith.addi %mul3A_32, %add3A_3514 : i32
    %dma_start3A_3516 = arith.constant 0 : i32
    %dma_start3A_3517 = tpu.memref_slice %arg4[%add3A_3515, %dma_start3A_3516] : memref<16384x1024xf32, #tpu.memory_space<hbm>> -> memref<32x1024xf32, #tpu.memory_space<hbm>>
    %dma_start3A_3518 = arith.constant 0 : i32
    %dma_start3A_3519 = tpu.memref_slice %arg4[%add3A_3515, %dma_start3A_3518] : memref<16384x1024xf32, #tpu.memory_space<hbm>> -> memref<32x1024xf32, #tpu.memory_space<hbm>>
    tpu.enqueue_dma source(%arg7 : memref<32x1024xf32, #tpu.memory_space<vmem>>) target(%dma_start3A_3519 : memref<32x1024xf32, #tpu.memory_space<hbm>>) target_semaphore(%arg13 : memref<!tpu.dma_semaphore, #tpu.memory_space<semaphore_mem>>)
    %dma_start3A_3520 = arith.constant 2 : i32
    %dma_start3A_3521 = arith.constant 0 : i32
    %dma_start3A_3522 = tpu.memref_slice %arg6[%dma_start3A_3520, %dma_start3A_3521] : memref<16x32xi32, #tpu.memory_space<vmem>> -> memref<1x32xi32, #tpu.memory_space<vmem>>
    %dma_start3A_3523 = tpu.memref_squeeze %dma_start3A_3522 : memref<1x32xi32, #tpu.memory_space<vmem>> -> memref<32xi32, #tpu.memory_space<vmem>>
    %dma_start3A_3524 = arith.constant 0 : i32
    %dma_start3A_3525 = arith.constant 0 : i32
    %dma_start3A_3526 = tpu.memref_slice %arg3[%dma_start3A_3524, %dma_start3A_3525] : memref<4098x1024xf32, #tpu.memory_space<hbm>> -> memref<4098x1024xf32, #tpu.memory_space<hbm>>
    tpu.enqueue_indirect_dma source(%dma_start3A_3526 : memref<4098x1024xf32, #tpu.memory_space<hbm>>) target(%arg9 : memref<32x1024xf32, #tpu.memory_space<vmem>>) offsets(%dma_start3A_3523 : memref<32xi32, #tpu.memory_space<vmem>>) semaphore(%arg12 : memref<!tpu.dma_semaphore, #tpu.memory_space<semaphore_mem>>)
    %dma_wait3A_3527 = arith.constant 1 : i32
    %dma_wait3A_3528 = arith.constant 0 : i32
    %dma_wait3A_3529 = tpu.memref_slice %arg6[%dma_wait3A_3527, %dma_wait3A_3528] : memref<16x32xi32, #tpu.memory_space<vmem>> -> memref<1x32xi32, #tpu.memory_space<vmem>>
    %dma_wait3A_3530 = tpu.memref_squeeze %dma_wait3A_3529 : memref<1x32xi32, #tpu.memory_space<vmem>> -> memref<32xi32, #tpu.memory_space<vmem>>
    %dma_wait3A_3531 = arith.constant 0 : i32
    %dma_wait3A_3532 = arith.constant 0 : i32
    %dma_wait3A_3533 = tpu.memref_slice %arg3[%dma_wait3A_3531, %dma_wait3A_3532] : memref<4098x1024xf32, #tpu.memory_space<hbm>> -> memref<4098x1024xf32, #tpu.memory_space<hbm>>
    tpu.wait_indirect_dma semaphore(%arg11 : memref<!tpu.dma_semaphore, #tpu.memory_space<semaphore_mem>>) src(%dma_wait3A_3533 : memref<4098x1024xf32, #tpu.memory_space<hbm>>) dst(%arg8 : memref<32x1024xf32, #tpu.memory_space<vmem>>)
    %add3A_3534 = arith.constant 32 : i32
    %add3A_3535 = arith.addi %mul3A_32, %add3A_3534 : i32
    %dma_start3A_3536 = arith.constant 0 : i32
    %dma_start3A_3537 = tpu.memref_slice %arg4[%add3A_3535, %dma_start3A_3536] : memref<16384x1024xf32, #tpu.memory_space<hbm>> -> memref<32x1024xf32, #tpu.memory_space<hbm>>
    %dma_start3A_3538 = arith.constant 0 : i32
    %dma_start3A_3539 = tpu.memref_slice %arg4[%add3A_3535, %dma_start3A_3538] : memref<16384x1024xf32, #tpu.memory_space<hbm>> -> memref<32x1024xf32, #tpu.memory_space<hbm>>
    tpu.enqueue_dma source(%arg8 : memref<32x1024xf32, #tpu.memory_space<vmem>>) target(%dma_start3A_3539 : memref<32x1024xf32, #tpu.memory_space<hbm>>) target_semaphore(%arg14 : memref<!tpu.dma_semaphore, #tpu.memory_space<semaphore_mem>>)
    %dma_wait3A_3540 = arith.constant 0 : i32
    %dma_wait3A_3541 = tpu.memref_slice %arg4[%add3A_3515, %dma_wait3A_3540] : memref<16384x1024xf32, #tpu.memory_space<hbm>> -> memref<32x1024xf32, #tpu.memory_space<hbm>>
    %dma_wait3A_3542 = arith.constant 0 : i32
    %dma_wait3A_3543 = tpu.memref_slice %arg4[%add3A_3515, %dma_wait3A_3542] : memref<16384x1024xf32, #tpu.memory_space<hbm>> -> memref<32x1024xf32, #tpu.memory_space<hbm>>
    tpu.wait_dma2 semaphore(%arg13 : memref<!tpu.dma_semaphore, #tpu.memory_space<semaphore_mem>>) src(%arg7 : memref<32x1024xf32, #tpu.memory_space<vmem>>) dst(%dma_wait3A_3543 : memref<32x1024xf32, #tpu.memory_space<hbm>>)
    %dma_start3A_3544 = arith.constant 3 : i32
    %dma_start3A_3545 = arith.constant 0 : i32
    %dma_start3A_3546 = tpu.memref_slice %arg6[%dma_start3A_3544, %dma_start3A_3545] : memref<16x32xi32, #tpu.memory_space<vmem>> -> memref<1x32xi32, #tpu.memory_space<vmem>>
    %dma_start3A_3547 = tpu.memref_squeeze %dma_start3A_3546 : memref<1x32xi32, #tpu.memory_space<vmem>> -> memref<32xi32, #tpu.memory_space<vmem>>
    %dma_start3A_3548 = arith.constant 0 : i32
    %dma_start3A_3549 = arith.constant 0 : i32
    %dma_start3A_3550 = tpu.memref_slice %arg3[%dma_start3A_3548, %dma_start3A_3549] : memref<4098x1024xf32, #tpu.memory_space<hbm>> -> memref<4098x1024xf32, #tpu.memory_space<hbm>>
    tpu.enqueue_indirect_dma source(%dma_start3A_3550 : memref<4098x1024xf32, #tpu.memory_space<hbm>>) target(%arg7 : memref<32x1024xf32, #tpu.memory_space<vmem>>) offsets(%dma_start3A_3547 : memref<32xi32, #tpu.memory_space<vmem>>) semaphore(%arg10 : memref<!tpu.dma_semaphore, #tpu.memory_space<semaphore_mem>>)
    %dma_wait3A_3551 = arith.constant 2 : i32
    %dma_wait3A_3552 = arith.constant 0 : i32
    %dma_wait3A_3553 = tpu.memref_slice %arg6[%dma_wait3A_3551, %dma_wait3A_3552] : memref<16x32xi32, #tpu.memory_space<vmem>> -> memref<1x32xi32, #tpu.memory_space<vmem>>
    %dma_wait3A_3554 = tpu.memref_squeeze %dma_wait3A_3553 : memref<1x32xi32, #tpu.memory_space<vmem>> -> memref<32xi32, #tpu.memory_space<vmem>>
    %dma_wait3A_3555 = arith.constant 0 : i32
    %dma_wait3A_3556 = arith.constant 0 : i32
    %dma_wait3A_3557 = tpu.memref_slice %arg3[%dma_wait3A_3555, %dma_wait3A_3556] : memref<4098x1024xf32, #tpu.memory_space<hbm>> -> memref<4098x1024xf32, #tpu.memory_space<hbm>>
    tpu.wait_indirect_dma semaphore(%arg12 : memref<!tpu.dma_semaphore, #tpu.memory_space<semaphore_mem>>) src(%dma_wait3A_3557 : memref<4098x1024xf32, #tpu.memory_space<hbm>>) dst(%arg9 : memref<32x1024xf32, #tpu.memory_space<vmem>>)
    %add3A_3558 = arith.constant 64 : i32
    %add3A_3559 = arith.addi %mul3A_32, %add3A_3558 : i32
    %dma_start3A_3560 = arith.constant 0 : i32
    %dma_start3A_3561 = tpu.memref_slice %arg4[%add3A_3559, %dma_start3A_3560] : memref<16384x1024xf32, #tpu.memory_space<hbm>> -> memref<32x1024xf32, #tpu.memory_space<hbm>>
    %dma_start3A_3562 = arith.constant 0 : i32
    %dma_start3A_3563 = tpu.memref_slice %arg4[%add3A_3559, %dma_start3A_3562] : memref<16384x1024xf32, #tpu.memory_space<hbm>> -> memref<32x1024xf32, #tpu.memory_space<hbm>>
    tpu.enqueue_dma source(%arg9 : memref<32x1024xf32, #tpu.memory_space<vmem>>) target(%dma_start3A_3563 : memref<32x1024xf32, #tpu.memory_space<hbm>>) target_semaphore(%arg15 : memref<!tpu.dma_semaphore, #tpu.memory_space<semaphore_mem>>)
    %dma_wait3A_3564 = arith.constant 0 : i32
    %dma_wait3A_3565 = tpu.memref_slice %arg4[%add3A_3535, %dma_wait3A_3564] : memref<16384x1024xf32, #tpu.memory_space<hbm>> -> memref<32x1024xf32, #tpu.memory_space<hbm>>
    %dma_wait3A_3566 = arith.constant 0 : i32
    %dma_wait3A_3567 = tpu.memref_slice %arg4[%add3A_3535, %dma_wait3A_3566] : memref<16384x1024xf32, #tpu.memory_space<hbm>> -> memref<32x1024xf32, #tpu.memory_space<hbm>>
    tpu.wait_dma2 semaphore(%arg14 : memref<!tpu.dma_semaphore, #tpu.memory_space<semaphore_mem>>) src(%arg8 : memref<32x1024xf32, #tpu.memory_space<vmem>>) dst(%dma_wait3A_3567 : memref<32x1024xf32, #tpu.memory_space<hbm>>)
    %dma_start3A_3568 = arith.constant 4 : i32
    %dma_start3A_3569 = arith.constant 0 : i32
    %dma_start3A_3570 = tpu.memref_slice %arg6[%dma_start3A_3568, %dma_start3A_3569] : memref<16x32xi32, #tpu.memory_space<vmem>> -> memref<1x32xi32, #tpu.memory_space<vmem>>
    %dma_start3A_3571 = tpu.memref_squeeze %dma_start3A_3570 : memref<1x32xi32, #tpu.memory_space<vmem>> -> memref<32xi32, #tpu.memory_space<vmem>>
    %dma_start3A_3572 = arith.constant 0 : i32
    %dma_start3A_3573 = arith.constant 0 : i32
    %dma_start3A_3574 = tpu.memref_slice %arg3[%dma_start3A_3572, %dma_start3A_3573] : memref<4098x1024xf32, #tpu.memory_space<hbm>> -> memref<4098x1024xf32, #tpu.memory_space<hbm>>
    tpu.enqueue_indirect_dma source(%dma_start3A_3574 : memref<4098x1024xf32, #tpu.memory_space<hbm>>) target(%arg8 : memref<32x1024xf32, #tpu.memory_space<vmem>>) offsets(%dma_start3A_3571 : memref<32xi32, #tpu.memory_space<vmem>>) semaphore(%arg11 : memref<!tpu.dma_semaphore, #tpu.memory_space<semaphore_mem>>)
    %dma_wait3A_3575 = arith.constant 3 : i32
    %dma_wait3A_3576 = arith.constant 0 : i32
    %dma_wait3A_3577 = tpu.memref_slice %arg6[%dma_wait3A_3575, %dma_wait3A_3576] : memref<16x32xi32, #tpu.memory_space<vmem>> -> memref<1x32xi32, #tpu.memory_space<vmem>>
    %dma_wait3A_3578 = tpu.memref_squeeze %dma_wait3A_3577 : memref<1x32xi32, #tpu.memory_space<vmem>> -> memref<32xi32, #tpu.memory_space<vmem>>
    %dma_wait3A_3579 = arith.constant 0 : i32
    %dma_wait3A_3580 = arith.constant 0 : i32
    %dma_wait3A_3581 = tpu.memref_slice %arg3[%dma_wait3A_3579, %dma_wait3A_3580] : memref<4098x1024xf32, #tpu.memory_space<hbm>> -> memref<4098x1024xf32, #tpu.memory_space<hbm>>
    tpu.wait_indirect_dma semaphore(%arg10 : memref<!tpu.dma_semaphore, #tpu.memory_space<semaphore_mem>>) src(%dma_wait3A_3581 : memref<4098x1024xf32, #tpu.memory_space<hbm>>) dst(%arg7 : memref<32x1024xf32, #tpu.memory_space<vmem>>)
    %add3A_3582 = arith.constant 96 : i32
    %add3A_3583 = arith.addi %mul3A_32, %add3A_3582 : i32
    %dma_start3A_3584 = arith.constant 0 : i32
    %dma_start3A_3585 = tpu.memref_slice %arg4[%add3A_3583, %dma_start3A_3584] : memref<16384x1024xf32, #tpu.memory_space<hbm>> -> memref<32x1024xf32, #tpu.memory_space<hbm>>
    %dma_start3A_3586 = arith.constant 0 : i32
    %dma_start3A_3587 = tpu.memref_slice %arg4[%add3A_3583, %dma_start3A_3586] : memref<16384x1024xf32, #tpu.memory_space<hbm>> -> memref<32x1024xf32, #tpu.memory_space<hbm>>
    tpu.enqueue_dma source(%arg7 : memref<32x1024xf32, #tpu.memory_space<vmem>>) target(%dma_start3A_3587 : memref<32x1024xf32, #tpu.memory_space<hbm>>) target_semaphore(%arg13 : memref<!tpu.dma_semaphore, #tpu.memory_space<semaphore_mem>>)
    %dma_wait3A_3588 = arith.constant 0 : i32
    %dma_wait3A_3589 = tpu.memref_slice %arg4[%add3A_3559, %dma_wait3A_3588] : memref<16384x1024xf32, #tpu.memory_space<hbm>> -> memref<32x1024xf32, #tpu.memory_space<hbm>>
    %dma_wait3A_3590 = arith.constant 0 : i32
    %dma_wait3A_3591 = tpu.memref_slice %arg4[%add3A_3559, %dma_wait3A_3590] : memref<16384x1024xf32, #tpu.memory_space<hbm>> -> memref<32x1024xf32, #tpu.memory_space<hbm>>
    tpu.wait_dma2 semaphore(%arg15 : memref<!tpu.dma_semaphore, #tpu.memory_space<semaphore_mem>>) src(%arg9 : memref<32x1024xf32, #tpu.memory_space<vmem>>) dst(%dma_wait3A_3591 : memref<32x1024xf32, #tpu.memory_space<hbm>>)
    %dma_start3A_3592 = arith.constant 5 : i32
    %dma_start3A_3593 = arith.constant 0 : i32
    %dma_start3A_3594 = tpu.memref_slice %arg6[%dma_start3A_3592, %dma_start3A_3593] : memref<16x32xi32, #tpu.memory_space<vmem>> -> memref<1x32xi32, #tpu.memory_space<vmem>>
    %dma_start3A_3595 = tpu.memref_squeeze %dma_start3A_3594 : memref<1x32xi32, #tpu.memory_space<vmem>> -> memref<32xi32, #tpu.memory_space<vmem>>
    %dma_start3A_3596 = arith.constant 0 : i32
    %dma_start3A_3597 = arith.constant 0 : i32
    %dma_start3A_3598 = tpu.memref_slice %arg3[%dma_start3A_3596, %dma_start3A_3597] : memref<4098x1024xf32, #tpu.memory_space<hbm>> -> memref<4098x1024xf32, #tpu.memory_space<hbm>>
    tpu.enqueue_indirect_dma source(%dma_start3A_3598 : memref<4098x1024xf32, #tpu.memory_space<hbm>>) target(%arg9 : memref<32x1024xf32, #tpu.memory_space<vmem>>) offsets(%dma_start3A_3595 : memref<32xi32, #tpu.memory_space<vmem>>) semaphore(%arg12 : memref<!tpu.dma_semaphore, #tpu.memory_space<semaphore_mem>>)
    %dma_wait3A_3599 = arith.constant 4 : i32
    %dma_wait3A_3600 = arith.constant 0 : i32
    %dma_wait3A_3601 = tpu.memref_slice %arg6[%dma_wait3A_3599, %dma_wait3A_3600] : memref<16x32xi32, #tpu.memory_space<vmem>> -> memref<1x32xi32, #tpu.memory_space<vmem>>
    %dma_wait3A_3602 = tpu.memref_squeeze %dma_wait3A_3601 : memref<1x32xi32, #tpu.memory_space<vmem>> -> memref<32xi32, #tpu.memory_space<vmem>>
    %dma_wait3A_3603 = arith.constant 0 : i32
    %dma_wait3A_3604 = arith.constant 0 : i32
    %dma_wait3A_3605 = tpu.memref_slice %arg3[%dma_wait3A_3603, %dma_wait3A_3604] : memref<4098x1024xf32, #tpu.memory_space<hbm>> -> memref<4098x1024xf32, #tpu.memory_space<hbm>>
    tpu.wait_indirect_dma semaphore(%arg11 : memref<!tpu.dma_semaphore, #tpu.memory_space<semaphore_mem>>) src(%dma_wait3A_3605 : memref<4098x1024xf32, #tpu.memory_space<hbm>>) dst(%arg8 : memref<32x1024xf32, #tpu.memory_space<vmem>>)
    %add3A_3606 = arith.constant 128 : i32
    %add3A_3607 = arith.addi %mul3A_32, %add3A_3606 : i32
    %dma_start3A_3608 = arith.constant 0 : i32
    %dma_start3A_3609 = tpu.memref_slice %arg4[%add3A_3607, %dma_start3A_3608] : memref<16384x1024xf32, #tpu.memory_space<hbm>> -> memref<32x1024xf32, #tpu.memory_space<hbm>>
    %dma_start3A_3610 = arith.constant 0 : i32
    %dma_start3A_3611 = tpu.memref_slice %arg4[%add3A_3607, %dma_start3A_3610] : memref<16384x1024xf32, #tpu.memory_space<hbm>> -> memref<32x1024xf32, #tpu.memory_space<hbm>>
    tpu.enqueue_dma source(%arg8 : memref<32x1024xf32, #tpu.memory_space<vmem>>) target(%dma_start3A_3611 : memref<32x1024xf32, #tpu.memory_space<hbm>>) target_semaphore(%arg14 : memref<!tpu.dma_semaphore, #tpu.memory_space<semaphore_mem>>)
    %dma_wait3A_3612 = arith.constant 0 : i32
    %dma_wait3A_3613 = tpu.memref_slice %arg4[%add3A_3583, %dma_wait3A_3612] : memref<16384x1024xf32, #tpu.memory_space<hbm>> -> memref<32x1024xf32, #tpu.memory_space<hbm>>
    %dma_wait3A_3614 = arith.constant 0 : i32
    %dma_wait3A_3615 = tpu.memref_slice %arg4[%add3A_3583, %dma_wait3A_3614] : memref<16384x1024xf32, #tpu.memory_space<hbm>> -> memref<32x1024xf32, #tpu.memory_space<hbm>>
    tpu.wait_dma2 semaphore(%arg13 : memref<!tpu.dma_semaphore, #tpu.memory_space<semaphore_mem>>) src(%arg7 : memref<32x1024xf32, #tpu.memory_space<vmem>>) dst(%dma_wait3A_3615 : memref<32x1024xf32, #tpu.memory_space<hbm>>)
    %dma_start3A_3616 = arith.constant 6 : i32
    %dma_start3A_3617 = arith.constant 0 : i32
    %dma_start3A_3618 = tpu.memref_slice %arg6[%dma_start3A_3616, %dma_start3A_3617] : memref<16x32xi32, #tpu.memory_space<vmem>> -> memref<1x32xi32, #tpu.memory_space<vmem>>
    %dma_start3A_3619 = tpu.memref_squeeze %dma_start3A_3618 : memref<1x32xi32, #tpu.memory_space<vmem>> -> memref<32xi32, #tpu.memory_space<vmem>>
    %dma_start3A_3620 = arith.constant 0 : i32
    %dma_start3A_3621 = arith.constant 0 : i32
    %dma_start3A_3622 = tpu.memref_slice %arg3[%dma_start3A_3620, %dma_start3A_3621] : memref<4098x1024xf32, #tpu.memory_space<hbm>> -> memref<4098x1024xf32, #tpu.memory_space<hbm>>
    tpu.enqueue_indirect_dma source(%dma_start3A_3622 : memref<4098x1024xf32, #tpu.memory_space<hbm>>) target(%arg7 : memref<32x1024xf32, #tpu.memory_space<vmem>>) offsets(%dma_start3A_3619 : memref<32xi32, #tpu.memory_space<vmem>>) semaphore(%arg10 : memref<!tpu.dma_semaphore, #tpu.memory_space<semaphore_mem>>)
    %dma_wait3A_3623 = arith.constant 5 : i32
    %dma_wait3A_3624 = arith.constant 0 : i32
    %dma_wait3A_3625 = tpu.memref_slice %arg6[%dma_wait3A_3623, %dma_wait3A_3624] : memref<16x32xi32, #tpu.memory_space<vmem>> -> memref<1x32xi32, #tpu.memory_space<vmem>>
    %dma_wait3A_3626 = tpu.memref_squeeze %dma_wait3A_3625 : memref<1x32xi32, #tpu.memory_space<vmem>> -> memref<32xi32, #tpu.memory_space<vmem>>
    %dma_wait3A_3627 = arith.constant 0 : i32
    %dma_wait3A_3628 = arith.constant 0 : i32
    %dma_wait3A_3629 = tpu.memref_slice %arg3[%dma_wait3A_3627, %dma_wait3A_3628] : memref<4098x1024xf32, #tpu.memory_space<hbm>> -> memref<4098x1024xf32, #tpu.memory_space<hbm>>
    tpu.wait_indirect_dma semaphore(%arg12 : memref<!tpu.dma_semaphore, #tpu.memory_space<semaphore_mem>>) src(%dma_wait3A_3629 : memref<4098x1024xf32, #tpu.memory_space<hbm>>) dst(%arg9 : memref<32x1024xf32, #tpu.memory_space<vmem>>)
    %add3A_3630 = arith.constant 160 : i32
    %add3A_3631 = arith.addi %mul3A_32, %add3A_3630 : i32
    %dma_start3A_3632 = arith.constant 0 : i32
    %dma_start3A_3633 = tpu.memref_slice %arg4[%add3A_3631, %dma_start3A_3632] : memref<16384x1024xf32, #tpu.memory_space<hbm>> -> memref<32x1024xf32, #tpu.memory_space<hbm>>
    %dma_start3A_3634 = arith.constant 0 : i32
    %dma_start3A_3635 = tpu.memref_slice %arg4[%add3A_3631, %dma_start3A_3634] : memref<16384x1024xf32, #tpu.memory_space<hbm>> -> memref<32x1024xf32, #tpu.memory_space<hbm>>
    tpu.enqueue_dma source(%arg9 : memref<32x1024xf32, #tpu.memory_space<vmem>>) target(%dma_start3A_3635 : memref<32x1024xf32, #tpu.memory_space<hbm>>) target_semaphore(%arg15 : memref<!tpu.dma_semaphore, #tpu.memory_space<semaphore_mem>>)
    %dma_wait3A_3636 = arith.constant 0 : i32
    %dma_wait3A_3637 = tpu.memref_slice %arg4[%add3A_3607, %dma_wait3A_3636] : memref<16384x1024xf32, #tpu.memory_space<hbm>> -> memref<32x1024xf32, #tpu.memory_space<hbm>>
    %dma_wait3A_3638 = arith.constant 0 : i32
    %dma_wait3A_3639 = tpu.memref_slice %arg4[%add3A_3607, %dma_wait3A_3638] : memref<16384x1024xf32, #tpu.memory_space<hbm>> -> memref<32x1024xf32, #tpu.memory_space<hbm>>
    tpu.wait_dma2 semaphore(%arg14 : memref<!tpu.dma_semaphore, #tpu.memory_space<semaphore_mem>>) src(%arg8 : memref<32x1024xf32, #tpu.memory_space<vmem>>) dst(%dma_wait3A_3639 : memref<32x1024xf32, #tpu.memory_space<hbm>>)
    %dma_start3A_3640 = arith.constant 7 : i32
    %dma_start3A_3641 = arith.constant 0 : i32
    %dma_start3A_3642 = tpu.memref_slice %arg6[%dma_start3A_3640, %dma_start3A_3641] : memref<16x32xi32, #tpu.memory_space<vmem>> -> memref<1x32xi32, #tpu.memory_space<vmem>>
    %dma_start3A_3643 = tpu.memref_squeeze %dma_start3A_3642 : memref<1x32xi32, #tpu.memory_space<vmem>> -> memref<32xi32, #tpu.memory_space<vmem>>
    %dma_start3A_3644 = arith.constant 0 : i32
    %dma_start3A_3645 = arith.constant 0 : i32
    %dma_start3A_3646 = tpu.memref_slice %arg3[%dma_start3A_3644, %dma_start3A_3645] : memref<4098x1024xf32, #tpu.memory_space<hbm>> -> memref<4098x1024xf32, #tpu.memory_space<hbm>>
    tpu.enqueue_indirect_dma source(%dma_start3A_3646 : memref<4098x1024xf32, #tpu.memory_space<hbm>>) target(%arg8 : memref<32x1024xf32, #tpu.memory_space<vmem>>) offsets(%dma_start3A_3643 : memref<32xi32, #tpu.memory_space<vmem>>) semaphore(%arg11 : memref<!tpu.dma_semaphore, #tpu.memory_space<semaphore_mem>>)
    %dma_wait3A_3647 = arith.constant 6 : i32
    %dma_wait3A_3648 = arith.constant 0 : i32
    %dma_wait3A_3649 = tpu.memref_slice %arg6[%dma_wait3A_3647, %dma_wait3A_3648] : memref<16x32xi32, #tpu.memory_space<vmem>> -> memref<1x32xi32, #tpu.memory_space<vmem>>
    %dma_wait3A_3650 = tpu.memref_squeeze %dma_wait3A_3649 : memref<1x32xi32, #tpu.memory_space<vmem>> -> memref<32xi32, #tpu.memory_space<vmem>>
    %dma_wait3A_3651 = arith.constant 0 : i32
    %dma_wait3A_3652 = arith.constant 0 : i32
    %dma_wait3A_3653 = tpu.memref_slice %arg3[%dma_wait3A_3651, %dma_wait3A_3652] : memref<4098x1024xf32, #tpu.memory_space<hbm>> -> memref<4098x1024xf32, #tpu.memory_space<hbm>>
    tpu.wait_indirect_dma semaphore(%arg10 : memref<!tpu.dma_semaphore, #tpu.memory_space<semaphore_mem>>) src(%dma_wait3A_3653 : memref<4098x1024xf32, #tpu.memory_space<hbm>>) dst(%arg7 : memref<32x1024xf32, #tpu.memory_space<vmem>>)
    %add3A_3654 = arith.constant 192 : i32
    %add3A_3655 = arith.addi %mul3A_32, %add3A_3654 : i32
    %dma_start3A_3656 = arith.constant 0 : i32
    %dma_start3A_3657 = tpu.memref_slice %arg4[%add3A_3655, %dma_start3A_3656] : memref<16384x1024xf32, #tpu.memory_space<hbm>> -> memref<32x1024xf32, #tpu.memory_space<hbm>>
    %dma_start3A_3658 = arith.constant 0 : i32
    %dma_start3A_3659 = tpu.memref_slice %arg4[%add3A_3655, %dma_start3A_3658] : memref<16384x1024xf32, #tpu.memory_space<hbm>> -> memref<32x1024xf32, #tpu.memory_space<hbm>>
    tpu.enqueue_dma source(%arg7 : memref<32x1024xf32, #tpu.memory_space<vmem>>) target(%dma_start3A_3659 : memref<32x1024xf32, #tpu.memory_space<hbm>>) target_semaphore(%arg13 : memref<!tpu.dma_semaphore, #tpu.memory_space<semaphore_mem>>)
    %dma_wait3A_3660 = arith.constant 0 : i32
    %dma_wait3A_3661 = tpu.memref_slice %arg4[%add3A_3631, %dma_wait3A_3660] : memref<16384x1024xf32, #tpu.memory_space<hbm>> -> memref<32x1024xf32, #tpu.memory_space<hbm>>
    %dma_wait3A_3662 = arith.constant 0 : i32
    %dma_wait3A_3663 = tpu.memref_slice %arg4[%add3A_3631, %dma_wait3A_3662] : memref<16384x1024xf32, #tpu.memory_space<hbm>> -> memref<32x1024xf32, #tpu.memory_space<hbm>>
    tpu.wait_dma2 semaphore(%arg15 : memref<!tpu.dma_semaphore, #tpu.memory_space<semaphore_mem>>) src(%arg9 : memref<32x1024xf32, #tpu.memory_space<vmem>>) dst(%dma_wait3A_3663 : memref<32x1024xf32, #tpu.memory_space<hbm>>)
    %dma_start3A_3664 = arith.constant 8 : i32
    %dma_start3A_3665 = arith.constant 0 : i32
    %dma_start3A_3666 = tpu.memref_slice %arg6[%dma_start3A_3664, %dma_start3A_3665] : memref<16x32xi32, #tpu.memory_space<vmem>> -> memref<1x32xi32, #tpu.memory_space<vmem>>
    %dma_start3A_3667 = tpu.memref_squeeze %dma_start3A_3666 : memref<1x32xi32, #tpu.memory_space<vmem>> -> memref<32xi32, #tpu.memory_space<vmem>>
    %dma_start3A_3668 = arith.constant 0 : i32
    %dma_start3A_3669 = arith.constant 0 : i32
    %dma_start3A_3670 = tpu.memref_slice %arg3[%dma_start3A_3668, %dma_start3A_3669] : memref<4098x1024xf32, #tpu.memory_space<hbm>> -> memref<4098x1024xf32, #tpu.memory_space<hbm>>
    tpu.enqueue_indirect_dma source(%dma_start3A_3670 : memref<4098x1024xf32, #tpu.memory_space<hbm>>) target(%arg9 : memref<32x1024xf32, #tpu.memory_space<vmem>>) offsets(%dma_start3A_3667 : memref<32xi32, #tpu.memory_space<vmem>>) semaphore(%arg12 : memref<!tpu.dma_semaphore, #tpu.memory_space<semaphore_mem>>)
    %dma_wait3A_3671 = arith.constant 7 : i32
    %dma_wait3A_3672 = arith.constant 0 : i32
    %dma_wait3A_3673 = tpu.memref_slice %arg6[%dma_wait3A_3671, %dma_wait3A_3672] : memref<16x32xi32, #tpu.memory_space<vmem>> -> memref<1x32xi32, #tpu.memory_space<vmem>>
    %dma_wait3A_3674 = tpu.memref_squeeze %dma_wait3A_3673 : memref<1x32xi32, #tpu.memory_space<vmem>> -> memref<32xi32, #tpu.memory_space<vmem>>
    %dma_wait3A_3675 = arith.constant 0 : i32
    %dma_wait3A_3676 = arith.constant 0 : i32
    %dma_wait3A_3677 = tpu.memref_slice %arg3[%dma_wait3A_3675, %dma_wait3A_3676] : memref<4098x1024xf32, #tpu.memory_space<hbm>> -> memref<4098x1024xf32, #tpu.memory_space<hbm>>
    tpu.wait_indirect_dma semaphore(%arg11 : memref<!tpu.dma_semaphore, #tpu.memory_space<semaphore_mem>>) src(%dma_wait3A_3677 : memref<4098x1024xf32, #tpu.memory_space<hbm>>) dst(%arg8 : memref<32x1024xf32, #tpu.memory_space<vmem>>)
    %add3A_3678 = arith.constant 224 : i32
    %add3A_3679 = arith.addi %mul3A_32, %add3A_3678 : i32
    %dma_start3A_3680 = arith.constant 0 : i32
    %dma_start3A_3681 = tpu.memref_slice %arg4[%add3A_3679, %dma_start3A_3680] : memref<16384x1024xf32, #tpu.memory_space<hbm>> -> memref<32x1024xf32, #tpu.memory_space<hbm>>
    %dma_start3A_3682 = arith.constant 0 : i32
    %dma_start3A_3683 = tpu.memref_slice %arg4[%add3A_3679, %dma_start3A_3682] : memref<16384x1024xf32, #tpu.memory_space<hbm>> -> memref<32x1024xf32, #tpu.memory_space<hbm>>
    tpu.enqueue_dma source(%arg8 : memref<32x1024xf32, #tpu.memory_space<vmem>>) target(%dma_start3A_3683 : memref<32x1024xf32, #tpu.memory_space<hbm>>) target_semaphore(%arg14 : memref<!tpu.dma_semaphore, #tpu.memory_space<semaphore_mem>>)
    %dma_wait3A_3684 = arith.constant 0 : i32
    %dma_wait3A_3685 = tpu.memref_slice %arg4[%add3A_3655, %dma_wait3A_3684] : memref<16384x1024xf32, #tpu.memory_space<hbm>> -> memref<32x1024xf32, #tpu.memory_space<hbm>>
    %dma_wait3A_3686 = arith.constant 0 : i32
    %dma_wait3A_3687 = tpu.memref_slice %arg4[%add3A_3655, %dma_wait3A_3686] : memref<16384x1024xf32, #tpu.memory_space<hbm>> -> memref<32x1024xf32, #tpu.memory_space<hbm>>
    tpu.wait_dma2 semaphore(%arg13 : memref<!tpu.dma_semaphore, #tpu.memory_space<semaphore_mem>>) src(%arg7 : memref<32x1024xf32, #tpu.memory_space<vmem>>) dst(%dma_wait3A_3687 : memref<32x1024xf32, #tpu.memory_space<hbm>>)
    %dma_start3A_3688 = arith.constant 9 : i32
    %dma_start3A_3689 = arith.constant 0 : i32
    %dma_start3A_3690 = tpu.memref_slice %arg6[%dma_start3A_3688, %dma_start3A_3689] : memref<16x32xi32, #tpu.memory_space<vmem>> -> memref<1x32xi32, #tpu.memory_space<vmem>>
    %dma_start3A_3691 = tpu.memref_squeeze %dma_start3A_3690 : memref<1x32xi32, #tpu.memory_space<vmem>> -> memref<32xi32, #tpu.memory_space<vmem>>
    %dma_start3A_3692 = arith.constant 0 : i32
    %dma_start3A_3693 = arith.constant 0 : i32
    %dma_start3A_3694 = tpu.memref_slice %arg3[%dma_start3A_3692, %dma_start3A_3693] : memref<4098x1024xf32, #tpu.memory_space<hbm>> -> memref<4098x1024xf32, #tpu.memory_space<hbm>>
    tpu.enqueue_indirect_dma source(%dma_start3A_3694 : memref<4098x1024xf32, #tpu.memory_space<hbm>>) target(%arg7 : memref<32x1024xf32, #tpu.memory_space<vmem>>) offsets(%dma_start3A_3691 : memref<32xi32, #tpu.memory_space<vmem>>) semaphore(%arg10 : memref<!tpu.dma_semaphore, #tpu.memory_space<semaphore_mem>>)
    %dma_wait3A_3695 = arith.constant 8 : i32
    %dma_wait3A_3696 = arith.constant 0 : i32
    %dma_wait3A_3697 = tpu.memref_slice %arg6[%dma_wait3A_3695, %dma_wait3A_3696] : memref<16x32xi32, #tpu.memory_space<vmem>> -> memref<1x32xi32, #tpu.memory_space<vmem>>
    %dma_wait3A_3698 = tpu.memref_squeeze %dma_wait3A_3697 : memref<1x32xi32, #tpu.memory_space<vmem>> -> memref<32xi32, #tpu.memory_space<vmem>>
    %dma_wait3A_3699 = arith.constant 0 : i32
    %dma_wait3A_3700 = arith.constant 0 : i32
    %dma_wait3A_3701 = tpu.memref_slice %arg3[%dma_wait3A_3699, %dma_wait3A_3700] : memref<4098x1024xf32, #tpu.memory_space<hbm>> -> memref<4098x1024xf32, #tpu.memory_space<hbm>>
    tpu.wait_indirect_dma semaphore(%arg12 : memref<!tpu.dma_semaphore, #tpu.memory_space<semaphore_mem>>) src(%dma_wait3A_3701 : memref<4098x1024xf32, #tpu.memory_space<hbm>>) dst(%arg9 : memref<32x1024xf32, #tpu.memory_space<vmem>>)
    %add3A_3702 = arith.constant 256 : i32
    %add3A_3703 = arith.addi %mul3A_32, %add3A_3702 : i32
    %dma_start3A_3704 = arith.constant 0 : i32
    %dma_start3A_3705 = tpu.memref_slice %arg4[%add3A_3703, %dma_start3A_3704] : memref<16384x1024xf32, #tpu.memory_space<hbm>> -> memref<32x1024xf32, #tpu.memory_space<hbm>>
    %dma_start3A_3706 = arith.constant 0 : i32
    %dma_start3A_3707 = tpu.memref_slice %arg4[%add3A_3703, %dma_start3A_3706] : memref<16384x1024xf32, #tpu.memory_space<hbm>> -> memref<32x1024xf32, #tpu.memory_space<hbm>>
    tpu.enqueue_dma source(%arg9 : memref<32x1024xf32, #tpu.memory_space<vmem>>) target(%dma_start3A_3707 : memref<32x1024xf32, #tpu.memory_space<hbm>>) target_semaphore(%arg15 : memref<!tpu.dma_semaphore, #tpu.memory_space<semaphore_mem>>)
    %dma_wait3A_3708 = arith.constant 0 : i32
    %dma_wait3A_3709 = tpu.memref_slice %arg4[%add3A_3679, %dma_wait3A_3708] : memref<16384x1024xf32, #tpu.memory_space<hbm>> -> memref<32x1024xf32, #tpu.memory_space<hbm>>
    %dma_wait3A_3710 = arith.constant 0 : i32
    %dma_wait3A_3711 = tpu.memref_slice %arg4[%add3A_3679, %dma_wait3A_3710] : memref<16384x1024xf32, #tpu.memory_space<hbm>> -> memref<32x1024xf32, #tpu.memory_space<hbm>>
    tpu.wait_dma2 semaphore(%arg14 : memref<!tpu.dma_semaphore, #tpu.memory_space<semaphore_mem>>) src(%arg8 : memref<32x1024xf32, #tpu.memory_space<vmem>>) dst(%dma_wait3A_3711 : memref<32x1024xf32, #tpu.memory_space<hbm>>)
    %dma_start3A_3712 = arith.constant 10 : i32
    %dma_start3A_3713 = arith.constant 0 : i32
    %dma_start3A_3714 = tpu.memref_slice %arg6[%dma_start3A_3712, %dma_start3A_3713] : memref<16x32xi32, #tpu.memory_space<vmem>> -> memref<1x32xi32, #tpu.memory_space<vmem>>
    %dma_start3A_3715 = tpu.memref_squeeze %dma_start3A_3714 : memref<1x32xi32, #tpu.memory_space<vmem>> -> memref<32xi32, #tpu.memory_space<vmem>>
    %dma_start3A_3716 = arith.constant 0 : i32
    %dma_start3A_3717 = arith.constant 0 : i32
    %dma_start3A_3718 = tpu.memref_slice %arg3[%dma_start3A_3716, %dma_start3A_3717] : memref<4098x1024xf32, #tpu.memory_space<hbm>> -> memref<4098x1024xf32, #tpu.memory_space<hbm>>
    tpu.enqueue_indirect_dma source(%dma_start3A_3718 : memref<4098x1024xf32, #tpu.memory_space<hbm>>) target(%arg8 : memref<32x1024xf32, #tpu.memory_space<vmem>>) offsets(%dma_start3A_3715 : memref<32xi32, #tpu.memory_space<vmem>>) semaphore(%arg11 : memref<!tpu.dma_semaphore, #tpu.memory_space<semaphore_mem>>)
    %dma_wait3A_3719 = arith.constant 9 : i32
    %dma_wait3A_3720 = arith.constant 0 : i32
    %dma_wait3A_3721 = tpu.memref_slice %arg6[%dma_wait3A_3719, %dma_wait3A_3720] : memref<16x32xi32, #tpu.memory_space<vmem>> -> memref<1x32xi32, #tpu.memory_space<vmem>>
    %dma_wait3A_3722 = tpu.memref_squeeze %dma_wait3A_3721 : memref<1x32xi32, #tpu.memory_space<vmem>> -> memref<32xi32, #tpu.memory_space<vmem>>
    %dma_wait3A_3723 = arith.constant 0 : i32
    %dma_wait3A_3724 = arith.constant 0 : i32
    %dma_wait3A_3725 = tpu.memref_slice %arg3[%dma_wait3A_3723, %dma_wait3A_3724] : memref<4098x1024xf32, #tpu.memory_space<hbm>> -> memref<4098x1024xf32, #tpu.memory_space<hbm>>
    tpu.wait_indirect_dma semaphore(%arg10 : memref<!tpu.dma_semaphore, #tpu.memory_space<semaphore_mem>>) src(%dma_wait3A_3725 : memref<4098x1024xf32, #tpu.memory_space<hbm>>) dst(%arg7 : memref<32x1024xf32, #tpu.memory_space<vmem>>)
    %add3A_3726 = arith.constant 288 : i32
    %add3A_3727 = arith.addi %mul3A_32, %add3A_3726 : i32
    %dma_start3A_3728 = arith.constant 0 : i32
    %dma_start3A_3729 = tpu.memref_slice %arg4[%add3A_3727, %dma_start3A_3728] : memref<16384x1024xf32, #tpu.memory_space<hbm>> -> memref<32x1024xf32, #tpu.memory_space<hbm>>
    %dma_start3A_3730 = arith.constant 0 : i32
    %dma_start3A_3731 = tpu.memref_slice %arg4[%add3A_3727, %dma_start3A_3730] : memref<16384x1024xf32, #tpu.memory_space<hbm>> -> memref<32x1024xf32, #tpu.memory_space<hbm>>
    tpu.enqueue_dma source(%arg7 : memref<32x1024xf32, #tpu.memory_space<vmem>>) target(%dma_start3A_3731 : memref<32x1024xf32, #tpu.memory_space<hbm>>) target_semaphore(%arg13 : memref<!tpu.dma_semaphore, #tpu.memory_space<semaphore_mem>>)
    %dma_wait3A_3732 = arith.constant 0 : i32
    %dma_wait3A_3733 = tpu.memref_slice %arg4[%add3A_3703, %dma_wait3A_3732] : memref<16384x1024xf32, #tpu.memory_space<hbm>> -> memref<32x1024xf32, #tpu.memory_space<hbm>>
    %dma_wait3A_3734 = arith.constant 0 : i32
    %dma_wait3A_3735 = tpu.memref_slice %arg4[%add3A_3703, %dma_wait3A_3734] : memref<16384x1024xf32, #tpu.memory_space<hbm>> -> memref<32x1024xf32, #tpu.memory_space<hbm>>
    tpu.wait_dma2 semaphore(%arg15 : memref<!tpu.dma_semaphore, #tpu.memory_space<semaphore_mem>>) src(%arg9 : memref<32x1024xf32, #tpu.memory_space<vmem>>) dst(%dma_wait3A_3735 : memref<32x1024xf32, #tpu.memory_space<hbm>>)
    %dma_start3A_3736 = arith.constant 11 : i32
    %dma_start3A_3737 = arith.constant 0 : i32
    %dma_start3A_3738 = tpu.memref_slice %arg6[%dma_start3A_3736, %dma_start3A_3737] : memref<16x32xi32, #tpu.memory_space<vmem>> -> memref<1x32xi32, #tpu.memory_space<vmem>>
    %dma_start3A_3739 = tpu.memref_squeeze %dma_start3A_3738 : memref<1x32xi32, #tpu.memory_space<vmem>> -> memref<32xi32, #tpu.memory_space<vmem>>
    %dma_start3A_3740 = arith.constant 0 : i32
    %dma_start3A_3741 = arith.constant 0 : i32
    %dma_start3A_3742 = tpu.memref_slice %arg3[%dma_start3A_3740, %dma_start3A_3741] : memref<4098x1024xf32, #tpu.memory_space<hbm>> -> memref<4098x1024xf32, #tpu.memory_space<hbm>>
    tpu.enqueue_indirect_dma source(%dma_start3A_3742 : memref<4098x1024xf32, #tpu.memory_space<hbm>>) target(%arg9 : memref<32x1024xf32, #tpu.memory_space<vmem>>) offsets(%dma_start3A_3739 : memref<32xi32, #tpu.memory_space<vmem>>) semaphore(%arg12 : memref<!tpu.dma_semaphore, #tpu.memory_space<semaphore_mem>>)
    %dma_wait3A_3743 = arith.constant 10 : i32
    %dma_wait3A_3744 = arith.constant 0 : i32
    %dma_wait3A_3745 = tpu.memref_slice %arg6[%dma_wait3A_3743, %dma_wait3A_3744] : memref<16x32xi32, #tpu.memory_space<vmem>> -> memref<1x32xi32, #tpu.memory_space<vmem>>
    %dma_wait3A_3746 = tpu.memref_squeeze %dma_wait3A_3745 : memref<1x32xi32, #tpu.memory_space<vmem>> -> memref<32xi32, #tpu.memory_space<vmem>>
    %dma_wait3A_3747 = arith.constant 0 : i32
    %dma_wait3A_3748 = arith.constant 0 : i32
    %dma_wait3A_3749 = tpu.memref_slice %arg3[%dma_wait3A_3747, %dma_wait3A_3748] : memref<4098x1024xf32, #tpu.memory_space<hbm>> -> memref<4098x1024xf32, #tpu.memory_space<hbm>>
    tpu.wait_indirect_dma semaphore(%arg11 : memref<!tpu.dma_semaphore, #tpu.memory_space<semaphore_mem>>) src(%dma_wait3A_3749 : memref<4098x1024xf32, #tpu.memory_space<hbm>>) dst(%arg8 : memref<32x1024xf32, #tpu.memory_space<vmem>>)
    %add3A_3750 = arith.constant 320 : i32
    %add3A_3751 = arith.addi %mul3A_32, %add3A_3750 : i32
    %dma_start3A_3752 = arith.constant 0 : i32
    %dma_start3A_3753 = tpu.memref_slice %arg4[%add3A_3751, %dma_start3A_3752] : memref<16384x1024xf32, #tpu.memory_space<hbm>> -> memref<32x1024xf32, #tpu.memory_space<hbm>>
    %dma_start3A_3754 = arith.constant 0 : i32
    %dma_start3A_3755 = tpu.memref_slice %arg4[%add3A_3751, %dma_start3A_3754] : memref<16384x1024xf32, #tpu.memory_space<hbm>> -> memref<32x1024xf32, #tpu.memory_space<hbm>>
    tpu.enqueue_dma source(%arg8 : memref<32x1024xf32, #tpu.memory_space<vmem>>) target(%dma_start3A_3755 : memref<32x1024xf32, #tpu.memory_space<hbm>>) target_semaphore(%arg14 : memref<!tpu.dma_semaphore, #tpu.memory_space<semaphore_mem>>)
    %dma_wait3A_3756 = arith.constant 0 : i32
    %dma_wait3A_3757 = tpu.memref_slice %arg4[%add3A_3727, %dma_wait3A_3756] : memref<16384x1024xf32, #tpu.memory_space<hbm>> -> memref<32x1024xf32, #tpu.memory_space<hbm>>
    %dma_wait3A_3758 = arith.constant 0 : i32
    %dma_wait3A_3759 = tpu.memref_slice %arg4[%add3A_3727, %dma_wait3A_3758] : memref<16384x1024xf32, #tpu.memory_space<hbm>> -> memref<32x1024xf32, #tpu.memory_space<hbm>>
    tpu.wait_dma2 semaphore(%arg13 : memref<!tpu.dma_semaphore, #tpu.memory_space<semaphore_mem>>) src(%arg7 : memref<32x1024xf32, #tpu.memory_space<vmem>>) dst(%dma_wait3A_3759 : memref<32x1024xf32, #tpu.memory_space<hbm>>)
    %dma_start3A_3760 = arith.constant 12 : i32
    %dma_start3A_3761 = arith.constant 0 : i32
    %dma_start3A_3762 = tpu.memref_slice %arg6[%dma_start3A_3760, %dma_start3A_3761] : memref<16x32xi32, #tpu.memory_space<vmem>> -> memref<1x32xi32, #tpu.memory_space<vmem>>
    %dma_start3A_3763 = tpu.memref_squeeze %dma_start3A_3762 : memref<1x32xi32, #tpu.memory_space<vmem>> -> memref<32xi32, #tpu.memory_space<vmem>>
    %dma_start3A_3764 = arith.constant 0 : i32
    %dma_start3A_3765 = arith.constant 0 : i32
    %dma_start3A_3766 = tpu.memref_slice %arg3[%dma_start3A_3764, %dma_start3A_3765] : memref<4098x1024xf32, #tpu.memory_space<hbm>> -> memref<4098x1024xf32, #tpu.memory_space<hbm>>
    tpu.enqueue_indirect_dma source(%dma_start3A_3766 : memref<4098x1024xf32, #tpu.memory_space<hbm>>) target(%arg7 : memref<32x1024xf32, #tpu.memory_space<vmem>>) offsets(%dma_start3A_3763 : memref<32xi32, #tpu.memory_space<vmem>>) semaphore(%arg10 : memref<!tpu.dma_semaphore, #tpu.memory_space<semaphore_mem>>)
    %dma_wait3A_3767 = arith.constant 11 : i32
    %dma_wait3A_3768 = arith.constant 0 : i32
    %dma_wait3A_3769 = tpu.memref_slice %arg6[%dma_wait3A_3767, %dma_wait3A_3768] : memref<16x32xi32, #tpu.memory_space<vmem>> -> memref<1x32xi32, #tpu.memory_space<vmem>>
    %dma_wait3A_3770 = tpu.memref_squeeze %dma_wait3A_3769 : memref<1x32xi32, #tpu.memory_space<vmem>> -> memref<32xi32, #tpu.memory_space<vmem>>
    %dma_wait3A_3771 = arith.constant 0 : i32
    %dma_wait3A_3772 = arith.constant 0 : i32
    %dma_wait3A_3773 = tpu.memref_slice %arg3[%dma_wait3A_3771, %dma_wait3A_3772] : memref<4098x1024xf32, #tpu.memory_space<hbm>> -> memref<4098x1024xf32, #tpu.memory_space<hbm>>
    tpu.wait_indirect_dma semaphore(%arg12 : memref<!tpu.dma_semaphore, #tpu.memory_space<semaphore_mem>>) src(%dma_wait3A_3773 : memref<4098x1024xf32, #tpu.memory_space<hbm>>) dst(%arg9 : memref<32x1024xf32, #tpu.memory_space<vmem>>)
    %add3A_3774 = arith.constant 352 : i32
    %add3A_3775 = arith.addi %mul3A_32, %add3A_3774 : i32
    %dma_start3A_3776 = arith.constant 0 : i32
    %dma_start3A_3777 = tpu.memref_slice %arg4[%add3A_3775, %dma_start3A_3776] : memref<16384x1024xf32, #tpu.memory_space<hbm>> -> memref<32x1024xf32, #tpu.memory_space<hbm>>
    %dma_start3A_3778 = arith.constant 0 : i32
    %dma_start3A_3779 = tpu.memref_slice %arg4[%add3A_3775, %dma_start3A_3778] : memref<16384x1024xf32, #tpu.memory_space<hbm>> -> memref<32x1024xf32, #tpu.memory_space<hbm>>
    tpu.enqueue_dma source(%arg9 : memref<32x1024xf32, #tpu.memory_space<vmem>>) target(%dma_start3A_3779 : memref<32x1024xf32, #tpu.memory_space<hbm>>) target_semaphore(%arg15 : memref<!tpu.dma_semaphore, #tpu.memory_space<semaphore_mem>>)
    %dma_wait3A_3780 = arith.constant 0 : i32
    %dma_wait3A_3781 = tpu.memref_slice %arg4[%add3A_3751, %dma_wait3A_3780] : memref<16384x1024xf32, #tpu.memory_space<hbm>> -> memref<32x1024xf32, #tpu.memory_space<hbm>>
    %dma_wait3A_3782 = arith.constant 0 : i32
    %dma_wait3A_3783 = tpu.memref_slice %arg4[%add3A_3751, %dma_wait3A_3782] : memref<16384x1024xf32, #tpu.memory_space<hbm>> -> memref<32x1024xf32, #tpu.memory_space<hbm>>
    tpu.wait_dma2 semaphore(%arg14 : memref<!tpu.dma_semaphore, #tpu.memory_space<semaphore_mem>>) src(%arg8 : memref<32x1024xf32, #tpu.memory_space<vmem>>) dst(%dma_wait3A_3783 : memref<32x1024xf32, #tpu.memory_space<hbm>>)
    %dma_start3A_3784 = arith.constant 13 : i32
    %dma_start3A_3785 = arith.constant 0 : i32
    %dma_start3A_3786 = tpu.memref_slice %arg6[%dma_start3A_3784, %dma_start3A_3785] : memref<16x32xi32, #tpu.memory_space<vmem>> -> memref<1x32xi32, #tpu.memory_space<vmem>>
    %dma_start3A_3787 = tpu.memref_squeeze %dma_start3A_3786 : memref<1x32xi32, #tpu.memory_space<vmem>> -> memref<32xi32, #tpu.memory_space<vmem>>
    %dma_start3A_3788 = arith.constant 0 : i32
    %dma_start3A_3789 = arith.constant 0 : i32
    %dma_start3A_3790 = tpu.memref_slice %arg3[%dma_start3A_3788, %dma_start3A_3789] : memref<4098x1024xf32, #tpu.memory_space<hbm>> -> memref<4098x1024xf32, #tpu.memory_space<hbm>>
    tpu.enqueue_indirect_dma source(%dma_start3A_3790 : memref<4098x1024xf32, #tpu.memory_space<hbm>>) target(%arg8 : memref<32x1024xf32, #tpu.memory_space<vmem>>) offsets(%dma_start3A_3787 : memref<32xi32, #tpu.memory_space<vmem>>) semaphore(%arg11 : memref<!tpu.dma_semaphore, #tpu.memory_space<semaphore_mem>>)
    %dma_wait3A_3791 = arith.constant 12 : i32
    %dma_wait3A_3792 = arith.constant 0 : i32
    %dma_wait3A_3793 = tpu.memref_slice %arg6[%dma_wait3A_3791, %dma_wait3A_3792] : memref<16x32xi32, #tpu.memory_space<vmem>> -> memref<1x32xi32, #tpu.memory_space<vmem>>
    %dma_wait3A_3794 = tpu.memref_squeeze %dma_wait3A_3793 : memref<1x32xi32, #tpu.memory_space<vmem>> -> memref<32xi32, #tpu.memory_space<vmem>>
    %dma_wait3A_3795 = arith.constant 0 : i32
    %dma_wait3A_3796 = arith.constant 0 : i32
    %dma_wait3A_3797 = tpu.memref_slice %arg3[%dma_wait3A_3795, %dma_wait3A_3796] : memref<4098x1024xf32, #tpu.memory_space<hbm>> -> memref<4098x1024xf32, #tpu.memory_space<hbm>>
    tpu.wait_indirect_dma semaphore(%arg10 : memref<!tpu.dma_semaphore, #tpu.memory_space<semaphore_mem>>) src(%dma_wait3A_3797 : memref<4098x1024xf32, #tpu.memory_space<hbm>>) dst(%arg7 : memref<32x1024xf32, #tpu.memory_space<vmem>>)
    %add3A_3798 = arith.constant 384 : i32
    %add3A_3799 = arith.addi %mul3A_32, %add3A_3798 : i32
    %dma_start3A_3800 = arith.constant 0 : i32
    %dma_start3A_3801 = tpu.memref_slice %arg4[%add3A_3799, %dma_start3A_3800] : memref<16384x1024xf32, #tpu.memory_space<hbm>> -> memref<32x1024xf32, #tpu.memory_space<hbm>>
    %dma_start3A_3802 = arith.constant 0 : i32
    %dma_start3A_3803 = tpu.memref_slice %arg4[%add3A_3799, %dma_start3A_3802] : memref<16384x1024xf32, #tpu.memory_space<hbm>> -> memref<32x1024xf32, #tpu.memory_space<hbm>>
    tpu.enqueue_dma source(%arg7 : memref<32x1024xf32, #tpu.memory_space<vmem>>) target(%dma_start3A_3803 : memref<32x1024xf32, #tpu.memory_space<hbm>>) target_semaphore(%arg13 : memref<!tpu.dma_semaphore, #tpu.memory_space<semaphore_mem>>)
    %dma_wait3A_3804 = arith.constant 0 : i32
    %dma_wait3A_3805 = tpu.memref_slice %arg4[%add3A_3775, %dma_wait3A_3804] : memref<16384x1024xf32, #tpu.memory_space<hbm>> -> memref<32x1024xf32, #tpu.memory_space<hbm>>
    %dma_wait3A_3806 = arith.constant 0 : i32
    %dma_wait3A_3807 = tpu.memref_slice %arg4[%add3A_3775, %dma_wait3A_3806] : memref<16384x1024xf32, #tpu.memory_space<hbm>> -> memref<32x1024xf32, #tpu.memory_space<hbm>>
    tpu.wait_dma2 semaphore(%arg15 : memref<!tpu.dma_semaphore, #tpu.memory_space<semaphore_mem>>) src(%arg9 : memref<32x1024xf32, #tpu.memory_space<vmem>>) dst(%dma_wait3A_3807 : memref<32x1024xf32, #tpu.memory_space<hbm>>)
    %dma_start3A_3808 = arith.constant 14 : i32
    %dma_start3A_3809 = arith.constant 0 : i32
    %dma_start3A_3810 = tpu.memref_slice %arg6[%dma_start3A_3808, %dma_start3A_3809] : memref<16x32xi32, #tpu.memory_space<vmem>> -> memref<1x32xi32, #tpu.memory_space<vmem>>
    %dma_start3A_3811 = tpu.memref_squeeze %dma_start3A_3810 : memref<1x32xi32, #tpu.memory_space<vmem>> -> memref<32xi32, #tpu.memory_space<vmem>>
    %dma_start3A_3812 = arith.constant 0 : i32
    %dma_start3A_3813 = arith.constant 0 : i32
    %dma_start3A_3814 = tpu.memref_slice %arg3[%dma_start3A_3812, %dma_start3A_3813] : memref<4098x1024xf32, #tpu.memory_space<hbm>> -> memref<4098x1024xf32, #tpu.memory_space<hbm>>
    tpu.enqueue_indirect_dma source(%dma_start3A_3814 : memref<4098x1024xf32, #tpu.memory_space<hbm>>) target(%arg9 : memref<32x1024xf32, #tpu.memory_space<vmem>>) offsets(%dma_start3A_3811 : memref<32xi32, #tpu.memory_space<vmem>>) semaphore(%arg12 : memref<!tpu.dma_semaphore, #tpu.memory_space<semaphore_mem>>)
    %dma_wait3A_3815 = arith.constant 13 : i32
    %dma_wait3A_3816 = arith.constant 0 : i32
    %dma_wait3A_3817 = tpu.memref_slice %arg6[%dma_wait3A_3815, %dma_wait3A_3816] : memref<16x32xi32, #tpu.memory_space<vmem>> -> memref<1x32xi32, #tpu.memory_space<vmem>>
    %dma_wait3A_3818 = tpu.memref_squeeze %dma_wait3A_3817 : memref<1x32xi32, #tpu.memory_space<vmem>> -> memref<32xi32, #tpu.memory_space<vmem>>
    %dma_wait3A_3819 = arith.constant 0 : i32
    %dma_wait3A_3820 = arith.constant 0 : i32
    %dma_wait3A_3821 = tpu.memref_slice %arg3[%dma_wait3A_3819, %dma_wait3A_3820] : memref<4098x1024xf32, #tpu.memory_space<hbm>> -> memref<4098x1024xf32, #tpu.memory_space<hbm>>
    tpu.wait_indirect_dma semaphore(%arg11 : memref<!tpu.dma_semaphore, #tpu.memory_space<semaphore_mem>>) src(%dma_wait3A_3821 : memref<4098x1024xf32, #tpu.memory_space<hbm>>) dst(%arg8 : memref<32x1024xf32, #tpu.memory_space<vmem>>)
    %add3A_3822 = arith.constant 416 : i32
    %add3A_3823 = arith.addi %mul3A_32, %add3A_3822 : i32
    %dma_start3A_3824 = arith.constant 0 : i32
    %dma_start3A_3825 = tpu.memref_slice %arg4[%add3A_3823, %dma_start3A_3824] : memref<16384x1024xf32, #tpu.memory_space<hbm>> -> memref<32x1024xf32, #tpu.memory_space<hbm>>
    %dma_start3A_3826 = arith.constant 0 : i32
    %dma_start3A_3827 = tpu.memref_slice %arg4[%add3A_3823, %dma_start3A_3826] : memref<16384x1024xf32, #tpu.memory_space<hbm>> -> memref<32x1024xf32, #tpu.memory_space<hbm>>
    tpu.enqueue_dma source(%arg8 : memref<32x1024xf32, #tpu.memory_space<vmem>>) target(%dma_start3A_3827 : memref<32x1024xf32, #tpu.memory_space<hbm>>) target_semaphore(%arg14 : memref<!tpu.dma_semaphore, #tpu.memory_space<semaphore_mem>>)
    %dma_wait3A_3828 = arith.constant 0 : i32
    %dma_wait3A_3829 = tpu.memref_slice %arg4[%add3A_3799, %dma_wait3A_3828] : memref<16384x1024xf32, #tpu.memory_space<hbm>> -> memref<32x1024xf32, #tpu.memory_space<hbm>>
    %dma_wait3A_3830 = arith.constant 0 : i32
    %dma_wait3A_3831 = tpu.memref_slice %arg4[%add3A_3799, %dma_wait3A_3830] : memref<16384x1024xf32, #tpu.memory_space<hbm>> -> memref<32x1024xf32, #tpu.memory_space<hbm>>
    tpu.wait_dma2 semaphore(%arg13 : memref<!tpu.dma_semaphore, #tpu.memory_space<semaphore_mem>>) src(%arg7 : memref<32x1024xf32, #tpu.memory_space<vmem>>) dst(%dma_wait3A_3831 : memref<32x1024xf32, #tpu.memory_space<hbm>>)
    %dma_start3A_3832 = arith.constant 15 : i32
    %dma_start3A_3833 = arith.constant 0 : i32
    %dma_start3A_3834 = tpu.memref_slice %arg6[%dma_start3A_3832, %dma_start3A_3833] : memref<16x32xi32, #tpu.memory_space<vmem>> -> memref<1x32xi32, #tpu.memory_space<vmem>>
    %dma_start3A_3835 = tpu.memref_squeeze %dma_start3A_3834 : memref<1x32xi32, #tpu.memory_space<vmem>> -> memref<32xi32, #tpu.memory_space<vmem>>
    %dma_start3A_3836 = arith.constant 0 : i32
    %dma_start3A_3837 = arith.constant 0 : i32
    %dma_start3A_3838 = tpu.memref_slice %arg3[%dma_start3A_3836, %dma_start3A_3837] : memref<4098x1024xf32, #tpu.memory_space<hbm>> -> memref<4098x1024xf32, #tpu.memory_space<hbm>>
    tpu.enqueue_indirect_dma source(%dma_start3A_3838 : memref<4098x1024xf32, #tpu.memory_space<hbm>>) target(%arg7 : memref<32x1024xf32, #tpu.memory_space<vmem>>) offsets(%dma_start3A_3835 : memref<32xi32, #tpu.memory_space<vmem>>) semaphore(%arg10 : memref<!tpu.dma_semaphore, #tpu.memory_space<semaphore_mem>>)
    %dma_wait3A_3839 = arith.constant 14 : i32
    %dma_wait3A_3840 = arith.constant 0 : i32
    %dma_wait3A_3841 = tpu.memref_slice %arg6[%dma_wait3A_3839, %dma_wait3A_3840] : memref<16x32xi32, #tpu.memory_space<vmem>> -> memref<1x32xi32, #tpu.memory_space<vmem>>
    %dma_wait3A_3842 = tpu.memref_squeeze %dma_wait3A_3841 : memref<1x32xi32, #tpu.memory_space<vmem>> -> memref<32xi32, #tpu.memory_space<vmem>>
    %dma_wait3A_3843 = arith.constant 0 : i32
    %dma_wait3A_3844 = arith.constant 0 : i32
    %dma_wait3A_3845 = tpu.memref_slice %arg3[%dma_wait3A_3843, %dma_wait3A_3844] : memref<4098x1024xf32, #tpu.memory_space<hbm>> -> memref<4098x1024xf32, #tpu.memory_space<hbm>>
    tpu.wait_indirect_dma semaphore(%arg12 : memref<!tpu.dma_semaphore, #tpu.memory_space<semaphore_mem>>) src(%dma_wait3A_3845 : memref<4098x1024xf32, #tpu.memory_space<hbm>>) dst(%arg9 : memref<32x1024xf32, #tpu.memory_space<vmem>>)
    %add3A_3846 = arith.constant 448 : i32
    %add3A_3847 = arith.addi %mul3A_32, %add3A_3846 : i32
    %dma_start3A_3848 = arith.constant 0 : i32
    %dma_start3A_3849 = tpu.memref_slice %arg4[%add3A_3847, %dma_start3A_3848] : memref<16384x1024xf32, #tpu.memory_space<hbm>> -> memref<32x1024xf32, #tpu.memory_space<hbm>>
    %dma_start3A_3850 = arith.constant 0 : i32
    %dma_start3A_3851 = tpu.memref_slice %arg4[%add3A_3847, %dma_start3A_3850] : memref<16384x1024xf32, #tpu.memory_space<hbm>> -> memref<32x1024xf32, #tpu.memory_space<hbm>>
    tpu.enqueue_dma source(%arg9 : memref<32x1024xf32, #tpu.memory_space<vmem>>) target(%dma_start3A_3851 : memref<32x1024xf32, #tpu.memory_space<hbm>>) target_semaphore(%arg15 : memref<!tpu.dma_semaphore, #tpu.memory_space<semaphore_mem>>)
    %dma_wait3A_3852 = arith.constant 15 : i32
    %dma_wait3A_3853 = arith.constant 0 : i32
    %dma_wait3A_3854 = tpu.memref_slice %arg6[%dma_wait3A_3852, %dma_wait3A_3853] : memref<16x32xi32, #tpu.memory_space<vmem>> -> memref<1x32xi32, #tpu.memory_space<vmem>>
    %dma_wait3A_3855 = tpu.memref_squeeze %dma_wait3A_3854 : memref<1x32xi32, #tpu.memory_space<vmem>> -> memref<32xi32, #tpu.memory_space<vmem>>
    %dma_wait3A_3856 = arith.constant 0 : i32
    %dma_wait3A_3857 = arith.constant 0 : i32
    %dma_wait3A_3858 = tpu.memref_slice %arg3[%dma_wait3A_3856, %dma_wait3A_3857] : memref<4098x1024xf32, #tpu.memory_space<hbm>> -> memref<4098x1024xf32, #tpu.memory_space<hbm>>
    tpu.wait_indirect_dma semaphore(%arg10 : memref<!tpu.dma_semaphore, #tpu.memory_space<semaphore_mem>>) src(%dma_wait3A_3858 : memref<4098x1024xf32, #tpu.memory_space<hbm>>) dst(%arg7 : memref<32x1024xf32, #tpu.memory_space<vmem>>)
    %add3A_3859 = arith.constant 480 : i32
    %add3A_3860 = arith.addi %mul3A_32, %add3A_3859 : i32
    %dma_start3A_3861 = arith.constant 0 : i32
    %dma_start3A_3862 = tpu.memref_slice %arg4[%add3A_3860, %dma_start3A_3861] : memref<16384x1024xf32, #tpu.memory_space<hbm>> -> memref<32x1024xf32, #tpu.memory_space<hbm>>
    %dma_start3A_3863 = arith.constant 0 : i32
    %dma_start3A_3864 = tpu.memref_slice %arg4[%add3A_3860, %dma_start3A_3863] : memref<16384x1024xf32, #tpu.memory_space<hbm>> -> memref<32x1024xf32, #tpu.memory_space<hbm>>
    tpu.enqueue_dma source(%arg7 : memref<32x1024xf32, #tpu.memory_space<vmem>>) target(%dma_start3A_3864 : memref<32x1024xf32, #tpu.memory_space<hbm>>) target_semaphore(%arg13 : memref<!tpu.dma_semaphore, #tpu.memory_space<semaphore_mem>>)
    %dma_wait3A_3865 = arith.constant 0 : i32
    %dma_wait3A_3866 = tpu.memref_slice %arg4[%add3A_3823, %dma_wait3A_3865] : memref<16384x1024xf32, #tpu.memory_space<hbm>> -> memref<32x1024xf32, #tpu.memory_space<hbm>>
    %dma_wait3A_3867 = arith.constant 0 : i32
    %dma_wait3A_3868 = tpu.memref_slice %arg4[%add3A_3823, %dma_wait3A_3867] : memref<16384x1024xf32, #tpu.memory_space<hbm>> -> memref<32x1024xf32, #tpu.memory_space<hbm>>
    tpu.wait_dma2 semaphore(%arg14 : memref<!tpu.dma_semaphore, #tpu.memory_space<semaphore_mem>>) src(%arg8 : memref<32x1024xf32, #tpu.memory_space<vmem>>) dst(%dma_wait3A_3868 : memref<32x1024xf32, #tpu.memory_space<hbm>>)
    %dma_wait3A_3869 = arith.constant 0 : i32
    %dma_wait3A_3870 = tpu.memref_slice %arg4[%add3A_3847, %dma_wait3A_3869] : memref<16384x1024xf32, #tpu.memory_space<hbm>> -> memref<32x1024xf32, #tpu.memory_space<hbm>>
    %dma_wait3A_3871 = arith.constant 0 : i32
    %dma_wait3A_3872 = tpu.memref_slice %arg4[%add3A_3847, %dma_wait3A_3871] : memref<16384x1024xf32, #tpu.memory_space<hbm>> -> memref<32x1024xf32, #tpu.memory_space<hbm>>
    tpu.wait_dma2 semaphore(%arg15 : memref<!tpu.dma_semaphore, #tpu.memory_space<semaphore_mem>>) src(%arg9 : memref<32x1024xf32, #tpu.memory_space<vmem>>) dst(%dma_wait3A_3872 : memref<32x1024xf32, #tpu.memory_space<hbm>>)
    %dma_wait3A_3873 = arith.constant 0 : i32
    %dma_wait3A_3874 = tpu.memref_slice %arg4[%add3A_3860, %dma_wait3A_3873] : memref<16384x1024xf32, #tpu.memory_space<hbm>> -> memref<32x1024xf32, #tpu.memory_space<hbm>>
    %dma_wait3A_3875 = arith.constant 0 : i32
    %dma_wait3A_3876 = tpu.memref_slice %arg4[%add3A_3860, %dma_wait3A_3875] : memref<16384x1024xf32, #tpu.memory_space<hbm>> -> memref<32x1024xf32, #tpu.memory_space<hbm>>
    tpu.wait_dma2 semaphore(%arg13 : memref<!tpu.dma_semaphore, #tpu.memory_space<semaphore_mem>>) src(%arg7 : memref<32x1024xf32, #tpu.memory_space<vmem>>) dst(%dma_wait3A_3876 : memref<32x1024xf32, #tpu.memory_space<hbm>>)
    return
  }
}

</mosaic_0001>

<sc_bundles>
// kernel: kernel.3.cloned.1.call-start
scs
__scs_entry_jumppad:
0x0: {  	(pc) =	sbr.rel $0x88, $3  }
0x1: {  	(tag) =	ssettag $0x0;
	lr =	simm.s32 $0x1  }
0x2: {  	[smem:$0x3F9F] =	sst lr;
	_ =	strace $0xD0000000  }
0x3: {  	_ = 	snop  }
0x4: {  	_ = 	snop  }
0x5: {  	_ = 	snop  }
0x6: {  	_ = 	snop  }
0x7: {  	_ = 	snop  }
__scs_overlays_trampoline_lowered:
0x8: {  	[smem:$0x3FAE] =	sst s0  }
0x9: {  	[smem:$0x3FAF] =	sst s1  }
0xa: {  	[smem:$0x3FB0] =	sst s2  }
0xb: {  	[smem:$0x3FB1] =	sst s3  }
0xc: {  	[smem:$0x3FB2] =	sst s4  }
0xd: {  	[smem:$0x3FB3] =	sst s5  }
0xe: {  	[smem:$0x3FB4] =	sst s6  }
0xf: {  	[smem:$0x3FB5] =	sst s7  }
0x10: {  	[smem:$0x3FB6] =	sst s8  }
0x11: {  	[smem:$0x3FB7] =	sst s9;
	s0 =	simm.s32 @!p0 $0x0  }
0x12: {  	s1 =	sld [smem:$0x3F9D];
	s0 =	simm.s32 @p0 $0x1  }
0x13: {  	[smem:$0x3FB8] =	sst s0;
	s0 =	simm.s32 @!p1 $0x0  }
0x14: {  	s2 =	sld [smem:$0x3F9C];
	s0 =	simm.s32 @p1 $0x1  }
0x15: {  	[smem:$0x3FB9] =	sst s0;
	s0 =	simm.s32 @!p2 $0x0  }
0x16: {  	s3 =	sld [smem:$0x3FDB];
	s0 =	simm.s32 @p2 $0x1  }
0x17: {  	s4 =	simm.s32 $0x1BF5;
	[smem:$0x3FBB] =	sst s0  }
0x18: {  	s0 =	sld [smem:$0x3F9E];
	_ =	swait.ge [sflag:s4], $0x0  }
0x19: {  	s7 =	sld [smem:$0x3F9F]  }
0x1a: {  	s8 =	sadd.s32 $0xFFFFE003, lr  }
0x1b: {  	s9 =	sadd.s32 $0xFFFFFEF7, lr;
	s5 =	simm.s32 $0xFFFFFFFF;
	p2 =	slt.u32 s8, $0xFFFFF086  }
0x1c: {  	p1 =	slt.u32 s9, $0xF7A;
	s5 =	simm.s32 @!p2 $0x0  }
0x1d: {  	s5 =	simm.s32 @p1 $0x1;
	p0 =	seq.s32 s7, s2  }
0x1e: {  	s7 =	smul.u32 @!p0 $0xF7A, s2;
	p2 =	seq.s32 @!p0 s5, $0x0  }
0x1f: {  	s9 =	smul.u32 $0xF7A, s1;
	s8 =	simm.s32 @!p0 $0x1BF5;
	p2 =	por !p2, p0  }
0x20: {  	[sflag:s8] =	ssyncset.s32 @!p0 $0xFFFFF086;
	s6 =	sadd.s32 @!p0 s3, s7;
	s7 =	simm.s32 @!p0 $0x108  }
0x21: {  	s3 =	sadd.s32 s3, s9;
	s6 =	sadd.s32 @!p0 $0x88, s6;
	s7 =	simm.s32 @p2 $0x1082  }
0x22: {  	[simem:s7], [sflag:s8] =	dma.local @!p0 [hbm:s6], $0xF7A  }
0x23: {  	s9 =	sor.u32 $0xD0000000, s2;
	s6 =	simm.s32 $0x108;
	_ =	swait.ge @!p0 [sflag:s8], $0x0  }
0x24: {  	s3 =	sadd.s32 $0x88, s3;
	s6 =	simm.s32 @!p1 $0x1082;
	[sflag:s4] =	ssyncset.s32 $0xFFFFF086  }
0x25: {  	[simem:s6], [sflag:s4] =	dma.local [hbm:s3], $0xF7A  }
0x26: {  	[smem:$0x3F9F] =	sst s1;
	(tag) =	ssettag s2;
	_ =	strace s9  }
0x27: {  	s1 =	sld [smem:$0x3FAF]  }
0x28: {  	s2 =	sld [smem:$0x3FB0]  }
0x29: {  	s4 =	sld [smem:$0x3FB2]  }
0x2a: {  	p0 =	seq.s32 s5, $0x0;
	s5 =	sld [smem:$0x3FB3]  }
0x2b: {  	s6 =	sld [smem:$0x3FB4]  }
0x2c: {  	s7 =	sld [smem:$0x3FB5]  }
0x2d: {  	s3 =	simm.s32 $0x108;
	s8 =	sld [smem:$0x3FB6]  }
0x2e: {  	s3 =	simm.s32 @!p0 $0x1082;
	s9 =	sld [smem:$0x3FB7]  }
0x2f: {  	lr =	sadd.s32 s0, s3;
	s0 =	sld [smem:$0x3FAE]  }
0x30: {  	s3 =	sld [smem:$0x3FB1]  }
0x31: {  	[smem:$0x3FBA] =	sst s10  }
0x32: {  	s10 =	sld [smem:$0x3FB8];
	_ =	sdelay $0x3  }
0x33: {  	p0 =	seq.s32 s10, $0x1;
	s10 =	sld [smem:$0x3FBA];
	_ =	sdelay $0x3  }
0x34: {  	[smem:$0x3FBA] =	sst s10  }
0x35: {  	s10 =	sld [smem:$0x3FB9];
	_ =	sdelay $0x3  }
0x36: {  	p1 =	seq.s32 s10, $0x1;
	s10 =	sld [smem:$0x3FBA];
	_ =	sdelay $0x3  }
0x37: {  	[smem:$0x3FBA] =	sst s10  }
0x38: {  	s10 =	sld [smem:$0x3FBB]  }
0x39: {  	_ = 	snop;
	(pc) =	sbr.ind lr, $3  }
0x3a: {  	_ = 	snop  }
0x3b: {  	_ = 	snop  }
0x3c: {  	p2 =	seq.s32 s10, $0x1;
	s10 =	sld [smem:$0x3FBA]  }
0x3d: {  	_ =	shalt  }
0x3e: {  	_ =	shalt  }
0x3f: {  	_ =	shalt  }
0x40: {  	_ =	shalt  }
0x41: {  	_ =	shalt  }
0x42: {  	_ =	shalt  }
0x43: {  	_ =	shalt  }
0x44: {  	_ =	shalt  }
0x45: {  	_ =	shalt  }
0x46: {  	_ =	shalt  }
0x47: {  	_ =	shalt  }
0x48: {  	_ =	shalt  }
0x49: {  	_ =	shalt  }
0x4a: {  	_ =	shalt  }
0x4b: {  	_ =	shalt  }
0x4c: {  	_ =	shalt  }
0x4d: {  	_ =	shalt  }
0x4e: {  	_ =	shalt  }
0x4f: {  	_ =	shalt  }
0x50: {  	_ =	shalt  }
0x51: {  	_ =	shalt  }
0x52: {  	_ =	shalt  }
0x53: {  	_ =	shalt  }
0x54: {  	_ =	shalt  }
0x55: {  	_ =	shalt  }
0x56: {  	_ =	shalt  }
0x57: {  	_ =	shalt  }
0x58: {  	_ =	shalt  }
0x59: {  	_ =	shalt  }
0x5a: {  	_ =	shalt  }
0x5b: {  	_ =	shalt  }
0x5c: {  	_ =	shalt  }
0x5d: {  	_ =	shalt  }
0x5e: {  	_ =	shalt  }
0x5f: {  	_ =	shalt  }
0x60: {  	_ =	shalt  }
0x61: {  	_ =	shalt  }
0x62: {  	_ =	shalt  }
0x63: {  	_ =	shalt  }
0x64: {  	_ =	shalt  }
0x65: {  	_ =	shalt  }
0x66: {  	_ =	shalt  }
0x67: {  	_ =	shalt  }
0x68: {  	_ =	shalt  }
0x69: {  	_ =	shalt  }
0x6a: {  	_ =	shalt  }
0x6b: {  	_ =	shalt  }
0x6c: {  	_ =	shalt  }
0x6d: {  	_ =	shalt  }
0x6e: {  	_ =	shalt  }
0x6f: {  	_ =	shalt  }
0x70: {  	_ =	shalt  }
0x71: {  	_ =	shalt  }
0x72: {  	_ =	shalt  }
0x73: {  	_ =	shalt  }
0x74: {  	_ =	shalt  }
0x75: {  	_ =	shalt  }
0x76: {  	_ =	shalt  }
0x77: {  	_ =	shalt  }
0x78: {  	_ =	shalt  }
0x79: {  	_ =	shalt  }
0x7a: {  	_ =	shalt  }
0x7b: {  	_ =	shalt  }
0x7c: {  	_ =	shalt  }
0x7d: {  	_ =	shalt  }
0x7e: {  	_ =	shalt  }
0x7f: {  	_ =	shalt  }
0x80: {  	_ =	shalt  }
0x81: {  	_ =	shalt  }
0x82: {  	_ =	shalt  }
0x83: {  	_ =	shalt  }
0x84: {  	_ =	shalt  }
0x85: {  	_ =	shalt  }
0x86: {  	_ =	shalt  }
0x87: {  	_ =	shalt  }
.Lfunc_end0:
.L_simem_size_0:
called_computation_lowered:
.L_overlay_start_0:
0x88: {  	s2 =	sld [smem:$0x3FD9]  }
0x89: {  	s3 =	sld [smem:$0x3FFE];
	_ =	sdelay $0x1  }
0x8a: {  	s1 =	srdreg.scid  }
0x8b: {  	s0 =	sand.u32 $0x1, s1  }
0x8c: {  	s18 =	sshll.u32 s0, $0xA;
	s2 =	sadd.s32 s3, s2  }
0x8d: {  	s2 =	sadd.s32 s2, s18  }
0x8e: {  	[smem:$0x3FC6] =	sst s2  }
0x8f: {  	_ = 	snop  }
0x90: {  	s2 =	sld [smem:$0x3FC9]  }
0x91: {  	s19 =	sld [smem:$0x3FC8]  }
0x92: {  	s4 =	sld [smem:$0x3FD0];
	(tm) =	ssettm $0x1  }
0x93: {  	s5 =	sld [smem:$0x3FFB];
	_ =	sdelay $0x3  }
0x94: {  	_ =	strace s5  }
0x95: {  	s5 =	sld [smem:$0x3FFC];
	_ =	sdelay $0x3  }
0x96: {  	_ =	strace s5  }
0x97: {  	s5 =	sld [smem:$0x3FFD];
	_ =	sdelay $0x3  }
0x98: {  	_ =	strace s5  }
0x99: {  	_ =	strace $0x8FFFFFFF  }
0x9a: {  	s20 =	sld [smem:$0x3FDB];
	_ =	sdelay $0x1  }
0x9b: {  	s6 =	simm.s32 $_scs_section_size  }
0x9c: {  	s7 =	simm.s32 $_size__tile_overlayer_lowered;
	s8 =	simm.s32 $_tile_overlayer_lowered  }
0x9d: {  	s23 =	simm.s32 $0x1BFF;
	s22 =	sshll.u32 s8, $0x1;
	s5 =	sadd.s32 s6, s20  }
0x9e: {  	s9 =	simm.s32 $0x0;
	s21 =	sshll.u32 s7, $0x1;
	s7 =	sadd.s32 s22, s5  }
0x9f: {  	[timem:s9], [sflag:s23] =	dma.local [hbm:s7], s21  }
0xa0: {  	_ =	swait.ge [sflag:s23], s21  }
0xa1: {  	s6 =	ssub.s32 $0x0, s21;
	[sflag:s23] =	ssyncset.done $0x0  }
0xa2: {  	[sflag:s23] =	ssyncadd.s32 s6;
	_ =	sdelay $0x1  }
0xa3: {  	s24 =	simm.s32 $0x1B8B  }
0xa4: {  	_ =	swait.ge [sflag:s24], $0x1  }
0xa5: {  	[sflag:s24] =	ssyncset.done $0x0  }
0xa6: {  	s25 =	simm.s32 $0x1B8E;
	[sflag:s24] =	ssyncadd.s32 $0xFFFFFFFF  }
0xa7: {  	s26 =	simm.s32 $execute0_lowered;
	[smem:$0x3FD2] =	sst s25  }
0xa8: {  	s6 =	sshll.u32 s26, $0x1;
	_ =	strace $0x80000046;
	[dreg:$0x1] =	wrdreg $0xFFFFFFFF  }
0xa9: {  	s28 =	simm.s32 $_size_execute0_lowered;
	s5 =	sadd.s32 s5, s6;
	[dreg:$0x0] =	wrdreg $0x0  }
0xaa: {  	s6 =	sshll.u32 s28, $0x1;
	[dreg:$0x2] =	wrdreg s5  }
0xab: {  	[dreg:$0x3] =	wrdreg s6  }
0xac: {  	[dreg:$0x4] =	wrdreg $0xC0  }
0xad: {  	_ =	task [dreg:s9], $0x5FFFF  }
0xae: {  	[dreg:$0x1] =	wrdreg $0xFFFFFFFF  }
0xaf: {  	[dreg:$0x0] =	wrdreg $0x60  }
0xb0: {  	[dreg:$0x2] =	wrdreg s2  }
0xb1: {  	[dreg:$0x3] =	wrdreg s19  }
0xb2: {  	[dreg:$0x4] =	wrdreg s4  }
0xb3: {  	[dreg:$0x5] =	wrdreg $0x9  }
0xb4: {  	_ =	task.clear_ibuf [dreg:s9], $0x6FFFF;
	_ =	strace $0x90000046  }
0xb5: {  	s29 =	simm.s32 $0x9;
	_ =	strace $0x80000048  }
0xb6: {  	_ =	swait.ge [sflag:s29], $0x1  }
0xb7: {  	[sflag:s29] =	ssyncadd.s32 $0xFFFFFFFF  }
0xb8: {  	_ =	strace $0x90000048  }
0xb9: {  	_ =	sfence  }
0xba: {  	s30 =	sld [smem:$0x0];
	_ =	sdelay $0x2  }
0xbb: {  	s31 =	sshll.u32 s1, $0xD;
	s1 =	sshrl.u32 s1, $0x2  }
0xbc: {  	s3 =	sand.u32 $0x4000, s31;
	s1 =	sadd.s32 s1, s30  }
0xbd: {  	s0 =	sor.u32 s3, s0;
	s1 =	sshll.u32 s1, $0x11  }
0xbe: {  	s0 =	sor.u32 s1, s0  }
0xbf: {  	s0 =	sadd.s32 $0x8F2B, s0  }
0xc0: {  	[sflag:s0] =	ssyncadd.remote.s32 $0x1  }
0xc1: {  	_ =	sfence.sel $0xFFFF  }
0xc2: {  	[dreg:$0x0] =	wrdreg $0xFFFFFFFF;
	(pc) =	sbr.abs _section_cstart, $3  }
0xc3: {  	[dreg:$0x1] =	wrdreg $0xFFFFFFFF  }
0xc4: {  	_ =	task.clear_ibuf [dreg:s9], $0x2FFFF;
	_ =	strace $0x9FFFFFFF  }
0xc5: {  	(tm) =	ssettm $0x7FFFFFFF  }
tec
execute0_lowered:
.L_overlay_start_1:
0x0: {  	(tag) =	ssettag $0x1  }
0x1: {  	s0 =	srdreg.scid  }
0x2: {  	s0 =	sand.u32 $0x1, s0  }
0x3: {  	s2 =	stileid.u32;
	s1 =	sshll.u32 s0, $0x4  }
0x4: {  	s5 =	sand.u32 $0x7, s2;
	s1 =	sor.u32 s2, s1  }
0x5: {  	p1 =	sne.s32 s5, $0x0;
	p0 =	seq.s32 s1, $0x0  }
0x6: {  	v0 =	vimm.s32 $0xEFCDAB89;
	v1 =	vimm.s32 $0x67452301;
	v2 =	vimm.s32 $0xDCFE98BA;
	p0 =	por !p1, !p0  }
0x7: {  	s6 =	rddreg [dreg:$0x0];
	s3 =	simm.s32 $0x1;
	v3 =	vimm.s32 $0x54761032;
	v4 =	vimm.s32 $0xBA98FEDC;
	v0 =	vunpack.c.l.s4.s8 v0;
	p0 =	por !p0, !p0  }
0x8: {  	s10 =	rddreg [dreg:$0x2];
	v1 =	vunpack.c.l.s4.s8 v1;
	v2 =	vunpack.c.l.s4.s8 v2;
	v3 =	vunpack.c.l.s4.s8 v3;
	s4 =	sshrl.u32 s1, $0x3;
	s3 =	simm.s32 @!p0 $0x0  }
0x9: {  	v5 =	vimm.s32 $0xEDCBA987;
	v6 =	vimm.s32 $0x76543210;
	s2 =	rddreg [dreg:$0x1];
	v0 =	vunpack.c.0.s8.s32 v0;
	s1 =	sshll.u32 s1, $0x10;
	s3 =	ssub.s32 s4, s3  }
0xa: {  	v1 =	vunpack.c.0.s8.s32 v1;
	v2 =	vunpack.c.0.s8.s32 v2;
	v3 =	vunpack.c.0.s8.s32 v3;
	s4 =	sshll.u32 s3, $0xC;
	s7 =	sshll.u32 s3, $0x7;
	s3 =	simm.s32 $0x0  }
0xb: {  	v7 =	vimm.s32 $0x65432100;
	vm0 =	vcmask $0x300;
	s14 =	sshll.u32 s5, $0x5;
	s1 =	sadd.s32 s10, s1;
	[smem:$0x7FF] =	sst s3  }
0xc: {  	v0 =	vcombine.low v1, v0;
	v1 =	vcombine.low v3, v2;
	v3 =	vimm.s32 $0x32107654;
	s15 =	sadd.s32 $0x1000, s1;
	_ =	strace $0x80000047;
	[dreg:$0x5] =	wrdreg s14  }
0xd: {  	v8 =	vimm.s32 $0xDCBA9876;
	v2 =	vunpack.c.l.s4.s8 v4;
	s16 =	sadd.s32 $0x2000, s1;
	v3 =	vunpack.c.l.s4.s8 v3;
	[dreg:$0x7] =	wrdreg s15  }
0xe: {  	v9 =	vimm.s32 $0xFFFFFFFF;
	v10 =	vimm.s32 $0x32100000;
	v6 =	vunpack.c.l.s4.s8 v6;
	s17 =	sadd.s32 $0x3000, s1;
	[dreg:$0x8] =	wrdreg s16  }
0xf: {  	v4 =	vimm.s32 $0xFEDCBA98;
	s18 =	sadd.s32 $0x4000, s1;
	v2 =	vunpack.c.0.s8.s32 v2;
	v3 =	vunpack.c.0.s8.s32 v3;
	[dreg:$0x9] =	wrdreg s17  }
0x10: {  	v11 =	vimm.s32 $0xBA987654;
	v5 =	vunpack.c.l.s4.s8 v5;
	s19 =	sadd.s32 $0x5000, s1;
	v4 =	vunpack.c.l.s4.s8 v4;
	[dreg:$0xa] =	wrdreg s18  }
0x11: {  	s31 =	simm.s32 $0x2;
	s20 =	sadd.s32 $0x6000, s1;
	v2 =	vcombine.low v3, v2;
	v3 =	vunpack.c.0.s8.s32 v6;
	v6 =	vunpack.c.l.s4.s8 v7;
	[dreg:$0xb] =	wrdreg s19  }
0x12: {  	v12 =	vimm.s32 $0x7060504;
	s0 =	ssub.s32 $0x2, s0;
	v5 =	vunpack.c.0.s8.s32 v5;
	s21 =	sadd.s32 $0x7000, s1;
	v4 =	vunpack.c.0.s8.s32 v4;
	[dreg:$0xc] =	wrdreg s20  }
0x13: {  	v8 =	vunpack.c.l.s4.s8 v8;
	s13 =	sshrl.u32 s0, $0x1;
	s22 =	sadd.s32 $0x8000, s1;
	v7 =	vimm.s32 $0x54321000;
	[dreg:$0xd] =	wrdreg s21;
	v6 =	vunpack.c.0.s8.s32 v6  }
0x14: {  	s0 =	ssub.s32 s0, s13;
	v5 =	vand.u32 $0xF, v5;
	s23 =	sadd.s32 $0x9000, s1;
	v4 =	vand.u32 $0xF, v4;
	[dreg:$0xe] =	wrdreg s22;
	v7 =	vunpack.c.l.s4.s8 v7  }
0x15: {  	v10 =	vunpack.c.l.s4.s8 v10;
	s9 =	sadd.s32 $0x200, s2;
	s24 =	sadd.s32 $0xA000, s1;
	[dreg:$0xf] =	wrdreg s23;
	v3 =	vcombine.low v4, v3;
	v4 =	vcombine.low v6, v5  }
0x16: {  	s11 =	sadd.s32 $0x300, s2;
	s25 =	sadd.s32 $0xB000, s1;
	[dreg:$0x10] =	wrdreg s24;
	v6 =	vunpack.c.0.s8.s32 v7;
	v7 =	vunpack.c.0.s8.s32 v8;
	v8 =	vimm.s32 $0xE40000  }
0x17: {  	v15 =	vlaneseq.u32;
	v11 =	vunpack.c.l.s4.s8 v11;
	s0 =	smax.u32 s0, $0x1;
	s26 =	sadd.s32 $0xC000, s1;
	[dreg:$0x11] =	wrdreg s25;
	v8 =	vunpack.c.l.s2.s4 v8  }
0x18: {  	v12 =	vunpack.c.0.s8.s32 v12;
	v14 =	vshrl.u32 v15, $0x3;
	v10 =	vunpack.c.0.s8.s32 v10;
	s10 =	simm.s32 $0x11800;
	s28 =	sadd.s32 $0xD000, s1;
	[dreg:$0x12] =	wrdreg s26  }
0x19: {  	v11 =	vunpack.c.0.s8.s32 v11;
	s29 =	sadd.s32 $0xE000, s1;
	s30 =	sadd.s32 $0xF000, s1;
	[dreg:$0x13] =	wrdreg s28;
	v7 =	vand.u32 $0xF, v7;
	v8 =	vunpack.c.l.s4.s8 v8  }
0x1a: {  	p0 =	seq.s32 s5, $0x0;
	s4 =	sand.u32 $0xFFFFC000, s4;
	[dreg:$0x14] =	wrdreg s0;
	v5 =	vsel vm0, $0x0, v9;
	vm0 =	vcmask $0x700;
	v6 =	vcombine.low v6, v7  }
.Ltmp0:
0x1b: {  	s7 =	sand.u32 $0x180, s7;
	[dreg:$0x15] =	wrdreg s29;
	v7 =	vsel vm0, $0x0, v9;
	vm0 =	vcmask $0xF00;
	v13 =	vunpack.c.0.s8.s32 v8;
	(pc) =	sbr.rel .LBB2_1-.Ltmp0, $4  }
0x1c: {  	v11 =	vand.u32 $0xF, v11;
	s4 =	sor.u32 s7, s4;
	s7 =	sshll.u32 s5, $0x9;
	[dreg:$0x6] =	wrdreg s1;
	v8 =	vsel vm0, $0x0, v9;
	vm0 =	vcmask $0x3F30  }
0x1d: {  	[dreg:$0x16] =	wrdreg s30;
	s1 =	simm.s32 $0x0;
	s8 =	sshrl.u32 s4, $0x3;
	v9 =	vcombine.low v10, v11;
	v11 =	vmul.u32 $0xFFFFFFFF, v14;
	v13 =	vand.u32 $0x3, v13  }
0x1e: {  	s25 =	simm.s32 $0x9800;
	s4 =	simm.s32 $0x4;
	s6 =	sadd.s32 s6, s8;
	v14 =	vmul.u32 $0x8, v14;
	v10 =	vsel vm0, v12, v13;
	v12 =	vimm.s32 $0xF  }
0x1f: {  	s8 =	sadd.s32 $0x100, s2;
	[dreg:$0x4] =	wrdreg s6;
	s6 =	simm.s32 $0x1800;
	v13 =	vand.u32 $0x7, v15;
	vm0 =	vmmov $0xffff;
	v15 =	vor.u32 $0x8, v15  }
.LBB2_4:
0x20: {  	v18 =	vsub.s32 $0x0, v17  }
0x21: {  	v17 =	vmin.u32 v17, v18  }
0x22: {  	vm1 =	vlt.s32 v17, $0x1  }
0x23: {  	v17 =	vnsel vm1, $0x1, v17  }
0x24: {  	v16 =	vadd.s32 v16, v17  }
.LBB2_5:
0x25: {  	v17 =	vld [tilespmem:s7+$0x0];
	_ =	sdelay $0x4  }
0x26: {  	v17 =	vadd.s32 $0xFFFFFFFF, v17  }
0x27: {  	v18 =	vsub.s32 $0x0, v17  }
0x28: {  	v17 =	vmin.u32 v17, v18  }
0x29: {  	vm1 =	vlt.s32 v17, $0x1  }
0x2a: {  	v17 =	vnsel vm1, $0x1, v17  }
0x2b: {  	v57 =	vperm.xlane v17, v4;
	_ =	sdelay $0x1  }
0x2c: {  	v18 =	vand.u32 v5, v57  }
0x2d: {  	v18 =	vadd.s32 v18, v17  }
0x2e: {  	v19 =	vperm.xlane v16, v0;
	v20 =	vperm.xlane v18, v6;
	_ =	sdelay $0x1  }
0x2f: {  	v16 =	vadd.s32 v16, v19;
	v58 =	vand.u32 v7, v20  }
0x30: {  	v59 =	vperm.xlane v16, v1;
	v18 =	vadd.s32 v58, v18  }
0x31: {  	v19 =	vperm.xlane v18, v9  }
0x32: {  	v16 =	vadd.s32 v59, v16  }
0x33: {  	v20 =	vperm.xlane v16, v2;
	v19 =	vand.u32 v8, v19  }
0x34: {  	v18 =	vadd.s32 v19, v18  }
0x35: {  	v16 =	vadd.s32 v20, v16;
	v19 =	vperm.xlane v18, v10  }
0x36: {  	v20 =	vperm.xlane v16, v3  }
0x37: {  	v19 =	vand.u32 v11, v19  }
0x38: {  	v20 =	vadd.s32 v20, v16;
	v18 =	vadd.s32 v19, v18  }
0x39: {  	v16 =	vadd.s32 v20, v18  }
0x3a: {  	v16 =	vmul.u32 v17, v16;
	_ =	sdelay $0x1  }
0x3b: {  	v16 =	vadd.s32 $0x1, v16  }
0x3c: {  	[tilespmem:$0x1000] =	vst v16  }
0x3d: {  	v17 =	vld [tilespmem:s7+$0x10];
	_ =	sdelay $0x4  }
0x3e: {  	v17 =	vadd.s32 $0xFFFFFFFF, v17  }
0x3f: {  	v60 =	vsub.s32 $0x0, v17  }
0x40: {  	v17 =	vmin.u32 v17, v60  }
0x41: {  	vm1 =	vlt.s32 v17, $0x1  }
0x42: {  	v17 =	vnsel vm1, $0x1, v17  }
0x43: {  	v61 =	vperm.xlane v17, v4;
	_ =	sdelay $0x1  }
0x44: {  	v19 =	vand.u32 v5, v61  }
0x45: {  	v19 =	vadd.s32 v19, v17  }
0x46: {  	v21 =	vperm.xlane v19, v6;
	_ =	sdelay $0x1  }
0x47: {  	v21 =	vand.u32 v7, v21  }
0x48: {  	v19 =	vadd.s32 v21, v19  }
0x49: {  	v21 =	vperm.xlane v19, v9;
	_ =	sdelay $0x1  }
0x4a: {  	v21 =	vand.u32 v8, v21  }
0x4b: {  	v19 =	vadd.s32 v21, v19  }
0x4c: {  	v21 =	vperm.xlane v19, v10  }
0x4d: {  	v18 =	vperm.xlane v18, v12  }
0x4e: {  	v21 =	vand.u32 v11, v21  }
0x4f: {  	v18 =	vadd.s32 v20, v18;
	v19 =	vadd.s32 v21, v19  }
0x50: {  	v20 =	vadd.s32 v18, v19  }
0x51: {  	v17 =	vmul.u32 v17, v20;
	_ =	sdelay $0x1  }
0x52: {  	v17 =	vadd.s32 $0x1, v17  }
0x53: {  	[tilespmem:$0x1010] =	vst v17  }
0x54: {  	v17 =	vld [tilespmem:s7+$0x20];
	_ =	sdelay $0x4  }
0x55: {  	v17 =	vadd.s32 $0xFFFFFFFF, v17  }
0x56: {  	v62 =	vsub.s32 $0x0, v17  }
0x57: {  	v17 =	vmin.u32 v17, v62  }
0x58: {  	vm1 =	vlt.s32 v17, $0x1  }
0x59: {  	v17 =	vnsel vm1, $0x1, v17  }
0x5a: {  	v63 =	vperm.xlane v17, v4;
	_ =	sdelay $0x1  }
0x5b: {  	v20 =	vand.u32 v5, v63  }
0x5c: {  	v20 =	vadd.s32 v20, v17  }
0x5d: {  	v24 =	vperm.xlane v20, v6;
	_ =	sdelay $0x1  }
0x5e: {  	v21 =	vand.u32 v7, v24  }
0x5f: {  	v20 =	vadd.s32 v21, v20  }
0x60: {  	v21 =	vperm.xlane v20, v9;
	_ =	sdelay $0x1  }
0x61: {  	v21 =	vand.u32 v8, v21  }
0x62: {  	v20 =	vadd.s32 v21, v20  }
0x63: {  	v21 =	vperm.xlane v20, v10  }
0x64: {  	v19 =	vperm.xlane v19, v12  }
0x65: {  	v21 =	vand.u32 v11, v21  }
0x66: {  	v18 =	vadd.s32 v18, v19;
	v25 =	vadd.s32 v21, v20  }
0x67: {  	v20 =	vadd.s32 v18, v25  }
0x68: {  	v17 =	vmul.u32 v17, v20;
	_ =	sdelay $0x1  }
0x69: {  	v17 =	vadd.s32 $0x1, v17  }
0x6a: {  	[tilespmem:$0x1080] =	vst v17  }
0x6b: {  	v17 =	vld [tilespmem:s7+$0x30];
	_ =	sdelay $0x4  }
0x6c: {  	v17 =	vadd.s32 $0xFFFFFFFF, v17  }
0x6d: {  	v26 =	vsub.s32 $0x0, v17  }
0x6e: {  	v17 =	vmin.u32 v17, v26  }
0x6f: {  	vm1 =	vlt.s32 v17, $0x1  }
0x70: {  	v17 =	vnsel vm1, $0x1, v17  }
0x71: {  	v27 =	vperm.xlane v17, v4;
	_ =	sdelay $0x1  }
0x72: {  	v20 =	vand.u32 v5, v27  }
0x73: {  	v20 =	vadd.s32 v20, v17  }
0x74: {  	v28 =	vperm.xlane v20, v6;
	_ =	sdelay $0x1  }
0x75: {  	v21 =	vand.u32 v7, v28  }
0x76: {  	v20 =	vadd.s32 v21, v20  }
0x77: {  	v21 =	vperm.xlane v20, v9;
	_ =	sdelay $0x1  }
0x78: {  	v21 =	vand.u32 v8, v21  }
0x79: {  	v20 =	vadd.s32 v21, v20  }
0x7a: {  	v21 =	vperm.xlane v20, v10  }
0x7b: {  	v19 =	vperm.xlane v25, v12  }
0x7c: {  	v21 =	vand.u32 v11, v21  }
0x7d: {  	v18 =	vadd.s32 v18, v19;
	v29 =	vadd.s32 v21, v20  }
0x7e: {  	v20 =	vadd.s32 v18, v29  }
0x7f: {  	v17 =	vmul.u32 v17, v20;
	_ =	sdelay $0x1  }
0x80: {  	v17 =	vadd.s32 $0x1, v17  }
0x81: {  	[tilespmem:$0x1090] =	vst v17  }
0x82: {  	v17 =	vld [tilespmem:s7+$0x40];
	_ =	sdelay $0x4  }
0x83: {  	v17 =	vadd.s32 $0xFFFFFFFF, v17  }
0x84: {  	v30 =	vsub.s32 $0x0, v17  }
0x85: {  	v17 =	vmin.u32 v17, v30  }
0x86: {  	vm1 =	vlt.s32 v17, $0x1  }
0x87: {  	v17 =	vnsel vm1, $0x1, v17  }
0x88: {  	v31 =	vperm.xlane v17, v4;
	_ =	sdelay $0x1  }
0x89: {  	v20 =	vand.u32 v5, v31  }
0x8a: {  	v20 =	vadd.s32 v20, v17  }
0x8b: {  	v32 =	vperm.xlane v20, v6;
	_ =	sdelay $0x1  }
0x8c: {  	v21 =	vand.u32 v7, v32  }
0x8d: {  	v20 =	vadd.s32 v21, v20  }
0x8e: {  	v21 =	vperm.xlane v20, v9;
	_ =	sdelay $0x1  }
0x8f: {  	v21 =	vand.u32 v8, v21  }
0x90: {  	v20 =	vadd.s32 v21, v20  }
0x91: {  	v21 =	vperm.xlane v20, v10  }
0x92: {  	v19 =	vperm.xlane v29, v12  }
0x93: {  	v21 =	vand.u32 v11, v21  }
0x94: {  	v18 =	vadd.s32 v18, v19;
	v33 =	vadd.s32 v21, v20  }
0x95: {  	v20 =	vadd.s32 v18, v33  }
0x96: {  	v17 =	vmul.u32 v17, v20;
	_ =	sdelay $0x1  }
0x97: {  	v17 =	vadd.s32 $0x1, v17  }
0x98: {  	[tilespmem:$0x1100] =	vst v17  }
0x99: {  	v17 =	vld [tilespmem:s7+$0x50];
	_ =	sdelay $0x4  }
0x9a: {  	v17 =	vadd.s32 $0xFFFFFFFF, v17  }
0x9b: {  	v34 =	vsub.s32 $0x0, v17  }
0x9c: {  	v17 =	vmin.u32 v17, v34  }
0x9d: {  	vm1 =	vlt.s32 v17, $0x1  }
0x9e: {  	v17 =	vnsel vm1, $0x1, v17  }
0x9f: {  	v35 =	vperm.xlane v17, v4;
	_ =	sdelay $0x1  }
0xa0: {  	v20 =	vand.u32 v5, v35  }
0xa1: {  	v20 =	vadd.s32 v20, v17  }
0xa2: {  	v36 =	vperm.xlane v20, v6;
	_ =	sdelay $0x1  }
0xa3: {  	v21 =	vand.u32 v7, v36  }
0xa4: {  	v20 =	vadd.s32 v21, v20  }
0xa5: {  	v21 =	vperm.xlane v20, v9;
	_ =	sdelay $0x1  }
0xa6: {  	v21 =	vand.u32 v8, v21  }
0xa7: {  	v20 =	vadd.s32 v21, v20  }
0xa8: {  	v21 =	vperm.xlane v20, v10  }
0xa9: {  	v19 =	vperm.xlane v33, v12  }
0xaa: {  	v21 =	vand.u32 v11, v21  }
0xab: {  	v18 =	vadd.s32 v18, v19;
	v37 =	vadd.s32 v21, v20  }
0xac: {  	v20 =	vadd.s32 v18, v37  }
0xad: {  	v17 =	vmul.u32 v17, v20;
	_ =	sdelay $0x1  }
0xae: {  	v17 =	vadd.s32 $0x1, v17  }
0xaf: {  	[tilespmem:$0x1110] =	vst v17  }
0xb0: {  	v17 =	vld [tilespmem:s7+$0x60];
	_ =	sdelay $0x4  }
0xb1: {  	v17 =	vadd.s32 $0xFFFFFFFF, v17  }
0xb2: {  	v38 =	vsub.s32 $0x0, v17  }
0xb3: {  	v17 =	vmin.u32 v17, v38  }
0xb4: {  	vm1 =	vlt.s32 v17, $0x1  }
0xb5: {  	v17 =	vnsel vm1, $0x1, v17  }
0xb6: {  	v39 =	vperm.xlane v17, v4;
	_ =	sdelay $0x1  }
0xb7: {  	v20 =	vand.u32 v5, v39  }
0xb8: {  	v20 =	vadd.s32 v20, v17  }
0xb9: {  	v40 =	vperm.xlane v20, v6;
	_ =	sdelay $0x1  }
0xba: {  	v21 =	vand.u32 v7, v40  }
0xbb: {  	v20 =	vadd.s32 v21, v20  }
0xbc: {  	v21 =	vperm.xlane v20, v9;
	_ =	sdelay $0x1  }
0xbd: {  	v21 =	vand.u32 v8, v21  }
0xbe: {  	v20 =	vadd.s32 v21, v20  }
0xbf: {  	v21 =	vperm.xlane v20, v10  }
0xc0: {  	v19 =	vperm.xlane v37, v12  }
0xc1: {  	v21 =	vand.u32 v11, v21  }
0xc2: {  	v18 =	vadd.s32 v18, v19;
	v41 =	vadd.s32 v21, v20  }
0xc3: {  	v20 =	vadd.s32 v18, v41  }
0xc4: {  	v17 =	vmul.u32 v17, v20;
	_ =	sdelay $0x1  }
0xc5: {  	v17 =	vadd.s32 $0x1, v17  }
0xc6: {  	[tilespmem:$0x1180] =	vst v17  }
0xc7: {  	v17 =	vld [tilespmem:s7+$0x70];
	_ =	sdelay $0x4  }
0xc8: {  	v17 =	vadd.s32 $0xFFFFFFFF, v17  }
0xc9: {  	v42 =	vsub.s32 $0x0, v17  }
0xca: {  	v17 =	vmin.u32 v17, v42  }
0xcb: {  	vm1 =	vlt.s32 v17, $0x1  }
0xcc: {  	v17 =	vnsel vm1, $0x1, v17  }
0xcd: {  	v43 =	vperm.xlane v17, v4;
	_ =	sdelay $0x1  }
0xce: {  	v20 =	vand.u32 v5, v43  }
0xcf: {  	v20 =	vadd.s32 v20, v17  }
0xd0: {  	v44 =	vperm.xlane v20, v6;
	_ =	sdelay $0x1  }
0xd1: {  	v21 =	vand.u32 v7, v44  }
0xd2: {  	v20 =	vadd.s32 v21, v20  }
0xd3: {  	v21 =	vperm.xlane v20, v9;
	_ =	sdelay $0x1  }
0xd4: {  	v21 =	vand.u32 v8, v21  }
0xd5: {  	v20 =	vadd.s32 v21, v20  }
0xd6: {  	v21 =	vperm.xlane v20, v10  }
0xd7: {  	v19 =	vperm.xlane v41, v12  }
0xd8: {  	v21 =	vand.u32 v11, v21  }
0xd9: {  	v18 =	vadd.s32 v18, v19;
	v45 =	vadd.s32 v21, v20  }
0xda: {  	v20 =	vadd.s32 v18, v45  }
0xdb: {  	v17 =	vmul.u32 v17, v20;
	_ =	sdelay $0x1  }
0xdc: {  	v17 =	vadd.s32 $0x1, v17  }
0xdd: {  	[tilespmem:$0x1190] =	vst v17  }
0xde: {  	v17 =	vld [tilespmem:s7+$0x80];
	_ =	sdelay $0x4  }
0xdf: {  	v17 =	vadd.s32 $0xFFFFFFFF, v17  }
0xe0: {  	v46 =	vsub.s32 $0x0, v17  }
0xe1: {  	v17 =	vmin.u32 v17, v46  }
0xe2: {  	vm1 =	vlt.s32 v17, $0x1  }
0xe3: {  	v17 =	vnsel vm1, $0x1, v17  }
0xe4: {  	v47 =	vperm.xlane v17, v4;
	_ =	sdelay $0x1  }
0xe5: {  	v20 =	vand.u32 v5, v47  }
0xe6: {  	v20 =	vadd.s32 v20, v17  }
0xe7: {  	v48 =	vperm.xlane v20, v6;
	_ =	sdelay $0x1  }
0xe8: {  	v21 =	vand.u32 v7, v48  }
0xe9: {  	v20 =	vadd.s32 v21, v20  }
0xea: {  	v21 =	vperm.xlane v20, v9;
	_ =	sdelay $0x1  }
0xeb: {  	v21 =	vand.u32 v8, v21  }
0xec: {  	v20 =	vadd.s32 v21, v20  }
0xed: {  	v21 =	vperm.xlane v20, v10  }
0xee: {  	v19 =	vperm.xlane v45, v12  }
0xef: {  	v21 =	vand.u32 v11, v21  }
0xf0: {  	v18 =	vadd.s32 v18, v19;
	v49 =	vadd.s32 v21, v20  }
0xf1: {  	v20 =	vadd.s32 v18, v49  }
0xf2: {  	v17 =	vmul.u32 v17, v20;
	_ =	sdelay $0x1  }
0xf3: {  	v17 =	vadd.s32 $0x1, v17  }
0xf4: {  	[tilespmem:$0x1200] =	vst v17  }
0xf5: {  	v17 =	vld [tilespmem:s7+$0x90];
	_ =	sdelay $0x4  }
0xf6: {  	v17 =	vadd.s32 $0xFFFFFFFF, v17  }
0xf7: {  	v50 =	vsub.s32 $0x0, v17  }
0xf8: {  	v17 =	vmin.u32 v17, v50  }
0xf9: {  	vm1 =	vlt.s32 v17, $0x1  }
0xfa: {  	v17 =	vnsel vm1, $0x1, v17  }
0xfb: {  	v51 =	vperm.xlane v17, v4;
	_ =	sdelay $0x1  }
0xfc: {  	v20 =	vand.u32 v5, v51  }
0xfd: {  	v20 =	vadd.s32 v20, v17  }
0xfe: {  	v52 =	vperm.xlane v20, v6;
	_ =	sdelay $0x1  }
0xff: {  	v21 =	vand.u32 v7, v52  }
0x100: {  	v20 =	vadd.s32 v21, v20  }
0x101: {  	v21 =	vperm.xlane v20, v9;
	_ =	sdelay $0x1  }
0x102: {  	v21 =	vand.u32 v8, v21  }
0x103: {  	v20 =	vadd.s32 v21, v20  }
0x104: {  	v21 =	vperm.xlane v20, v10  }
0x105: {  	v19 =	vperm.xlane v49, v12  }
0x106: {  	v21 =	vand.u32 v11, v21  }
0x107: {  	v18 =	vadd.s32 v18, v19;
	v53 =	vadd.s32 v21, v20  }
0x108: {  	v20 =	vadd.s32 v18, v53  }
0x109: {  	v17 =	vmul.u32 v17, v20;
	_ =	sdelay $0x1  }
0x10a: {  	v17 =	vadd.s32 $0x1, v17  }
0x10b: {  	[tilespmem:$0x1210] =	vst v17  }
0x10c: {  	v17 =	vld [tilespmem:s7+$0xA0];
	_ =	sdelay $0x4  }
0x10d: {  	v17 =	vadd.s32 $0xFFFFFFFF, v17  }
0x10e: {  	v54 =	vsub.s32 $0x0, v17  }
0x10f: {  	v17 =	vmin.u32 v17, v54  }
0x110: {  	vm1 =	vlt.s32 v17, $0x1  }
0x111: {  	v17 =	vnsel vm1, $0x1, v17  }
0x112: {  	v55 =	vperm.xlane v17, v4;
	_ =	sdelay $0x1  }
0x113: {  	v20 =	vand.u32 v5, v55  }
0x114: {  	v20 =	vadd.s32 v20, v17  }
0x115: {  	v56 =	vperm.xlane v20, v6;
	_ =	sdelay $0x1  }
0x116: {  	v21 =	vand.u32 v7, v56  }
0x117: {  	v20 =	vadd.s32 v21, v20  }
0x118: {  	v21 =	vperm.xlane v20, v9;
	_ =	sdelay $0x1  }
0x119: {  	v21 =	vand.u32 v8, v21  }
0x11a: {  	v20 =	vadd.s32 v21, v20  }
0x11b: {  	v21 =	vperm.xlane v20, v10  }
0x11c: {  	v19 =	vperm.xlane v53, v12  }
0x11d: {  	v21 =	vand.u32 v11, v21  }
0x11e: {  	v18 =	vadd.s32 v18, v19;
	v57 =	vadd.s32 v21, v20  }
0x11f: {  	v20 =	vadd.s32 v18, v57  }
0x120: {  	v17 =	vmul.u32 v17, v20;
	_ =	sdelay $0x1  }
0x121: {  	v17 =	vadd.s32 $0x1, v17  }
0x122: {  	[tilespmem:$0x1280] =	vst v17  }
0x123: {  	v17 =	vld [tilespmem:s7+$0xB0];
	_ =	sdelay $0x4  }
0x124: {  	v17 =	vadd.s32 $0xFFFFFFFF, v17  }
0x125: {  	v58 =	vsub.s32 $0x0, v17  }
0x126: {  	v17 =	vmin.u32 v17, v58  }
0x127: {  	vm1 =	vlt.s32 v17, $0x1  }
0x128: {  	v17 =	vnsel vm1, $0x1, v17  }
0x129: {  	v59 =	vperm.xlane v17, v4;
	_ =	sdelay $0x1  }
0x12a: {  	v20 =	vand.u32 v5, v59  }
0x12b: {  	v20 =	vadd.s32 v20, v17  }
0x12c: {  	v60 =	vperm.xlane v20, v6;
	_ =	sdelay $0x1  }
0x12d: {  	v21 =	vand.u32 v7, v60  }
0x12e: {  	v20 =	vadd.s32 v21, v20  }
0x12f: {  	v21 =	vperm.xlane v20, v9;
	_ =	sdelay $0x1  }
0x130: {  	v21 =	vand.u32 v8, v21  }
0x131: {  	v20 =	vadd.s32 v21, v20  }
0x132: {  	v21 =	vperm.xlane v20, v10  }
0x133: {  	v19 =	vperm.xlane v57, v12  }
0x134: {  	v21 =	vand.u32 v11, v21  }
0x135: {  	v18 =	vadd.s32 v18, v19;
	v61 =	vadd.s32 v21, v20  }
0x136: {  	v20 =	vadd.s32 v18, v61  }
0x137: {  	v17 =	vmul.u32 v17, v20;
	_ =	sdelay $0x1  }
0x138: {  	v17 =	vadd.s32 $0x1, v17  }
0x139: {  	[tilespmem:$0x1290] =	vst v17  }
0x13a: {  	v17 =	vld [tilespmem:s7+$0xC0];
	_ =	sdelay $0x4  }
0x13b: {  	v17 =	vadd.s32 $0xFFFFFFFF, v17  }
0x13c: {  	v62 =	vsub.s32 $0x0, v17  }
0x13d: {  	v17 =	vmin.u32 v17, v62  }
0x13e: {  	vm1 =	vlt.s32 v17, $0x1  }
0x13f: {  	v17 =	vnsel vm1, $0x1, v17  }
0x140: {  	v63 =	vperm.xlane v17, v4;
	_ =	sdelay $0x1  }
0x141: {  	v20 =	vand.u32 v5, v63  }
0x142: {  	v20 =	vadd.s32 v20, v17  }
0x143: {  	v24 =	vperm.xlane v20, v6;
	_ =	sdelay $0x1  }
0x144: {  	v21 =	vand.u32 v7, v24  }
0x145: {  	v20 =	vadd.s32 v21, v20  }
0x146: {  	v21 =	vperm.xlane v20, v9;
	_ =	sdelay $0x1  }
0x147: {  	v21 =	vand.u32 v8, v21  }
0x148: {  	v20 =	vadd.s32 v21, v20  }
0x149: {  	v21 =	vperm.xlane v20, v10  }
0x14a: {  	v19 =	vperm.xlane v61, v12  }
0x14b: {  	v21 =	vand.u32 v11, v21  }
0x14c: {  	v18 =	vadd.s32 v18, v19;
	v25 =	vadd.s32 v21, v20  }
0x14d: {  	v20 =	vadd.s32 v18, v25  }
0x14e: {  	v17 =	vmul.u32 v17, v20;
	_ =	sdelay $0x1  }
0x14f: {  	v17 =	vadd.s32 $0x1, v17  }
0x150: {  	[tilespmem:$0x1300] =	vst v17  }
0x151: {  	v17 =	vld [tilespmem:s7+$0xD0];
	_ =	sdelay $0x4  }
0x152: {  	v17 =	vadd.s32 $0xFFFFFFFF, v17  }
0x153: {  	v26 =	vsub.s32 $0x0, v17  }
0x154: {  	v17 =	vmin.u32 v17, v26  }
0x155: {  	vm1 =	vlt.s32 v17, $0x1  }
0x156: {  	v17 =	vnsel vm1, $0x1, v17  }
0x157: {  	v27 =	vperm.xlane v17, v4;
	_ =	sdelay $0x1  }
0x158: {  	v20 =	vand.u32 v5, v27  }
0x159: {  	v20 =	vadd.s32 v20, v17  }
0x15a: {  	v28 =	vperm.xlane v20, v6;
	_ =	sdelay $0x1  }
0x15b: {  	v21 =	vand.u32 v7, v28  }
0x15c: {  	v20 =	vadd.s32 v21, v20  }
0x15d: {  	v21 =	vperm.xlane v20, v9;
	_ =	sdelay $0x1  }
0x15e: {  	v21 =	vand.u32 v8, v21  }
0x15f: {  	v20 =	vadd.s32 v21, v20  }
0x160: {  	v21 =	vperm.xlane v20, v10  }
0x161: {  	v19 =	vperm.xlane v25, v12  }
0x162: {  	v21 =	vand.u32 v11, v21  }
0x163: {  	v18 =	vadd.s32 v18, v19;
	v29 =	vadd.s32 v21, v20  }
0x164: {  	v20 =	vadd.s32 v18, v29  }
0x165: {  	v17 =	vmul.u32 v17, v20;
	_ =	sdelay $0x1  }
0x166: {  	v17 =	vadd.s32 $0x1, v17  }
0x167: {  	[tilespmem:$0x1310] =	vst v17  }
0x168: {  	v17 =	vld [tilespmem:s7+$0xE0];
	_ =	sdelay $0x4  }
0x169: {  	v17 =	vadd.s32 $0xFFFFFFFF, v17  }
0x16a: {  	v30 =	vsub.s32 $0x0, v17  }
0x16b: {  	v17 =	vmin.u32 v17, v30  }
0x16c: {  	vm1 =	vlt.s32 v17, $0x1  }
0x16d: {  	v17 =	vnsel vm1, $0x1, v17  }
0x16e: {  	v31 =	vperm.xlane v17, v4;
	_ =	sdelay $0x1  }
0x16f: {  	v20 =	vand.u32 v5, v31  }
0x170: {  	v20 =	vadd.s32 v20, v17  }
0x171: {  	v32 =	vperm.xlane v20, v6;
	_ =	sdelay $0x1  }
0x172: {  	v21 =	vand.u32 v7, v32  }
0x173: {  	v20 =	vadd.s32 v21, v20  }
0x174: {  	v21 =	vperm.xlane v20, v9;
	_ =	sdelay $0x1  }
0x175: {  	v21 =	vand.u32 v8, v21  }
0x176: {  	v20 =	vadd.s32 v21, v20  }
0x177: {  	v21 =	vperm.xlane v20, v10  }
0x178: {  	v19 =	vperm.xlane v29, v12  }
0x179: {  	v21 =	vand.u32 v11, v21  }
0x17a: {  	v18 =	vadd.s32 v18, v19;
	v33 =	vadd.s32 v21, v20  }
0x17b: {  	v20 =	vadd.s32 v18, v33  }
0x17c: {  	v17 =	vmul.u32 v17, v20;
	_ =	sdelay $0x1  }
0x17d: {  	v17 =	vadd.s32 $0x1, v17  }
0x17e: {  	[tilespmem:$0x1380] =	vst v17  }
0x17f: {  	v17 =	vld [tilespmem:s7+$0xF0];
	_ =	sdelay $0x4  }
0x180: {  	v17 =	vadd.s32 $0xFFFFFFFF, v17  }
0x181: {  	v34 =	vsub.s32 $0x0, v17  }
0x182: {  	v17 =	vmin.u32 v17, v34  }
0x183: {  	vm1 =	vlt.s32 v17, $0x1  }
0x184: {  	v17 =	vnsel vm1, $0x1, v17  }
0x185: {  	v35 =	vperm.xlane v17, v4;
	_ =	sdelay $0x1  }
0x186: {  	v20 =	vand.u32 v5, v35  }
0x187: {  	v20 =	vadd.s32 v20, v17  }
0x188: {  	v36 =	vperm.xlane v20, v6;
	_ =	sdelay $0x1  }
0x189: {  	v21 =	vand.u32 v7, v36  }
0x18a: {  	v20 =	vadd.s32 v21, v20  }
0x18b: {  	v21 =	vperm.xlane v20, v9;
	_ =	sdelay $0x1  }
0x18c: {  	v21 =	vand.u32 v8, v21  }
0x18d: {  	v20 =	vadd.s32 v21, v20  }
0x18e: {  	v21 =	vperm.xlane v20, v10  }
0x18f: {  	v19 =	vperm.xlane v33, v12  }
0x190: {  	v21 =	vand.u32 v11, v21  }
0x191: {  	v18 =	vadd.s32 v18, v19;
	v37 =	vadd.s32 v21, v20  }
0x192: {  	v20 =	vadd.s32 v18, v37  }
0x193: {  	v17 =	vmul.u32 v17, v20;
	_ =	sdelay $0x1  }
0x194: {  	v17 =	vadd.s32 $0x1, v17  }
0x195: {  	[tilespmem:$0x1390] =	vst v17  }
0x196: {  	v17 =	vld [tilespmem:s7+$0x100];
	_ =	sdelay $0x4  }
0x197: {  	v17 =	vadd.s32 $0xFFFFFFFF, v17  }
0x198: {  	v38 =	vsub.s32 $0x0, v17  }
0x199: {  	v17 =	vmin.u32 v17, v38  }
0x19a: {  	vm1 =	vlt.s32 v17, $0x1  }
0x19b: {  	v17 =	vnsel vm1, $0x1, v17  }
0x19c: {  	v39 =	vperm.xlane v17, v4;
	_ =	sdelay $0x1  }
0x19d: {  	v20 =	vand.u32 v5, v39  }
0x19e: {  	v20 =	vadd.s32 v20, v17  }
0x19f: {  	v40 =	vperm.xlane v20, v6;
	_ =	sdelay $0x1  }
0x1a0: {  	v21 =	vand.u32 v7, v40  }
0x1a1: {  	v20 =	vadd.s32 v21, v20  }
0x1a2: {  	v21 =	vperm.xlane v20, v9;
	_ =	sdelay $0x1  }
0x1a3: {  	v21 =	vand.u32 v8, v21  }
0x1a4: {  	v20 =	vadd.s32 v21, v20  }
0x1a5: {  	v21 =	vperm.xlane v20, v10  }
0x1a6: {  	v19 =	vperm.xlane v37, v12  }
0x1a7: {  	v21 =	vand.u32 v11, v21  }
0x1a8: {  	v18 =	vadd.s32 v18, v19;
	v41 =	vadd.s32 v21, v20  }
0x1a9: {  	v20 =	vadd.s32 v18, v41  }
0x1aa: {  	v17 =	vmul.u32 v17, v20;
	_ =	sdelay $0x1  }
0x1ab: {  	v17 =	vadd.s32 $0x1, v17  }
0x1ac: {  	[tilespmem:$0x1400] =	vst v17  }
0x1ad: {  	v17 =	vld [tilespmem:s7+$0x110];
	_ =	sdelay $0x4  }
0x1ae: {  	v17 =	vadd.s32 $0xFFFFFFFF, v17  }
0x1af: {  	v42 =	vsub.s32 $0x0, v17  }
0x1b0: {  	v17 =	vmin.u32 v17, v42  }
0x1b1: {  	vm1 =	vlt.s32 v17, $0x1  }
0x1b2: {  	v17 =	vnsel vm1, $0x1, v17  }
0x1b3: {  	v43 =	vperm.xlane v17, v4;
	_ =	sdelay $0x1  }
0x1b4: {  	v20 =	vand.u32 v5, v43  }
0x1b5: {  	v20 =	vadd.s32 v20, v17  }
0x1b6: {  	v44 =	vperm.xlane v20, v6;
	_ =	sdelay $0x1  }
0x1b7: {  	v21 =	vand.u32 v7, v44  }
0x1b8: {  	v20 =	vadd.s32 v21, v20  }
0x1b9: {  	v21 =	vperm.xlane v20, v9;
	_ =	sdelay $0x1  }
0x1ba: {  	v21 =	vand.u32 v8, v21  }
0x1bb: {  	v20 =	vadd.s32 v21, v20  }
0x1bc: {  	v21 =	vperm.xlane v20, v10  }
0x1bd: {  	v19 =	vperm.xlane v41, v12  }
0x1be: {  	v21 =	vand.u32 v11, v21  }
0x1bf: {  	v18 =	vadd.s32 v18, v19;
	v45 =	vadd.s32 v21, v20  }
0x1c0: {  	v20 =	vadd.s32 v18, v45  }
0x1c1: {  	v17 =	vmul.u32 v17, v20;
	_ =	sdelay $0x1  }
0x1c2: {  	v17 =	vadd.s32 $0x1, v17  }
0x1c3: {  	[tilespmem:$0x1410] =	vst v17  }
0x1c4: {  	v17 =	vld [tilespmem:s7+$0x120];
	_ =	sdelay $0x4  }
0x1c5: {  	v17 =	vadd.s32 $0xFFFFFFFF, v17  }
0x1c6: {  	v46 =	vsub.s32 $0x0, v17  }
0x1c7: {  	v17 =	vmin.u32 v17, v46  }
0x1c8: {  	vm1 =	vlt.s32 v17, $0x1  }
0x1c9: {  	v17 =	vnsel vm1, $0x1, v17  }
0x1ca: {  	v47 =	vperm.xlane v17, v4;
	_ =	sdelay $0x1  }
0x1cb: {  	v20 =	vand.u32 v5, v47  }
0x1cc: {  	v20 =	vadd.s32 v20, v17  }
0x1cd: {  	v48 =	vperm.xlane v20, v6;
	_ =	sdelay $0x1  }
0x1ce: {  	v21 =	vand.u32 v7, v48  }
0x1cf: {  	v20 =	vadd.s32 v21, v20  }
0x1d0: {  	v21 =	vperm.xlane v20, v9;
	_ =	sdelay $0x1  }
0x1d1: {  	v21 =	vand.u32 v8, v21  }
0x1d2: {  	v20 =	vadd.s32 v21, v20  }
0x1d3: {  	v21 =	vperm.xlane v20, v10  }
0x1d4: {  	v19 =	vperm.xlane v45, v12  }
0x1d5: {  	v21 =	vand.u32 v11, v21  }
0x1d6: {  	v18 =	vadd.s32 v18, v19;
	v49 =	vadd.s32 v21, v20  }
0x1d7: {  	v20 =	vadd.s32 v18, v49  }
0x1d8: {  	v17 =	vmul.u32 v17, v20;
	_ =	sdelay $0x1  }
0x1d9: {  	v17 =	vadd.s32 $0x1, v17  }
0x1da: {  	[tilespmem:$0x1480] =	vst v17  }
0x1db: {  	v17 =	vld [tilespmem:s7+$0x130];
	_ =	sdelay $0x4  }
0x1dc: {  	v17 =	vadd.s32 $0xFFFFFFFF, v17  }
0x1dd: {  	v50 =	vsub.s32 $0x0, v17  }
0x1de: {  	v17 =	vmin.u32 v17, v50  }
0x1df: {  	vm1 =	vlt.s32 v17, $0x1  }
0x1e0: {  	v17 =	vnsel vm1, $0x1, v17  }
0x1e1: {  	v51 =	vperm.xlane v17, v4;
	_ =	sdelay $0x1  }
0x1e2: {  	v20 =	vand.u32 v5, v51  }
0x1e3: {  	v20 =	vadd.s32 v20, v17  }
0x1e4: {  	v52 =	vperm.xlane v20, v6;
	_ =	sdelay $0x1  }
0x1e5: {  	v21 =	vand.u32 v7, v52  }
0x1e6: {  	v20 =	vadd.s32 v21, v20  }
0x1e7: {  	v21 =	vperm.xlane v20, v9;
	_ =	sdelay $0x1  }
0x1e8: {  	v21 =	vand.u32 v8, v21  }
0x1e9: {  	v20 =	vadd.s32 v21, v20  }
0x1ea: {  	v21 =	vperm.xlane v20, v10  }
0x1eb: {  	v19 =	vperm.xlane v49, v12  }
0x1ec: {  	v21 =	vand.u32 v11, v21  }
0x1ed: {  	v18 =	vadd.s32 v18, v19;
	v53 =	vadd.s32 v21, v20  }
0x1ee: {  	v20 =	vadd.s32 v18, v53  }
0x1ef: {  	v17 =	vmul.u32 v17, v20;
	_ =	sdelay $0x1  }
0x1f0: {  	v17 =	vadd.s32 $0x1, v17  }
0x1f1: {  	[tilespmem:$0x1490] =	vst v17  }
0x1f2: {  	v17 =	vld [tilespmem:s7+$0x140];
	_ =	sdelay $0x4  }
0x1f3: {  	v17 =	vadd.s32 $0xFFFFFFFF, v17  }
0x1f4: {  	v54 =	vsub.s32 $0x0, v17  }
0x1f5: {  	v17 =	vmin.u32 v17, v54  }
0x1f6: {  	vm1 =	vlt.s32 v17, $0x1  }
0x1f7: {  	v17 =	vnsel vm1, $0x1, v17  }
0x1f8: {  	v55 =	vperm.xlane v17, v4;
	_ =	sdelay $0x1  }
0x1f9: {  	v20 =	vand.u32 v5, v55  }
0x1fa: {  	v20 =	vadd.s32 v20, v17  }
0x1fb: {  	v56 =	vperm.xlane v20, v6;
	_ =	sdelay $0x1  }
0x1fc: {  	v21 =	vand.u32 v7, v56  }
0x1fd: {  	v20 =	vadd.s32 v21, v20  }
0x1fe: {  	v21 =	vperm.xlane v20, v9;
	_ =	sdelay $0x1  }
0x1ff: {  	v21 =	vand.u32 v8, v21  }
0x200: {  	v20 =	vadd.s32 v21, v20  }
0x201: {  	v21 =	vperm.xlane v20, v10  }
0x202: {  	v19 =	vperm.xlane v53, v12  }
0x203: {  	v21 =	vand.u32 v11, v21  }
0x204: {  	v18 =	vadd.s32 v18, v19;
	v57 =	vadd.s32 v21, v20  }
0x205: {  	v20 =	vadd.s32 v18, v57  }
0x206: {  	v17 =	vmul.u32 v17, v20;
	_ =	sdelay $0x1  }
0x207: {  	v17 =	vadd.s32 $0x1, v17  }
0x208: {  	[tilespmem:$0x1500] =	vst v17  }
0x209: {  	v17 =	vld [tilespmem:s7+$0x150];
	_ =	sdelay $0x4  }
0x20a: {  	v17 =	vadd.s32 $0xFFFFFFFF, v17  }
0x20b: {  	v58 =	vsub.s32 $0x0, v17  }
0x20c: {  	v17 =	vmin.u32 v17, v58  }
0x20d: {  	vm1 =	vlt.s32 v17, $0x1  }
0x20e: {  	v17 =	vnsel vm1, $0x1, v17  }
0x20f: {  	v59 =	vperm.xlane v17, v4;
	_ =	sdelay $0x1  }
0x210: {  	v20 =	vand.u32 v5, v59  }
0x211: {  	v20 =	vadd.s32 v20, v17  }
0x212: {  	v60 =	vperm.xlane v20, v6;
	_ =	sdelay $0x1  }
0x213: {  	v21 =	vand.u32 v7, v60  }
0x214: {  	v20 =	vadd.s32 v21, v20  }
0x215: {  	v21 =	vperm.xlane v20, v9;
	_ =	sdelay $0x1  }
0x216: {  	v21 =	vand.u32 v8, v21  }
0x217: {  	v20 =	vadd.s32 v21, v20  }
0x218: {  	v21 =	vperm.xlane v20, v10  }
0x219: {  	v19 =	vperm.xlane v57, v12  }
0x21a: {  	v21 =	vand.u32 v11, v21  }
0x21b: {  	v18 =	vadd.s32 v18, v19;
	v61 =	vadd.s32 v21, v20  }
0x21c: {  	v20 =	vadd.s32 v18, v61  }
0x21d: {  	v17 =	vmul.u32 v17, v20;
	_ =	sdelay $0x1  }
0x21e: {  	v17 =	vadd.s32 $0x1, v17  }
0x21f: {  	[tilespmem:$0x1510] =	vst v17  }
0x220: {  	v17 =	vld [tilespmem:s7+$0x160];
	_ =	sdelay $0x4  }
0x221: {  	v17 =	vadd.s32 $0xFFFFFFFF, v17  }
0x222: {  	v62 =	vsub.s32 $0x0, v17  }
0x223: {  	v17 =	vmin.u32 v17, v62  }
0x224: {  	vm1 =	vlt.s32 v17, $0x1  }
0x225: {  	v17 =	vnsel vm1, $0x1, v17  }
0x226: {  	v63 =	vperm.xlane v17, v4;
	_ =	sdelay $0x1  }
0x227: {  	v20 =	vand.u32 v5, v63  }
0x228: {  	v20 =	vadd.s32 v20, v17  }
0x229: {  	v24 =	vperm.xlane v20, v6;
	_ =	sdelay $0x1  }
0x22a: {  	v21 =	vand.u32 v7, v24  }
0x22b: {  	v20 =	vadd.s32 v21, v20  }
0x22c: {  	v21 =	vperm.xlane v20, v9;
	_ =	sdelay $0x1  }
0x22d: {  	v21 =	vand.u32 v8, v21  }
0x22e: {  	v20 =	vadd.s32 v21, v20  }
0x22f: {  	v21 =	vperm.xlane v20, v10  }
0x230: {  	v19 =	vperm.xlane v61, v12  }
0x231: {  	v21 =	vand.u32 v11, v21  }
0x232: {  	v18 =	vadd.s32 v18, v19;
	v25 =	vadd.s32 v21, v20  }
0x233: {  	v20 =	vadd.s32 v18, v25  }
0x234: {  	v17 =	vmul.u32 v17, v20;
	_ =	sdelay $0x1  }
0x235: {  	v17 =	vadd.s32 $0x1, v17  }
0x236: {  	[tilespmem:$0x1580] =	vst v17  }
0x237: {  	v17 =	vld [tilespmem:s7+$0x170];
	_ =	sdelay $0x4  }
0x238: {  	v17 =	vadd.s32 $0xFFFFFFFF, v17  }
0x239: {  	v26 =	vsub.s32 $0x0, v17  }
0x23a: {  	v17 =	vmin.u32 v17, v26  }
0x23b: {  	vm1 =	vlt.s32 v17, $0x1  }
0x23c: {  	v17 =	vnsel vm1, $0x1, v17  }
0x23d: {  	v27 =	vperm.xlane v17, v4;
	_ =	sdelay $0x1  }
0x23e: {  	v20 =	vand.u32 v5, v27  }
0x23f: {  	v20 =	vadd.s32 v20, v17  }
0x240: {  	v28 =	vperm.xlane v20, v6;
	_ =	sdelay $0x1  }
0x241: {  	v21 =	vand.u32 v7, v28  }
0x242: {  	v20 =	vadd.s32 v21, v20  }
0x243: {  	v21 =	vperm.xlane v20, v9;
	_ =	sdelay $0x1  }
0x244: {  	v21 =	vand.u32 v8, v21  }
0x245: {  	v20 =	vadd.s32 v21, v20  }
0x246: {  	v21 =	vperm.xlane v20, v10  }
0x247: {  	v19 =	vperm.xlane v25, v12  }
0x248: {  	v21 =	vand.u32 v11, v21  }
0x249: {  	v18 =	vadd.s32 v18, v19;
	v29 =	vadd.s32 v21, v20  }
0x24a: {  	v20 =	vadd.s32 v18, v29  }
0x24b: {  	v17 =	vmul.u32 v17, v20;
	_ =	sdelay $0x1  }
0x24c: {  	v17 =	vadd.s32 $0x1, v17  }
0x24d: {  	[tilespmem:$0x1590] =	vst v17  }
0x24e: {  	v17 =	vld [tilespmem:s7+$0x180];
	_ =	sdelay $0x4  }
0x24f: {  	v17 =	vadd.s32 $0xFFFFFFFF, v17  }
0x250: {  	v30 =	vsub.s32 $0x0, v17  }
0x251: {  	v17 =	vmin.u32 v17, v30  }
0x252: {  	vm1 =	vlt.s32 v17, $0x1  }
0x253: {  	v17 =	vnsel vm1, $0x1, v17  }
0x254: {  	v31 =	vperm.xlane v17, v4;
	_ =	sdelay $0x1  }
0x255: {  	v20 =	vand.u32 v5, v31  }
0x256: {  	v20 =	vadd.s32 v20, v17  }
0x257: {  	v32 =	vperm.xlane v20, v6;
	_ =	sdelay $0x1  }
0x258: {  	v21 =	vand.u32 v7, v32  }
0x259: {  	v20 =	vadd.s32 v21, v20  }
0x25a: {  	v21 =	vperm.xlane v20, v9;
	_ =	sdelay $0x1  }
0x25b: {  	v21 =	vand.u32 v8, v21  }
0x25c: {  	v20 =	vadd.s32 v21, v20  }
0x25d: {  	v21 =	vperm.xlane v20, v10  }
0x25e: {  	v19 =	vperm.xlane v29, v12  }
0x25f: {  	v21 =	vand.u32 v11, v21  }
0x260: {  	v18 =	vadd.s32 v18, v19;
	v33 =	vadd.s32 v21, v20  }
0x261: {  	v20 =	vadd.s32 v18, v33  }
0x262: {  	v17 =	vmul.u32 v17, v20;
	_ =	sdelay $0x1  }
0x263: {  	v17 =	vadd.s32 $0x1, v17  }
0x264: {  	[tilespmem:$0x1600] =	vst v17  }
0x265: {  	v17 =	vld [tilespmem:s7+$0x190];
	_ =	sdelay $0x4  }
0x266: {  	v17 =	vadd.s32 $0xFFFFFFFF, v17  }
0x267: {  	v34 =	vsub.s32 $0x0, v17  }
0x268: {  	v17 =	vmin.u32 v17, v34  }
0x269: {  	vm1 =	vlt.s32 v17, $0x1  }
0x26a: {  	v17 =	vnsel vm1, $0x1, v17  }
0x26b: {  	v35 =	vperm.xlane v17, v4;
	_ =	sdelay $0x1  }
0x26c: {  	v20 =	vand.u32 v5, v35  }
0x26d: {  	v20 =	vadd.s32 v20, v17  }
0x26e: {  	v36 =	vperm.xlane v20, v6;
	_ =	sdelay $0x1  }
0x26f: {  	v21 =	vand.u32 v7, v36  }
0x270: {  	v20 =	vadd.s32 v21, v20  }
0x271: {  	v21 =	vperm.xlane v20, v9;
	_ =	sdelay $0x1  }
0x272: {  	v21 =	vand.u32 v8, v21  }
0x273: {  	v20 =	vadd.s32 v21, v20  }
0x274: {  	v21 =	vperm.xlane v20, v10  }
0x275: {  	v19 =	vperm.xlane v33, v12  }
0x276: {  	v21 =	vand.u32 v11, v21  }
0x277: {  	v18 =	vadd.s32 v18, v19;
	v37 =	vadd.s32 v21, v20  }
0x278: {  	v20 =	vadd.s32 v18, v37  }
0x279: {  	v17 =	vmul.u32 v17, v20;
	_ =	sdelay $0x1  }
0x27a: {  	v17 =	vadd.s32 $0x1, v17  }
0x27b: {  	[tilespmem:$0x1610] =	vst v17  }
0x27c: {  	v17 =	vld [tilespmem:s7+$0x1A0];
	_ =	sdelay $0x4  }
0x27d: {  	v17 =	vadd.s32 $0xFFFFFFFF, v17  }
0x27e: {  	v38 =	vsub.s32 $0x0, v17  }
0x27f: {  	v17 =	vmin.u32 v17, v38  }
0x280: {  	vm1 =	vlt.s32 v17, $0x1  }
0x281: {  	v17 =	vnsel vm1, $0x1, v17  }
0x282: {  	v39 =	vperm.xlane v17, v4;
	_ =	sdelay $0x1  }
0x283: {  	v20 =	vand.u32 v5, v39  }
0x284: {  	v20 =	vadd.s32 v20, v17  }
0x285: {  	v40 =	vperm.xlane v20, v6;
	_ =	sdelay $0x1  }
0x286: {  	v21 =	vand.u32 v7, v40  }
0x287: {  	v20 =	vadd.s32 v21, v20  }
0x288: {  	v21 =	vperm.xlane v20, v9;
	_ =	sdelay $0x1  }
0x289: {  	v21 =	vand.u32 v8, v21  }
0x28a: {  	v20 =	vadd.s32 v21, v20  }
0x28b: {  	v21 =	vperm.xlane v20, v10  }
0x28c: {  	v19 =	vperm.xlane v37, v12  }
0x28d: {  	v21 =	vand.u32 v11, v21  }
0x28e: {  	v18 =	vadd.s32 v18, v19;
	v41 =	vadd.s32 v21, v20  }
0x28f: {  	v20 =	vadd.s32 v18, v41  }
0x290: {  	v17 =	vmul.u32 v17, v20;
	_ =	sdelay $0x1  }
0x291: {  	v17 =	vadd.s32 $0x1, v17  }
0x292: {  	[tilespmem:$0x1680] =	vst v17  }
0x293: {  	v17 =	vld [tilespmem:s7+$0x1B0];
	_ =	sdelay $0x4  }
0x294: {  	v17 =	vadd.s32 $0xFFFFFFFF, v17  }
0x295: {  	v42 =	vsub.s32 $0x0, v17  }
0x296: {  	v17 =	vmin.u32 v17, v42  }
0x297: {  	vm1 =	vlt.s32 v17, $0x1  }
0x298: {  	v17 =	vnsel vm1, $0x1, v17  }
0x299: {  	v43 =	vperm.xlane v17, v4;
	_ =	sdelay $0x1  }
0x29a: {  	v20 =	vand.u32 v5, v43  }
0x29b: {  	v20 =	vadd.s32 v20, v17  }
0x29c: {  	v44 =	vperm.xlane v20, v6;
	_ =	sdelay $0x1  }
0x29d: {  	v21 =	vand.u32 v7, v44  }
0x29e: {  	v20 =	vadd.s32 v21, v20  }
0x29f: {  	v21 =	vperm.xlane v20, v9;
	_ =	sdelay $0x1  }
0x2a0: {  	v21 =	vand.u32 v8, v21  }
0x2a1: {  	v20 =	vadd.s32 v21, v20  }
0x2a2: {  	v21 =	vperm.xlane v20, v10  }
0x2a3: {  	v19 =	vperm.xlane v41, v12  }
0x2a4: {  	v21 =	vand.u32 v11, v21  }
0x2a5: {  	v18 =	vadd.s32 v18, v19;
	v45 =	vadd.s32 v21, v20  }
0x2a6: {  	v20 =	vadd.s32 v18, v45  }
0x2a7: {  	v17 =	vmul.u32 v17, v20;
	_ =	sdelay $0x1  }
0x2a8: {  	v17 =	vadd.s32 $0x1, v17  }
0x2a9: {  	[tilespmem:$0x1690] =	vst v17  }
0x2aa: {  	v17 =	vld [tilespmem:s7+$0x1C0];
	_ =	sdelay $0x4  }
0x2ab: {  	v17 =	vadd.s32 $0xFFFFFFFF, v17  }
0x2ac: {  	v46 =	vsub.s32 $0x0, v17  }
0x2ad: {  	v17 =	vmin.u32 v17, v46  }
0x2ae: {  	vm1 =	vlt.s32 v17, $0x1  }
0x2af: {  	v17 =	vnsel vm1, $0x1, v17  }
0x2b0: {  	v47 =	vperm.xlane v17, v4;
	_ =	sdelay $0x1  }
0x2b1: {  	v20 =	vand.u32 v5, v47  }
0x2b2: {  	v20 =	vadd.s32 v20, v17  }
0x2b3: {  	v48 =	vperm.xlane v20, v6;
	_ =	sdelay $0x1  }
0x2b4: {  	v21 =	vand.u32 v7, v48  }
0x2b5: {  	v20 =	vadd.s32 v21, v20  }
0x2b6: {  	v21 =	vperm.xlane v20, v9;
	_ =	sdelay $0x1  }
0x2b7: {  	v21 =	vand.u32 v8, v21  }
0x2b8: {  	v20 =	vadd.s32 v21, v20  }
0x2b9: {  	v21 =	vperm.xlane v20, v10  }
0x2ba: {  	v19 =	vperm.xlane v45, v12  }
0x2bb: {  	v21 =	vand.u32 v11, v21  }
0x2bc: {  	v18 =	vadd.s32 v18, v19;
	v49 =	vadd.s32 v21, v20  }
0x2bd: {  	v20 =	vadd.s32 v18, v49  }
0x2be: {  	v17 =	vmul.u32 v17, v20;
	_ =	sdelay $0x1  }
0x2bf: {  	v17 =	vadd.s32 $0x1, v17  }
0x2c0: {  	[tilespmem:$0x1700] =	vst v17  }
0x2c1: {  	v17 =	vld [tilespmem:s7+$0x1D0];
	_ =	sdelay $0x4  }
0x2c2: {  	v17 =	vadd.s32 $0xFFFFFFFF, v17  }
0x2c3: {  	v50 =	vsub.s32 $0x0, v17  }
0x2c4: {  	v17 =	vmin.u32 v17, v50  }
0x2c5: {  	vm1 =	vlt.s32 v17, $0x1  }
0x2c6: {  	v17 =	vnsel vm1, $0x1, v17  }
0x2c7: {  	v51 =	vperm.xlane v17, v4;
	_ =	sdelay $0x1  }
0x2c8: {  	v20 =	vand.u32 v5, v51  }
0x2c9: {  	v20 =	vadd.s32 v20, v17  }
0x2ca: {  	v52 =	vperm.xlane v20, v6;
	_ =	sdelay $0x1  }
0x2cb: {  	v21 =	vand.u32 v7, v52  }
0x2cc: {  	v20 =	vadd.s32 v21, v20  }
0x2cd: {  	v21 =	vperm.xlane v20, v9;
	_ =	sdelay $0x1  }
0x2ce: {  	v21 =	vand.u32 v8, v21  }
0x2cf: {  	v20 =	vadd.s32 v21, v20  }
0x2d0: {  	v21 =	vperm.xlane v20, v10  }
0x2d1: {  	v19 =	vperm.xlane v49, v12  }
0x2d2: {  	v21 =	vand.u32 v11, v21  }
0x2d3: {  	v18 =	vadd.s32 v18, v19;
	v53 =	vadd.s32 v21, v20  }
0x2d4: {  	v20 =	vadd.s32 v18, v53  }
0x2d5: {  	v17 =	vmul.u32 v17, v20;
	_ =	sdelay $0x1  }
0x2d6: {  	v17 =	vadd.s32 $0x1, v17  }
0x2d7: {  	[tilespmem:$0x1710] =	vst v17  }
0x2d8: {  	v17 =	vld [tilespmem:s7+$0x1E0];
	_ =	sdelay $0x4  }
0x2d9: {  	v17 =	vadd.s32 $0xFFFFFFFF, v17  }
0x2da: {  	v54 =	vsub.s32 $0x0, v17  }
0x2db: {  	v17 =	vmin.u32 v17, v54  }
0x2dc: {  	vm1 =	vlt.s32 v17, $0x1  }
0x2dd: {  	v17 =	vnsel vm1, $0x1, v17  }
0x2de: {  	v55 =	vperm.xlane v17, v4;
	_ =	sdelay $0x1  }
0x2df: {  	v20 =	vand.u32 v5, v55  }
0x2e0: {  	v20 =	vadd.s32 v20, v17  }
0x2e1: {  	v56 =	vperm.xlane v20, v6;
	_ =	sdelay $0x1  }
0x2e2: {  	v21 =	vand.u32 v7, v56  }
0x2e3: {  	v20 =	vadd.s32 v21, v20  }
0x2e4: {  	v21 =	vperm.xlane v20, v9;
	_ =	sdelay $0x1  }
0x2e5: {  	v21 =	vand.u32 v8, v21  }
0x2e6: {  	v20 =	vadd.s32 v21, v20  }
0x2e7: {  	v21 =	vperm.xlane v20, v10  }
0x2e8: {  	v19 =	vperm.xlane v53, v12  }
0x2e9: {  	v21 =	vand.u32 v11, v21  }
0x2ea: {  	v18 =	vadd.s32 v18, v19;
	v57 =	vadd.s32 v21, v20  }
0x2eb: {  	v20 =	vadd.s32 v18, v57  }
0x2ec: {  	v17 =	vmul.u32 v17, v20;
	_ =	sdelay $0x1  }
0x2ed: {  	v17 =	vadd.s32 $0x1, v17  }
0x2ee: {  	[tilespmem:$0x1780] =	vst v17  }
0x2ef: {  	v17 =	vld [tilespmem:s7+$0x1F0];
	_ =	sdelay $0x4  }
0x2f0: {  	v17 =	vadd.s32 $0xFFFFFFFF, v17  }
0x2f1: {  	v58 =	vsub.s32 $0x0, v17  }
0x2f2: {  	v17 =	vmin.u32 v17, v58  }
0x2f3: {  	vm1 =	vlt.s32 v17, $0x1  }
0x2f4: {  	v17 =	vnsel vm1, $0x1, v17  }
0x2f5: {  	v59 =	vperm.xlane v17, v4;
	_ =	sdelay $0x1  }
0x2f6: {  	v20 =	vand.u32 v5, v59  }
0x2f7: {  	v20 =	vadd.s32 v20, v17  }
0x2f8: {  	v60 =	vperm.xlane v20, v6;
	_ =	sdelay $0x1  }
0x2f9: {  	v21 =	vand.u32 v7, v60  }
0x2fa: {  	v20 =	vadd.s32 v21, v20  }
0x2fb: {  	v21 =	vperm.xlane v20, v9;
	_ =	sdelay $0x1  }
0x2fc: {  	v21 =	vand.u32 v8, v21  }
0x2fd: {  	v61 =	vshll.u32 v16, $0x3;
	v16 =	vand.u32 $0x7, v16;
	v20 =	vadd.s32 v21, v20  }
0x2fe: {  	v19 =	vperm.xlane v57, v12;
	v21 =	vand.u32 $0xFFFFFFC0, v61;
	v22 =	vperm.xlane v20, v10  }
0x2ff: {  	v16 =	vor.u32 v16, v21  }
0x300: {  	v18 =	vadd.s32 v18, v19;
	v63 =	vperm.xlane v16, v13;
	v62 =	vand.u32 v11, v22  }
0x301: {  	v18 =	vadd.s32 v62, v18  }
0x302: {  	v19 =	vadd.s32 v14, v63;
	v18 =	vadd.s32 v20, v18  }
0x303: {  	v17 =	vmul.u32 v17, v18;
	_ =	sdelay $0x1  }
0x304: {  	v17 =	vadd.s32 $0x1, v17  }
0x305: {  	[tilespmem:$0x1790] =	vst v17  }
0x306: {  	[tilespmem:s6], [sflag:$0x1] =	stream.indirect_vreg.gather [hbm4b:s2+s3], $0x80, v19, vm0, $0xb8;
	[tilespmem:$0x19800] =	vst v63  }
0x307: {  	s0 =	simm.s32 $0x2000;
	v16 =	vperm.xlane v16, v15  }
0x308: {  	[tilespmem:s0], [sflag:$0x1] =	stream.indirect_vreg.gather [hbm4b:s8+s3], $0x80, v19, vm0, $0xb8;
	[tilespmem:$0x19800] =	vst v63  }
0x309: {  	s23 =	simm.s32 $0x2800;
	v16 =	vadd.s32 v14, v16  }
0x30a: {  	[tilespmem:s23], [sflag:$0x1] =	stream.indirect_vreg.gather [hbm4b:s9+s3], $0x80, v19, vm0, $0xb8;
	[tilespmem:$0x19800] =	vst v63  }
0x30b: {  	s24 =	simm.s32 $0x3000  }
0x30c: {  	[tilespmem:s24], [sflag:$0x1] =	stream.indirect_vreg.gather [hbm4b:s11+s3], $0x80, v19, vm0, $0xb8;
	[tilespmem:$0x19800] =	vst v63  }
0x30d: {  	s26 =	simm.s32 $0x3800  }
0x30e: {  	[tilespmem:s26], [sflag:$0x1] =	stream.indirect_vreg.gather [hbm4b:s2+s3], $0x80, v16, vm0, $0xb8;
	[tilespmem:$0x19800] =	vst v63  }
0x30f: {  	s28 =	simm.s32 $0x4000  }
0x310: {  	[tilespmem:s28], [sflag:$0x1] =	stream.indirect_vreg.gather [hbm4b:s8+s3], $0x80, v16, vm0, $0xb8;
	[tilespmem:$0x19800] =	vst v63  }
0x311: {  	s29 =	simm.s32 $0x4800  }
0x312: {  	[tilespmem:s29], [sflag:$0x1] =	stream.indirect_vreg.gather [hbm4b:s9+s3], $0x80, v16, vm0, $0xb8;
	[tilespmem:$0x19800] =	vst v63  }
0x313: {  	s30 =	simm.s32 $0x5000  }
0x314: {  	[tilespmem:s30], [sflag:$0x1] =	stream.indirect_vreg.gather [hbm4b:s11+s3], $0x80, v16, vm0, $0xb8;
	[tilespmem:$0x19800] =	vst v63  }
0x315: {  	v16 =	vld [tilespmem:$0x1010];
	_ =	sdelay $0x4  }
0x316: {  	v17 =	vshll.u32 v16, $0x3  }
0x317: {  	v16 =	vand.u32 $0x7, v16;
	v17 =	vand.u32 $0xFFFFFFC0, v17  }
0x318: {  	v16 =	vor.u32 v16, v17  }
0x319: {  	v17 =	vperm.xlane v16, v13;
	_ =	sdelay $0x1  }
0x31a: {  	v17 =	vadd.s32 v14, v17;
	_ =	sdelay $0x3  }
0x31b: {  	s1 =	simm.s32 $0x5800  }
0x31c: {  	[tilespmem:s1], [sflag:$0x1] =	stream.indirect_vreg.gather [hbm4b:s2+s3], $0x80, v17, vm0, $0xb8;
	[tilespmem:$0x19800] =	vst v63  }
0x31d: {  	s13 =	simm.s32 $0x6000;
	v16 =	vperm.xlane v16, v15  }
0x31e: {  	[tilespmem:s13], [sflag:$0x1] =	stream.indirect_vreg.gather [hbm4b:s8+s3], $0x80, v17, vm0, $0xb8;
	[tilespmem:$0x19800] =	vst v63  }
0x31f: {  	s14 =	simm.s32 $0x6800;
	v16 =	vadd.s32 v14, v16  }
0x320: {  	[tilespmem:s14], [sflag:$0x1] =	stream.indirect_vreg.gather [hbm4b:s9+s3], $0x80, v17, vm0, $0xb8;
	[tilespmem:$0x19800] =	vst v63  }
0x321: {  	s15 =	simm.s32 $0x7000  }
0x322: {  	[tilespmem:s15], [sflag:$0x1] =	stream.indirect_vreg.gather [hbm4b:s11+s3], $0x80, v17, vm0, $0xb8;
	[tilespmem:$0x19800] =	vst v63  }
0x323: {  	s16 =	simm.s32 $0x7800  }
0x324: {  	[tilespmem:s16], [sflag:$0x1] =	stream.indirect_vreg.gather [hbm4b:s2+s3], $0x80, v16, vm0, $0xb8;
	[tilespmem:$0x19800] =	vst v63  }
0x325: {  	s17 =	simm.s32 $0x8000  }
0x326: {  	[tilespmem:s17], [sflag:$0x1] =	stream.indirect_vreg.gather [hbm4b:s8+s3], $0x80, v16, vm0, $0xb8;
	[tilespmem:$0x19800] =	vst v63  }
0x327: {  	s24 =	simm.s32 $0x8800  }
0x328: {  	[tilespmem:s24], [sflag:$0x1] =	stream.indirect_vreg.gather [hbm4b:s9+s3], $0x80, v16, vm0, $0xb8;
	[tilespmem:$0x19800] =	vst v63  }
0x329: {  	s28 =	simm.s32 $0x9000  }
0x32a: {  	[tilespmem:s28], [sflag:$0x1] =	stream.indirect_vreg.gather [hbm4b:s11+s3], $0x80, v16, vm0, $0xb8;
	[tilespmem:$0x19800] =	vst v63  }
0x32b: {  	v16 =	vld [tilespmem:$0x1080];
	_ =	sdelay $0x4  }
0x32c: {  	v17 =	vshll.u32 v16, $0x3  }
0x32d: {  	v16 =	vand.u32 $0x7, v16;
	v17 =	vand.u32 $0xFFFFFFC0, v17  }
0x32e: {  	v16 =	vor.u32 v16, v17  }
0x32f: {  	v17 =	vperm.xlane v16, v13;
	_ =	sdelay $0x1  }
0x330: {  	v17 =	vadd.s32 v14, v17;
	_ =	sdelay $0x4  }
0x331: {  	[tilespmem:s25], [sflag:$0x2] =	stream.indirect_vreg.gather [hbm4b:s2+s3], $0x80, v17, vm0, $0xb8;
	[tilespmem:$0x19800] =	vst v63  }
0x332: {  	s29 =	simm.s32 $0xA000;
	v16 =	vperm.xlane v16, v15  }
0x333: {  	[tilespmem:s29], [sflag:$0x2] =	stream.indirect_vreg.gather [hbm4b:s8+s3], $0x80, v17, vm0, $0xb8;
	[tilespmem:$0x19800] =	vst v63  }
0x334: {  	s30 =	simm.s32 $0xA800;
	v16 =	vadd.s32 v14, v16  }
0x335: {  	[tilespmem:s30], [sflag:$0x2] =	stream.indirect_vreg.gather [hbm4b:s9+s3], $0x80, v17, vm0, $0xb8;
	[tilespmem:$0x19800] =	vst v63  }
0x336: {  	s1 =	simm.s32 $0xB000  }
0x337: {  	[tilespmem:s1], [sflag:$0x2] =	stream.indirect_vreg.gather [hbm4b:s11+s3], $0x80, v17, vm0, $0xb8;
	[tilespmem:$0x19800] =	vst v63  }
0x338: {  	s29 =	simm.s32 $0xB800  }
0x339: {  	[tilespmem:s29], [sflag:$0x2] =	stream.indirect_vreg.gather [hbm4b:s2+s3], $0x80, v16, vm0, $0xb8;
	[tilespmem:$0x19800] =	vst v63  }
0x33a: {  	s30 =	simm.s32 $0xC000  }
0x33b: {  	[tilespmem:s30], [sflag:$0x2] =	stream.indirect_vreg.gather [hbm4b:s8+s3], $0x80, v16, vm0, $0xb8;
	[tilespmem:$0x19800] =	vst v63  }
0x33c: {  	s1 =	simm.s32 $0xC800  }
0x33d: {  	[tilespmem:s1], [sflag:$0x2] =	stream.indirect_vreg.gather [hbm4b:s9+s3], $0x80, v16, vm0, $0xb8;
	[tilespmem:$0x19800] =	vst v63  }
0x33e: {  	s29 =	simm.s32 $0xD000  }
0x33f: {  	[tilespmem:s29], [sflag:$0x2] =	stream.indirect_vreg.gather [hbm4b:s11+s3], $0x80, v16, vm0, $0xb8;
	[tilespmem:$0x19800] =	vst v63  }
0x340: {  	v16 =	vld [tilespmem:$0x1090];
	_ =	sdelay $0x4  }
0x341: {  	v17 =	vshll.u32 v16, $0x3  }
0x342: {  	v16 =	vand.u32 $0x7, v16;
	v17 =	vand.u32 $0xFFFFFFC0, v17  }
0x343: {  	v16 =	vor.u32 v16, v17  }
0x344: {  	v17 =	vperm.xlane v16, v13;
	_ =	sdelay $0x1  }
0x345: {  	v17 =	vadd.s32 v14, v17;
	_ =	sdelay $0x3  }
0x346: {  	s30 =	simm.s32 $0xD800  }
0x347: {  	[tilespmem:s30], [sflag:$0x2] =	stream.indirect_vreg.gather [hbm4b:s2+s3], $0x80, v17, vm0, $0xb8;
	[tilespmem:$0x19800] =	vst v63  }
0x348: {  	s1 =	simm.s32 $0xE000;
	v16 =	vperm.xlane v16, v15  }
0x349: {  	[tilespmem:s1], [sflag:$0x2] =	stream.indirect_vreg.gather [hbm4b:s8+s3], $0x80, v17, vm0, $0xb8;
	[tilespmem:$0x19800] =	vst v63  }
0x34a: {  	v16 =	vadd.s32 v14, v16;
	s1 =	simm.s32 $0xE800  }
0x34b: {  	[tilespmem:s1], [sflag:$0x2] =	stream.indirect_vreg.gather [hbm4b:s9+s3], $0x80, v17, vm0, $0xb8;
	[tilespmem:$0x19800] =	vst v63  }
0x34c: {  	s1 =	simm.s32 $0xF000  }
0x34d: {  	[tilespmem:s1], [sflag:$0x2] =	stream.indirect_vreg.gather [hbm4b:s11+s3], $0x80, v17, vm0, $0xb8;
	[tilespmem:$0x19800] =	vst v63  }
0x34e: {  	s1 =	simm.s32 $0xF800  }
0x34f: {  	[tilespmem:s1], [sflag:$0x2] =	stream.indirect_vreg.gather [hbm4b:s2+s3], $0x80, v16, vm0, $0xb8;
	[tilespmem:$0x19800] =	vst v63  }
0x350: {  	s1 =	simm.s32 $0x10000  }
0x351: {  	[tilespmem:s1], [sflag:$0x2] =	stream.indirect_vreg.gather [hbm4b:s8+s3], $0x80, v16, vm0, $0xb8;
	[tilespmem:$0x19800] =	vst v63  }
0x352: {  	s1 =	simm.s32 $0x10800  }
0x353: {  	[tilespmem:s1], [sflag:$0x2] =	stream.indirect_vreg.gather [hbm4b:s9+s3], $0x80, v16, vm0, $0xb8;
	[tilespmem:$0x19800] =	vst v63  }
0x354: {  	s1 =	simm.s32 $0x11000  }
0x355: {  	[tilespmem:s1], [sflag:$0x2] =	stream.indirect_vreg.gather [hbm4b:s11+s3], $0x80, v16, vm0, $0xb8;
	[tilespmem:$0x19800] =	vst v63  }
0x356: {  	s1 =	simm.s32 $0x1  }
0x357: {  	_ =	swait.ge [sflag:s1], $0x8000  }
0x358: {  	[sflag:s1] =	ssyncset.done $0x0  }
0x359: {  	s0 =	rddreg [dreg:$0x6];
	[sflag:s1] =	ssyncadd.s32 $0xFFFF8000  }
0x35a: {  	[hbm4b:s0+s3] =	stream.linear.scatter [tilespmem:s6], [sflag:$0x4], $0x8000, $0x38;
	[tilespmem:$0x19800] =	vst v63  }
0x35b: {  	v16 =	vld [tilespmem:$0x1100];
	_ =	sdelay $0x4  }
0x35c: {  	v17 =	vshll.u32 v16, $0x3  }
0x35d: {  	v16 =	vand.u32 $0x7, v16;
	v17 =	vand.u32 $0xFFFFFFC0, v17  }
0x35e: {  	v16 =	vor.u32 v16, v17  }
0x35f: {  	v17 =	vperm.xlane v16, v13;
	_ =	sdelay $0x1  }
0x360: {  	v17 =	vadd.s32 v14, v17;
	_ =	sdelay $0x4  }
0x361: {  	[tilespmem:s10], [sflag:$0x3] =	stream.indirect_vreg.gather [hbm4b:s2+s3], $0x80, v17, vm0, $0xb8;
	[tilespmem:$0x19800] =	vst v63  }
0x362: {  	s0 =	simm.s32 $0x12000;
	v16 =	vperm.xlane v16, v15  }
0x363: {  	[tilespmem:s0], [sflag:$0x3] =	stream.indirect_vreg.gather [hbm4b:s8+s3], $0x80, v17, vm0, $0xb8;
	[tilespmem:$0x19800] =	vst v63  }
0x364: {  	v16 =	vadd.s32 v14, v16;
	s0 =	simm.s32 $0x12800  }
0x365: {  	[tilespmem:s0], [sflag:$0x3] =	stream.indirect_vreg.gather [hbm4b:s9+s3], $0x80, v17, vm0, $0xb8;
	[tilespmem:$0x19800] =	vst v63  }
0x366: {  	s0 =	simm.s32 $0x13000  }
0x367: {  	[tilespmem:s0], [sflag:$0x3] =	stream.indirect_vreg.gather [hbm4b:s11+s3], $0x80, v17, vm0, $0xb8;
	[tilespmem:$0x19800] =	vst v63  }
0x368: {  	s0 =	simm.s32 $0x13800  }
0x369: {  	[tilespmem:s0], [sflag:$0x3] =	stream.indirect_vreg.gather [hbm4b:s2+s3], $0x80, v16, vm0, $0xb8;
	[tilespmem:$0x19800] =	vst v63  }
0x36a: {  	s0 =	simm.s32 $0x14000  }
0x36b: {  	[tilespmem:s0], [sflag:$0x3] =	stream.indirect_vreg.gather [hbm4b:s8+s3], $0x80, v16, vm0, $0xb8;
	[tilespmem:$0x19800] =	vst v63  }
0x36c: {  	s0 =	simm.s32 $0x14800  }
0x36d: {  	[tilespmem:s0], [sflag:$0x3] =	stream.indirect_vreg.gather [hbm4b:s9+s3], $0x80, v16, vm0, $0xb8;
	[tilespmem:$0x19800] =	vst v63  }
0x36e: {  	s0 =	simm.s32 $0x15000  }
0x36f: {  	[tilespmem:s0], [sflag:$0x3] =	stream.indirect_vreg.gather [hbm4b:s11+s3], $0x80, v16, vm0, $0xb8;
	[tilespmem:$0x19800] =	vst v63  }
0x370: {  	v16 =	vld [tilespmem:$0x1110];
	_ =	sdelay $0x4  }
0x371: {  	v17 =	vshll.u32 v16, $0x3  }
0x372: {  	v16 =	vand.u32 $0x7, v16;
	v17 =	vand.u32 $0xFFFFFFC0, v17  }
0x373: {  	v16 =	vor.u32 v16, v17  }
0x374: {  	v17 =	vperm.xlane v16, v13;
	_ =	sdelay $0x1  }
0x375: {  	v17 =	vadd.s32 v14, v17;
	_ =	sdelay $0x3  }
0x376: {  	s0 =	simm.s32 $0x15800  }
0x377: {  	[tilespmem:s0], [sflag:$0x3] =	stream.indirect_vreg.gather [hbm4b:s2+s3], $0x80, v17, vm0, $0xb8;
	[tilespmem:$0x19800] =	vst v63  }
0x378: {  	v16 =	vperm.xlane v16, v15;
	s0 =	simm.s32 $0x16000  }
0x379: {  	[tilespmem:s0], [sflag:$0x3] =	stream.indirect_vreg.gather [hbm4b:s8+s3], $0x80, v17, vm0, $0xb8;
	[tilespmem:$0x19800] =	vst v63  }
0x37a: {  	v16 =	vadd.s32 v14, v16;
	s0 =	simm.s32 $0x16800  }
0x37b: {  	[tilespmem:s0], [sflag:$0x3] =	stream.indirect_vreg.gather [hbm4b:s9+s3], $0x80, v17, vm0, $0xb8;
	[tilespmem:$0x19800] =	vst v63  }
0x37c: {  	s0 =	simm.s32 $0x17000  }
0x37d: {  	[tilespmem:s0], [sflag:$0x3] =	stream.indirect_vreg.gather [hbm4b:s11+s3], $0x80, v17, vm0, $0xb8;
	[tilespmem:$0x19800] =	vst v63  }
0x37e: {  	s0 =	simm.s32 $0x17800  }
0x37f: {  	[tilespmem:s0], [sflag:$0x3] =	stream.indirect_vreg.gather [hbm4b:s2+s3], $0x80, v16, vm0, $0xb8;
	[tilespmem:$0x19800] =	vst v63  }
0x380: {  	s0 =	simm.s32 $0x18000  }
0x381: {  	[tilespmem:s0], [sflag:$0x3] =	stream.indirect_vreg.gather [hbm4b:s8+s3], $0x80, v16, vm0, $0xb8;
	[tilespmem:$0x19800] =	vst v63  }
0x382: {  	s0 =	simm.s32 $0x18800  }
0x383: {  	[tilespmem:s0], [sflag:$0x3] =	stream.indirect_vreg.gather [hbm4b:s9+s3], $0x80, v16, vm0, $0xb8;
	[tilespmem:$0x19800] =	vst v63  }
0x384: {  	s0 =	simm.s32 $0x19000  }
0x385: {  	[tilespmem:s0], [sflag:$0x3] =	stream.indirect_vreg.gather [hbm4b:s11+s3], $0x80, v16, vm0, $0xb8;
	[tilespmem:$0x19800] =	vst v63  }
0x386: {  	_ =	swait.ge [sflag:s31], $0x8000  }
0x387: {  	[sflag:s31] =	ssyncset.done $0x0  }
0x388: {  	s0 =	rddreg [dreg:$0x7];
	[sflag:s31] =	ssyncadd.s32 $0xFFFF8000  }
0x389: {  	[hbm4b:s0+s3] =	stream.linear.scatter [tilespmem:s25], [sflag:$0x5], $0x8000, $0x38;
	[tilespmem:$0x19800] =	vst v63  }
0x38a: {  	_ =	swait.ge [sflag:s4], $0x8000  }
0x38b: {  	[sflag:s4] =	ssyncset.done $0x0  }
0x38c: {  	[sflag:s4] =	ssyncadd.s32 $0xFFFF8000  }
0x38d: {  	v16 =	vld [tilespmem:$0x1180];
	_ =	sdelay $0x4  }
0x38e: {  	v17 =	vshll.u32 v16, $0x3  }
0x38f: {  	v16 =	vand.u32 $0x7, v16;
	v17 =	vand.u32 $0xFFFFFFC0, v17  }
0x390: {  	v16 =	vor.u32 v16, v17  }
0x391: {  	v17 =	vperm.xlane v16, v13;
	_ =	sdelay $0x1  }
0x392: {  	v17 =	vadd.s32 v14, v17;
	_ =	sdelay $0x4  }
0x393: {  	[tilespmem:s6], [sflag:$0x1] =	stream.indirect_vreg.gather [hbm4b:s2+s3], $0x80, v17, vm0, $0xb8;
	[tilespmem:$0x19800] =	vst v63  }
0x394: {  	s18 =	simm.s32 $0x2000;
	v16 =	vperm.xlane v16, v15  }
0x395: {  	[tilespmem:s18], [sflag:$0x1] =	stream.indirect_vreg.gather [hbm4b:s8+s3], $0x80, v17, vm0, $0xb8;
	[tilespmem:$0x19800] =	vst v63  }
0x396: {  	s5 =	simm.s32 $0x2800;
	v16 =	vadd.s32 v14, v16  }
0x397: {  	[tilespmem:s5], [sflag:$0x1] =	stream.indirect_vreg.gather [hbm4b:s9+s3], $0x80, v17, vm0, $0xb8;
	[tilespmem:$0x19800] =	vst v63  }
0x398: {  	s22 =	simm.s32 $0x3000  }
0x399: {  	[tilespmem:s22], [sflag:$0x1] =	stream.indirect_vreg.gather [hbm4b:s11+s3], $0x80, v17, vm0, $0xb8;
	[tilespmem:$0x19800] =	vst v63  }
0x39a: {  	s23 =	simm.s32 $0x3800  }
0x39b: {  	[tilespmem:s23], [sflag:$0x1] =	stream.indirect_vreg.gather [hbm4b:s2+s3], $0x80, v16, vm0, $0xb8;
	[tilespmem:$0x19800] =	vst v63  }
0x39c: {  	s26 =	simm.s32 $0x4000  }
0x39d: {  	[tilespmem:s26], [sflag:$0x1] =	stream.indirect_vreg.gather [hbm4b:s8+s3], $0x80, v16, vm0, $0xb8;
	[tilespmem:$0x19800] =	vst v63  }
0x39e: {  	s12 =	simm.s32 $0x4800  }
0x39f: {  	[tilespmem:s12], [sflag:$0x1] =	stream.indirect_vreg.gather [hbm4b:s9+s3], $0x80, v16, vm0, $0xb8;
	[tilespmem:$0x19800] =	vst v63  }
0x3a0: {  	s19 =	simm.s32 $0x5000  }
0x3a1: {  	[tilespmem:s19], [sflag:$0x1] =	stream.indirect_vreg.gather [hbm4b:s11+s3], $0x80, v16, vm0, $0xb8;
	[tilespmem:$0x19800] =	vst v63  }
0x3a2: {  	v16 =	vld [tilespmem:$0x1190];
	_ =	sdelay $0x4  }
0x3a3: {  	v17 =	vshll.u32 v16, $0x3  }
0x3a4: {  	v16 =	vand.u32 $0x7, v16;
	v17 =	vand.u32 $0xFFFFFFC0, v17  }
0x3a5: {  	v16 =	vor.u32 v16, v17  }
0x3a6: {  	v17 =	vperm.xlane v16, v13;
	_ =	sdelay $0x1  }
0x3a7: {  	v17 =	vadd.s32 v14, v17;
	_ =	sdelay $0x3  }
0x3a8: {  	s20 =	simm.s32 $0x5800  }
0x3a9: {  	[tilespmem:s20], [sflag:$0x1] =	stream.indirect_vreg.gather [hbm4b:s2+s3], $0x80, v17, vm0, $0xb8;
	[tilespmem:$0x19800] =	vst v63  }
0x3aa: {  	s21 =	simm.s32 $0x6000;
	v16 =	vperm.xlane v16, v15  }
0x3ab: {  	[tilespmem:s21], [sflag:$0x1] =	stream.indirect_vreg.gather [hbm4b:s8+s3], $0x80, v17, vm0, $0xb8;
	[tilespmem:$0x19800] =	vst v63  }
0x3ac: {  	s13 =	simm.s32 $0x6800;
	v16 =	vadd.s32 v14, v16  }
0x3ad: {  	[tilespmem:s13], [sflag:$0x1] =	stream.indirect_vreg.gather [hbm4b:s9+s3], $0x80, v17, vm0, $0xb8;
	[tilespmem:$0x19800] =	vst v63  }
0x3ae: {  	s14 =	simm.s32 $0x7000  }
0x3af: {  	[tilespmem:s14], [sflag:$0x1] =	stream.indirect_vreg.gather [hbm4b:s11+s3], $0x80, v17, vm0, $0xb8;
	[tilespmem:$0x19800] =	vst v63  }
0x3b0: {  	s15 =	simm.s32 $0x7800  }
0x3b1: {  	[tilespmem:s15], [sflag:$0x1] =	stream.indirect_vreg.gather [hbm4b:s2+s3], $0x80, v16, vm0, $0xb8;
	[tilespmem:$0x19800] =	vst v63  }
0x3b2: {  	s16 =	simm.s32 $0x8000  }
0x3b3: {  	[tilespmem:s16], [sflag:$0x1] =	stream.indirect_vreg.gather [hbm4b:s8+s3], $0x80, v16, vm0, $0xb8;
	[tilespmem:$0x19800] =	vst v63  }
0x3b4: {  	s17 =	simm.s32 $0x8800  }
0x3b5: {  	[tilespmem:s17], [sflag:$0x1] =	stream.indirect_vreg.gather [hbm4b:s9+s3], $0x80, v16, vm0, $0xb8;
	[tilespmem:$0x19800] =	vst v63  }
0x3b6: {  	s24 =	simm.s32 $0x9000;
	s22 =	simm.s32 $0x3  }
0x3b7: {  	[tilespmem:s24], [sflag:$0x1] =	stream.indirect_vreg.gather [hbm4b:s11+s3], $0x80, v16, vm0, $0xb8;
	[tilespmem:$0x19800] =	vst v63  }
0x3b8: {  	_ =	swait.ge [sflag:s22], $0x8000  }
0x3b9: {  	[sflag:s22] =	ssyncset.done $0x0  }
0x3ba: {  	s23 =	simm.s32 $0x5;
	s24 =	rddreg [dreg:$0x8];
	[sflag:s22] =	ssyncadd.s32 $0xFFFF8000  }
0x3bb: {  	[hbm4b:s24+s3] =	stream.linear.scatter [tilespmem:s10], [sflag:$0x6], $0x8000, $0x38;
	[tilespmem:$0x19800] =	vst v63  }
0x3bc: {  	_ =	swait.ge [sflag:s23], $0x8000  }
0x3bd: {  	[sflag:s23] =	ssyncset.done $0x0  }
0x3be: {  	[sflag:s23] =	ssyncadd.s32 $0xFFFF8000  }
0x3bf: {  	v16 =	vld [tilespmem:$0x1200];
	_ =	sdelay $0x4  }
0x3c0: {  	v17 =	vshll.u32 v16, $0x3  }
0x3c1: {  	v16 =	vand.u32 $0x7, v16;
	v17 =	vand.u32 $0xFFFFFFC0, v17  }
0x3c2: {  	v16 =	vor.u32 v16, v17  }
0x3c3: {  	v17 =	vperm.xlane v16, v13;
	_ =	sdelay $0x1  }
0x3c4: {  	v17 =	vadd.s32 v14, v17;
	_ =	sdelay $0x4  }
0x3c5: {  	[tilespmem:s25], [sflag:$0x2] =	stream.indirect_vreg.gather [hbm4b:s2+s3], $0x80, v17, vm0, $0xb8;
	[tilespmem:$0x19800] =	vst v63  }
0x3c6: {  	s28 =	simm.s32 $0xA000;
	v16 =	vperm.xlane v16, v15  }
0x3c7: {  	[tilespmem:s28], [sflag:$0x2] =	stream.indirect_vreg.gather [hbm4b:s8+s3], $0x80, v17, vm0, $0xb8;
	[tilespmem:$0x19800] =	vst v63  }
0x3c8: {  	v16 =	vadd.s32 v14, v16;
	s28 =	simm.s32 $0xA800  }
0x3c9: {  	[tilespmem:s28], [sflag:$0x2] =	stream.indirect_vreg.gather [hbm4b:s9+s3], $0x80, v17, vm0, $0xb8;
	[tilespmem:$0x19800] =	vst v63  }
0x3ca: {  	s5 =	simm.s32 $0xB000  }
0x3cb: {  	[tilespmem:s5], [sflag:$0x2] =	stream.indirect_vreg.gather [hbm4b:s11+s3], $0x80, v17, vm0, $0xb8;
	[tilespmem:$0x19800] =	vst v63  }
0x3cc: {  	s24 =	simm.s32 $0xB800  }
0x3cd: {  	[tilespmem:s24], [sflag:$0x2] =	stream.indirect_vreg.gather [hbm4b:s2+s3], $0x80, v16, vm0, $0xb8;
	[tilespmem:$0x19800] =	vst v63  }
0x3ce: {  	s28 =	simm.s32 $0xC000  }
0x3cf: {  	[tilespmem:s28], [sflag:$0x2] =	stream.indirect_vreg.gather [hbm4b:s8+s3], $0x80, v16, vm0, $0xb8;
	[tilespmem:$0x19800] =	vst v63  }
0x3d0: {  	s5 =	simm.s32 $0xC800  }
0x3d1: {  	[tilespmem:s5], [sflag:$0x2] =	stream.indirect_vreg.gather [hbm4b:s9+s3], $0x80, v16, vm0, $0xb8;
	[tilespmem:$0x19800] =	vst v63  }
0x3d2: {  	s29 =	simm.s32 $0xD000  }
0x3d3: {  	[tilespmem:s29], [sflag:$0x2] =	stream.indirect_vreg.gather [hbm4b:s11+s3], $0x80, v16, vm0, $0xb8;
	[tilespmem:$0x19800] =	vst v63  }
0x3d4: {  	v16 =	vld [tilespmem:$0x1210];
	_ =	sdelay $0x4  }
0x3d5: {  	v17 =	vshll.u32 v16, $0x3  }
0x3d6: {  	v16 =	vand.u32 $0x7, v16;
	v17 =	vand.u32 $0xFFFFFFC0, v17  }
0x3d7: {  	v16 =	vor.u32 v16, v17  }
0x3d8: {  	v17 =	vperm.xlane v16, v13;
	_ =	sdelay $0x1  }
0x3d9: {  	v17 =	vadd.s32 v14, v17;
	_ =	sdelay $0x3  }
0x3da: {  	s30 =	simm.s32 $0xD800  }
0x3db: {  	[tilespmem:s30], [sflag:$0x2] =	stream.indirect_vreg.gather [hbm4b:s2+s3], $0x80, v17, vm0, $0xb8;
	[tilespmem:$0x19800] =	vst v63  }
0x3dc: {  	s24 =	simm.s32 $0xE000;
	v16 =	vperm.xlane v16, v15  }
0x3dd: {  	[tilespmem:s24], [sflag:$0x2] =	stream.indirect_vreg.gather [hbm4b:s8+s3], $0x80, v17, vm0, $0xb8;
	[tilespmem:$0x19800] =	vst v63  }
0x3de: {  	s28 =	simm.s32 $0xE800;
	v16 =	vadd.s32 v14, v16  }
0x3df: {  	[tilespmem:s28], [sflag:$0x2] =	stream.indirect_vreg.gather [hbm4b:s9+s3], $0x80, v17, vm0, $0xb8;
	[tilespmem:$0x19800] =	vst v63  }
0x3e0: {  	s29 =	simm.s32 $0xF000  }
0x3e1: {  	[tilespmem:s29], [sflag:$0x2] =	stream.indirect_vreg.gather [hbm4b:s11+s3], $0x80, v17, vm0, $0xb8;
	[tilespmem:$0x19800] =	vst v63  }
0x3e2: {  	s30 =	simm.s32 $0xF800  }
0x3e3: {  	[tilespmem:s30], [sflag:$0x2] =	stream.indirect_vreg.gather [hbm4b:s2+s3], $0x80, v16, vm0, $0xb8;
	[tilespmem:$0x19800] =	vst v63  }
0x3e4: {  	s5 =	simm.s32 $0x10000  }
0x3e5: {  	[tilespmem:s5], [sflag:$0x2] =	stream.indirect_vreg.gather [hbm4b:s8+s3], $0x80, v16, vm0, $0xb8;
	[tilespmem:$0x19800] =	vst v63  }
0x3e6: {  	s24 =	simm.s32 $0x10800  }
0x3e7: {  	[tilespmem:s24], [sflag:$0x2] =	stream.indirect_vreg.gather [hbm4b:s9+s3], $0x80, v16, vm0, $0xb8;
	[tilespmem:$0x19800] =	vst v63  }
0x3e8: {  	s28 =	simm.s32 $0x11000  }
0x3e9: {  	[tilespmem:s28], [sflag:$0x2] =	stream.indirect_vreg.gather [hbm4b:s11+s3], $0x80, v16, vm0, $0xb8;
	[tilespmem:$0x19800] =	vst v63  }
0x3ea: {  	_ =	swait.ge [sflag:s1], $0x8000  }
0x3eb: {  	[sflag:s1] =	ssyncset.done $0x0  }
0x3ec: {  	s5 =	simm.s32 $0x6;
	s29 =	rddreg [dreg:$0x9];
	[sflag:s1] =	ssyncadd.s32 $0xFFFF8000  }
0x3ed: {  	[hbm4b:s29+s3] =	stream.linear.scatter [tilespmem:s6], [sflag:$0x4], $0x8000, $0x38;
	[tilespmem:$0x19800] =	vst v63  }
0x3ee: {  	_ =	swait.ge [sflag:s5], $0x8000  }
0x3ef: {  	[sflag:s5] =	ssyncset.done $0x0  }
0x3f0: {  	[sflag:s5] =	ssyncadd.s32 $0xFFFF8000  }
0x3f1: {  	v16 =	vld [tilespmem:$0x1280];
	_ =	sdelay $0x4  }
0x3f2: {  	v17 =	vshll.u32 v16, $0x3  }
0x3f3: {  	v16 =	vand.u32 $0x7, v16;
	v17 =	vand.u32 $0xFFFFFFC0, v17  }
0x3f4: {  	v16 =	vor.u32 v16, v17  }
0x3f5: {  	v17 =	vperm.xlane v16, v13;
	_ =	sdelay $0x1  }
0x3f6: {  	v17 =	vadd.s32 v14, v17;
	_ =	sdelay $0x4  }
0x3f7: {  	[tilespmem:s10], [sflag:$0x3] =	stream.indirect_vreg.gather [hbm4b:s2+s3], $0x80, v17, vm0, $0xb8;
	[tilespmem:$0x19800] =	vst v63  }
0x3f8: {  	s30 =	simm.s32 $0x12000;
	v16 =	vperm.xlane v16, v15  }
0x3f9: {  	[tilespmem:s30], [sflag:$0x3] =	stream.indirect_vreg.gather [hbm4b:s8+s3], $0x80, v17, vm0, $0xb8;
	[tilespmem:$0x19800] =	vst v63  }
0x3fa: {  	s24 =	simm.s32 $0x12800;
	v16 =	vadd.s32 v14, v16  }
0x3fb: {  	[tilespmem:s24], [sflag:$0x3] =	stream.indirect_vreg.gather [hbm4b:s9+s3], $0x80, v17, vm0, $0xb8;
	[tilespmem:$0x19800] =	vst v63  }
0x3fc: {  	s28 =	simm.s32 $0x13000  }
0x3fd: {  	[tilespmem:s28], [sflag:$0x3] =	stream.indirect_vreg.gather [hbm4b:s11+s3], $0x80, v17, vm0, $0xb8;
	[tilespmem:$0x19800] =	vst v63  }
0x3fe: {  	s29 =	simm.s32 $0x13800  }
0x3ff: {  	[tilespmem:s29], [sflag:$0x3] =	stream.indirect_vreg.gather [hbm4b:s2+s3], $0x80, v16, vm0, $0xb8;
	[tilespmem:$0x19800] =	vst v63  }
0x400: {  	s30 =	simm.s32 $0x14000  }
0x401: {  	[tilespmem:s30], [sflag:$0x3] =	stream.indirect_vreg.gather [hbm4b:s8+s3], $0x80, v16, vm0, $0xb8;
	[tilespmem:$0x19800] =	vst v63  }
0x402: {  	s0 =	simm.s32 $0x14800  }
0x403: {  	[tilespmem:s0], [sflag:$0x3] =	stream.indirect_vreg.gather [hbm4b:s9+s3], $0x80, v16, vm0, $0xb8;
	[tilespmem:$0x19800] =	vst v63  }
0x404: {  	s0 =	simm.s32 $0x15000  }
0x405: {  	[tilespmem:s0], [sflag:$0x3] =	stream.indirect_vreg.gather [hbm4b:s11+s3], $0x80, v16, vm0, $0xb8;
	[tilespmem:$0x19800] =	vst v63  }
0x406: {  	v16 =	vld [tilespmem:$0x1290];
	_ =	sdelay $0x4  }
0x407: {  	v17 =	vshll.u32 v16, $0x3  }
0x408: {  	v16 =	vand.u32 $0x7, v16;
	v17 =	vand.u32 $0xFFFFFFC0, v17  }
0x409: {  	v16 =	vor.u32 v16, v17  }
0x40a: {  	v17 =	vperm.xlane v16, v13;
	_ =	sdelay $0x1  }
0x40b: {  	v17 =	vadd.s32 v14, v17;
	_ =	sdelay $0x3  }
0x40c: {  	s0 =	simm.s32 $0x15800  }
0x40d: {  	[tilespmem:s0], [sflag:$0x3] =	stream.indirect_vreg.gather [hbm4b:s2+s3], $0x80, v17, vm0, $0xb8;
	[tilespmem:$0x19800] =	vst v63  }
0x40e: {  	v16 =	vperm.xlane v16, v15;
	s0 =	simm.s32 $0x16000  }
0x40f: {  	[tilespmem:s0], [sflag:$0x3] =	stream.indirect_vreg.gather [hbm4b:s8+s3], $0x80, v17, vm0, $0xb8;
	[tilespmem:$0x19800] =	vst v63  }
0x410: {  	v16 =	vadd.s32 v14, v16;
	s0 =	simm.s32 $0x16800  }
0x411: {  	[tilespmem:s0], [sflag:$0x3] =	stream.indirect_vreg.gather [hbm4b:s9+s3], $0x80, v17, vm0, $0xb8;
	[tilespmem:$0x19800] =	vst v63  }
0x412: {  	s0 =	simm.s32 $0x17000  }
0x413: {  	[tilespmem:s0], [sflag:$0x3] =	stream.indirect_vreg.gather [hbm4b:s11+s3], $0x80, v17, vm0, $0xb8;
	[tilespmem:$0x19800] =	vst v63  }
0x414: {  	s0 =	simm.s32 $0x17800  }
0x415: {  	[tilespmem:s0], [sflag:$0x3] =	stream.indirect_vreg.gather [hbm4b:s2+s3], $0x80, v16, vm0, $0xb8;
	[tilespmem:$0x19800] =	vst v63  }
0x416: {  	s0 =	simm.s32 $0x18000  }
0x417: {  	[tilespmem:s0], [sflag:$0x3] =	stream.indirect_vreg.gather [hbm4b:s8+s3], $0x80, v16, vm0, $0xb8;
	[tilespmem:$0x19800] =	vst v63  }
0x418: {  	s0 =	simm.s32 $0x18800  }
0x419: {  	[tilespmem:s0], [sflag:$0x3] =	stream.indirect_vreg.gather [hbm4b:s9+s3], $0x80, v16, vm0, $0xb8;
	[tilespmem:$0x19800] =	vst v63  }
0x41a: {  	s0 =	simm.s32 $0x19000  }
0x41b: {  	[tilespmem:s0], [sflag:$0x3] =	stream.indirect_vreg.gather [hbm4b:s11+s3], $0x80, v16, vm0, $0xb8;
	[tilespmem:$0x19800] =	vst v63  }
0x41c: {  	_ =	swait.ge [sflag:s31], $0x8000  }
0x41d: {  	[sflag:s31] =	ssyncset.done $0x0  }
0x41e: {  	s0 =	rddreg [dreg:$0xa];
	[sflag:s31] =	ssyncadd.s32 $0xFFFF8000  }
0x41f: {  	[hbm4b:s0+s3] =	stream.linear.scatter [tilespmem:s25], [sflag:$0x5], $0x8000, $0x38;
	[tilespmem:$0x19800] =	vst v63  }
0x420: {  	_ =	swait.ge [sflag:s4], $0x8000  }
0x421: {  	[sflag:s4] =	ssyncset.done $0x0  }
0x422: {  	[sflag:s4] =	ssyncadd.s32 $0xFFFF8000  }
0x423: {  	v16 =	vld [tilespmem:$0x1300];
	_ =	sdelay $0x4  }
0x424: {  	v17 =	vshll.u32 v16, $0x3  }
0x425: {  	v16 =	vand.u32 $0x7, v16;
	v17 =	vand.u32 $0xFFFFFFC0, v17  }
0x426: {  	v16 =	vor.u32 v16, v17  }
0x427: {  	v17 =	vperm.xlane v16, v13;
	_ =	sdelay $0x1  }
0x428: {  	v17 =	vadd.s32 v14, v17;
	_ =	sdelay $0x4  }
0x429: {  	[tilespmem:s6], [sflag:$0x1] =	stream.indirect_vreg.gather [hbm4b:s2+s3], $0x80, v17, vm0, $0xb8;
	[tilespmem:$0x19800] =	vst v63  }
0x42a: {  	s0 =	simm.s32 $0x2000;
	v16 =	vperm.xlane v16, v15  }
0x42b: {  	[tilespmem:s0], [sflag:$0x1] =	stream.indirect_vreg.gather [hbm4b:s8+s3], $0x80, v17, vm0, $0xb8;
	[tilespmem:$0x19800] =	vst v63  }
0x42c: {  	s18 =	simm.s32 $0x2800;
	v16 =	vadd.s32 v14, v16  }
0x42d: {  	[tilespmem:s18], [sflag:$0x1] =	stream.indirect_vreg.gather [hbm4b:s9+s3], $0x80, v17, vm0, $0xb8;
	[tilespmem:$0x19800] =	vst v63  }
0x42e: {  	s18 =	simm.s32 $0x3000  }
0x42f: {  	[tilespmem:s18], [sflag:$0x1] =	stream.indirect_vreg.gather [hbm4b:s11+s3], $0x80, v17, vm0, $0xb8;
	[tilespmem:$0x19800] =	vst v63  }
0x430: {  	s18 =	simm.s32 $0x3800  }
0x431: {  	[tilespmem:s18], [sflag:$0x1] =	stream.indirect_vreg.gather [hbm4b:s2+s3], $0x80, v16, vm0, $0xb8;
	[tilespmem:$0x19800] =	vst v63  }
0x432: {  	s26 =	simm.s32 $0x4000  }
0x433: {  	[tilespmem:s26], [sflag:$0x1] =	stream.indirect_vreg.gather [hbm4b:s8+s3], $0x80, v16, vm0, $0xb8;
	[tilespmem:$0x19800] =	vst v63  }
0x434: {  	s12 =	simm.s32 $0x4800  }
0x435: {  	[tilespmem:s12], [sflag:$0x1] =	stream.indirect_vreg.gather [hbm4b:s9+s3], $0x80, v16, vm0, $0xb8;
	[tilespmem:$0x19800] =	vst v63  }
0x436: {  	s19 =	simm.s32 $0x5000  }
0x437: {  	[tilespmem:s19], [sflag:$0x1] =	stream.indirect_vreg.gather [hbm4b:s11+s3], $0x80, v16, vm0, $0xb8;
	[tilespmem:$0x19800] =	vst v63  }
0x438: {  	v16 =	vld [tilespmem:$0x1310];
	_ =	sdelay $0x4  }
0x439: {  	v17 =	vshll.u32 v16, $0x3  }
0x43a: {  	v16 =	vand.u32 $0x7, v16;
	v17 =	vand.u32 $0xFFFFFFC0, v17  }
0x43b: {  	v16 =	vor.u32 v16, v17  }
0x43c: {  	v17 =	vperm.xlane v16, v13;
	_ =	sdelay $0x1  }
0x43d: {  	v17 =	vadd.s32 v14, v17;
	_ =	sdelay $0x3  }
0x43e: {  	s20 =	simm.s32 $0x5800  }
0x43f: {  	[tilespmem:s20], [sflag:$0x1] =	stream.indirect_vreg.gather [hbm4b:s2+s3], $0x80, v17, vm0, $0xb8;
	[tilespmem:$0x19800] =	vst v63  }
0x440: {  	s21 =	simm.s32 $0x6000;
	v16 =	vperm.xlane v16, v15  }
0x441: {  	[tilespmem:s21], [sflag:$0x1] =	stream.indirect_vreg.gather [hbm4b:s8+s3], $0x80, v17, vm0, $0xb8;
	[tilespmem:$0x19800] =	vst v63  }
0x442: {  	s13 =	simm.s32 $0x6800;
	v16 =	vadd.s32 v14, v16  }
0x443: {  	[tilespmem:s13], [sflag:$0x1] =	stream.indirect_vreg.gather [hbm4b:s9+s3], $0x80, v17, vm0, $0xb8;
	[tilespmem:$0x19800] =	vst v63  }
0x444: {  	s14 =	simm.s32 $0x7000  }
0x445: {  	[tilespmem:s14], [sflag:$0x1] =	stream.indirect_vreg.gather [hbm4b:s11+s3], $0x80, v17, vm0, $0xb8;
	[tilespmem:$0x19800] =	vst v63  }
0x446: {  	s15 =	simm.s32 $0x7800  }
0x447: {  	[tilespmem:s15], [sflag:$0x1] =	stream.indirect_vreg.gather [hbm4b:s2+s3], $0x80, v16, vm0, $0xb8;
	[tilespmem:$0x19800] =	vst v63  }
0x448: {  	s16 =	simm.s32 $0x8000  }
0x449: {  	[tilespmem:s16], [sflag:$0x1] =	stream.indirect_vreg.gather [hbm4b:s8+s3], $0x80, v16, vm0, $0xb8;
	[tilespmem:$0x19800] =	vst v63  }
0x44a: {  	s17 =	simm.s32 $0x8800  }
0x44b: {  	[tilespmem:s17], [sflag:$0x1] =	stream.indirect_vreg.gather [hbm4b:s9+s3], $0x80, v16, vm0, $0xb8;
	[tilespmem:$0x19800] =	vst v63  }
0x44c: {  	s18 =	simm.s32 $0x9000  }
0x44d: {  	[tilespmem:s18], [sflag:$0x1] =	stream.indirect_vreg.gather [hbm4b:s11+s3], $0x80, v16, vm0, $0xb8;
	[tilespmem:$0x19800] =	vst v63  }
0x44e: {  	_ =	swait.ge [sflag:s22], $0x8000  }
0x44f: {  	[sflag:s22] =	ssyncset.done $0x0  }
0x450: {  	s0 =	rddreg [dreg:$0xb];
	[sflag:s22] =	ssyncadd.s32 $0xFFFF8000  }
0x451: {  	[hbm4b:s0+s3] =	stream.linear.scatter [tilespmem:s10], [sflag:$0x6], $0x8000, $0x38;
	[tilespmem:$0x19800] =	vst v63  }
0x452: {  	_ =	swait.ge [sflag:s23], $0x8000  }
0x453: {  	[sflag:s23] =	ssyncset.done $0x0  }
0x454: {  	[sflag:s23] =	ssyncadd.s32 $0xFFFF8000  }
0x455: {  	v16 =	vld [tilespmem:$0x1380];
	_ =	sdelay $0x4  }
0x456: {  	v17 =	vshll.u32 v16, $0x3  }
0x457: {  	v16 =	vand.u32 $0x7, v16;
	v17 =	vand.u32 $0xFFFFFFC0, v17  }
0x458: {  	v16 =	vor.u32 v16, v17  }
0x459: {  	v17 =	vperm.xlane v16, v13;
	_ =	sdelay $0x1  }
0x45a: {  	v17 =	vadd.s32 v14, v17;
	_ =	sdelay $0x4  }
0x45b: {  	[tilespmem:s25], [sflag:$0x2] =	stream.indirect_vreg.gather [hbm4b:s2+s3], $0x80, v17, vm0, $0xb8;
	[tilespmem:$0x19800] =	vst v63  }
0x45c: {  	s0 =	simm.s32 $0xA000;
	v16 =	vperm.xlane v16, v15  }
0x45d: {  	[tilespmem:s0], [sflag:$0x2] =	stream.indirect_vreg.gather [hbm4b:s8+s3], $0x80, v17, vm0, $0xb8;
	[tilespmem:$0x19800] =	vst v63  }
0x45e: {  	v16 =	vadd.s32 v14, v16;
	s0 =	simm.s32 $0xA800  }
0x45f: {  	[tilespmem:s0], [sflag:$0x2] =	stream.indirect_vreg.gather [hbm4b:s9+s3], $0x80, v17, vm0, $0xb8;
	[tilespmem:$0x19800] =	vst v63  }
0x460: {  	s0 =	simm.s32 $0xB000  }
0x461: {  	[tilespmem:s0], [sflag:$0x2] =	stream.indirect_vreg.gather [hbm4b:s11+s3], $0x80, v17, vm0, $0xb8;
	[tilespmem:$0x19800] =	vst v63  }
0x462: {  	s0 =	simm.s32 $0xB800  }
0x463: {  	[tilespmem:s0], [sflag:$0x2] =	stream.indirect_vreg.gather [hbm4b:s2+s3], $0x80, v16, vm0, $0xb8;
	[tilespmem:$0x19800] =	vst v63  }
0x464: {  	s0 =	simm.s32 $0xC000  }
0x465: {  	[tilespmem:s0], [sflag:$0x2] =	stream.indirect_vreg.gather [hbm4b:s8+s3], $0x80, v16, vm0, $0xb8;
	[tilespmem:$0x19800] =	vst v63  }
0x466: {  	s0 =	simm.s32 $0xC800  }
0x467: {  	[tilespmem:s0], [sflag:$0x2] =	stream.indirect_vreg.gather [hbm4b:s9+s3], $0x80, v16, vm0, $0xb8;
	[tilespmem:$0x19800] =	vst v63  }
0x468: {  	s0 =	simm.s32 $0xD000  }
0x469: {  	[tilespmem:s0], [sflag:$0x2] =	stream.indirect_vreg.gather [hbm4b:s11+s3], $0x80, v16, vm0, $0xb8;
	[tilespmem:$0x19800] =	vst v63  }
0x46a: {  	v16 =	vld [tilespmem:$0x1390];
	_ =	sdelay $0x4  }
0x46b: {  	v17 =	vshll.u32 v16, $0x3  }
0x46c: {  	v16 =	vand.u32 $0x7, v16;
	v17 =	vand.u32 $0xFFFFFFC0, v17  }
0x46d: {  	v16 =	vor.u32 v16, v17  }
0x46e: {  	v17 =	vperm.xlane v16, v13;
	_ =	sdelay $0x1  }
0x46f: {  	v17 =	vadd.s32 v14, v17;
	_ =	sdelay $0x3  }
0x470: {  	s0 =	simm.s32 $0xD800  }
0x471: {  	[tilespmem:s0], [sflag:$0x2] =	stream.indirect_vreg.gather [hbm4b:s2+s3], $0x80, v17, vm0, $0xb8;
	[tilespmem:$0x19800] =	vst v63  }
0x472: {  	v16 =	vperm.xlane v16, v15;
	s0 =	simm.s32 $0xE000  }
0x473: {  	[tilespmem:s0], [sflag:$0x2] =	stream.indirect_vreg.gather [hbm4b:s8+s3], $0x80, v17, vm0, $0xb8;
	[tilespmem:$0x19800] =	vst v63  }
0x474: {  	v16 =	vadd.s32 v14, v16;
	s0 =	simm.s32 $0xE800  }
0x475: {  	[tilespmem:s0], [sflag:$0x2] =	stream.indirect_vreg.gather [hbm4b:s9+s3], $0x80, v17, vm0, $0xb8;
	[tilespmem:$0x19800] =	vst v63  }
0x476: {  	s0 =	simm.s32 $0xF000  }
0x477: {  	[tilespmem:s0], [sflag:$0x2] =	stream.indirect_vreg.gather [hbm4b:s11+s3], $0x80, v17, vm0, $0xb8;
	[tilespmem:$0x19800] =	vst v63  }
0x478: {  	s0 =	simm.s32 $0xF800  }
0x479: {  	[tilespmem:s0], [sflag:$0x2] =	stream.indirect_vreg.gather [hbm4b:s2+s3], $0x80, v16, vm0, $0xb8;
	[tilespmem:$0x19800] =	vst v63  }
0x47a: {  	s0 =	simm.s32 $0x10000  }
0x47b: {  	[tilespmem:s0], [sflag:$0x2] =	stream.indirect_vreg.gather [hbm4b:s8+s3], $0x80, v16, vm0, $0xb8;
	[tilespmem:$0x19800] =	vst v63  }
0x47c: {  	s0 =	simm.s32 $0x10800  }
0x47d: {  	[tilespmem:s0], [sflag:$0x2] =	stream.indirect_vreg.gather [hbm4b:s9+s3], $0x80, v16, vm0, $0xb8;
	[tilespmem:$0x19800] =	vst v63  }
0x47e: {  	s0 =	simm.s32 $0x11000  }
0x47f: {  	[tilespmem:s0], [sflag:$0x2] =	stream.indirect_vreg.gather [hbm4b:s11+s3], $0x80, v16, vm0, $0xb8;
	[tilespmem:$0x19800] =	vst v63  }
0x480: {  	_ =	swait.ge [sflag:s1], $0x8000  }
0x481: {  	[sflag:s1] =	ssyncset.done $0x0  }
0x482: {  	s0 =	rddreg [dreg:$0xc];
	[sflag:s1] =	ssyncadd.s32 $0xFFFF8000  }
0x483: {  	[hbm4b:s0+s3] =	stream.linear.scatter [tilespmem:s6], [sflag:$0x4], $0x8000, $0x38;
	[tilespmem:$0x19800] =	vst v63  }
0x484: {  	_ =	swait.ge [sflag:s5], $0x8000  }
0x485: {  	[sflag:s5] =	ssyncset.done $0x0  }
0x486: {  	[sflag:s5] =	ssyncadd.s32 $0xFFFF8000  }
0x487: {  	v16 =	vld [tilespmem:$0x1400];
	_ =	sdelay $0x4  }
0x488: {  	v17 =	vshll.u32 v16, $0x3  }
0x489: {  	v16 =	vand.u32 $0x7, v16;
	v17 =	vand.u32 $0xFFFFFFC0, v17  }
0x48a: {  	v16 =	vor.u32 v16, v17  }
0x48b: {  	v17 =	vperm.xlane v16, v13;
	_ =	sdelay $0x1  }
0x48c: {  	v17 =	vadd.s32 v14, v17;
	_ =	sdelay $0x4  }
0x48d: {  	[tilespmem:s10], [sflag:$0x3] =	stream.indirect_vreg.gather [hbm4b:s2+s3], $0x80, v17, vm0, $0xb8;
	[tilespmem:$0x19800] =	vst v63  }
0x48e: {  	s0 =	simm.s32 $0x12000;
	v16 =	vperm.xlane v16, v15  }
0x48f: {  	[tilespmem:s0], [sflag:$0x3] =	stream.indirect_vreg.gather [hbm4b:s8+s3], $0x80, v17, vm0, $0xb8;
	[tilespmem:$0x19800] =	vst v63  }
0x490: {  	s24 =	simm.s32 $0x12800;
	v16 =	vadd.s32 v14, v16  }
0x491: {  	[tilespmem:s24], [sflag:$0x3] =	stream.indirect_vreg.gather [hbm4b:s9+s3], $0x80, v17, vm0, $0xb8;
	[tilespmem:$0x19800] =	vst v63  }
0x492: {  	s28 =	simm.s32 $0x13000  }
0x493: {  	[tilespmem:s28], [sflag:$0x3] =	stream.indirect_vreg.gather [hbm4b:s11+s3], $0x80, v17, vm0, $0xb8;
	[tilespmem:$0x19800] =	vst v63  }
0x494: {  	s29 =	simm.s32 $0x13800  }
0x495: {  	[tilespmem:s29], [sflag:$0x3] =	stream.indirect_vreg.gather [hbm4b:s2+s3], $0x80, v16, vm0, $0xb8;
	[tilespmem:$0x19800] =	vst v63  }
0x496: {  	s30 =	simm.s32 $0x14000  }
0x497: {  	[tilespmem:s30], [sflag:$0x3] =	stream.indirect_vreg.gather [hbm4b:s8+s3], $0x80, v16, vm0, $0xb8;
	[tilespmem:$0x19800] =	vst v63  }
0x498: {  	s0 =	simm.s32 $0x14800  }
0x499: {  	[tilespmem:s0], [sflag:$0x3] =	stream.indirect_vreg.gather [hbm4b:s9+s3], $0x80, v16, vm0, $0xb8;
	[tilespmem:$0x19800] =	vst v63  }
0x49a: {  	s0 =	simm.s32 $0x15000  }
0x49b: {  	[tilespmem:s0], [sflag:$0x3] =	stream.indirect_vreg.gather [hbm4b:s11+s3], $0x80, v16, vm0, $0xb8;
	[tilespmem:$0x19800] =	vst v63  }
0x49c: {  	v16 =	vld [tilespmem:$0x1410];
	_ =	sdelay $0x4  }
0x49d: {  	v17 =	vshll.u32 v16, $0x3  }
0x49e: {  	v16 =	vand.u32 $0x7, v16;
	v17 =	vand.u32 $0xFFFFFFC0, v17  }
0x49f: {  	v16 =	vor.u32 v16, v17  }
0x4a0: {  	v17 =	vperm.xlane v16, v13;
	_ =	sdelay $0x1  }
0x4a1: {  	v17 =	vadd.s32 v14, v17;
	_ =	sdelay $0x3  }
0x4a2: {  	s0 =	simm.s32 $0x15800  }
0x4a3: {  	[tilespmem:s0], [sflag:$0x3] =	stream.indirect_vreg.gather [hbm4b:s2+s3], $0x80, v17, vm0, $0xb8;
	[tilespmem:$0x19800] =	vst v63  }
0x4a4: {  	v16 =	vperm.xlane v16, v15;
	s0 =	simm.s32 $0x16000  }
0x4a5: {  	[tilespmem:s0], [sflag:$0x3] =	stream.indirect_vreg.gather [hbm4b:s8+s3], $0x80, v17, vm0, $0xb8;
	[tilespmem:$0x19800] =	vst v63  }
0x4a6: {  	v16 =	vadd.s32 v14, v16;
	s0 =	simm.s32 $0x16800  }
0x4a7: {  	[tilespmem:s0], [sflag:$0x3] =	stream.indirect_vreg.gather [hbm4b:s9+s3], $0x80, v17, vm0, $0xb8;
	[tilespmem:$0x19800] =	vst v63  }
0x4a8: {  	s0 =	simm.s32 $0x17000  }
0x4a9: {  	[tilespmem:s0], [sflag:$0x3] =	stream.indirect_vreg.gather [hbm4b:s11+s3], $0x80, v17, vm0, $0xb8;
	[tilespmem:$0x19800] =	vst v63  }
0x4aa: {  	s0 =	simm.s32 $0x17800  }
0x4ab: {  	[tilespmem:s0], [sflag:$0x3] =	stream.indirect_vreg.gather [hbm4b:s2+s3], $0x80, v16, vm0, $0xb8;
	[tilespmem:$0x19800] =	vst v63  }
0x4ac: {  	s0 =	simm.s32 $0x18000  }
0x4ad: {  	[tilespmem:s0], [sflag:$0x3] =	stream.indirect_vreg.gather [hbm4b:s8+s3], $0x80, v16, vm0, $0xb8;
	[tilespmem:$0x19800] =	vst v63  }
0x4ae: {  	s0 =	simm.s32 $0x18800  }
0x4af: {  	[tilespmem:s0], [sflag:$0x3] =	stream.indirect_vreg.gather [hbm4b:s9+s3], $0x80, v16, vm0, $0xb8;
	[tilespmem:$0x19800] =	vst v63  }
0x4b0: {  	s0 =	simm.s32 $0x19000  }
0x4b1: {  	[tilespmem:s0], [sflag:$0x3] =	stream.indirect_vreg.gather [hbm4b:s11+s3], $0x80, v16, vm0, $0xb8;
	[tilespmem:$0x19800] =	vst v63  }
0x4b2: {  	_ =	swait.ge [sflag:s31], $0x8000  }
0x4b3: {  	[sflag:s31] =	ssyncset.done $0x0  }
0x4b4: {  	s0 =	rddreg [dreg:$0xd];
	[sflag:s31] =	ssyncadd.s32 $0xFFFF8000  }
0x4b5: {  	[hbm4b:s0+s3] =	stream.linear.scatter [tilespmem:s25], [sflag:$0x5], $0x8000, $0x38;
	[tilespmem:$0x19800] =	vst v63  }
0x4b6: {  	_ =	swait.ge [sflag:s4], $0x8000  }
0x4b7: {  	[sflag:s4] =	ssyncset.done $0x0  }
0x4b8: {  	[sflag:s4] =	ssyncadd.s32 $0xFFFF8000  }
0x4b9: {  	v16 =	vld [tilespmem:$0x1480];
	_ =	sdelay $0x4  }
0x4ba: {  	v17 =	vshll.u32 v16, $0x3  }
0x4bb: {  	v16 =	vand.u32 $0x7, v16;
	v17 =	vand.u32 $0xFFFFFFC0, v17  }
0x4bc: {  	v16 =	vor.u32 v16, v17  }
0x4bd: {  	v17 =	vperm.xlane v16, v13;
	_ =	sdelay $0x1  }
0x4be: {  	v17 =	vadd.s32 v14, v17;
	_ =	sdelay $0x4  }
0x4bf: {  	[tilespmem:s6], [sflag:$0x1] =	stream.indirect_vreg.gather [hbm4b:s2+s3], $0x80, v17, vm0, $0xb8;
	[tilespmem:$0x19800] =	vst v63  }
0x4c0: {  	s0 =	simm.s32 $0x2000;
	v16 =	vperm.xlane v16, v15  }
0x4c1: {  	[tilespmem:s0], [sflag:$0x1] =	stream.indirect_vreg.gather [hbm4b:s8+s3], $0x80, v17, vm0, $0xb8;
	[tilespmem:$0x19800] =	vst v63  }
0x4c2: {  	v16 =	vadd.s32 v14, v16;
	s0 =	simm.s32 $0x2800  }
0x4c3: {  	[tilespmem:s0], [sflag:$0x1] =	stream.indirect_vreg.gather [hbm4b:s9+s3], $0x80, v17, vm0, $0xb8;
	[tilespmem:$0x19800] =	vst v63  }
0x4c4: {  	s0 =	simm.s32 $0x3000  }
0x4c5: {  	[tilespmem:s0], [sflag:$0x1] =	stream.indirect_vreg.gather [hbm4b:s11+s3], $0x80, v17, vm0, $0xb8;
	[tilespmem:$0x19800] =	vst v63  }
0x4c6: {  	s0 =	simm.s32 $0x3800  }
0x4c7: {  	[tilespmem:s0], [sflag:$0x1] =	stream.indirect_vreg.gather [hbm4b:s2+s3], $0x80, v16, vm0, $0xb8;
	[tilespmem:$0x19800] =	vst v63  }
0x4c8: {  	s26 =	simm.s32 $0x4000  }
0x4c9: {  	[tilespmem:s26], [sflag:$0x1] =	stream.indirect_vreg.gather [hbm4b:s8+s3], $0x80, v16, vm0, $0xb8;
	[tilespmem:$0x19800] =	vst v63  }
0x4ca: {  	s12 =	simm.s32 $0x4800  }
0x4cb: {  	[tilespmem:s12], [sflag:$0x1] =	stream.indirect_vreg.gather [hbm4b:s9+s3], $0x80, v16, vm0, $0xb8;
	[tilespmem:$0x19800] =	vst v63  }
0x4cc: {  	s19 =	simm.s32 $0x5000  }
0x4cd: {  	[tilespmem:s19], [sflag:$0x1] =	stream.indirect_vreg.gather [hbm4b:s11+s3], $0x80, v16, vm0, $0xb8;
	[tilespmem:$0x19800] =	vst v63  }
0x4ce: {  	v16 =	vld [tilespmem:$0x1490];
	_ =	sdelay $0x4  }
0x4cf: {  	v17 =	vshll.u32 v16, $0x3  }
0x4d0: {  	v16 =	vand.u32 $0x7, v16;
	v17 =	vand.u32 $0xFFFFFFC0, v17  }
0x4d1: {  	v16 =	vor.u32 v16, v17  }
0x4d2: {  	v17 =	vperm.xlane v16, v13;
	_ =	sdelay $0x1  }
0x4d3: {  	v17 =	vadd.s32 v14, v17;
	_ =	sdelay $0x3  }
0x4d4: {  	s20 =	simm.s32 $0x5800  }
0x4d5: {  	[tilespmem:s20], [sflag:$0x1] =	stream.indirect_vreg.gather [hbm4b:s2+s3], $0x80, v17, vm0, $0xb8;
	[tilespmem:$0x19800] =	vst v63  }
0x4d6: {  	s21 =	simm.s32 $0x6000;
	v16 =	vperm.xlane v16, v15  }
0x4d7: {  	[tilespmem:s21], [sflag:$0x1] =	stream.indirect_vreg.gather [hbm4b:s8+s3], $0x80, v17, vm0, $0xb8;
	[tilespmem:$0x19800] =	vst v63  }
0x4d8: {  	s13 =	simm.s32 $0x6800;
	v16 =	vadd.s32 v14, v16  }
0x4d9: {  	[tilespmem:s13], [sflag:$0x1] =	stream.indirect_vreg.gather [hbm4b:s9+s3], $0x80, v17, vm0, $0xb8;
	[tilespmem:$0x19800] =	vst v63  }
0x4da: {  	s14 =	simm.s32 $0x7000  }
0x4db: {  	[tilespmem:s14], [sflag:$0x1] =	stream.indirect_vreg.gather [hbm4b:s11+s3], $0x80, v17, vm0, $0xb8;
	[tilespmem:$0x19800] =	vst v63  }
0x4dc: {  	s15 =	simm.s32 $0x7800  }
0x4dd: {  	[tilespmem:s15], [sflag:$0x1] =	stream.indirect_vreg.gather [hbm4b:s2+s3], $0x80, v16, vm0, $0xb8;
	[tilespmem:$0x19800] =	vst v63  }
0x4de: {  	s16 =	simm.s32 $0x8000  }
0x4df: {  	[tilespmem:s16], [sflag:$0x1] =	stream.indirect_vreg.gather [hbm4b:s8+s3], $0x80, v16, vm0, $0xb8;
	[tilespmem:$0x19800] =	vst v63  }
0x4e0: {  	s17 =	simm.s32 $0x8800  }
0x4e1: {  	[tilespmem:s17], [sflag:$0x1] =	stream.indirect_vreg.gather [hbm4b:s9+s3], $0x80, v16, vm0, $0xb8;
	[tilespmem:$0x19800] =	vst v63  }
0x4e2: {  	s18 =	simm.s32 $0x9000  }
0x4e3: {  	[tilespmem:s18], [sflag:$0x1] =	stream.indirect_vreg.gather [hbm4b:s11+s3], $0x80, v16, vm0, $0xb8;
	[tilespmem:$0x19800] =	vst v63  }
0x4e4: {  	_ =	swait.ge [sflag:s22], $0x8000  }
0x4e5: {  	[sflag:s22] =	ssyncset.done $0x0  }
0x4e6: {  	s21 =	rddreg [dreg:$0xe];
	[sflag:s22] =	ssyncadd.s32 $0xFFFF8000  }
0x4e7: {  	[hbm4b:s21+s3] =	stream.linear.scatter [tilespmem:s10], [sflag:$0x6], $0x8000, $0x38;
	[tilespmem:$0x19800] =	vst v63  }
0x4e8: {  	_ =	swait.ge [sflag:s23], $0x8000  }
0x4e9: {  	[sflag:s23] =	ssyncset.done $0x0  }
0x4ea: {  	[sflag:s23] =	ssyncadd.s32 $0xFFFF8000  }
0x4eb: {  	v16 =	vld [tilespmem:$0x1500];
	_ =	sdelay $0x4  }
0x4ec: {  	v17 =	vshll.u32 v16, $0x3  }
0x4ed: {  	v16 =	vand.u32 $0x7, v16;
	v17 =	vand.u32 $0xFFFFFFC0, v17  }
0x4ee: {  	v16 =	vor.u32 v16, v17  }
0x4ef: {  	v17 =	vperm.xlane v16, v13;
	_ =	sdelay $0x1  }
0x4f0: {  	v17 =	vadd.s32 v14, v17;
	_ =	sdelay $0x4  }
0x4f1: {  	[tilespmem:s25], [sflag:$0x2] =	stream.indirect_vreg.gather [hbm4b:s2+s3], $0x80, v17, vm0, $0xb8;
	[tilespmem:$0x19800] =	vst v63  }
0x4f2: {  	s26 =	simm.s32 $0xA000;
	v16 =	vperm.xlane v16, v15  }
0x4f3: {  	[tilespmem:s26], [sflag:$0x2] =	stream.indirect_vreg.gather [hbm4b:s8+s3], $0x80, v17, vm0, $0xb8;
	[tilespmem:$0x19800] =	vst v63  }
0x4f4: {  	s12 =	simm.s32 $0xA800;
	v16 =	vadd.s32 v14, v16  }
0x4f5: {  	[tilespmem:s12], [sflag:$0x2] =	stream.indirect_vreg.gather [hbm4b:s9+s3], $0x80, v17, vm0, $0xb8;
	[tilespmem:$0x19800] =	vst v63  }
0x4f6: {  	s13 =	simm.s32 $0xB000  }
0x4f7: {  	[tilespmem:s13], [sflag:$0x2] =	stream.indirect_vreg.gather [hbm4b:s11+s3], $0x80, v17, vm0, $0xb8;
	[tilespmem:$0x19800] =	vst v63  }
0x4f8: {  	s14 =	simm.s32 $0xB800  }
0x4f9: {  	[tilespmem:s14], [sflag:$0x2] =	stream.indirect_vreg.gather [hbm4b:s2+s3], $0x80, v16, vm0, $0xb8;
	[tilespmem:$0x19800] =	vst v63  }
0x4fa: {  	s15 =	simm.s32 $0xC000  }
0x4fb: {  	[tilespmem:s15], [sflag:$0x2] =	stream.indirect_vreg.gather [hbm4b:s8+s3], $0x80, v16, vm0, $0xb8;
	[tilespmem:$0x19800] =	vst v63  }
0x4fc: {  	s16 =	simm.s32 $0xC800  }
0x4fd: {  	[tilespmem:s16], [sflag:$0x2] =	stream.indirect_vreg.gather [hbm4b:s9+s3], $0x80, v16, vm0, $0xb8;
	[tilespmem:$0x19800] =	vst v63  }
0x4fe: {  	s17 =	simm.s32 $0xD000  }
0x4ff: {  	[tilespmem:s17], [sflag:$0x2] =	stream.indirect_vreg.gather [hbm4b:s11+s3], $0x80, v16, vm0, $0xb8;
	[tilespmem:$0x19800] =	vst v63  }
0x500: {  	v16 =	vld [tilespmem:$0x1510];
	_ =	sdelay $0x4  }
0x501: {  	v17 =	vshll.u32 v16, $0x3  }
0x502: {  	v16 =	vand.u32 $0x7, v16;
	v17 =	vand.u32 $0xFFFFFFC0, v17  }
0x503: {  	v16 =	vor.u32 v16, v17  }
0x504: {  	v17 =	vperm.xlane v16, v13;
	_ =	sdelay $0x1  }
0x505: {  	v17 =	vadd.s32 v14, v17;
	_ =	sdelay $0x3  }
0x506: {  	s18 =	simm.s32 $0xD800  }
0x507: {  	[tilespmem:s18], [sflag:$0x2] =	stream.indirect_vreg.gather [hbm4b:s2+s3], $0x80, v17, vm0, $0xb8;
	[tilespmem:$0x19800] =	vst v63  }
0x508: {  	s20 =	simm.s32 $0xE000;
	v16 =	vperm.xlane v16, v15  }
0x509: {  	[tilespmem:s20], [sflag:$0x2] =	stream.indirect_vreg.gather [hbm4b:s8+s3], $0x80, v17, vm0, $0xb8;
	[tilespmem:$0x19800] =	vst v63  }
0x50a: {  	s21 =	simm.s32 $0xE800;
	v16 =	vadd.s32 v14, v16  }
0x50b: {  	[tilespmem:s21], [sflag:$0x2] =	stream.indirect_vreg.gather [hbm4b:s9+s3], $0x80, v17, vm0, $0xb8;
	[tilespmem:$0x19800] =	vst v63  }
0x50c: {  	s26 =	simm.s32 $0xF000  }
0x50d: {  	[tilespmem:s26], [sflag:$0x2] =	stream.indirect_vreg.gather [hbm4b:s11+s3], $0x80, v17, vm0, $0xb8;
	[tilespmem:$0x19800] =	vst v63  }
0x50e: {  	s12 =	simm.s32 $0xF800  }
0x50f: {  	[tilespmem:s12], [sflag:$0x2] =	stream.indirect_vreg.gather [hbm4b:s2+s3], $0x80, v16, vm0, $0xb8;
	[tilespmem:$0x19800] =	vst v63  }
0x510: {  	s13 =	simm.s32 $0x10000  }
0x511: {  	[tilespmem:s13], [sflag:$0x2] =	stream.indirect_vreg.gather [hbm4b:s8+s3], $0x80, v16, vm0, $0xb8;
	[tilespmem:$0x19800] =	vst v63  }
0x512: {  	s14 =	simm.s32 $0x10800  }
0x513: {  	[tilespmem:s14], [sflag:$0x2] =	stream.indirect_vreg.gather [hbm4b:s9+s3], $0x80, v16, vm0, $0xb8;
	[tilespmem:$0x19800] =	vst v63  }
0x514: {  	s15 =	simm.s32 $0x11000  }
0x515: {  	[tilespmem:s15], [sflag:$0x2] =	stream.indirect_vreg.gather [hbm4b:s11+s3], $0x80, v16, vm0, $0xb8;
	[tilespmem:$0x19800] =	vst v63  }
0x516: {  	_ =	swait.ge [sflag:s1], $0x8000  }
0x517: {  	[sflag:s1] =	ssyncset.done $0x0  }
0x518: {  	s16 =	rddreg [dreg:$0xf];
	[sflag:s1] =	ssyncadd.s32 $0xFFFF8000  }
0x519: {  	[hbm4b:s16+s3] =	stream.linear.scatter [tilespmem:s6], [sflag:$0x4], $0x8000, $0x38;
	[tilespmem:$0x19800] =	vst v63  }
0x51a: {  	_ =	swait.ge [sflag:s5], $0x8000  }
0x51b: {  	[sflag:s5] =	ssyncset.done $0x0  }
0x51c: {  	[sflag:s5] =	ssyncadd.s32 $0xFFFF8000  }
0x51d: {  	v16 =	vld [tilespmem:$0x1580];
	_ =	sdelay $0x4  }
0x51e: {  	v17 =	vshll.u32 v16, $0x3  }
0x51f: {  	v16 =	vand.u32 $0x7, v16;
	v17 =	vand.u32 $0xFFFFFFC0, v17  }
0x520: {  	v16 =	vor.u32 v16, v17  }
0x521: {  	v17 =	vperm.xlane v16, v13;
	_ =	sdelay $0x1  }
0x522: {  	v17 =	vadd.s32 v14, v17;
	_ =	sdelay $0x4  }
0x523: {  	[tilespmem:s10], [sflag:$0x3] =	stream.indirect_vreg.gather [hbm4b:s2+s3], $0x80, v17, vm0, $0xb8;
	[tilespmem:$0x19800] =	vst v63  }
0x524: {  	s17 =	simm.s32 $0x12000;
	v16 =	vperm.xlane v16, v15  }
0x525: {  	[tilespmem:s17], [sflag:$0x3] =	stream.indirect_vreg.gather [hbm4b:s8+s3], $0x80, v17, vm0, $0xb8;
	[tilespmem:$0x19800] =	vst v63  }
0x526: {  	s24 =	simm.s32 $0x12800;
	v16 =	vadd.s32 v14, v16  }
0x527: {  	[tilespmem:s24], [sflag:$0x3] =	stream.indirect_vreg.gather [hbm4b:s9+s3], $0x80, v17, vm0, $0xb8;
	[tilespmem:$0x19800] =	vst v63  }
0x528: {  	s28 =	simm.s32 $0x13000  }
0x529: {  	[tilespmem:s28], [sflag:$0x3] =	stream.indirect_vreg.gather [hbm4b:s11+s3], $0x80, v17, vm0, $0xb8;
	[tilespmem:$0x19800] =	vst v63  }
0x52a: {  	s29 =	simm.s32 $0x13800  }
0x52b: {  	[tilespmem:s29], [sflag:$0x3] =	stream.indirect_vreg.gather [hbm4b:s2+s3], $0x80, v16, vm0, $0xb8;
	[tilespmem:$0x19800] =	vst v63  }
0x52c: {  	s30 =	simm.s32 $0x14000  }
0x52d: {  	[tilespmem:s30], [sflag:$0x3] =	stream.indirect_vreg.gather [hbm4b:s8+s3], $0x80, v16, vm0, $0xb8;
	[tilespmem:$0x19800] =	vst v63  }
0x52e: {  	s18 =	simm.s32 $0x14800  }
0x52f: {  	[tilespmem:s18], [sflag:$0x3] =	stream.indirect_vreg.gather [hbm4b:s9+s3], $0x80, v16, vm0, $0xb8;
	[tilespmem:$0x19800] =	vst v63  }
0x530: {  	s20 =	simm.s32 $0x15000  }
0x531: {  	[tilespmem:s20], [sflag:$0x3] =	stream.indirect_vreg.gather [hbm4b:s11+s3], $0x80, v16, vm0, $0xb8;
	[tilespmem:$0x19800] =	vst v63  }
0x532: {  	v16 =	vld [tilespmem:$0x1590];
	_ =	sdelay $0x4  }
0x533: {  	v17 =	vshll.u32 v16, $0x3  }
0x534: {  	v16 =	vand.u32 $0x7, v16;
	v17 =	vand.u32 $0xFFFFFFC0, v17  }
0x535: {  	v16 =	vor.u32 v16, v17  }
0x536: {  	v17 =	vperm.xlane v16, v13;
	_ =	sdelay $0x1  }
0x537: {  	v17 =	vadd.s32 v14, v17;
	_ =	sdelay $0x3  }
0x538: {  	s26 =	simm.s32 $0x15800  }
0x539: {  	[tilespmem:s26], [sflag:$0x3] =	stream.indirect_vreg.gather [hbm4b:s2+s3], $0x80, v17, vm0, $0xb8;
	[tilespmem:$0x19800] =	vst v63  }
0x53a: {  	s30 =	simm.s32 $0x16000;
	v16 =	vperm.xlane v16, v15  }
0x53b: {  	[tilespmem:s30], [sflag:$0x3] =	stream.indirect_vreg.gather [hbm4b:s8+s3], $0x80, v17, vm0, $0xb8;
	[tilespmem:$0x19800] =	vst v63  }
0x53c: {  	s12 =	simm.s32 $0x16800;
	v16 =	vadd.s32 v14, v16  }
0x53d: {  	[tilespmem:s12], [sflag:$0x3] =	stream.indirect_vreg.gather [hbm4b:s9+s3], $0x80, v17, vm0, $0xb8;
	[tilespmem:$0x19800] =	vst v63  }
0x53e: {  	s13 =	simm.s32 $0x17000  }
0x53f: {  	[tilespmem:s13], [sflag:$0x3] =	stream.indirect_vreg.gather [hbm4b:s11+s3], $0x80, v17, vm0, $0xb8;
	[tilespmem:$0x19800] =	vst v63  }
0x540: {  	s14 =	simm.s32 $0x17800  }
0x541: {  	[tilespmem:s14], [sflag:$0x3] =	stream.indirect_vreg.gather [hbm4b:s2+s3], $0x80, v16, vm0, $0xb8;
	[tilespmem:$0x19800] =	vst v63  }
0x542: {  	s15 =	simm.s32 $0x18000  }
0x543: {  	[tilespmem:s15], [sflag:$0x3] =	stream.indirect_vreg.gather [hbm4b:s8+s3], $0x80, v16, vm0, $0xb8;
	[tilespmem:$0x19800] =	vst v63  }
0x544: {  	s16 =	simm.s32 $0x18800  }
0x545: {  	[tilespmem:s16], [sflag:$0x3] =	stream.indirect_vreg.gather [hbm4b:s9+s3], $0x80, v16, vm0, $0xb8;
	[tilespmem:$0x19800] =	vst v63  }
0x546: {  	s18 =	simm.s32 $0x19000  }
0x547: {  	[tilespmem:s18], [sflag:$0x3] =	stream.indirect_vreg.gather [hbm4b:s11+s3], $0x80, v16, vm0, $0xb8;
	[tilespmem:$0x19800] =	vst v63  }
0x548: {  	_ =	swait.ge [sflag:s31], $0x8000  }
0x549: {  	[sflag:s31] =	ssyncset.done $0x0  }
0x54a: {  	s20 =	rddreg [dreg:$0x10];
	[sflag:s31] =	ssyncadd.s32 $0xFFFF8000  }
0x54b: {  	[hbm4b:s20+s3] =	stream.linear.scatter [tilespmem:s25], [sflag:$0x5], $0x8000, $0x38;
	[tilespmem:$0x19800] =	vst v63  }
0x54c: {  	_ =	swait.ge [sflag:s4], $0x8000  }
0x54d: {  	[sflag:s4] =	ssyncset.done $0x0  }
0x54e: {  	[sflag:s4] =	ssyncadd.s32 $0xFFFF8000  }
0x54f: {  	v16 =	vld [tilespmem:$0x1600];
	_ =	sdelay $0x4  }
0x550: {  	v17 =	vshll.u32 v16, $0x3  }
0x551: {  	v16 =	vand.u32 $0x7, v16;
	v17 =	vand.u32 $0xFFFFFFC0, v17  }
0x552: {  	v16 =	vor.u32 v16, v17  }
0x553: {  	v17 =	vperm.xlane v16, v13;
	_ =	sdelay $0x1  }
0x554: {  	v17 =	vadd.s32 v14, v17;
	_ =	sdelay $0x4  }
0x555: {  	[tilespmem:s6], [sflag:$0x1] =	stream.indirect_vreg.gather [hbm4b:s2+s3], $0x80, v17, vm0, $0xb8;
	[tilespmem:$0x19800] =	vst v63  }
0x556: {  	s26 =	simm.s32 $0x2000;
	v16 =	vperm.xlane v16, v15  }
0x557: {  	[tilespmem:s26], [sflag:$0x1] =	stream.indirect_vreg.gather [hbm4b:s8+s3], $0x80, v17, vm0, $0xb8;
	[tilespmem:$0x19800] =	vst v63  }
0x558: {  	s18 =	simm.s32 $0x2800;
	v16 =	vadd.s32 v14, v16  }
0x559: {  	[tilespmem:s18], [sflag:$0x1] =	stream.indirect_vreg.gather [hbm4b:s9+s3], $0x80, v17, vm0, $0xb8;
	[tilespmem:$0x19800] =	vst v63  }
0x55a: {  	s20 =	simm.s32 $0x3000  }
0x55b: {  	[tilespmem:s20], [sflag:$0x1] =	stream.indirect_vreg.gather [hbm4b:s11+s3], $0x80, v17, vm0, $0xb8;
	[tilespmem:$0x19800] =	vst v63  }
0x55c: {  	s26 =	simm.s32 $0x3800  }
0x55d: {  	[tilespmem:s26], [sflag:$0x1] =	stream.indirect_vreg.gather [hbm4b:s2+s3], $0x80, v16, vm0, $0xb8;
	[tilespmem:$0x19800] =	vst v63  }
0x55e: {  	s0 =	simm.s32 $0x4000  }
0x55f: {  	[tilespmem:s0], [sflag:$0x1] =	stream.indirect_vreg.gather [hbm4b:s8+s3], $0x80, v16, vm0, $0xb8;
	[tilespmem:$0x19800] =	vst v63  }
0x560: {  	s0 =	simm.s32 $0x4800  }
0x561: {  	[tilespmem:s0], [sflag:$0x1] =	stream.indirect_vreg.gather [hbm4b:s9+s3], $0x80, v16, vm0, $0xb8;
	[tilespmem:$0x19800] =	vst v63  }
0x562: {  	s0 =	simm.s32 $0x5000  }
0x563: {  	[tilespmem:s0], [sflag:$0x1] =	stream.indirect_vreg.gather [hbm4b:s11+s3], $0x80, v16, vm0, $0xb8;
	[tilespmem:$0x19800] =	vst v63  }
0x564: {  	v16 =	vld [tilespmem:$0x1610];
	_ =	sdelay $0x4  }
0x565: {  	v17 =	vshll.u32 v16, $0x3  }
0x566: {  	v16 =	vand.u32 $0x7, v16;
	v17 =	vand.u32 $0xFFFFFFC0, v17  }
0x567: {  	v16 =	vor.u32 v16, v17  }
0x568: {  	v17 =	vperm.xlane v16, v13;
	_ =	sdelay $0x1  }
0x569: {  	v17 =	vadd.s32 v14, v17;
	_ =	sdelay $0x3  }
0x56a: {  	s0 =	simm.s32 $0x5800  }
0x56b: {  	[tilespmem:s0], [sflag:$0x1] =	stream.indirect_vreg.gather [hbm4b:s2+s3], $0x80, v17, vm0, $0xb8;
	[tilespmem:$0x19800] =	vst v63  }
0x56c: {  	v16 =	vperm.xlane v16, v15;
	s0 =	simm.s32 $0x6000  }
0x56d: {  	[tilespmem:s0], [sflag:$0x1] =	stream.indirect_vreg.gather [hbm4b:s8+s3], $0x80, v17, vm0, $0xb8;
	[tilespmem:$0x19800] =	vst v63  }
0x56e: {  	v16 =	vadd.s32 v14, v16;
	s0 =	simm.s32 $0x6800  }
0x56f: {  	[tilespmem:s0], [sflag:$0x1] =	stream.indirect_vreg.gather [hbm4b:s9+s3], $0x80, v17, vm0, $0xb8;
	[tilespmem:$0x19800] =	vst v63  }
0x570: {  	s0 =	simm.s32 $0x7000  }
0x571: {  	[tilespmem:s0], [sflag:$0x1] =	stream.indirect_vreg.gather [hbm4b:s11+s3], $0x80, v17, vm0, $0xb8;
	[tilespmem:$0x19800] =	vst v63  }
0x572: {  	s0 =	simm.s32 $0x7800  }
0x573: {  	[tilespmem:s0], [sflag:$0x1] =	stream.indirect_vreg.gather [hbm4b:s2+s3], $0x80, v16, vm0, $0xb8;
	[tilespmem:$0x19800] =	vst v63  }
0x574: {  	s0 =	simm.s32 $0x8000  }
0x575: {  	[tilespmem:s0], [sflag:$0x1] =	stream.indirect_vreg.gather [hbm4b:s8+s3], $0x80, v16, vm0, $0xb8;
	[tilespmem:$0x19800] =	vst v63  }
0x576: {  	s0 =	simm.s32 $0x8800  }
0x577: {  	[tilespmem:s0], [sflag:$0x1] =	stream.indirect_vreg.gather [hbm4b:s9+s3], $0x80, v16, vm0, $0xb8;
	[tilespmem:$0x19800] =	vst v63  }
0x578: {  	s19 =	simm.s32 $0x9000  }
0x579: {  	[tilespmem:s19], [sflag:$0x1] =	stream.indirect_vreg.gather [hbm4b:s11+s3], $0x80, v16, vm0, $0xb8;
	[tilespmem:$0x19800] =	vst v63  }
0x57a: {  	_ =	swait.ge [sflag:s22], $0x8000  }
0x57b: {  	[sflag:s22] =	ssyncset.done $0x0  }
0x57c: {  	s0 =	rddreg [dreg:$0x11];
	[sflag:s22] =	ssyncadd.s32 $0xFFFF8000  }
0x57d: {  	[hbm4b:s0+s3] =	stream.linear.scatter [tilespmem:s10], [sflag:$0x6], $0x8000, $0x38;
	[tilespmem:$0x19800] =	vst v63  }
0x57e: {  	_ =	swait.ge [sflag:s23], $0x8000  }
0x57f: {  	[sflag:s23] =	ssyncset.done $0x0  }
0x580: {  	[sflag:s23] =	ssyncadd.s32 $0xFFFF8000  }
0x581: {  	v16 =	vld [tilespmem:$0x1680];
	_ =	sdelay $0x4  }
0x582: {  	v17 =	vshll.u32 v16, $0x3  }
0x583: {  	v16 =	vand.u32 $0x7, v16;
	v17 =	vand.u32 $0xFFFFFFC0, v17  }
0x584: {  	v16 =	vor.u32 v16, v17  }
0x585: {  	v17 =	vperm.xlane v16, v13;
	_ =	sdelay $0x1  }
0x586: {  	v17 =	vadd.s32 v14, v17;
	_ =	sdelay $0x4  }
0x587: {  	[tilespmem:s25], [sflag:$0x2] =	stream.indirect_vreg.gather [hbm4b:s2+s3], $0x80, v17, vm0, $0xb8;
	[tilespmem:$0x19800] =	vst v63  }
0x588: {  	s0 =	simm.s32 $0xA000;
	v16 =	vperm.xlane v16, v15  }
0x589: {  	[tilespmem:s0], [sflag:$0x2] =	stream.indirect_vreg.gather [hbm4b:s8+s3], $0x80, v17, vm0, $0xb8;
	[tilespmem:$0x19800] =	vst v63  }
0x58a: {  	v16 =	vadd.s32 v14, v16;
	s0 =	simm.s32 $0xA800  }
0x58b: {  	[tilespmem:s0], [sflag:$0x2] =	stream.indirect_vreg.gather [hbm4b:s9+s3], $0x80, v17, vm0, $0xb8;
	[tilespmem:$0x19800] =	vst v63  }
0x58c: {  	s0 =	simm.s32 $0xB000  }
0x58d: {  	[tilespmem:s0], [sflag:$0x2] =	stream.indirect_vreg.gather [hbm4b:s11+s3], $0x80, v17, vm0, $0xb8;
	[tilespmem:$0x19800] =	vst v63  }
0x58e: {  	s0 =	simm.s32 $0xB800  }
0x58f: {  	[tilespmem:s0], [sflag:$0x2] =	stream.indirect_vreg.gather [hbm4b:s2+s3], $0x80, v16, vm0, $0xb8;
	[tilespmem:$0x19800] =	vst v63  }
0x590: {  	s0 =	simm.s32 $0xC000  }
0x591: {  	[tilespmem:s0], [sflag:$0x2] =	stream.indirect_vreg.gather [hbm4b:s8+s3], $0x80, v16, vm0, $0xb8;
	[tilespmem:$0x19800] =	vst v63  }
0x592: {  	s0 =	simm.s32 $0xC800  }
0x593: {  	[tilespmem:s0], [sflag:$0x2] =	stream.indirect_vreg.gather [hbm4b:s9+s3], $0x80, v16, vm0, $0xb8;
	[tilespmem:$0x19800] =	vst v63  }
0x594: {  	s0 =	simm.s32 $0xD000  }
0x595: {  	[tilespmem:s0], [sflag:$0x2] =	stream.indirect_vreg.gather [hbm4b:s11+s3], $0x80, v16, vm0, $0xb8;
	[tilespmem:$0x19800] =	vst v63  }
0x596: {  	v16 =	vld [tilespmem:$0x1690];
	_ =	sdelay $0x4  }
0x597: {  	v17 =	vshll.u32 v16, $0x3  }
0x598: {  	v16 =	vand.u32 $0x7, v16;
	v17 =	vand.u32 $0xFFFFFFC0, v17  }
0x599: {  	v16 =	vor.u32 v16, v17  }
0x59a: {  	v17 =	vperm.xlane v16, v13;
	_ =	sdelay $0x1  }
0x59b: {  	v17 =	vadd.s32 v14, v17;
	_ =	sdelay $0x3  }
0x59c: {  	s0 =	simm.s32 $0xD800  }
0x59d: {  	[tilespmem:s0], [sflag:$0x2] =	stream.indirect_vreg.gather [hbm4b:s2+s3], $0x80, v17, vm0, $0xb8;
	[tilespmem:$0x19800] =	vst v63  }
0x59e: {  	v16 =	vperm.xlane v16, v15;
	s0 =	simm.s32 $0xE000  }
0x59f: {  	[tilespmem:s0], [sflag:$0x2] =	stream.indirect_vreg.gather [hbm4b:s8+s3], $0x80, v17, vm0, $0xb8;
	[tilespmem:$0x19800] =	vst v63  }
0x5a0: {  	v16 =	vadd.s32 v14, v16;
	s0 =	simm.s32 $0xE800  }
0x5a1: {  	[tilespmem:s0], [sflag:$0x2] =	stream.indirect_vreg.gather [hbm4b:s9+s3], $0x80, v17, vm0, $0xb8;
	[tilespmem:$0x19800] =	vst v63  }
0x5a2: {  	s0 =	simm.s32 $0xF000  }
0x5a3: {  	[tilespmem:s0], [sflag:$0x2] =	stream.indirect_vreg.gather [hbm4b:s11+s3], $0x80, v17, vm0, $0xb8;
	[tilespmem:$0x19800] =	vst v63  }
0x5a4: {  	s0 =	simm.s32 $0xF800  }
0x5a5: {  	[tilespmem:s0], [sflag:$0x2] =	stream.indirect_vreg.gather [hbm4b:s2+s3], $0x80, v16, vm0, $0xb8;
	[tilespmem:$0x19800] =	vst v63  }
0x5a6: {  	s0 =	simm.s32 $0x10000  }
0x5a7: {  	[tilespmem:s0], [sflag:$0x2] =	stream.indirect_vreg.gather [hbm4b:s8+s3], $0x80, v16, vm0, $0xb8;
	[tilespmem:$0x19800] =	vst v63  }
0x5a8: {  	s0 =	simm.s32 $0x10800  }
0x5a9: {  	[tilespmem:s0], [sflag:$0x2] =	stream.indirect_vreg.gather [hbm4b:s9+s3], $0x80, v16, vm0, $0xb8;
	[tilespmem:$0x19800] =	vst v63  }
0x5aa: {  	s0 =	simm.s32 $0x11000  }
0x5ab: {  	[tilespmem:s0], [sflag:$0x2] =	stream.indirect_vreg.gather [hbm4b:s11+s3], $0x80, v16, vm0, $0xb8;
	[tilespmem:$0x19800] =	vst v63  }
0x5ac: {  	_ =	swait.ge [sflag:s1], $0x8000  }
0x5ad: {  	[sflag:s1] =	ssyncset.done $0x0  }
0x5ae: {  	s0 =	rddreg [dreg:$0x12];
	[sflag:s1] =	ssyncadd.s32 $0xFFFF8000  }
0x5af: {  	[hbm4b:s0+s3] =	stream.linear.scatter [tilespmem:s6], [sflag:$0x4], $0x8000, $0x38;
	[tilespmem:$0x19800] =	vst v63  }
0x5b0: {  	_ =	swait.ge [sflag:s5], $0x8000  }
0x5b1: {  	[sflag:s5] =	ssyncset.done $0x0  }
0x5b2: {  	[sflag:s5] =	ssyncadd.s32 $0xFFFF8000  }
0x5b3: {  	v16 =	vld [tilespmem:$0x1700];
	_ =	sdelay $0x4  }
0x5b4: {  	v17 =	vshll.u32 v16, $0x3  }
0x5b5: {  	v16 =	vand.u32 $0x7, v16;
	v17 =	vand.u32 $0xFFFFFFC0, v17  }
0x5b6: {  	v16 =	vor.u32 v16, v17  }
0x5b7: {  	v17 =	vperm.xlane v16, v13;
	_ =	sdelay $0x1  }
0x5b8: {  	v17 =	vadd.s32 v14, v17;
	_ =	sdelay $0x4  }
0x5b9: {  	[tilespmem:s10], [sflag:$0x3] =	stream.indirect_vreg.gather [hbm4b:s2+s3], $0x80, v17, vm0, $0xb8;
	[tilespmem:$0x19800] =	vst v63  }
0x5ba: {  	s0 =	simm.s32 $0x12000;
	v16 =	vperm.xlane v16, v15  }
0x5bb: {  	[tilespmem:s0], [sflag:$0x3] =	stream.indirect_vreg.gather [hbm4b:s8+s3], $0x80, v17, vm0, $0xb8;
	[tilespmem:$0x19800] =	vst v63  }
0x5bc: {  	s17 =	simm.s32 $0x12800;
	v16 =	vadd.s32 v14, v16  }
0x5bd: {  	[tilespmem:s17], [sflag:$0x3] =	stream.indirect_vreg.gather [hbm4b:s9+s3], $0x80, v17, vm0, $0xb8;
	[tilespmem:$0x19800] =	vst v63  }
0x5be: {  	s21 =	simm.s32 $0x13000  }
0x5bf: {  	[tilespmem:s21], [sflag:$0x3] =	stream.indirect_vreg.gather [hbm4b:s11+s3], $0x80, v17, vm0, $0xb8;
	[tilespmem:$0x19800] =	vst v63  }
0x5c0: {  	s24 =	simm.s32 $0x13800  }
0x5c1: {  	[tilespmem:s24], [sflag:$0x3] =	stream.indirect_vreg.gather [hbm4b:s2+s3], $0x80, v16, vm0, $0xb8;
	[tilespmem:$0x19800] =	vst v63  }
0x5c2: {  	s28 =	simm.s32 $0x14000  }
0x5c3: {  	[tilespmem:s28], [sflag:$0x3] =	stream.indirect_vreg.gather [hbm4b:s8+s3], $0x80, v16, vm0, $0xb8;
	[tilespmem:$0x19800] =	vst v63  }
0x5c4: {  	s29 =	simm.s32 $0x14800  }
0x5c5: {  	[tilespmem:s29], [sflag:$0x3] =	stream.indirect_vreg.gather [hbm4b:s9+s3], $0x80, v16, vm0, $0xb8;
	[tilespmem:$0x19800] =	vst v63  }
0x5c6: {  	s21 =	simm.s32 $0x15000  }
0x5c7: {  	[tilespmem:s21], [sflag:$0x3] =	stream.indirect_vreg.gather [hbm4b:s11+s3], $0x80, v16, vm0, $0xb8;
	[tilespmem:$0x19800] =	vst v63  }
0x5c8: {  	v16 =	vld [tilespmem:$0x1710];
	_ =	sdelay $0x4  }
0x5c9: {  	v17 =	vshll.u32 v16, $0x3  }
0x5ca: {  	v16 =	vand.u32 $0x7, v16;
	v17 =	vand.u32 $0xFFFFFFC0, v17  }
0x5cb: {  	v16 =	vor.u32 v16, v17  }
0x5cc: {  	v17 =	vperm.xlane v16, v13;
	_ =	sdelay $0x1  }
0x5cd: {  	v17 =	vadd.s32 v14, v17;
	_ =	sdelay $0x3  }
0x5ce: {  	s24 =	simm.s32 $0x15800  }
0x5cf: {  	[tilespmem:s24], [sflag:$0x3] =	stream.indirect_vreg.gather [hbm4b:s2+s3], $0x80, v17, vm0, $0xb8;
	[tilespmem:$0x19800] =	vst v63  }
0x5d0: {  	s28 =	simm.s32 $0x16000;
	v16 =	vperm.xlane v16, v15  }
0x5d1: {  	[tilespmem:s28], [sflag:$0x3] =	stream.indirect_vreg.gather [hbm4b:s8+s3], $0x80, v17, vm0, $0xb8;
	[tilespmem:$0x19800] =	vst v63  }
0x5d2: {  	s30 =	simm.s32 $0x16800;
	v16 =	vadd.s32 v14, v16  }
0x5d3: {  	[tilespmem:s30], [sflag:$0x3] =	stream.indirect_vreg.gather [hbm4b:s9+s3], $0x80, v17, vm0, $0xb8;
	[tilespmem:$0x19800] =	vst v63  }
0x5d4: {  	s12 =	simm.s32 $0x17000  }
0x5d5: {  	[tilespmem:s12], [sflag:$0x3] =	stream.indirect_vreg.gather [hbm4b:s11+s3], $0x80, v17, vm0, $0xb8;
	[tilespmem:$0x19800] =	vst v63  }
0x5d6: {  	s13 =	simm.s32 $0x17800  }
0x5d7: {  	[tilespmem:s13], [sflag:$0x3] =	stream.indirect_vreg.gather [hbm4b:s2+s3], $0x80, v16, vm0, $0xb8;
	[tilespmem:$0x19800] =	vst v63  }
0x5d8: {  	s14 =	simm.s32 $0x18000  }
0x5d9: {  	[tilespmem:s14], [sflag:$0x3] =	stream.indirect_vreg.gather [hbm4b:s8+s3], $0x80, v16, vm0, $0xb8;
	[tilespmem:$0x19800] =	vst v63  }
0x5da: {  	s15 =	simm.s32 $0x18800  }
0x5db: {  	[tilespmem:s15], [sflag:$0x3] =	stream.indirect_vreg.gather [hbm4b:s9+s3], $0x80, v16, vm0, $0xb8;
	[tilespmem:$0x19800] =	vst v63  }
0x5dc: {  	s16 =	simm.s32 $0x19000  }
0x5dd: {  	[tilespmem:s16], [sflag:$0x3] =	stream.indirect_vreg.gather [hbm4b:s11+s3], $0x80, v16, vm0, $0xb8;
	[tilespmem:$0x19800] =	vst v63  }
0x5de: {  	_ =	swait.ge [sflag:s31], $0x8000  }
0x5df: {  	[sflag:s31] =	ssyncset.done $0x0  }
0x5e0: {  	s29 =	rddreg [dreg:$0x13];
	[sflag:s31] =	ssyncadd.s32 $0xFFFF8000  }
0x5e1: {  	[hbm4b:s29+s3] =	stream.linear.scatter [tilespmem:s25], [sflag:$0x5], $0x8000, $0x38;
	[tilespmem:$0x19800] =	vst v63  }
0x5e2: {  	_ =	swait.ge [sflag:s4], $0x8000  }
0x5e3: {  	[sflag:s4] =	ssyncset.done $0x0  }
0x5e4: {  	[sflag:s4] =	ssyncadd.s32 $0xFFFF8000  }
0x5e5: {  	v16 =	vld [tilespmem:$0x1780];
	_ =	sdelay $0x4  }
0x5e6: {  	v17 =	vshll.u32 v16, $0x3  }
0x5e7: {  	v16 =	vand.u32 $0x7, v16;
	v17 =	vand.u32 $0xFFFFFFC0, v17  }
0x5e8: {  	v16 =	vor.u32 v16, v17  }
0x5e9: {  	v17 =	vperm.xlane v16, v13;
	_ =	sdelay $0x1  }
0x5ea: {  	v17 =	vadd.s32 v14, v17;
	_ =	sdelay $0x4  }
0x5eb: {  	[tilespmem:s6], [sflag:$0x1] =	stream.indirect_vreg.gather [hbm4b:s2+s3], $0x80, v17, vm0, $0xb8;
	[tilespmem:$0x19800] =	vst v63  }
0x5ec: {  	s30 =	simm.s32 $0x2000;
	v16 =	vperm.xlane v16, v15  }
0x5ed: {  	[tilespmem:s30], [sflag:$0x1] =	stream.indirect_vreg.gather [hbm4b:s8+s3], $0x80, v17, vm0, $0xb8;
	[tilespmem:$0x19800] =	vst v63  }
0x5ee: {  	s18 =	simm.s32 $0x2800;
	v16 =	vadd.s32 v14, v16  }
0x5ef: {  	[tilespmem:s18], [sflag:$0x1] =	stream.indirect_vreg.gather [hbm4b:s9+s3], $0x80, v17, vm0, $0xb8;
	[tilespmem:$0x19800] =	vst v63  }
0x5f0: {  	s20 =	simm.s32 $0x3000  }
0x5f1: {  	[tilespmem:s20], [sflag:$0x1] =	stream.indirect_vreg.gather [hbm4b:s11+s3], $0x80, v17, vm0, $0xb8;
	[tilespmem:$0x19800] =	vst v63  }
0x5f2: {  	s26 =	simm.s32 $0x3800  }
0x5f3: {  	[tilespmem:s26], [sflag:$0x1] =	stream.indirect_vreg.gather [hbm4b:s2+s3], $0x80, v16, vm0, $0xb8;
	[tilespmem:$0x19800] =	vst v63  }
0x5f4: {  	s12 =	simm.s32 $0x4000  }
0x5f5: {  	[tilespmem:s12], [sflag:$0x1] =	stream.indirect_vreg.gather [hbm4b:s8+s3], $0x80, v16, vm0, $0xb8;
	[tilespmem:$0x19800] =	vst v63  }
0x5f6: {  	s13 =	simm.s32 $0x4800  }
0x5f7: {  	[tilespmem:s13], [sflag:$0x1] =	stream.indirect_vreg.gather [hbm4b:s9+s3], $0x80, v16, vm0, $0xb8;
	[tilespmem:$0x19800] =	vst v63  }
0x5f8: {  	s14 =	simm.s32 $0x5000  }
0x5f9: {  	[tilespmem:s14], [sflag:$0x1] =	stream.indirect_vreg.gather [hbm4b:s11+s3], $0x80, v16, vm0, $0xb8;
	[tilespmem:$0x19800] =	vst v63  }
0x5fa: {  	v16 =	vld [tilespmem:$0x1790];
	_ =	sdelay $0x4  }
0x5fb: {  	v17 =	vshll.u32 v16, $0x3  }
0x5fc: {  	v16 =	vand.u32 $0x7, v16;
	v17 =	vand.u32 $0xFFFFFFC0, v17  }
0x5fd: {  	v16 =	vor.u32 v16, v17  }
0x5fe: {  	v17 =	vperm.xlane v16, v13;
	_ =	sdelay $0x1  }
0x5ff: {  	v17 =	vadd.s32 v14, v17;
	_ =	sdelay $0x3  }
0x600: {  	s15 =	simm.s32 $0x5800  }
0x601: {  	[tilespmem:s15], [sflag:$0x1] =	stream.indirect_vreg.gather [hbm4b:s2+s3], $0x80, v17, vm0, $0xb8;
	[tilespmem:$0x19800] =	vst v63  }
0x602: {  	s16 =	simm.s32 $0x6000;
	v16 =	vperm.xlane v16, v15  }
0x603: {  	[tilespmem:s16], [sflag:$0x1] =	stream.indirect_vreg.gather [hbm4b:s8+s3], $0x80, v17, vm0, $0xb8;
	[tilespmem:$0x19800] =	vst v63  }
0x604: {  	s17 =	simm.s32 $0x6800;
	v16 =	vadd.s32 v14, v16  }
0x605: {  	[tilespmem:s17], [sflag:$0x1] =	stream.indirect_vreg.gather [hbm4b:s9+s3], $0x80, v17, vm0, $0xb8;
	[tilespmem:$0x19800] =	vst v63  }
0x606: {  	s18 =	simm.s32 $0x7000  }
0x607: {  	[tilespmem:s18], [sflag:$0x1] =	stream.indirect_vreg.gather [hbm4b:s11+s3], $0x80, v17, vm0, $0xb8;
	[tilespmem:$0x19800] =	vst v63  }
0x608: {  	s20 =	simm.s32 $0x7800  }
0x609: {  	[tilespmem:s20], [sflag:$0x1] =	stream.indirect_vreg.gather [hbm4b:s2+s3], $0x80, v16, vm0, $0xb8;
	[tilespmem:$0x19800] =	vst v63  }
0x60a: {  	s21 =	simm.s32 $0x8000  }
0x60b: {  	[tilespmem:s21], [sflag:$0x1] =	stream.indirect_vreg.gather [hbm4b:s8+s3], $0x80, v16, vm0, $0xb8;
	[tilespmem:$0x19800] =	vst v63  }
0x60c: {  	s24 =	simm.s32 $0x8800  }
0x60d: {  	[tilespmem:s24], [sflag:$0x1] =	stream.indirect_vreg.gather [hbm4b:s9+s3], $0x80, v16, vm0, $0xb8;
	[tilespmem:$0x19800] =	vst v63  }
0x60e: {  	s19 =	simm.s32 $0x9000  }
0x60f: {  	[tilespmem:s19], [sflag:$0x1] =	stream.indirect_vreg.gather [hbm4b:s11+s3], $0x80, v16, vm0, $0xb8;
	[tilespmem:$0x19800] =	vst v63  }
0x610: {  	_ =	swait.ge [sflag:s22], $0x8000  }
0x611: {  	[sflag:s22] =	ssyncset.done $0x0  }
0x612: {  	s26 =	rddreg [dreg:$0x15];
	[sflag:s22] =	ssyncadd.s32 $0xFFFF8000  }
0x613: {  	[hbm4b:s26+s3] =	stream.linear.scatter [tilespmem:s10], [sflag:$0x6], $0x8000, $0x38;
	[tilespmem:$0x19800] =	vst v63  }
0x614: {  	_ =	swait.ge [sflag:s1], $0x8000  }
0x615: {  	[sflag:s1] =	ssyncset.done $0x0  }
0x616: {  	s28 =	rddreg [dreg:$0x16];
	[sflag:s1] =	ssyncadd.s32 $0xFFFF8000  }
0x617: {  	[hbm4b:s28+s3] =	stream.linear.scatter [tilespmem:s6], [sflag:$0x4], $0x8000, $0x38;
	[tilespmem:$0x19800] =	vst v63  }
0x618: {  	_ =	swait.ge [sflag:s23], $0x8000  }
0x619: {  	[sflag:s23] =	ssyncset.done $0x0  }
0x61a: {  	[sflag:s23] =	ssyncadd.s32 $0xFFFF8000  }
0x61b: {  	_ =	swait.ge [sflag:s5], $0x8000  }
0x61c: {  	[sflag:s5] =	ssyncset.done $0x0  }
0x61d: {  	[sflag:s5] =	ssyncadd.s32 $0xFFFF8000  }
0x61e: {  	_ =	swait.ge [sflag:s4], $0x8000  }
0x61f: {  	s29 =	rddreg [dreg:$0x17]  }
0x620: {  	s30 =	rddreg [dreg:$0x14];
	s1 =	sadd.s32 $0x1, s29  }
0x621: {  	p1 =	sne.s32 s1, s30  }
.Ltmp1:
0x622: {  	_ = 	snop;
	(pc) =	sbr.rel @!p1 .LBB2_6-.Ltmp1, $3  }
0x623: {  	_ =	sdelay $0x1  }
0x624: {  	[sflag:s4] =	ssyncset.done $0x0  }
0x625: {  	[sflag:s4] =	ssyncadd.s32 $0xFFFF8000  }
.LBB2_1:
0x626: {  	s0 =	rddreg [dreg:$0x4];
	s29 =	simm.s32 $0x80;
	s30 =	simm.s32 $0x200  }
0x627: {  	[tilespmem:s3], [sflag:$0x7] =	stream.strided.gather [hbm4b:s0+s29], $0x1000, s30, s29, $0x38;
	[tilespmem:$0x19800] =	vst v63  }
.Ltmp2:
0x628: {  	_ = 	snop;
	(pc) =	sbr.rel @p0 .LBB2_5-.Ltmp2, $4  }
0x629: {  	s30 =	simm.s32 $0x7  }
0x62a: {  	_ =	swait.ge [sflag:s30], $0x1000  }
0x62b: {  	[sflag:s30] =	ssyncset.done $0x0  }
0x62c: {  	v16 =	vimm.s32 $0x0;
	[dreg:$0x17] =	wrdreg s1;
	[sflag:s30] =	ssyncadd.s32 $0xFFFFF000  }
0x62d: {  	s0 =	rddreg [dreg:$0x5]  }
0x62e: {  	v17 =	vld [tilespmem:s3+$0x0];
	p1 =	sne.s32 s0, $0x1  }
.Ltmp3:
0x62f: {  	_ = 	snop;
	(pc) =	sbr.rel @!p1 .LBB2_4-.Ltmp3, $2  }
0x630: {  	_ =	sdelay $0x2  }
0x631: {  	s29 =	sadd.s32 $0x10, s3;
	s0 =	sadd.s32 $0xFFFFFFFF, s0;
	v17 =	vadd.s32 $0xFFFFFFFF, v17  }
.LBB2_3:
0x632: {  	v18 =	vld [tilespmem:s29+$0x0];
	p1 =	sne.s32 s0, $0x1;
	s0 =	sadd.s32 $0xFFFFFFFF, s0;
	v19 =	vsub.s32 $0x0, v17  }
.Ltmp4:
0x633: {  	v17 =	vmin.u32 v17, v19;
	(pc) =	sbr.rel @p1 .LBB2_3-.Ltmp4, $4  }
0x634: {  	vm1 =	vlt.s32 v17, $0x1  }
0x635: {  	v17 =	vnsel vm1, $0x1, v17  }
0x636: {  	v16 =	vadd.s32 v16, v17  }
0x637: {  	s29 =	sadd.s32 $0x10, s29;
	v17 =	vadd.s32 $0xFFFFFFFF, v18  }
.Ltmp5:
0x638: {  	_ = 	snop;
	(pc) =	sbr.rel .LBB2_4-.Ltmp5, $1  }
0x639: {  	_ =	sdelay $0x3  }
.LBB2_6:
0x63a: {  	_ =	sfence.sel $0x180000  }
0x63b: {  	[bflag:$0x0] =	sbarrier.arrive $0xFFFF  }
0x63c: {  	_ =	strace $0x90000047  }
0x63d: {  	s0 =	stileid.u32;
	[bflag:$0x2] =	sbarrier.arrive $0xFFFF  }
0x63e: {  	p0 =	sne.s32 s0, $0x0;
	s0 =	rddreg [dreg:$0x3]  }
0x63f: {  	s0 =	sadd.s32 @!p0 $0x100000, s0  }
0x640: {  	[sflag:s0] =	ssyncadd.tile.s32 @!p0 $0x1;
	_ =	shalt  }
.Lfunc_end2:
_tile_overlayer_lowered:
.L_overlay_start_2:
0x641: {  	(tag) =	ssettag $0x2  }
0x642: {  	s0 =	rddreg [dreg:$0x0];
	s2 =	stileid.u32  }
0x643: {  	s1 =	rddreg [dreg:$0x1];
	p0 =	sne.s32 s2, $0x0  }
0x644: {  	s3 =	rddreg [dreg:$0x2];
	[bflag:$0x3] =	sbarrier.arrive $0xFFFF;
	s2 =	simm.s32 @!p0 $0x1C07  }
0x645: {  	[timem:s3], [sflag:s2] =	dma.local @!p0 [hbm:s0], s1  }
0x646: {  	s0 =	simm.s32 @!p0 $0x7  }
0x647: {  	_ =	swait.ge @!p0 [sflag:s0], s1  }
0x648: {  	s1 =	ssub.s32 @!p0 $0x0, s1;
	[sflag:s0] =	ssyncset.done @!p0 $0x0  }
0x649: {  	[sflag:s0] =	ssyncadd.s32 @!p0 s1  }
0x64a: {  	[bflag:$0x3] =	sbarrier.arrive $0xFFFF  }
0x64b: {  	_ =	shalt  }

</sc_bundles>
